<compile_context>
chip_gen: v7x
topology: tpu7x:2x2x1
jax: 0.10.2.dev20260603
libtpu: 0.0.44.dev20260713+nightly
codegen_flags: <defaults>
</compile_context>

<pallas_src>
import functools

import jax
import jax.numpy as jnp
from jax import lax
from jax.experimental import pallas as pl
from jax.experimental.pallas import tpu as pltpu
from jax.experimental.pallas import tpu_sc as plsc

N = 10000
E = 320000
D_HID = 128
D_OUT = 64

NC, NS = 2, 16
EPT = E // (NC * NS)
K = 80
NCHUNK = EPT // K
NP = 10240
ROWS_PT = NP // NS
DB = NP // 128

_EPS = 1e-5



def _make_agg(d, with_deg):
    mesh = plsc.VectorSubcoreMesh(core_axis_name="c", subcore_axis_name="s")
    out_type = jax.ShapeDtypeStruct((NC, NP, d), jnp.float32)
    NB = 2 if with_deg else 3
    NI = 4
    scratch = [
        pltpu.VMEM((EPT,), jnp.int32),
        pltpu.VMEM((NI, K), jnp.int32),
        pltpu.VMEM((NB, K, d), jnp.float32),
        pltpu.VMEM_SHARED((NP, d), jnp.float32),
        pltpu.SemaphoreType.DMA((NB,)),
        pltpu.SemaphoreType.DMA((NB,)),
        pltpu.SemaphoreType.DMA((NI,)),
    ]
    if with_deg:
        out_type = (out_type,
                    jax.ShapeDtypeStruct((NC, NS, NP), jnp.float32),
                    jax.ShapeDtypeStruct((NC, NP), jnp.float32))
        scratch += [
            pltpu.VMEM((NP,), jnp.float32),
            pltpu.VMEM((NP // NS,), jnp.float32),
            pltpu.VMEM((NP // NS,), jnp.float32),
        ]

    @functools.partial(
        pl.kernel, out_type=out_type, mesh=mesh, scratch_types=scratch,
        compiler_params=pltpu.CompilerParams(
            needs_layout_passes=False,
            use_tc_tiling_on_sc=(d % 128 == 0)))
    def agg(xt_hbm, edge_hbm, zero_hbm, *rest):
        if with_deg:
            (out_hbm, dscr_hbm, deg_hbm,
             srcv, dstv, rows, acc, sem_g, sem_s, sem_i,
             degv, dtmp, dred) = rest
        else:
            out_hbm, srcv, dstv, rows, acc, sem_g, sem_s, sem_i = rest
        c = lax.axis_index("c")
        s = lax.axis_index("s")
        wid = c * NS + s
        base = wid * EPT
        pltpu.sync_copy(edge_hbm.at[pl.ds(base, EPT)], srcv)
        pltpu.sync_copy(zero_hbm.at[pl.ds(s * ROWS_PT, ROWS_PT)],
                        acc.at[pl.ds(s * ROWS_PT, ROWS_PT)])
        if with_deg:
            @pl.loop(0, NP // 16)
            def zdeg(i):
                degv[pl.ds(i * 16, 16)] = jnp.zeros((16,), jnp.float32)
        plsc.subcore_barrier()

        def start_gather(j, b):
            pltpu.async_copy(xt_hbm.at[srcv.at[pl.ds(j * K, K)]],
                             rows.at[b], sem_g.at[b])

        def start_idx(j):
            bi = j % NI if isinstance(j, int) else lax.rem(j, NI)
            pltpu.async_copy(edge_hbm.at[pl.ds(E + base + j * K, K)],
                             dstv.at[bi], sem_i.at[bi])

        def wait_dma(sem_b):
            pltpu.make_async_copy(xt_hbm.at[pl.ds(0, K)], rows.at[0],
                                  sem_b).wait()

        def wait_idx(bi):
            pltpu.make_async_copy(edge_hbm.at[pl.ds(0, K)], dstv.at[0],
                                  sem_i.at[bi]).wait()

        def do_chunk(j, b, bi, wait_other, prefetch, pre_idx):
            wait_dma(sem_g.at[b])
            wait_idx(bi)
            pltpu.async_copy(rows.at[b], acc.at[dstv.at[bi]], sem_s.at[b],
                             add=True)
            if prefetch:
                if wait_other:
                    wait_dma(sem_s.at[1 - b])
                start_gather(j + 1, 1 - b)
                if pre_idx:
                    start_idx(j + 3)
            if with_deg:
                ones = jnp.ones((16,), jnp.float32)
                for i in range(K // 16):
                    d16 = dstv[bi, pl.ds(i * 16, 16)]
                    plsc.addupdate_scatter(degv, [d16], ones)

        if NB == 2:
            for j in range(3):
                start_idx(j)
            start_gather(0, 0)
            do_chunk(0, 0, 0, False, True, True)

            @pl.loop(0, (NCHUNK - 5) // 2)
            def grp(g):
                j = 1 + 2 * g
                do_chunk(j, 1, lax.rem(j, NI), True, True, True)
                do_chunk(j + 1, 0, lax.rem(j + 1, NI), True, True, True)

            do_chunk(NCHUNK - 4, 1, (NCHUNK - 4) % NI, True, True, True)
            do_chunk(NCHUNK - 3, 0, (NCHUNK - 3) % NI, True, True, False)
            do_chunk(NCHUNK - 2, 1, (NCHUNK - 2) % NI, True, True, False)
            do_chunk(NCHUNK - 1, 0, (NCHUNK - 1) % NI, True, False, False)
            wait_dma(sem_s.at[1])
            wait_dma(sem_s.at[0])
        else:
            def do3(j, wait_s, prefetch, pre_idx):
                b = lax.rem(j, NB) if not isinstance(j, int) else j % NB
                bi = lax.rem(j, NI) if not isinstance(j, int) else j % NI
                wait_dma(sem_g.at[b])
                wait_idx(bi)
                pltpu.async_copy(rows.at[b], acc.at[dstv.at[bi]],
                                 sem_s.at[b], add=True)
                if prefetch:
                    b1 = (lax.rem(j + 1, NB) if not isinstance(j, int)
                          else (j + 1) % NB)
                    if wait_s:
                        wait_dma(sem_s.at[b1])
                    start_gather(j + 1, b1)
                if pre_idx:
                    start_idx(j + 2)

            start_idx(0)
            start_idx(1)
            start_gather(0, 0)
            do3(0, False, True, True)
            do3(1, False, True, True)

            @pl.loop(2, NCHUNK - 3)
            def grp(j):
                do3(j, True, True, True)

            do3(NCHUNK - 3, True, True, True)
            do3(NCHUNK - 2, True, True, False)
            do3(NCHUNK - 1, True, False, False)
            wait_dma(sem_s.at[(NCHUNK - 3) % NB])
            wait_dma(sem_s.at[(NCHUNK - 2) % NB])
            wait_dma(sem_s.at[(NCHUNK - 1) % NB])

        if with_deg:
            pltpu.sync_copy(degv, dscr_hbm.at[c, s])
        plsc.subcore_barrier()
        pltpu.sync_copy(acc.at[pl.ds(s * ROWS_PT, ROWS_PT)],
                        out_hbm.at[c].at[pl.ds(s * ROWS_PT, ROWS_PT)])
        if with_deg:
            stripe = NP // NS
            pltpu.sync_copy(dscr_hbm.at[c, 0, pl.ds(s * stripe, stripe)], dred)
            for t in range(1, NS):
                pltpu.sync_copy(dscr_hbm.at[c, t, pl.ds(s * stripe, stripe)],
                                dtmp)

                @pl.loop(0, stripe // 16)
                def madd(j):
                    sl = pl.ds(j * 16, 16)
                    dred[sl] = dred[sl] + dtmp[sl]

            pltpu.sync_copy(dred, deg_hbm.at[c, pl.ds(s * stripe, stripe)])

    return agg


_agg1 = _make_agg(D_HID, True)
_agg2 = _make_agg(D_HID, False)
_agg3 = _make_agg(D_OUT, False)



def _ln(x, g, b):
    mean = jnp.mean(x, axis=-1, keepdims=True)
    var = jnp.mean((x - mean) ** 2, axis=-1, keepdims=True)
    return (x - mean) * lax.rsqrt(var + _EPS) * g + b


def _mm0_body(x_ref, w_ref, b_ref, o_ref):
    o_ref[...] = jnp.dot(x_ref[...], w_ref[...],
                         preferred_element_type=jnp.float32) + b_ref[...]


def _mid1_body(p_ref, dega_ref, degb_ref, g_ref, be_ref, w_ref, b_ref,
               o_ref, rdeg_ref):
    deg = dega_ref[...] + degb_ref[...]
    rdeg = 1.0 / jnp.where(deg == 0.0, 1.0, deg)
    x = (p_ref[0, :N] + p_ref[1, :N]) * rdeg
    x = jnp.maximum(_ln(x, g_ref[...], be_ref[...]), 0.0)
    o_ref[...] = jnp.dot(x, w_ref[...],
                         preferred_element_type=jnp.float32) + b_ref[...]
    rdeg_ref[...] = rdeg


def _mid2_body(p_ref, rdeg_ref, g_ref, be_ref, w_ref, b_ref, o_ref):
    x = (p_ref[0, :N] + p_ref[1, :N]) * rdeg_ref[...]
    x = jnp.maximum(_ln(x, g_ref[...], be_ref[...]), 0.0)
    o_ref[...] = jnp.dot(x, w_ref[...],
                         preferred_element_type=jnp.float32) + b_ref[...]


def _fin_body(p_ref, rdeg_ref, g_ref, be_ref, o_ref):
    x = (p_ref[0, :N] + p_ref[1, :N]) * rdeg_ref[...]
    o_ref[...] = _ln(x, g_ref[...], be_ref[...])


def _tc_call(body, out_shape):
    return pl.pallas_call(body, out_shape=out_shape)



def kernel(node_features, edge_index, W0, b0, W1, b1, W2, b2,
           g0, be0, g1, be1, g2, be2):
    edge = edge_index.astype(jnp.int32).reshape(2 * E)
    zh = jnp.zeros((NP, D_HID), jnp.float32)
    zo = jnp.zeros((NP, D_OUT), jnp.float32)

    f32 = jnp.float32
    xt0 = _tc_call(_mm0_body, jax.ShapeDtypeStruct((N, D_HID), f32))(
        node_features, W0, b0.reshape(1, -1))
    p0, _, deg = _agg1(xt0, edge, zh)
    dega = deg[0, :N].reshape(N, 1)
    degb = deg[1, :N].reshape(N, 1)

    xt1, rdeg = _tc_call(
        _mid1_body,
        (jax.ShapeDtypeStruct((N, D_HID), f32),
         jax.ShapeDtypeStruct((N, 1), f32)))(
        p0, dega, degb, g0.reshape(1, -1), be0.reshape(1, -1),
        W1, b1.reshape(1, -1))
    p1 = _agg2(xt1, edge, zh)

    xt2 = _tc_call(_mid2_body, jax.ShapeDtypeStruct((N, D_OUT), f32))(
        p1, rdeg, g1.reshape(1, -1), be1.reshape(1, -1), W2, b2.reshape(1, -1))
    p2 = _agg3(xt2, edge, zo)

    out = _tc_call(_fin_body, jax.ShapeDtypeStruct((N, D_OUT), f32))(
        p2, rdeg, g2.reshape(1, -1), be2.reshape(1, -1))
    return out

# --- scband reference (transcript-rebuilt; emitter-appended) ---
"""Pipeline reference for scband-graph-neural-network-44985487458708 (READ-ONLY COPY).

The authoritative reference and input builder live on the scoring server;
editing this copy changes nothing except your own understanding.
"""

import jax, jax.numpy as jnp
import numpy as np

N_NODES = 10000
N_EDGES = 320000
D_IN = 128
D_HID = 128
D_OUT = 64


def layer_norm(x, gamma, beta, eps=1e-5):
    mean = jnp.mean(x, axis=-1, keepdims=True)
    var = jnp.var(x, axis=-1, keepdims=True)
    return (x - mean) / jnp.sqrt(var + eps) * gamma + beta


def graph_conv(x, W, b, src, dst, n_nodes):
    x_t = x @ W + b
    source_features = x_t[src]
    aggregated = jnp.zeros_like(x_t).at[dst].add(source_features)
    deg = jnp.zeros((n_nodes, 1), dtype=x_t.dtype).at[dst].add(1.0)
    deg = jnp.where(deg == 0, 1.0, deg)
    return aggregated / deg


def setup_inputs(seed: int = 0) -> dict:
    key = jax.random.key(seed)
    ks = jax.random.split(key, 10)
    node_features = jax.random.normal(ks[0], (N_NODES, D_IN), dtype=jnp.float32)
    edge_index = jax.random.randint(ks[1], (2, N_EDGES), 0, N_NODES, dtype=jnp.int64 if jax.config.read('jax_enable_x64') else jnp.int32)
    s = 1.0 / np.sqrt(D_IN)
    W0 = jax.random.uniform(ks[2], (D_IN, D_HID), minval=-s, maxval=s, dtype=jnp.float32)
    b0 = jax.random.uniform(ks[3], (D_HID,), minval=-s, maxval=s, dtype=jnp.float32)
    s1 = 1.0 / np.sqrt(D_HID)
    W1 = jax.random.uniform(ks[4], (D_HID, D_HID), minval=-s1, maxval=s1, dtype=jnp.float32)
    b1 = jax.random.uniform(ks[5], (D_HID,), minval=-s1, maxval=s1, dtype=jnp.float32)
    W2 = jax.random.uniform(ks[6], (D_HID, D_OUT), minval=-s1, maxval=s1, dtype=jnp.float32)
    b2 = jax.random.uniform(ks[7], (D_OUT,), minval=-s1, maxval=s1, dtype=jnp.float32)
    g0 = jnp.ones((D_HID,), dtype=jnp.float32)
    be0 = jnp.zeros((D_HID,), dtype=jnp.float32)
    g1 = jnp.ones((D_HID,), dtype=jnp.float32)
    be1 = jnp.zeros((D_HID,), dtype=jnp.float32)
    g2 = jnp.ones((D_OUT,), dtype=jnp.float32)
    be2 = jnp.zeros((D_OUT,), dtype=jnp.float32)
    return {"node_features": node_features, "edge_index": edge_index,
            "W0": W0, "b0": b0, "W1": W1, "b1": b1, "W2": W2, "b2": b2,
            "g0": g0, "be0": be0, "g1": g1, "be1": be1, "g2": g2, "be2": be2}


def reference(node_features, edge_index, W0, b0, W1, b1, W2, b2, g0, be0, g1, be1, g2, be2):
    src = edge_index[0]
    dst = edge_index[1]
    n = node_features.shape[0]
    x = graph_conv(node_features, W0, b0, src, dst, n)
    x = layer_norm(x, g0, be0)
    x = jax.nn.relu(x)
    x = graph_conv(x, W1, b1, src, dst, n)
    x = layer_norm(x, g1, be1)
    x = jax.nn.relu(x)
    x = graph_conv(x, W2, b2, src, dst, n)
    x = layer_norm(x, g2, be2)
    return x

if __name__ == "__main__":
    import jax
    _d = setup_inputs()
    print(jax.jit(kernel)(*tuple(_d.values())))

</pallas_src>

<mosaic_0001>
#map = affine_map<(d0, d1) -> (0, 0)>
#map1 = affine_map<(d0, d1) -> (0)>
#map2 = affine_map<(d0, d1) -> (0, 0, 0)>
module attributes {stable_mosaic.version = 14 : i64} {
  func.func @agg(%arg0: i32, %arg1: i32, %arg2: memref<10000x128xf32, #tpu.memory_space<hbm>>, %arg3: memref<640000xi32, #tpu.memory_space<hbm>>, %arg4: memref<10240x128xf32, #tpu.memory_space<hbm>>, %arg5: memref<2x10240x128xf32, #tpu.memory_space<hbm>>, %arg6: memref<10000xi32, #tpu.memory_space<vmem>>, %arg7: memref<4x80xi32, #tpu.memory_space<vmem>>, %arg8: memref<3x80x128xf32, #tpu.memory_space<vmem>>, %arg9: memref<10240x128xf32, #tpu.memory_space<vmem_shared>>, %arg10: memref<3x!tpu.dma_semaphore, #tpu.memory_space<semaphore_mem>>, %arg11: memref<3x!tpu.dma_semaphore, #tpu.memory_space<semaphore_mem>>, %arg12: memref<4x!tpu.dma_semaphore, #tpu.memory_space<semaphore_mem>>) attributes {dimension_semantics = [#tpu.dimension_semantics<core_parallel>, #tpu.dimension_semantics<subcore_parallel>], iteration_bounds = array<i64: 2, 16>, scalar_prefetch = 0 : i64, scratch_operands = 7 : i64, tpu.core_type = #tpu.core_type<sc_vector_subcore>, window_params = [{transform_indices = #map}, {transform_indices = #map1}, {transform_indices = #map}, {transform_indices = #map2}]} {
    %mul3A = arith.constant 16 : i32
    %mul3A_0 = arith.muli %arg0, %mul3A : i32
    %add3A = arith.addi %mul3A_0, %arg1 : i32
    %mul3A_1 = arith.constant 10000 : i32
    %mul3A_2 = arith.muli %add3A, %mul3A_1 : i32
    "tpu.region"() ({
      %run_scoped3A = tpu.sem_alloc : memref<!tpu.dma_semaphore, #tpu.memory_space<semaphore_mem>>
      %dma_start3A_484 = tpu.memref_slice %arg3[%mul3A_2] : memref<640000xi32, #tpu.memory_space<hbm>> -> memref<10000xi32, #tpu.memory_space<hbm>>
      %dma_start3A_485 = tpu.memref_slice %arg3[%mul3A_2] : memref<640000xi32, #tpu.memory_space<hbm>> -> memref<10000xi32, #tpu.memory_space<hbm>>
      tpu.enqueue_dma source(%dma_start3A_485 : memref<10000xi32, #tpu.memory_space<hbm>>) target(%arg6 : memref<10000xi32, #tpu.memory_space<vmem>>) target_semaphore(%run_scoped3A : memref<!tpu.dma_semaphore, #tpu.memory_space<semaphore_mem>>)
      %dma_wait3A_486 = tpu.memref_slice %arg3[%mul3A_2] : memref<640000xi32, #tpu.memory_space<hbm>> -> memref<10000xi32, #tpu.memory_space<hbm>>
      %dma_wait3A_487 = tpu.memref_slice %arg3[%mul3A_2] : memref<640000xi32, #tpu.memory_space<hbm>> -> memref<10000xi32, #tpu.memory_space<hbm>>
      tpu.wait_dma2 semaphore(%run_scoped3A : memref<!tpu.dma_semaphore, #tpu.memory_space<semaphore_mem>>) src(%dma_wait3A_487 : memref<10000xi32, #tpu.memory_space<hbm>>) dst(%arg6 : memref<10000xi32, #tpu.memory_space<vmem>>)
      tpu.yield
    }) : () -> ()
    %mul3A_3 = arith.constant 640 : i32
    %mul3A_4 = arith.muli %arg1, %mul3A_3 : i32
    %mul3A_5 = arith.constant 640 : i32
    %mul3A_6 = arith.muli %arg1, %mul3A_5 : i32
    "tpu.region"() ({
      %run_scoped3A = tpu.sem_alloc : memref<!tpu.dma_semaphore, #tpu.memory_space<semaphore_mem>>
      %dma_start3A_484 = arith.constant 0 : i32
      %dma_start3A_485 = tpu.memref_slice %arg9[%mul3A_6, %dma_start3A_484] : memref<10240x128xf32, #tpu.memory_space<vmem_shared>> -> memref<640x128xf32, #tpu.memory_space<vmem_shared>>
      %dma_start3A_486 = arith.constant 0 : i32
      %dma_start3A_487 = tpu.memref_slice %arg4[%mul3A_4, %dma_start3A_486] : memref<10240x128xf32, #tpu.memory_space<hbm>> -> memref<640x128xf32, #tpu.memory_space<hbm>>
      tpu.enqueue_dma source(%dma_start3A_487 : memref<640x128xf32, #tpu.memory_space<hbm>>) target(%dma_start3A_485 : memref<640x128xf32, #tpu.memory_space<vmem_shared>>) target_semaphore(%run_scoped3A : memref<!tpu.dma_semaphore, #tpu.memory_space<semaphore_mem>>)
      %dma_wait3A_488 = arith.constant 0 : i32
      %dma_wait3A_489 = tpu.memref_slice %arg9[%mul3A_6, %dma_wait3A_488] : memref<10240x128xf32, #tpu.memory_space<vmem_shared>> -> memref<640x128xf32, #tpu.memory_space<vmem_shared>>
      %dma_wait3A_490 = arith.constant 0 : i32
      %dma_wait3A_491 = tpu.memref_slice %arg4[%mul3A_4, %dma_wait3A_490] : memref<10240x128xf32, #tpu.memory_space<hbm>> -> memref<640x128xf32, #tpu.memory_space<hbm>>
      tpu.wait_dma2 semaphore(%run_scoped3A : memref<!tpu.dma_semaphore, #tpu.memory_space<semaphore_mem>>) src(%dma_wait3A_491 : memref<640x128xf32, #tpu.memory_space<hbm>>) dst(%dma_wait3A_489 : memref<640x128xf32, #tpu.memory_space<vmem_shared>>)
      tpu.yield
    }) : () -> ()
    %barrier3A = arith.constant 0 : index
    tpu.barrier barrier_id(%barrier3A)
    %add3A_7 = arith.constant 320000 : i32
    %add3A_8 = arith.addi %add3A_7, %mul3A_2 : i32
    %add3A_9 = arith.constant 0 : i32
    %add3A_10 = arith.addi %add3A_8, %add3A_9 : i32
    %dma_start3A = arith.constant 0 : i32
    %dma_start3A_11 = arith.constant 0 : i32
    %dma_start3A_12 = arith.constant 0 : i32
    %dma_start3A_13 = tpu.memref_slice %arg7[%dma_start3A, %dma_start3A_12] : memref<4x80xi32, #tpu.memory_space<vmem>> -> memref<1x80xi32, #tpu.memory_space<vmem>>
    %dma_start3A_14 = tpu.memref_squeeze %dma_start3A_13 : memref<1x80xi32, #tpu.memory_space<vmem>> -> memref<80xi32, #tpu.memory_space<vmem>>
    %dma_start3A_15 = tpu.memref_slice %arg3[%add3A_10] : memref<640000xi32, #tpu.memory_space<hbm>> -> memref<80xi32, #tpu.memory_space<hbm>>
    %dma_start3A_16 = tpu.memref_slice %arg12[%dma_start3A_11] : memref<4x!tpu.dma_semaphore, #tpu.memory_space<semaphore_mem>> -> memref<1x!tpu.dma_semaphore, #tpu.memory_space<semaphore_mem>>
    %dma_start3A_17 = tpu.memref_squeeze %dma_start3A_16 : memref<1x!tpu.dma_semaphore, #tpu.memory_space<semaphore_mem>> -> memref<!tpu.dma_semaphore, #tpu.memory_space<semaphore_mem>>
    %dma_start3A_18 = arith.constant 0 : i32
    %dma_start3A_19 = tpu.memref_slice %arg7[%dma_start3A, %dma_start3A_18] : memref<4x80xi32, #tpu.memory_space<vmem>> -> memref<1x80xi32, #tpu.memory_space<vmem>>
    %dma_start3A_20 = tpu.memref_squeeze %dma_start3A_19 : memref<1x80xi32, #tpu.memory_space<vmem>> -> memref<80xi32, #tpu.memory_space<vmem>>
    %dma_start3A_21 = tpu.memref_slice %arg3[%add3A_10] : memref<640000xi32, #tpu.memory_space<hbm>> -> memref<80xi32, #tpu.memory_space<hbm>>
    tpu.enqueue_dma source(%dma_start3A_21 : memref<80xi32, #tpu.memory_space<hbm>>) target(%dma_start3A_20 : memref<80xi32, #tpu.memory_space<vmem>>) target_semaphore(%dma_start3A_17 : memref<!tpu.dma_semaphore, #tpu.memory_space<semaphore_mem>>)
    %add3A_22 = arith.constant 320000 : i32
    %add3A_23 = arith.addi %add3A_22, %mul3A_2 : i32
    %add3A_24 = arith.constant 80 : i32
    %add3A_25 = arith.addi %add3A_23, %add3A_24 : i32
    %dma_start3A_26 = arith.constant 1 : i32
    %dma_start3A_27 = arith.constant 1 : i32
    %dma_start3A_28 = arith.constant 0 : i32
    %dma_start3A_29 = tpu.memref_slice %arg7[%dma_start3A_26, %dma_start3A_28] : memref<4x80xi32, #tpu.memory_space<vmem>> -> memref<1x80xi32, #tpu.memory_space<vmem>>
    %dma_start3A_30 = tpu.memref_squeeze %dma_start3A_29 : memref<1x80xi32, #tpu.memory_space<vmem>> -> memref<80xi32, #tpu.memory_space<vmem>>
    %dma_start3A_31 = tpu.memref_slice %arg3[%add3A_25] : memref<640000xi32, #tpu.memory_space<hbm>> -> memref<80xi32, #tpu.memory_space<hbm>>
    %dma_start3A_32 = tpu.memref_slice %arg12[%dma_start3A_27] : memref<4x!tpu.dma_semaphore, #tpu.memory_space<semaphore_mem>> -> memref<1x!tpu.dma_semaphore, #tpu.memory_space<semaphore_mem>>
    %dma_start3A_33 = tpu.memref_squeeze %dma_start3A_32 : memref<1x!tpu.dma_semaphore, #tpu.memory_space<semaphore_mem>> -> memref<!tpu.dma_semaphore, #tpu.memory_space<semaphore_mem>>
    %dma_start3A_34 = arith.constant 0 : i32
    %dma_start3A_35 = tpu.memref_slice %arg7[%dma_start3A_26, %dma_start3A_34] : memref<4x80xi32, #tpu.memory_space<vmem>> -> memref<1x80xi32, #tpu.memory_space<vmem>>
    %dma_start3A_36 = tpu.memref_squeeze %dma_start3A_35 : memref<1x80xi32, #tpu.memory_space<vmem>> -> memref<80xi32, #tpu.memory_space<vmem>>
    %dma_start3A_37 = tpu.memref_slice %arg3[%add3A_25] : memref<640000xi32, #tpu.memory_space<hbm>> -> memref<80xi32, #tpu.memory_space<hbm>>
    tpu.enqueue_dma source(%dma_start3A_37 : memref<80xi32, #tpu.memory_space<hbm>>) target(%dma_start3A_36 : memref<80xi32, #tpu.memory_space<vmem>>) target_semaphore(%dma_start3A_33 : memref<!tpu.dma_semaphore, #tpu.memory_space<semaphore_mem>>)
    %dma_start3A_38 = arith.constant 0 : i32
    %dma_start3A_39 = arith.constant 0 : i32
    %dma_start3A_40 = arith.constant 0 : i32
    %dma_start3A_41 = arith.constant 0 : i32
    %dma_start3A_42 = tpu.memref_slice %arg8[%dma_start3A_38, %dma_start3A_40, %dma_start3A_41] : memref<3x80x128xf32, #tpu.memory_space<vmem>> -> memref<1x80x128xf32, #tpu.memory_space<vmem>>
    %dma_start3A_43 = tpu.memref_squeeze %dma_start3A_42 : memref<1x80x128xf32, #tpu.memory_space<vmem>> -> memref<80x128xf32, #tpu.memory_space<vmem>>
    %dma_start3A_44 = arith.constant 0 : i32
    %dma_start3A_45 = tpu.memref_slice %arg6[%dma_start3A_44] : memref<10000xi32, #tpu.memory_space<vmem>> -> memref<80xi32, #tpu.memory_space<vmem>>
    %dma_start3A_46 = arith.constant 0 : i32
    %dma_start3A_47 = arith.constant 0 : i32
    %dma_start3A_48 = tpu.memref_slice %arg2[%dma_start3A_46, %dma_start3A_47] : memref<10000x128xf32, #tpu.memory_space<hbm>> -> memref<10000x128xf32, #tpu.memory_space<hbm>>
    %dma_start3A_49 = tpu.memref_slice %arg10[%dma_start3A_39] : memref<3x!tpu.dma_semaphore, #tpu.memory_space<semaphore_mem>> -> memref<1x!tpu.dma_semaphore, #tpu.memory_space<semaphore_mem>>
    %dma_start3A_50 = tpu.memref_squeeze %dma_start3A_49 : memref<1x!tpu.dma_semaphore, #tpu.memory_space<semaphore_mem>> -> memref<!tpu.dma_semaphore, #tpu.memory_space<semaphore_mem>>
    tpu.enqueue_indirect_dma source(%dma_start3A_48 : memref<10000x128xf32, #tpu.memory_space<hbm>>) target(%dma_start3A_43 : memref<80x128xf32, #tpu.memory_space<vmem>>) offsets(%dma_start3A_45 : memref<80xi32, #tpu.memory_space<vmem>>) semaphore(%dma_start3A_50 : memref<!tpu.dma_semaphore, #tpu.memory_space<semaphore_mem>>)
    %dma_wait3A = arith.constant 0 : i32
    %dma_wait3A_51 = arith.constant 0 : i32
    %dma_wait3A_52 = arith.constant 0 : i32
    %dma_wait3A_53 = arith.constant 0 : i32
    %dma_wait3A_54 = tpu.memref_slice %arg8[%dma_wait3A, %dma_wait3A_52, %dma_wait3A_53] : memref<3x80x128xf32, #tpu.memory_space<vmem>> -> memref<1x80x128xf32, #tpu.memory_space<vmem>>
    %dma_wait3A_55 = tpu.memref_squeeze %dma_wait3A_54 : memref<1x80x128xf32, #tpu.memory_space<vmem>> -> memref<80x128xf32, #tpu.memory_space<vmem>>
    %dma_wait3A_56 = arith.constant 0 : i32
    %dma_wait3A_57 = arith.constant 0 : i32
    %dma_wait3A_58 = tpu.memref_slice %arg2[%dma_wait3A_56, %dma_wait3A_57] : memref<10000x128xf32, #tpu.memory_space<hbm>> -> memref<80x128xf32, #tpu.memory_space<hbm>>
    %dma_wait3A_59 = tpu.memref_slice %arg10[%dma_wait3A_51] : memref<3x!tpu.dma_semaphore, #tpu.memory_space<semaphore_mem>> -> memref<1x!tpu.dma_semaphore, #tpu.memory_space<semaphore_mem>>
    %dma_wait3A_60 = tpu.memref_squeeze %dma_wait3A_59 : memref<1x!tpu.dma_semaphore, #tpu.memory_space<semaphore_mem>> -> memref<!tpu.dma_semaphore, #tpu.memory_space<semaphore_mem>>
    %dma_wait3A_61 = arith.constant 0 : i32
    %dma_wait3A_62 = arith.constant 0 : i32
    %dma_wait3A_63 = tpu.memref_slice %arg8[%dma_wait3A, %dma_wait3A_61, %dma_wait3A_62] : memref<3x80x128xf32, #tpu.memory_space<vmem>> -> memref<1x80x128xf32, #tpu.memory_space<vmem>>
    %dma_wait3A_64 = tpu.memref_squeeze %dma_wait3A_63 : memref<1x80x128xf32, #tpu.memory_space<vmem>> -> memref<80x128xf32, #tpu.memory_space<vmem>>
    %dma_wait3A_65 = arith.constant 0 : i32
    %dma_wait3A_66 = arith.constant 0 : i32
    %dma_wait3A_67 = tpu.memref_slice %arg2[%dma_wait3A_65, %dma_wait3A_66] : memref<10000x128xf32, #tpu.memory_space<hbm>> -> memref<80x128xf32, #tpu.memory_space<hbm>>
    tpu.wait_dma2 semaphore(%dma_wait3A_60 : memref<!tpu.dma_semaphore, #tpu.memory_space<semaphore_mem>>) src(%dma_wait3A_67 : memref<80x128xf32, #tpu.memory_space<hbm>>) dst(%dma_wait3A_64 : memref<80x128xf32, #tpu.memory_space<vmem>>)
    %dma_wait3A_68 = arith.constant 0 : i32
    %dma_wait3A_69 = arith.constant 0 : i32
    %dma_wait3A_70 = arith.constant 0 : i32
    %dma_wait3A_71 = tpu.memref_slice %arg7[%dma_wait3A_68, %dma_wait3A_70] : memref<4x80xi32, #tpu.memory_space<vmem>> -> memref<1x80xi32, #tpu.memory_space<vmem>>
    %dma_wait3A_72 = tpu.memref_squeeze %dma_wait3A_71 : memref<1x80xi32, #tpu.memory_space<vmem>> -> memref<80xi32, #tpu.memory_space<vmem>>
    %dma_wait3A_73 = arith.constant 0 : i32
    %dma_wait3A_74 = tpu.memref_slice %arg3[%dma_wait3A_73] : memref<640000xi32, #tpu.memory_space<hbm>> -> memref<80xi32, #tpu.memory_space<hbm>>
    %dma_wait3A_75 = tpu.memref_slice %arg12[%dma_wait3A_69] : memref<4x!tpu.dma_semaphore, #tpu.memory_space<semaphore_mem>> -> memref<1x!tpu.dma_semaphore, #tpu.memory_space<semaphore_mem>>
    %dma_wait3A_76 = tpu.memref_squeeze %dma_wait3A_75 : memref<1x!tpu.dma_semaphore, #tpu.memory_space<semaphore_mem>> -> memref<!tpu.dma_semaphore, #tpu.memory_space<semaphore_mem>>
    %dma_wait3A_77 = arith.constant 0 : i32
    %dma_wait3A_78 = tpu.memref_slice %arg7[%dma_wait3A_68, %dma_wait3A_77] : memref<4x80xi32, #tpu.memory_space<vmem>> -> memref<1x80xi32, #tpu.memory_space<vmem>>
    %dma_wait3A_79 = tpu.memref_squeeze %dma_wait3A_78 : memref<1x80xi32, #tpu.memory_space<vmem>> -> memref<80xi32, #tpu.memory_space<vmem>>
    %dma_wait3A_80 = arith.constant 0 : i32
    %dma_wait3A_81 = tpu.memref_slice %arg3[%dma_wait3A_80] : memref<640000xi32, #tpu.memory_space<hbm>> -> memref<80xi32, #tpu.memory_space<hbm>>
    tpu.wait_dma2 semaphore(%dma_wait3A_76 : memref<!tpu.dma_semaphore, #tpu.memory_space<semaphore_mem>>) src(%dma_wait3A_81 : memref<80xi32, #tpu.memory_space<hbm>>) dst(%dma_wait3A_79 : memref<80xi32, #tpu.memory_space<vmem>>)
    %dma_start3A_82 = arith.constant 0 : i32
    %dma_start3A_83 = arith.constant 0 : i32
    %dma_start3A_84 = arith.constant 0 : i32
    %dma_start3A_85 = arith.constant 0 : i32
    %dma_start3A_86 = arith.constant 0 : i32
    %dma_start3A_87 = tpu.memref_slice %arg8[%dma_start3A_82, %dma_start3A_85, %dma_start3A_86] : memref<3x80x128xf32, #tpu.memory_space<vmem>> -> memref<1x80x128xf32, #tpu.memory_space<vmem>>
    %dma_start3A_88 = tpu.memref_squeeze %dma_start3A_87 : memref<1x80x128xf32, #tpu.memory_space<vmem>> -> memref<80x128xf32, #tpu.memory_space<vmem>>
    %dma_start3A_89 = arith.constant 0 : i32
    %dma_start3A_90 = tpu.memref_slice %arg7[%dma_start3A_83, %dma_start3A_89] : memref<4x80xi32, #tpu.memory_space<vmem>> -> memref<1x80xi32, #tpu.memory_space<vmem>>
    %dma_start3A_91 = tpu.memref_squeeze %dma_start3A_90 : memref<1x80xi32, #tpu.memory_space<vmem>> -> memref<80xi32, #tpu.memory_space<vmem>>
    %dma_start3A_92 = arith.constant 0 : i32
    %dma_start3A_93 = arith.constant 0 : i32
    %dma_start3A_94 = tpu.memref_slice %arg9[%dma_start3A_92, %dma_start3A_93] : memref<10240x128xf32, #tpu.memory_space<vmem_shared>> -> memref<10240x128xf32, #tpu.memory_space<vmem_shared>>
    %dma_start3A_95 = tpu.memref_slice %arg11[%dma_start3A_84] : memref<3x!tpu.dma_semaphore, #tpu.memory_space<semaphore_mem>> -> memref<1x!tpu.dma_semaphore, #tpu.memory_space<semaphore_mem>>
    %dma_start3A_96 = tpu.memref_squeeze %dma_start3A_95 : memref<1x!tpu.dma_semaphore, #tpu.memory_space<semaphore_mem>> -> memref<!tpu.dma_semaphore, #tpu.memory_space<semaphore_mem>>
    tpu.enqueue_indirect_dma source(%dma_start3A_88 : memref<80x128xf32, #tpu.memory_space<vmem>>) target(%dma_start3A_94 : memref<10240x128xf32, #tpu.memory_space<vmem_shared>>) offsets(%dma_start3A_91 : memref<80xi32, #tpu.memory_space<vmem>>) semaphore(%dma_start3A_96 : memref<!tpu.dma_semaphore, #tpu.memory_space<semaphore_mem>>) {add = true}
    %dma_start3A_97 = arith.constant 1 : i32
    %dma_start3A_98 = arith.constant 1 : i32
    %dma_start3A_99 = arith.constant 0 : i32
    %dma_start3A_100 = arith.constant 0 : i32
    %dma_start3A_101 = tpu.memref_slice %arg8[%dma_start3A_97, %dma_start3A_99, %dma_start3A_100] : memref<3x80x128xf32, #tpu.memory_space<vmem>> -> memref<1x80x128xf32, #tpu.memory_space<vmem>>
    %dma_start3A_102 = tpu.memref_squeeze %dma_start3A_101 : memref<1x80x128xf32, #tpu.memory_space<vmem>> -> memref<80x128xf32, #tpu.memory_space<vmem>>
    %dma_start3A_103 = arith.constant 80 : i32
    %dma_start3A_104 = tpu.memref_slice %arg6[%dma_start3A_103] : memref<10000xi32, #tpu.memory_space<vmem>> -> memref<80xi32, #tpu.memory_space<vmem>>
    %dma_start3A_105 = arith.constant 0 : i32
    %dma_start3A_106 = arith.constant 0 : i32
    %dma_start3A_107 = tpu.memref_slice %arg2[%dma_start3A_105, %dma_start3A_106] : memref<10000x128xf32, #tpu.memory_space<hbm>> -> memref<10000x128xf32, #tpu.memory_space<hbm>>
    %dma_start3A_108 = tpu.memref_slice %arg10[%dma_start3A_98] : memref<3x!tpu.dma_semaphore, #tpu.memory_space<semaphore_mem>> -> memref<1x!tpu.dma_semaphore, #tpu.memory_space<semaphore_mem>>
    %dma_start3A_109 = tpu.memref_squeeze %dma_start3A_108 : memref<1x!tpu.dma_semaphore, #tpu.memory_space<semaphore_mem>> -> memref<!tpu.dma_semaphore, #tpu.memory_space<semaphore_mem>>
    tpu.enqueue_indirect_dma source(%dma_start3A_107 : memref<10000x128xf32, #tpu.memory_space<hbm>>) target(%dma_start3A_102 : memref<80x128xf32, #tpu.memory_space<vmem>>) offsets(%dma_start3A_104 : memref<80xi32, #tpu.memory_space<vmem>>) semaphore(%dma_start3A_109 : memref<!tpu.dma_semaphore, #tpu.memory_space<semaphore_mem>>)
    %add3A_110 = arith.constant 320000 : i32
    %add3A_111 = arith.addi %add3A_110, %mul3A_2 : i32
    %add3A_112 = arith.constant 160 : i32
    %add3A_113 = arith.addi %add3A_111, %add3A_112 : i32
    %dma_start3A_114 = arith.constant 2 : i32
    %dma_start3A_115 = arith.constant 2 : i32
    %dma_start3A_116 = arith.constant 0 : i32
    %dma_start3A_117 = tpu.memref_slice %arg7[%dma_start3A_114, %dma_start3A_116] : memref<4x80xi32, #tpu.memory_space<vmem>> -> memref<1x80xi32, #tpu.memory_space<vmem>>
    %dma_start3A_118 = tpu.memref_squeeze %dma_start3A_117 : memref<1x80xi32, #tpu.memory_space<vmem>> -> memref<80xi32, #tpu.memory_space<vmem>>
    %dma_start3A_119 = tpu.memref_slice %arg3[%add3A_113] : memref<640000xi32, #tpu.memory_space<hbm>> -> memref<80xi32, #tpu.memory_space<hbm>>
    %dma_start3A_120 = tpu.memref_slice %arg12[%dma_start3A_115] : memref<4x!tpu.dma_semaphore, #tpu.memory_space<semaphore_mem>> -> memref<1x!tpu.dma_semaphore, #tpu.memory_space<semaphore_mem>>
    %dma_start3A_121 = tpu.memref_squeeze %dma_start3A_120 : memref<1x!tpu.dma_semaphore, #tpu.memory_space<semaphore_mem>> -> memref<!tpu.dma_semaphore, #tpu.memory_space<semaphore_mem>>
    %dma_start3A_122 = arith.constant 0 : i32
    %dma_start3A_123 = tpu.memref_slice %arg7[%dma_start3A_114, %dma_start3A_122] : memref<4x80xi32, #tpu.memory_space<vmem>> -> memref<1x80xi32, #tpu.memory_space<vmem>>
    %dma_start3A_124 = tpu.memref_squeeze %dma_start3A_123 : memref<1x80xi32, #tpu.memory_space<vmem>> -> memref<80xi32, #tpu.memory_space<vmem>>
    %dma_start3A_125 = tpu.memref_slice %arg3[%add3A_113] : memref<640000xi32, #tpu.memory_space<hbm>> -> memref<80xi32, #tpu.memory_space<hbm>>
    tpu.enqueue_dma source(%dma_start3A_125 : memref<80xi32, #tpu.memory_space<hbm>>) target(%dma_start3A_124 : memref<80xi32, #tpu.memory_space<vmem>>) target_semaphore(%dma_start3A_121 : memref<!tpu.dma_semaphore, #tpu.memory_space<semaphore_mem>>)
    %dma_wait3A_126 = arith.constant 0 : i32
    %dma_wait3A_127 = arith.constant 1 : i32
    %dma_wait3A_128 = arith.constant 0 : i32
    %dma_wait3A_129 = arith.constant 0 : i32
    %dma_wait3A_130 = tpu.memref_slice %arg8[%dma_wait3A_126, %dma_wait3A_128, %dma_wait3A_129] : memref<3x80x128xf32, #tpu.memory_space<vmem>> -> memref<1x80x128xf32, #tpu.memory_space<vmem>>
    %dma_wait3A_131 = tpu.memref_squeeze %dma_wait3A_130 : memref<1x80x128xf32, #tpu.memory_space<vmem>> -> memref<80x128xf32, #tpu.memory_space<vmem>>
    %dma_wait3A_132 = arith.constant 0 : i32
    %dma_wait3A_133 = arith.constant 0 : i32
    %dma_wait3A_134 = tpu.memref_slice %arg2[%dma_wait3A_132, %dma_wait3A_133] : memref<10000x128xf32, #tpu.memory_space<hbm>> -> memref<80x128xf32, #tpu.memory_space<hbm>>
    %dma_wait3A_135 = tpu.memref_slice %arg10[%dma_wait3A_127] : memref<3x!tpu.dma_semaphore, #tpu.memory_space<semaphore_mem>> -> memref<1x!tpu.dma_semaphore, #tpu.memory_space<semaphore_mem>>
    %dma_wait3A_136 = tpu.memref_squeeze %dma_wait3A_135 : memref<1x!tpu.dma_semaphore, #tpu.memory_space<semaphore_mem>> -> memref<!tpu.dma_semaphore, #tpu.memory_space<semaphore_mem>>
    %dma_wait3A_137 = arith.constant 0 : i32
    %dma_wait3A_138 = arith.constant 0 : i32
    %dma_wait3A_139 = tpu.memref_slice %arg8[%dma_wait3A_126, %dma_wait3A_137, %dma_wait3A_138] : memref<3x80x128xf32, #tpu.memory_space<vmem>> -> memref<1x80x128xf32, #tpu.memory_space<vmem>>
    %dma_wait3A_140 = tpu.memref_squeeze %dma_wait3A_139 : memref<1x80x128xf32, #tpu.memory_space<vmem>> -> memref<80x128xf32, #tpu.memory_space<vmem>>
    %dma_wait3A_141 = arith.constant 0 : i32
    %dma_wait3A_142 = arith.constant 0 : i32
    %dma_wait3A_143 = tpu.memref_slice %arg2[%dma_wait3A_141, %dma_wait3A_142] : memref<10000x128xf32, #tpu.memory_space<hbm>> -> memref<80x128xf32, #tpu.memory_space<hbm>>
    tpu.wait_dma2 semaphore(%dma_wait3A_136 : memref<!tpu.dma_semaphore, #tpu.memory_space<semaphore_mem>>) src(%dma_wait3A_143 : memref<80x128xf32, #tpu.memory_space<hbm>>) dst(%dma_wait3A_140 : memref<80x128xf32, #tpu.memory_space<vmem>>)
    %dma_wait3A_144 = arith.constant 0 : i32
    %dma_wait3A_145 = arith.constant 1 : i32
    %dma_wait3A_146 = arith.constant 0 : i32
    %dma_wait3A_147 = tpu.memref_slice %arg7[%dma_wait3A_144, %dma_wait3A_146] : memref<4x80xi32, #tpu.memory_space<vmem>> -> memref<1x80xi32, #tpu.memory_space<vmem>>
    %dma_wait3A_148 = tpu.memref_squeeze %dma_wait3A_147 : memref<1x80xi32, #tpu.memory_space<vmem>> -> memref<80xi32, #tpu.memory_space<vmem>>
    %dma_wait3A_149 = arith.constant 0 : i32
    %dma_wait3A_150 = tpu.memref_slice %arg3[%dma_wait3A_149] : memref<640000xi32, #tpu.memory_space<hbm>> -> memref<80xi32, #tpu.memory_space<hbm>>
    %dma_wait3A_151 = tpu.memref_slice %arg12[%dma_wait3A_145] : memref<4x!tpu.dma_semaphore, #tpu.memory_space<semaphore_mem>> -> memref<1x!tpu.dma_semaphore, #tpu.memory_space<semaphore_mem>>
    %dma_wait3A_152 = tpu.memref_squeeze %dma_wait3A_151 : memref<1x!tpu.dma_semaphore, #tpu.memory_space<semaphore_mem>> -> memref<!tpu.dma_semaphore, #tpu.memory_space<semaphore_mem>>
    %dma_wait3A_153 = arith.constant 0 : i32
    %dma_wait3A_154 = tpu.memref_slice %arg7[%dma_wait3A_144, %dma_wait3A_153] : memref<4x80xi32, #tpu.memory_space<vmem>> -> memref<1x80xi32, #tpu.memory_space<vmem>>
    %dma_wait3A_155 = tpu.memref_squeeze %dma_wait3A_154 : memref<1x80xi32, #tpu.memory_space<vmem>> -> memref<80xi32, #tpu.memory_space<vmem>>
    %dma_wait3A_156 = arith.constant 0 : i32
    %dma_wait3A_157 = tpu.memref_slice %arg3[%dma_wait3A_156] : memref<640000xi32, #tpu.memory_space<hbm>> -> memref<80xi32, #tpu.memory_space<hbm>>
    tpu.wait_dma2 semaphore(%dma_wait3A_152 : memref<!tpu.dma_semaphore, #tpu.memory_space<semaphore_mem>>) src(%dma_wait3A_157 : memref<80xi32, #tpu.memory_space<hbm>>) dst(%dma_wait3A_155 : memref<80xi32, #tpu.memory_space<vmem>>)
    %dma_start3A_158 = arith.constant 1 : i32
    %dma_start3A_159 = arith.constant 1 : i32
    %dma_start3A_160 = arith.constant 1 : i32
    %dma_start3A_161 = arith.constant 0 : i32
    %dma_start3A_162 = arith.constant 0 : i32
    %dma_start3A_163 = tpu.memref_slice %arg8[%dma_start3A_158, %dma_start3A_161, %dma_start3A_162] : memref<3x80x128xf32, #tpu.memory_space<vmem>> -> memref<1x80x128xf32, #tpu.memory_space<vmem>>
    %dma_start3A_164 = tpu.memref_squeeze %dma_start3A_163 : memref<1x80x128xf32, #tpu.memory_space<vmem>> -> memref<80x128xf32, #tpu.memory_space<vmem>>
    %dma_start3A_165 = arith.constant 0 : i32
    %dma_start3A_166 = tpu.memref_slice %arg7[%dma_start3A_159, %dma_start3A_165] : memref<4x80xi32, #tpu.memory_space<vmem>> -> memref<1x80xi32, #tpu.memory_space<vmem>>
    %dma_start3A_167 = tpu.memref_squeeze %dma_start3A_166 : memref<1x80xi32, #tpu.memory_space<vmem>> -> memref<80xi32, #tpu.memory_space<vmem>>
    %dma_start3A_168 = arith.constant 0 : i32
    %dma_start3A_169 = arith.constant 0 : i32
    %dma_start3A_170 = tpu.memref_slice %arg9[%dma_start3A_168, %dma_start3A_169] : memref<10240x128xf32, #tpu.memory_space<vmem_shared>> -> memref<10240x128xf32, #tpu.memory_space<vmem_shared>>
    %dma_start3A_171 = tpu.memref_slice %arg11[%dma_start3A_160] : memref<3x!tpu.dma_semaphore, #tpu.memory_space<semaphore_mem>> -> memref<1x!tpu.dma_semaphore, #tpu.memory_space<semaphore_mem>>
    %dma_start3A_172 = tpu.memref_squeeze %dma_start3A_171 : memref<1x!tpu.dma_semaphore, #tpu.memory_space<semaphore_mem>> -> memref<!tpu.dma_semaphore, #tpu.memory_space<semaphore_mem>>
    tpu.enqueue_indirect_dma source(%dma_start3A_164 : memref<80x128xf32, #tpu.memory_space<vmem>>) target(%dma_start3A_170 : memref<10240x128xf32, #tpu.memory_space<vmem_shared>>) offsets(%dma_start3A_167 : memref<80xi32, #tpu.memory_space<vmem>>) semaphore(%dma_start3A_172 : memref<!tpu.dma_semaphore, #tpu.memory_space<semaphore_mem>>) {add = true}
    %dma_start3A_173 = arith.constant 2 : i32
    %dma_start3A_174 = arith.constant 2 : i32
    %dma_start3A_175 = arith.constant 0 : i32
    %dma_start3A_176 = arith.constant 0 : i32
    %dma_start3A_177 = tpu.memref_slice %arg8[%dma_start3A_173, %dma_start3A_175, %dma_start3A_176] : memref<3x80x128xf32, #tpu.memory_space<vmem>> -> memref<1x80x128xf32, #tpu.memory_space<vmem>>
    %dma_start3A_178 = tpu.memref_squeeze %dma_start3A_177 : memref<1x80x128xf32, #tpu.memory_space<vmem>> -> memref<80x128xf32, #tpu.memory_space<vmem>>
    %dma_start3A_179 = arith.constant 160 : i32
    %dma_start3A_180 = tpu.memref_slice %arg6[%dma_start3A_179] : memref<10000xi32, #tpu.memory_space<vmem>> -> memref<80xi32, #tpu.memory_space<vmem>>
    %dma_start3A_181 = arith.constant 0 : i32
    %dma_start3A_182 = arith.constant 0 : i32
    %dma_start3A_183 = tpu.memref_slice %arg2[%dma_start3A_181, %dma_start3A_182] : memref<10000x128xf32, #tpu.memory_space<hbm>> -> memref<10000x128xf32, #tpu.memory_space<hbm>>
    %dma_start3A_184 = tpu.memref_slice %arg10[%dma_start3A_174] : memref<3x!tpu.dma_semaphore, #tpu.memory_space<semaphore_mem>> -> memref<1x!tpu.dma_semaphore, #tpu.memory_space<semaphore_mem>>
    %dma_start3A_185 = tpu.memref_squeeze %dma_start3A_184 : memref<1x!tpu.dma_semaphore, #tpu.memory_space<semaphore_mem>> -> memref<!tpu.dma_semaphore, #tpu.memory_space<semaphore_mem>>
    tpu.enqueue_indirect_dma source(%dma_start3A_183 : memref<10000x128xf32, #tpu.memory_space<hbm>>) target(%dma_start3A_178 : memref<80x128xf32, #tpu.memory_space<vmem>>) offsets(%dma_start3A_180 : memref<80xi32, #tpu.memory_space<vmem>>) semaphore(%dma_start3A_185 : memref<!tpu.dma_semaphore, #tpu.memory_space<semaphore_mem>>)
    %add3A_186 = arith.constant 320000 : i32
    %add3A_187 = arith.addi %add3A_186, %mul3A_2 : i32
    %add3A_188 = arith.constant 240 : i32
    %add3A_189 = arith.addi %add3A_187, %add3A_188 : i32
    %dma_start3A_190 = arith.constant 3 : i32
    %dma_start3A_191 = arith.constant 3 : i32
    %dma_start3A_192 = arith.constant 0 : i32
    %dma_start3A_193 = tpu.memref_slice %arg7[%dma_start3A_190, %dma_start3A_192] : memref<4x80xi32, #tpu.memory_space<vmem>> -> memref<1x80xi32, #tpu.memory_space<vmem>>
    %dma_start3A_194 = tpu.memref_squeeze %dma_start3A_193 : memref<1x80xi32, #tpu.memory_space<vmem>> -> memref<80xi32, #tpu.memory_space<vmem>>
    %dma_start3A_195 = tpu.memref_slice %arg3[%add3A_189] : memref<640000xi32, #tpu.memory_space<hbm>> -> memref<80xi32, #tpu.memory_space<hbm>>
    %dma_start3A_196 = tpu.memref_slice %arg12[%dma_start3A_191] : memref<4x!tpu.dma_semaphore, #tpu.memory_space<semaphore_mem>> -> memref<1x!tpu.dma_semaphore, #tpu.memory_space<semaphore_mem>>
    %dma_start3A_197 = tpu.memref_squeeze %dma_start3A_196 : memref<1x!tpu.dma_semaphore, #tpu.memory_space<semaphore_mem>> -> memref<!tpu.dma_semaphore, #tpu.memory_space<semaphore_mem>>
    %dma_start3A_198 = arith.constant 0 : i32
    %dma_start3A_199 = tpu.memref_slice %arg7[%dma_start3A_190, %dma_start3A_198] : memref<4x80xi32, #tpu.memory_space<vmem>> -> memref<1x80xi32, #tpu.memory_space<vmem>>
    %dma_start3A_200 = tpu.memref_squeeze %dma_start3A_199 : memref<1x80xi32, #tpu.memory_space<vmem>> -> memref<80xi32, #tpu.memory_space<vmem>>
    %dma_start3A_201 = tpu.memref_slice %arg3[%add3A_189] : memref<640000xi32, #tpu.memory_space<hbm>> -> memref<80xi32, #tpu.memory_space<hbm>>
    tpu.enqueue_dma source(%dma_start3A_201 : memref<80xi32, #tpu.memory_space<hbm>>) target(%dma_start3A_200 : memref<80xi32, #tpu.memory_space<vmem>>) target_semaphore(%dma_start3A_197 : memref<!tpu.dma_semaphore, #tpu.memory_space<semaphore_mem>>)
    %scan3A = arith.constant 0 : i32
    %scan3A_202 = arith.constant 120 : i32
    %scan3A_203 = arith.addi %scan3A, %scan3A_202 : i32
    %scan3A_204 = arith.constant 1 : i32
    scf.for %scan3A_484 = %scan3A to %scan3A_203 step %scan3A_204  : i32 {
      %mul3A_485 = arith.constant 1 : i32
      %mul3A_486 = arith.muli %scan3A_484, %mul3A_485 : i32
      %add3A_487 = arith.constant 2 : i32
      %add3A_488 = arith.addi %add3A_487, %mul3A_486 : i32
      %rem3A = arith.constant 3 : i32
      %rem3A_489 = arith.remsi %add3A_488, %rem3A : i32
      %rem3A_490 = arith.constant 4 : i32
      %rem3A_491 = arith.remsi %add3A_488, %rem3A_490 : i32
      %dma_wait3A_492 = arith.constant 0 : i32
      %dma_wait3A_493 = arith.constant 0 : i32
      %dma_wait3A_494 = arith.constant 0 : i32
      %dma_wait3A_495 = tpu.memref_slice %arg8[%dma_wait3A_492, %dma_wait3A_493, %dma_wait3A_494] : memref<3x80x128xf32, #tpu.memory_space<vmem>> -> memref<1x80x128xf32, #tpu.memory_space<vmem>>
      %dma_wait3A_496 = tpu.memref_squeeze %dma_wait3A_495 : memref<1x80x128xf32, #tpu.memory_space<vmem>> -> memref<80x128xf32, #tpu.memory_space<vmem>>
      %dma_wait3A_497 = arith.constant 0 : i32
      %dma_wait3A_498 = arith.constant 0 : i32
      %dma_wait3A_499 = tpu.memref_slice %arg2[%dma_wait3A_497, %dma_wait3A_498] : memref<10000x128xf32, #tpu.memory_space<hbm>> -> memref<80x128xf32, #tpu.memory_space<hbm>>
      %dma_wait3A_500 = tpu.memref_slice %arg10[%rem3A_489] : memref<3x!tpu.dma_semaphore, #tpu.memory_space<semaphore_mem>> -> memref<1x!tpu.dma_semaphore, #tpu.memory_space<semaphore_mem>>
      %dma_wait3A_501 = tpu.memref_squeeze %dma_wait3A_500 : memref<1x!tpu.dma_semaphore, #tpu.memory_space<semaphore_mem>> -> memref<!tpu.dma_semaphore, #tpu.memory_space<semaphore_mem>>
      %dma_wait3A_502 = arith.constant 0 : i32
      %dma_wait3A_503 = arith.constant 0 : i32
      %dma_wait3A_504 = tpu.memref_slice %arg8[%dma_wait3A_492, %dma_wait3A_502, %dma_wait3A_503] : memref<3x80x128xf32, #tpu.memory_space<vmem>> -> memref<1x80x128xf32, #tpu.memory_space<vmem>>
      %dma_wait3A_505 = tpu.memref_squeeze %dma_wait3A_504 : memref<1x80x128xf32, #tpu.memory_space<vmem>> -> memref<80x128xf32, #tpu.memory_space<vmem>>
      %dma_wait3A_506 = arith.constant 0 : i32
      %dma_wait3A_507 = arith.constant 0 : i32
      %dma_wait3A_508 = tpu.memref_slice %arg2[%dma_wait3A_506, %dma_wait3A_507] : memref<10000x128xf32, #tpu.memory_space<hbm>> -> memref<80x128xf32, #tpu.memory_space<hbm>>
      tpu.wait_dma2 semaphore(%dma_wait3A_501 : memref<!tpu.dma_semaphore, #tpu.memory_space<semaphore_mem>>) src(%dma_wait3A_508 : memref<80x128xf32, #tpu.memory_space<hbm>>) dst(%dma_wait3A_505 : memref<80x128xf32, #tpu.memory_space<vmem>>)
      %dma_wait3A_509 = arith.constant 0 : i32
      %dma_wait3A_510 = arith.constant 0 : i32
      %dma_wait3A_511 = tpu.memref_slice %arg7[%dma_wait3A_509, %dma_wait3A_510] : memref<4x80xi32, #tpu.memory_space<vmem>> -> memref<1x80xi32, #tpu.memory_space<vmem>>
      %dma_wait3A_512 = tpu.memref_squeeze %dma_wait3A_511 : memref<1x80xi32, #tpu.memory_space<vmem>> -> memref<80xi32, #tpu.memory_space<vmem>>
      %dma_wait3A_513 = arith.constant 0 : i32
      %dma_wait3A_514 = tpu.memref_slice %arg3[%dma_wait3A_513] : memref<640000xi32, #tpu.memory_space<hbm>> -> memref<80xi32, #tpu.memory_space<hbm>>
      %dma_wait3A_515 = tpu.memref_slice %arg12[%rem3A_491] : memref<4x!tpu.dma_semaphore, #tpu.memory_space<semaphore_mem>> -> memref<1x!tpu.dma_semaphore, #tpu.memory_space<semaphore_mem>>
      %dma_wait3A_516 = tpu.memref_squeeze %dma_wait3A_515 : memref<1x!tpu.dma_semaphore, #tpu.memory_space<semaphore_mem>> -> memref<!tpu.dma_semaphore, #tpu.memory_space<semaphore_mem>>
      %dma_wait3A_517 = arith.constant 0 : i32
      %dma_wait3A_518 = tpu.memref_slice %arg7[%dma_wait3A_509, %dma_wait3A_517] : memref<4x80xi32, #tpu.memory_space<vmem>> -> memref<1x80xi32, #tpu.memory_space<vmem>>
      %dma_wait3A_519 = tpu.memref_squeeze %dma_wait3A_518 : memref<1x80xi32, #tpu.memory_space<vmem>> -> memref<80xi32, #tpu.memory_space<vmem>>
      %dma_wait3A_520 = arith.constant 0 : i32
      %dma_wait3A_521 = tpu.memref_slice %arg3[%dma_wait3A_520] : memref<640000xi32, #tpu.memory_space<hbm>> -> memref<80xi32, #tpu.memory_space<hbm>>
      tpu.wait_dma2 semaphore(%dma_wait3A_516 : memref<!tpu.dma_semaphore, #tpu.memory_space<semaphore_mem>>) src(%dma_wait3A_521 : memref<80xi32, #tpu.memory_space<hbm>>) dst(%dma_wait3A_519 : memref<80xi32, #tpu.memory_space<vmem>>)
      %dma_start3A_522 = arith.constant 0 : i32
      %dma_start3A_523 = arith.constant 0 : i32
      %dma_start3A_524 = tpu.memref_slice %arg8[%rem3A_489, %dma_start3A_522, %dma_start3A_523] : memref<3x80x128xf32, #tpu.memory_space<vmem>> -> memref<1x80x128xf32, #tpu.memory_space<vmem>>
      %dma_start3A_525 = tpu.memref_squeeze %dma_start3A_524 : memref<1x80x128xf32, #tpu.memory_space<vmem>> -> memref<80x128xf32, #tpu.memory_space<vmem>>
      %dma_start3A_526 = arith.constant 0 : i32
      %dma_start3A_527 = tpu.memref_slice %arg7[%rem3A_491, %dma_start3A_526] : memref<4x80xi32, #tpu.memory_space<vmem>> -> memref<1x80xi32, #tpu.memory_space<vmem>>
      %dma_start3A_528 = tpu.memref_squeeze %dma_start3A_527 : memref<1x80xi32, #tpu.memory_space<vmem>> -> memref<80xi32, #tpu.memory_space<vmem>>
      %dma_start3A_529 = arith.constant 0 : i32
      %dma_start3A_530 = arith.constant 0 : i32
      %dma_start3A_531 = tpu.memref_slice %arg9[%dma_start3A_529, %dma_start3A_530] : memref<10240x128xf32, #tpu.memory_space<vmem_shared>> -> memref<10240x128xf32, #tpu.memory_space<vmem_shared>>
      %dma_start3A_532 = tpu.memref_slice %arg11[%rem3A_489] : memref<3x!tpu.dma_semaphore, #tpu.memory_space<semaphore_mem>> -> memref<1x!tpu.dma_semaphore, #tpu.memory_space<semaphore_mem>>
      %dma_start3A_533 = tpu.memref_squeeze %dma_start3A_532 : memref<1x!tpu.dma_semaphore, #tpu.memory_space<semaphore_mem>> -> memref<!tpu.dma_semaphore, #tpu.memory_space<semaphore_mem>>
      tpu.enqueue_indirect_dma source(%dma_start3A_525 : memref<80x128xf32, #tpu.memory_space<vmem>>) target(%dma_start3A_531 : memref<10240x128xf32, #tpu.memory_space<vmem_shared>>) offsets(%dma_start3A_528 : memref<80xi32, #tpu.memory_space<vmem>>) semaphore(%dma_start3A_533 : memref<!tpu.dma_semaphore, #tpu.memory_space<semaphore_mem>>) {add = true}
      %add3A_534 = arith.constant 1 : i32
      %add3A_535 = arith.addi %add3A_488, %add3A_534 : i32
      %rem3A_536 = arith.constant 3 : i32
      %rem3A_537 = arith.remsi %add3A_535, %rem3A_536 : i32
      %dma_wait3A_538 = arith.constant 0 : i32
      %dma_wait3A_539 = arith.constant 0 : i32
      %dma_wait3A_540 = arith.constant 0 : i32
      %dma_wait3A_541 = tpu.memref_slice %arg8[%dma_wait3A_538, %dma_wait3A_539, %dma_wait3A_540] : memref<3x80x128xf32, #tpu.memory_space<vmem>> -> memref<1x80x128xf32, #tpu.memory_space<vmem>>
      %dma_wait3A_542 = tpu.memref_squeeze %dma_wait3A_541 : memref<1x80x128xf32, #tpu.memory_space<vmem>> -> memref<80x128xf32, #tpu.memory_space<vmem>>
      %dma_wait3A_543 = arith.constant 0 : i32
      %dma_wait3A_544 = arith.constant 0 : i32
      %dma_wait3A_545 = tpu.memref_slice %arg2[%dma_wait3A_543, %dma_wait3A_544] : memref<10000x128xf32, #tpu.memory_space<hbm>> -> memref<80x128xf32, #tpu.memory_space<hbm>>
      %dma_wait3A_546 = tpu.memref_slice %arg11[%rem3A_537] : memref<3x!tpu.dma_semaphore, #tpu.memory_space<semaphore_mem>> -> memref<1x!tpu.dma_semaphore, #tpu.memory_space<semaphore_mem>>
      %dma_wait3A_547 = tpu.memref_squeeze %dma_wait3A_546 : memref<1x!tpu.dma_semaphore, #tpu.memory_space<semaphore_mem>> -> memref<!tpu.dma_semaphore, #tpu.memory_space<semaphore_mem>>
      %dma_wait3A_548 = arith.constant 0 : i32
      %dma_wait3A_549 = arith.constant 0 : i32
      %dma_wait3A_550 = tpu.memref_slice %arg8[%dma_wait3A_538, %dma_wait3A_548, %dma_wait3A_549] : memref<3x80x128xf32, #tpu.memory_space<vmem>> -> memref<1x80x128xf32, #tpu.memory_space<vmem>>
      %dma_wait3A_551 = tpu.memref_squeeze %dma_wait3A_550 : memref<1x80x128xf32, #tpu.memory_space<vmem>> -> memref<80x128xf32, #tpu.memory_space<vmem>>
      %dma_wait3A_552 = arith.constant 0 : i32
      %dma_wait3A_553 = arith.constant 0 : i32
      %dma_wait3A_554 = tpu.memref_slice %arg2[%dma_wait3A_552, %dma_wait3A_553] : memref<10000x128xf32, #tpu.memory_space<hbm>> -> memref<80x128xf32, #tpu.memory_space<hbm>>
      tpu.wait_dma2 semaphore(%dma_wait3A_547 : memref<!tpu.dma_semaphore, #tpu.memory_space<semaphore_mem>>) src(%dma_wait3A_554 : memref<80x128xf32, #tpu.memory_space<hbm>>) dst(%dma_wait3A_551 : memref<80x128xf32, #tpu.memory_space<vmem>>)
      %add3A_555 = arith.constant 1 : i32
      %add3A_556 = arith.addi %add3A_488, %add3A_555 : i32
      %mul3A_557 = arith.constant 80 : i32
      %mul3A_558 = arith.muli %add3A_556, %mul3A_557 : i32
      %dma_start3A_559 = arith.constant 0 : i32
      %dma_start3A_560 = arith.constant 0 : i32
      %dma_start3A_561 = tpu.memref_slice %arg8[%rem3A_537, %dma_start3A_559, %dma_start3A_560] : memref<3x80x128xf32, #tpu.memory_space<vmem>> -> memref<1x80x128xf32, #tpu.memory_space<vmem>>
      %dma_start3A_562 = tpu.memref_squeeze %dma_start3A_561 : memref<1x80x128xf32, #tpu.memory_space<vmem>> -> memref<80x128xf32, #tpu.memory_space<vmem>>
      %dma_start3A_563 = tpu.memref_slice %arg6[%mul3A_558] : memref<10000xi32, #tpu.memory_space<vmem>> -> memref<80xi32, #tpu.memory_space<vmem>>
      %dma_start3A_564 = arith.constant 0 : i32
      %dma_start3A_565 = arith.constant 0 : i32
      %dma_start3A_566 = tpu.memref_slice %arg2[%dma_start3A_564, %dma_start3A_565] : memref<10000x128xf32, #tpu.memory_space<hbm>> -> memref<10000x128xf32, #tpu.memory_space<hbm>>
      %dma_start3A_567 = tpu.memref_slice %arg10[%rem3A_537] : memref<3x!tpu.dma_semaphore, #tpu.memory_space<semaphore_mem>> -> memref<1x!tpu.dma_semaphore, #tpu.memory_space<semaphore_mem>>
      %dma_start3A_568 = tpu.memref_squeeze %dma_start3A_567 : memref<1x!tpu.dma_semaphore, #tpu.memory_space<semaphore_mem>> -> memref<!tpu.dma_semaphore, #tpu.memory_space<semaphore_mem>>
      tpu.enqueue_indirect_dma source(%dma_start3A_566 : memref<10000x128xf32, #tpu.memory_space<hbm>>) target(%dma_start3A_562 : memref<80x128xf32, #tpu.memory_space<vmem>>) offsets(%dma_start3A_563 : memref<80xi32, #tpu.memory_space<vmem>>) semaphore(%dma_start3A_568 : memref<!tpu.dma_semaphore, #tpu.memory_space<semaphore_mem>>)
      %add3A_569 = arith.constant 2 : i32
      %add3A_570 = arith.addi %add3A_488, %add3A_569 : i32
      %rem3A_571 = arith.constant 4 : i32
      %rem3A_572 = arith.remsi %add3A_570, %rem3A_571 : i32
      %add3A_573 = arith.constant 320000 : i32
      %add3A_574 = arith.addi %add3A_573, %mul3A_2 : i32
      %mul3A_575 = arith.constant 80 : i32
      %mul3A_576 = arith.muli %add3A_570, %mul3A_575 : i32
      %add3A_577 = arith.addi %add3A_574, %mul3A_576 : i32
      %dma_start3A_578 = arith.constant 0 : i32
      %dma_start3A_579 = tpu.memref_slice %arg7[%rem3A_572, %dma_start3A_578] : memref<4x80xi32, #tpu.memory_space<vmem>> -> memref<1x80xi32, #tpu.memory_space<vmem>>
      %dma_start3A_580 = tpu.memref_squeeze %dma_start3A_579 : memref<1x80xi32, #tpu.memory_space<vmem>> -> memref<80xi32, #tpu.memory_space<vmem>>
      %dma_start3A_581 = tpu.memref_slice %arg3[%add3A_577] : memref<640000xi32, #tpu.memory_space<hbm>> -> memref<80xi32, #tpu.memory_space<hbm>>
      %dma_start3A_582 = tpu.memref_slice %arg12[%rem3A_572] : memref<4x!tpu.dma_semaphore, #tpu.memory_space<semaphore_mem>> -> memref<1x!tpu.dma_semaphore, #tpu.memory_space<semaphore_mem>>
      %dma_start3A_583 = tpu.memref_squeeze %dma_start3A_582 : memref<1x!tpu.dma_semaphore, #tpu.memory_space<semaphore_mem>> -> memref<!tpu.dma_semaphore, #tpu.memory_space<semaphore_mem>>
      %dma_start3A_584 = arith.constant 0 : i32
      %dma_start3A_585 = tpu.memref_slice %arg7[%rem3A_572, %dma_start3A_584] : memref<4x80xi32, #tpu.memory_space<vmem>> -> memref<1x80xi32, #tpu.memory_space<vmem>>
      %dma_start3A_586 = tpu.memref_squeeze %dma_start3A_585 : memref<1x80xi32, #tpu.memory_space<vmem>> -> memref<80xi32, #tpu.memory_space<vmem>>
      %dma_start3A_587 = tpu.memref_slice %arg3[%add3A_577] : memref<640000xi32, #tpu.memory_space<hbm>> -> memref<80xi32, #tpu.memory_space<hbm>>
      tpu.enqueue_dma source(%dma_start3A_587 : memref<80xi32, #tpu.memory_space<hbm>>) target(%dma_start3A_586 : memref<80xi32, #tpu.memory_space<vmem>>) target_semaphore(%dma_start3A_583 : memref<!tpu.dma_semaphore, #tpu.memory_space<semaphore_mem>>)
    }
    %scan3A_205 = arith.constant 120 : i32
    %dma_wait3A_206 = arith.constant 0 : i32
    %dma_wait3A_207 = arith.constant 2 : i32
    %dma_wait3A_208 = arith.constant 0 : i32
    %dma_wait3A_209 = arith.constant 0 : i32
    %dma_wait3A_210 = tpu.memref_slice %arg8[%dma_wait3A_206, %dma_wait3A_208, %dma_wait3A_209] : memref<3x80x128xf32, #tpu.memory_space<vmem>> -> memref<1x80x128xf32, #tpu.memory_space<vmem>>
    %dma_wait3A_211 = tpu.memref_squeeze %dma_wait3A_210 : memref<1x80x128xf32, #tpu.memory_space<vmem>> -> memref<80x128xf32, #tpu.memory_space<vmem>>
    %dma_wait3A_212 = arith.constant 0 : i32
    %dma_wait3A_213 = arith.constant 0 : i32
    %dma_wait3A_214 = tpu.memref_slice %arg2[%dma_wait3A_212, %dma_wait3A_213] : memref<10000x128xf32, #tpu.memory_space<hbm>> -> memref<80x128xf32, #tpu.memory_space<hbm>>
    %dma_wait3A_215 = tpu.memref_slice %arg10[%dma_wait3A_207] : memref<3x!tpu.dma_semaphore, #tpu.memory_space<semaphore_mem>> -> memref<1x!tpu.dma_semaphore, #tpu.memory_space<semaphore_mem>>
    %dma_wait3A_216 = tpu.memref_squeeze %dma_wait3A_215 : memref<1x!tpu.dma_semaphore, #tpu.memory_space<semaphore_mem>> -> memref<!tpu.dma_semaphore, #tpu.memory_space<semaphore_mem>>
    %dma_wait3A_217 = arith.constant 0 : i32
    %dma_wait3A_218 = arith.constant 0 : i32
    %dma_wait3A_219 = tpu.memref_slice %arg8[%dma_wait3A_206, %dma_wait3A_217, %dma_wait3A_218] : memref<3x80x128xf32, #tpu.memory_space<vmem>> -> memref<1x80x128xf32, #tpu.memory_space<vmem>>
    %dma_wait3A_220 = tpu.memref_squeeze %dma_wait3A_219 : memref<1x80x128xf32, #tpu.memory_space<vmem>> -> memref<80x128xf32, #tpu.memory_space<vmem>>
    %dma_wait3A_221 = arith.constant 0 : i32
    %dma_wait3A_222 = arith.constant 0 : i32
    %dma_wait3A_223 = tpu.memref_slice %arg2[%dma_wait3A_221, %dma_wait3A_222] : memref<10000x128xf32, #tpu.memory_space<hbm>> -> memref<80x128xf32, #tpu.memory_space<hbm>>
    tpu.wait_dma2 semaphore(%dma_wait3A_216 : memref<!tpu.dma_semaphore, #tpu.memory_space<semaphore_mem>>) src(%dma_wait3A_223 : memref<80x128xf32, #tpu.memory_space<hbm>>) dst(%dma_wait3A_220 : memref<80x128xf32, #tpu.memory_space<vmem>>)
    %dma_wait3A_224 = arith.constant 0 : i32
    %dma_wait3A_225 = arith.constant 2 : i32
    %dma_wait3A_226 = arith.constant 0 : i32
    %dma_wait3A_227 = tpu.memref_slice %arg7[%dma_wait3A_224, %dma_wait3A_226] : memref<4x80xi32, #tpu.memory_space<vmem>> -> memref<1x80xi32, #tpu.memory_space<vmem>>
    %dma_wait3A_228 = tpu.memref_squeeze %dma_wait3A_227 : memref<1x80xi32, #tpu.memory_space<vmem>> -> memref<80xi32, #tpu.memory_space<vmem>>
    %dma_wait3A_229 = arith.constant 0 : i32
    %dma_wait3A_230 = tpu.memref_slice %arg3[%dma_wait3A_229] : memref<640000xi32, #tpu.memory_space<hbm>> -> memref<80xi32, #tpu.memory_space<hbm>>
    %dma_wait3A_231 = tpu.memref_slice %arg12[%dma_wait3A_225] : memref<4x!tpu.dma_semaphore, #tpu.memory_space<semaphore_mem>> -> memref<1x!tpu.dma_semaphore, #tpu.memory_space<semaphore_mem>>
    %dma_wait3A_232 = tpu.memref_squeeze %dma_wait3A_231 : memref<1x!tpu.dma_semaphore, #tpu.memory_space<semaphore_mem>> -> memref<!tpu.dma_semaphore, #tpu.memory_space<semaphore_mem>>
    %dma_wait3A_233 = arith.constant 0 : i32
    %dma_wait3A_234 = tpu.memref_slice %arg7[%dma_wait3A_224, %dma_wait3A_233] : memref<4x80xi32, #tpu.memory_space<vmem>> -> memref<1x80xi32, #tpu.memory_space<vmem>>
    %dma_wait3A_235 = tpu.memref_squeeze %dma_wait3A_234 : memref<1x80xi32, #tpu.memory_space<vmem>> -> memref<80xi32, #tpu.memory_space<vmem>>
    %dma_wait3A_236 = arith.constant 0 : i32
    %dma_wait3A_237 = tpu.memref_slice %arg3[%dma_wait3A_236] : memref<640000xi32, #tpu.memory_space<hbm>> -> memref<80xi32, #tpu.memory_space<hbm>>
    tpu.wait_dma2 semaphore(%dma_wait3A_232 : memref<!tpu.dma_semaphore, #tpu.memory_space<semaphore_mem>>) src(%dma_wait3A_237 : memref<80xi32, #tpu.memory_space<hbm>>) dst(%dma_wait3A_235 : memref<80xi32, #tpu.memory_space<vmem>>)
    %dma_start3A_238 = arith.constant 2 : i32
    %dma_start3A_239 = arith.constant 2 : i32
    %dma_start3A_240 = arith.constant 2 : i32
    %dma_start3A_241 = arith.constant 0 : i32
    %dma_start3A_242 = arith.constant 0 : i32
    %dma_start3A_243 = tpu.memref_slice %arg8[%dma_start3A_238, %dma_start3A_241, %dma_start3A_242] : memref<3x80x128xf32, #tpu.memory_space<vmem>> -> memref<1x80x128xf32, #tpu.memory_space<vmem>>
    %dma_start3A_244 = tpu.memref_squeeze %dma_start3A_243 : memref<1x80x128xf32, #tpu.memory_space<vmem>> -> memref<80x128xf32, #tpu.memory_space<vmem>>
    %dma_start3A_245 = arith.constant 0 : i32
    %dma_start3A_246 = tpu.memref_slice %arg7[%dma_start3A_239, %dma_start3A_245] : memref<4x80xi32, #tpu.memory_space<vmem>> -> memref<1x80xi32, #tpu.memory_space<vmem>>
    %dma_start3A_247 = tpu.memref_squeeze %dma_start3A_246 : memref<1x80xi32, #tpu.memory_space<vmem>> -> memref<80xi32, #tpu.memory_space<vmem>>
    %dma_start3A_248 = arith.constant 0 : i32
    %dma_start3A_249 = arith.constant 0 : i32
    %dma_start3A_250 = tpu.memref_slice %arg9[%dma_start3A_248, %dma_start3A_249] : memref<10240x128xf32, #tpu.memory_space<vmem_shared>> -> memref<10240x128xf32, #tpu.memory_space<vmem_shared>>
    %dma_start3A_251 = tpu.memref_slice %arg11[%dma_start3A_240] : memref<3x!tpu.dma_semaphore, #tpu.memory_space<semaphore_mem>> -> memref<1x!tpu.dma_semaphore, #tpu.memory_space<semaphore_mem>>
    %dma_start3A_252 = tpu.memref_squeeze %dma_start3A_251 : memref<1x!tpu.dma_semaphore, #tpu.memory_space<semaphore_mem>> -> memref<!tpu.dma_semaphore, #tpu.memory_space<semaphore_mem>>
    tpu.enqueue_indirect_dma source(%dma_start3A_244 : memref<80x128xf32, #tpu.memory_space<vmem>>) target(%dma_start3A_250 : memref<10240x128xf32, #tpu.memory_space<vmem_shared>>) offsets(%dma_start3A_247 : memref<80xi32, #tpu.memory_space<vmem>>) semaphore(%dma_start3A_252 : memref<!tpu.dma_semaphore, #tpu.memory_space<semaphore_mem>>) {add = true}
    %dma_wait3A_253 = arith.constant 0 : i32
    %dma_wait3A_254 = arith.constant 0 : i32
    %dma_wait3A_255 = arith.constant 0 : i32
    %dma_wait3A_256 = arith.constant 0 : i32
    %dma_wait3A_257 = tpu.memref_slice %arg8[%dma_wait3A_253, %dma_wait3A_255, %dma_wait3A_256] : memref<3x80x128xf32, #tpu.memory_space<vmem>> -> memref<1x80x128xf32, #tpu.memory_space<vmem>>
    %dma_wait3A_258 = tpu.memref_squeeze %dma_wait3A_257 : memref<1x80x128xf32, #tpu.memory_space<vmem>> -> memref<80x128xf32, #tpu.memory_space<vmem>>
    %dma_wait3A_259 = arith.constant 0 : i32
    %dma_wait3A_260 = arith.constant 0 : i32
    %dma_wait3A_261 = tpu.memref_slice %arg2[%dma_wait3A_259, %dma_wait3A_260] : memref<10000x128xf32, #tpu.memory_space<hbm>> -> memref<80x128xf32, #tpu.memory_space<hbm>>
    %dma_wait3A_262 = tpu.memref_slice %arg11[%dma_wait3A_254] : memref<3x!tpu.dma_semaphore, #tpu.memory_space<semaphore_mem>> -> memref<1x!tpu.dma_semaphore, #tpu.memory_space<semaphore_mem>>
    %dma_wait3A_263 = tpu.memref_squeeze %dma_wait3A_262 : memref<1x!tpu.dma_semaphore, #tpu.memory_space<semaphore_mem>> -> memref<!tpu.dma_semaphore, #tpu.memory_space<semaphore_mem>>
    %dma_wait3A_264 = arith.constant 0 : i32
    %dma_wait3A_265 = arith.constant 0 : i32
    %dma_wait3A_266 = tpu.memref_slice %arg8[%dma_wait3A_253, %dma_wait3A_264, %dma_wait3A_265] : memref<3x80x128xf32, #tpu.memory_space<vmem>> -> memref<1x80x128xf32, #tpu.memory_space<vmem>>
    %dma_wait3A_267 = tpu.memref_squeeze %dma_wait3A_266 : memref<1x80x128xf32, #tpu.memory_space<vmem>> -> memref<80x128xf32, #tpu.memory_space<vmem>>
    %dma_wait3A_268 = arith.constant 0 : i32
    %dma_wait3A_269 = arith.constant 0 : i32
    %dma_wait3A_270 = tpu.memref_slice %arg2[%dma_wait3A_268, %dma_wait3A_269] : memref<10000x128xf32, #tpu.memory_space<hbm>> -> memref<80x128xf32, #tpu.memory_space<hbm>>
    tpu.wait_dma2 semaphore(%dma_wait3A_263 : memref<!tpu.dma_semaphore, #tpu.memory_space<semaphore_mem>>) src(%dma_wait3A_270 : memref<80x128xf32, #tpu.memory_space<hbm>>) dst(%dma_wait3A_267 : memref<80x128xf32, #tpu.memory_space<vmem>>)
    %dma_start3A_271 = arith.constant 0 : i32
    %dma_start3A_272 = arith.constant 0 : i32
    %dma_start3A_273 = arith.constant 0 : i32
    %dma_start3A_274 = arith.constant 0 : i32
    %dma_start3A_275 = tpu.memref_slice %arg8[%dma_start3A_271, %dma_start3A_273, %dma_start3A_274] : memref<3x80x128xf32, #tpu.memory_space<vmem>> -> memref<1x80x128xf32, #tpu.memory_space<vmem>>
    %dma_start3A_276 = tpu.memref_squeeze %dma_start3A_275 : memref<1x80x128xf32, #tpu.memory_space<vmem>> -> memref<80x128xf32, #tpu.memory_space<vmem>>
    %dma_start3A_277 = arith.constant 9840 : i32
    %dma_start3A_278 = tpu.memref_slice %arg6[%dma_start3A_277] : memref<10000xi32, #tpu.memory_space<vmem>> -> memref<80xi32, #tpu.memory_space<vmem>>
    %dma_start3A_279 = arith.constant 0 : i32
    %dma_start3A_280 = arith.constant 0 : i32
    %dma_start3A_281 = tpu.memref_slice %arg2[%dma_start3A_279, %dma_start3A_280] : memref<10000x128xf32, #tpu.memory_space<hbm>> -> memref<10000x128xf32, #tpu.memory_space<hbm>>
    %dma_start3A_282 = tpu.memref_slice %arg10[%dma_start3A_272] : memref<3x!tpu.dma_semaphore, #tpu.memory_space<semaphore_mem>> -> memref<1x!tpu.dma_semaphore, #tpu.memory_space<semaphore_mem>>
    %dma_start3A_283 = tpu.memref_squeeze %dma_start3A_282 : memref<1x!tpu.dma_semaphore, #tpu.memory_space<semaphore_mem>> -> memref<!tpu.dma_semaphore, #tpu.memory_space<semaphore_mem>>
    tpu.enqueue_indirect_dma source(%dma_start3A_281 : memref<10000x128xf32, #tpu.memory_space<hbm>>) target(%dma_start3A_276 : memref<80x128xf32, #tpu.memory_space<vmem>>) offsets(%dma_start3A_278 : memref<80xi32, #tpu.memory_space<vmem>>) semaphore(%dma_start3A_283 : memref<!tpu.dma_semaphore, #tpu.memory_space<semaphore_mem>>)
    %add3A_284 = arith.constant 320000 : i32
    %add3A_285 = arith.addi %add3A_284, %mul3A_2 : i32
    %add3A_286 = arith.constant 9920 : i32
    %add3A_287 = arith.addi %add3A_285, %add3A_286 : i32
    %dma_start3A_288 = arith.constant 0 : i32
    %dma_start3A_289 = arith.constant 0 : i32
    %dma_start3A_290 = arith.constant 0 : i32
    %dma_start3A_291 = tpu.memref_slice %arg7[%dma_start3A_288, %dma_start3A_290] : memref<4x80xi32, #tpu.memory_space<vmem>> -> memref<1x80xi32, #tpu.memory_space<vmem>>
    %dma_start3A_292 = tpu.memref_squeeze %dma_start3A_291 : memref<1x80xi32, #tpu.memory_space<vmem>> -> memref<80xi32, #tpu.memory_space<vmem>>
    %dma_start3A_293 = tpu.memref_slice %arg3[%add3A_287] : memref<640000xi32, #tpu.memory_space<hbm>> -> memref<80xi32, #tpu.memory_space<hbm>>
    %dma_start3A_294 = tpu.memref_slice %arg12[%dma_start3A_289] : memref<4x!tpu.dma_semaphore, #tpu.memory_space<semaphore_mem>> -> memref<1x!tpu.dma_semaphore, #tpu.memory_space<semaphore_mem>>
    %dma_start3A_295 = tpu.memref_squeeze %dma_start3A_294 : memref<1x!tpu.dma_semaphore, #tpu.memory_space<semaphore_mem>> -> memref<!tpu.dma_semaphore, #tpu.memory_space<semaphore_mem>>
    %dma_start3A_296 = arith.constant 0 : i32
    %dma_start3A_297 = tpu.memref_slice %arg7[%dma_start3A_288, %dma_start3A_296] : memref<4x80xi32, #tpu.memory_space<vmem>> -> memref<1x80xi32, #tpu.memory_space<vmem>>
    %dma_start3A_298 = tpu.memref_squeeze %dma_start3A_297 : memref<1x80xi32, #tpu.memory_space<vmem>> -> memref<80xi32, #tpu.memory_space<vmem>>
    %dma_start3A_299 = tpu.memref_slice %arg3[%add3A_287] : memref<640000xi32, #tpu.memory_space<hbm>> -> memref<80xi32, #tpu.memory_space<hbm>>
    tpu.enqueue_dma source(%dma_start3A_299 : memref<80xi32, #tpu.memory_space<hbm>>) target(%dma_start3A_298 : memref<80xi32, #tpu.memory_space<vmem>>) target_semaphore(%dma_start3A_295 : memref<!tpu.dma_semaphore, #tpu.memory_space<semaphore_mem>>)
    %dma_wait3A_300 = arith.constant 0 : i32
    %dma_wait3A_301 = arith.constant 0 : i32
    %dma_wait3A_302 = arith.constant 0 : i32
    %dma_wait3A_303 = arith.constant 0 : i32
    %dma_wait3A_304 = tpu.memref_slice %arg8[%dma_wait3A_300, %dma_wait3A_302, %dma_wait3A_303] : memref<3x80x128xf32, #tpu.memory_space<vmem>> -> memref<1x80x128xf32, #tpu.memory_space<vmem>>
    %dma_wait3A_305 = tpu.memref_squeeze %dma_wait3A_304 : memref<1x80x128xf32, #tpu.memory_space<vmem>> -> memref<80x128xf32, #tpu.memory_space<vmem>>
    %dma_wait3A_306 = arith.constant 0 : i32
    %dma_wait3A_307 = arith.constant 0 : i32
    %dma_wait3A_308 = tpu.memref_slice %arg2[%dma_wait3A_306, %dma_wait3A_307] : memref<10000x128xf32, #tpu.memory_space<hbm>> -> memref<80x128xf32, #tpu.memory_space<hbm>>
    %dma_wait3A_309 = tpu.memref_slice %arg10[%dma_wait3A_301] : memref<3x!tpu.dma_semaphore, #tpu.memory_space<semaphore_mem>> -> memref<1x!tpu.dma_semaphore, #tpu.memory_space<semaphore_mem>>
    %dma_wait3A_310 = tpu.memref_squeeze %dma_wait3A_309 : memref<1x!tpu.dma_semaphore, #tpu.memory_space<semaphore_mem>> -> memref<!tpu.dma_semaphore, #tpu.memory_space<semaphore_mem>>
    %dma_wait3A_311 = arith.constant 0 : i32
    %dma_wait3A_312 = arith.constant 0 : i32
    %dma_wait3A_313 = tpu.memref_slice %arg8[%dma_wait3A_300, %dma_wait3A_311, %dma_wait3A_312] : memref<3x80x128xf32, #tpu.memory_space<vmem>> -> memref<1x80x128xf32, #tpu.memory_space<vmem>>
    %dma_wait3A_314 = tpu.memref_squeeze %dma_wait3A_313 : memref<1x80x128xf32, #tpu.memory_space<vmem>> -> memref<80x128xf32, #tpu.memory_space<vmem>>
    %dma_wait3A_315 = arith.constant 0 : i32
    %dma_wait3A_316 = arith.constant 0 : i32
    %dma_wait3A_317 = tpu.memref_slice %arg2[%dma_wait3A_315, %dma_wait3A_316] : memref<10000x128xf32, #tpu.memory_space<hbm>> -> memref<80x128xf32, #tpu.memory_space<hbm>>
    tpu.wait_dma2 semaphore(%dma_wait3A_310 : memref<!tpu.dma_semaphore, #tpu.memory_space<semaphore_mem>>) src(%dma_wait3A_317 : memref<80x128xf32, #tpu.memory_space<hbm>>) dst(%dma_wait3A_314 : memref<80x128xf32, #tpu.memory_space<vmem>>)
    %dma_wait3A_318 = arith.constant 0 : i32
    %dma_wait3A_319 = arith.constant 3 : i32
    %dma_wait3A_320 = arith.constant 0 : i32
    %dma_wait3A_321 = tpu.memref_slice %arg7[%dma_wait3A_318, %dma_wait3A_320] : memref<4x80xi32, #tpu.memory_space<vmem>> -> memref<1x80xi32, #tpu.memory_space<vmem>>
    %dma_wait3A_322 = tpu.memref_squeeze %dma_wait3A_321 : memref<1x80xi32, #tpu.memory_space<vmem>> -> memref<80xi32, #tpu.memory_space<vmem>>
    %dma_wait3A_323 = arith.constant 0 : i32
    %dma_wait3A_324 = tpu.memref_slice %arg3[%dma_wait3A_323] : memref<640000xi32, #tpu.memory_space<hbm>> -> memref<80xi32, #tpu.memory_space<hbm>>
    %dma_wait3A_325 = tpu.memref_slice %arg12[%dma_wait3A_319] : memref<4x!tpu.dma_semaphore, #tpu.memory_space<semaphore_mem>> -> memref<1x!tpu.dma_semaphore, #tpu.memory_space<semaphore_mem>>
    %dma_wait3A_326 = tpu.memref_squeeze %dma_wait3A_325 : memref<1x!tpu.dma_semaphore, #tpu.memory_space<semaphore_mem>> -> memref<!tpu.dma_semaphore, #tpu.memory_space<semaphore_mem>>
    %dma_wait3A_327 = arith.constant 0 : i32
    %dma_wait3A_328 = tpu.memref_slice %arg7[%dma_wait3A_318, %dma_wait3A_327] : memref<4x80xi32, #tpu.memory_space<vmem>> -> memref<1x80xi32, #tpu.memory_space<vmem>>
    %dma_wait3A_329 = tpu.memref_squeeze %dma_wait3A_328 : memref<1x80xi32, #tpu.memory_space<vmem>> -> memref<80xi32, #tpu.memory_space<vmem>>
    %dma_wait3A_330 = arith.constant 0 : i32
    %dma_wait3A_331 = tpu.memref_slice %arg3[%dma_wait3A_330] : memref<640000xi32, #tpu.memory_space<hbm>> -> memref<80xi32, #tpu.memory_space<hbm>>
    tpu.wait_dma2 semaphore(%dma_wait3A_326 : memref<!tpu.dma_semaphore, #tpu.memory_space<semaphore_mem>>) src(%dma_wait3A_331 : memref<80xi32, #tpu.memory_space<hbm>>) dst(%dma_wait3A_329 : memref<80xi32, #tpu.memory_space<vmem>>)
    %dma_start3A_332 = arith.constant 0 : i32
    %dma_start3A_333 = arith.constant 3 : i32
    %dma_start3A_334 = arith.constant 0 : i32
    %dma_start3A_335 = arith.constant 0 : i32
    %dma_start3A_336 = arith.constant 0 : i32
    %dma_start3A_337 = tpu.memref_slice %arg8[%dma_start3A_332, %dma_start3A_335, %dma_start3A_336] : memref<3x80x128xf32, #tpu.memory_space<vmem>> -> memref<1x80x128xf32, #tpu.memory_space<vmem>>
    %dma_start3A_338 = tpu.memref_squeeze %dma_start3A_337 : memref<1x80x128xf32, #tpu.memory_space<vmem>> -> memref<80x128xf32, #tpu.memory_space<vmem>>
    %dma_start3A_339 = arith.constant 0 : i32
    %dma_start3A_340 = tpu.memref_slice %arg7[%dma_start3A_333, %dma_start3A_339] : memref<4x80xi32, #tpu.memory_space<vmem>> -> memref<1x80xi32, #tpu.memory_space<vmem>>
    %dma_start3A_341 = tpu.memref_squeeze %dma_start3A_340 : memref<1x80xi32, #tpu.memory_space<vmem>> -> memref<80xi32, #tpu.memory_space<vmem>>
    %dma_start3A_342 = arith.constant 0 : i32
    %dma_start3A_343 = arith.constant 0 : i32
    %dma_start3A_344 = tpu.memref_slice %arg9[%dma_start3A_342, %dma_start3A_343] : memref<10240x128xf32, #tpu.memory_space<vmem_shared>> -> memref<10240x128xf32, #tpu.memory_space<vmem_shared>>
    %dma_start3A_345 = tpu.memref_slice %arg11[%dma_start3A_334] : memref<3x!tpu.dma_semaphore, #tpu.memory_space<semaphore_mem>> -> memref<1x!tpu.dma_semaphore, #tpu.memory_space<semaphore_mem>>
    %dma_start3A_346 = tpu.memref_squeeze %dma_start3A_345 : memref<1x!tpu.dma_semaphore, #tpu.memory_space<semaphore_mem>> -> memref<!tpu.dma_semaphore, #tpu.memory_space<semaphore_mem>>
    tpu.enqueue_indirect_dma source(%dma_start3A_338 : memref<80x128xf32, #tpu.memory_space<vmem>>) target(%dma_start3A_344 : memref<10240x128xf32, #tpu.memory_space<vmem_shared>>) offsets(%dma_start3A_341 : memref<80xi32, #tpu.memory_space<vmem>>) semaphore(%dma_start3A_346 : memref<!tpu.dma_semaphore, #tpu.memory_space<semaphore_mem>>) {add = true}
    %dma_wait3A_347 = arith.constant 0 : i32
    %dma_wait3A_348 = arith.constant 1 : i32
    %dma_wait3A_349 = arith.constant 0 : i32
    %dma_wait3A_350 = arith.constant 0 : i32
    %dma_wait3A_351 = tpu.memref_slice %arg8[%dma_wait3A_347, %dma_wait3A_349, %dma_wait3A_350] : memref<3x80x128xf32, #tpu.memory_space<vmem>> -> memref<1x80x128xf32, #tpu.memory_space<vmem>>
    %dma_wait3A_352 = tpu.memref_squeeze %dma_wait3A_351 : memref<1x80x128xf32, #tpu.memory_space<vmem>> -> memref<80x128xf32, #tpu.memory_space<vmem>>
    %dma_wait3A_353 = arith.constant 0 : i32
    %dma_wait3A_354 = arith.constant 0 : i32
    %dma_wait3A_355 = tpu.memref_slice %arg2[%dma_wait3A_353, %dma_wait3A_354] : memref<10000x128xf32, #tpu.memory_space<hbm>> -> memref<80x128xf32, #tpu.memory_space<hbm>>
    %dma_wait3A_356 = tpu.memref_slice %arg11[%dma_wait3A_348] : memref<3x!tpu.dma_semaphore, #tpu.memory_space<semaphore_mem>> -> memref<1x!tpu.dma_semaphore, #tpu.memory_space<semaphore_mem>>
    %dma_wait3A_357 = tpu.memref_squeeze %dma_wait3A_356 : memref<1x!tpu.dma_semaphore, #tpu.memory_space<semaphore_mem>> -> memref<!tpu.dma_semaphore, #tpu.memory_space<semaphore_mem>>
    %dma_wait3A_358 = arith.constant 0 : i32
    %dma_wait3A_359 = arith.constant 0 : i32
    %dma_wait3A_360 = tpu.memref_slice %arg8[%dma_wait3A_347, %dma_wait3A_358, %dma_wait3A_359] : memref<3x80x128xf32, #tpu.memory_space<vmem>> -> memref<1x80x128xf32, #tpu.memory_space<vmem>>
    %dma_wait3A_361 = tpu.memref_squeeze %dma_wait3A_360 : memref<1x80x128xf32, #tpu.memory_space<vmem>> -> memref<80x128xf32, #tpu.memory_space<vmem>>
    %dma_wait3A_362 = arith.constant 0 : i32
    %dma_wait3A_363 = arith.constant 0 : i32
    %dma_wait3A_364 = tpu.memref_slice %arg2[%dma_wait3A_362, %dma_wait3A_363] : memref<10000x128xf32, #tpu.memory_space<hbm>> -> memref<80x128xf32, #tpu.memory_space<hbm>>
    tpu.wait_dma2 semaphore(%dma_wait3A_357 : memref<!tpu.dma_semaphore, #tpu.memory_space<semaphore_mem>>) src(%dma_wait3A_364 : memref<80x128xf32, #tpu.memory_space<hbm>>) dst(%dma_wait3A_361 : memref<80x128xf32, #tpu.memory_space<vmem>>)
    %dma_start3A_365 = arith.constant 1 : i32
    %dma_start3A_366 = arith.constant 1 : i32
    %dma_start3A_367 = arith.constant 0 : i32
    %dma_start3A_368 = arith.constant 0 : i32
    %dma_start3A_369 = tpu.memref_slice %arg8[%dma_start3A_365, %dma_start3A_367, %dma_start3A_368] : memref<3x80x128xf32, #tpu.memory_space<vmem>> -> memref<1x80x128xf32, #tpu.memory_space<vmem>>
    %dma_start3A_370 = tpu.memref_squeeze %dma_start3A_369 : memref<1x80x128xf32, #tpu.memory_space<vmem>> -> memref<80x128xf32, #tpu.memory_space<vmem>>
    %dma_start3A_371 = arith.constant 9920 : i32
    %dma_start3A_372 = tpu.memref_slice %arg6[%dma_start3A_371] : memref<10000xi32, #tpu.memory_space<vmem>> -> memref<80xi32, #tpu.memory_space<vmem>>
    %dma_start3A_373 = arith.constant 0 : i32
    %dma_start3A_374 = arith.constant 0 : i32
    %dma_start3A_375 = tpu.memref_slice %arg2[%dma_start3A_373, %dma_start3A_374] : memref<10000x128xf32, #tpu.memory_space<hbm>> -> memref<10000x128xf32, #tpu.memory_space<hbm>>
    %dma_start3A_376 = tpu.memref_slice %arg10[%dma_start3A_366] : memref<3x!tpu.dma_semaphore, #tpu.memory_space<semaphore_mem>> -> memref<1x!tpu.dma_semaphore, #tpu.memory_space<semaphore_mem>>
    %dma_start3A_377 = tpu.memref_squeeze %dma_start3A_376 : memref<1x!tpu.dma_semaphore, #tpu.memory_space<semaphore_mem>> -> memref<!tpu.dma_semaphore, #tpu.memory_space<semaphore_mem>>
    tpu.enqueue_indirect_dma source(%dma_start3A_375 : memref<10000x128xf32, #tpu.memory_space<hbm>>) target(%dma_start3A_370 : memref<80x128xf32, #tpu.memory_space<vmem>>) offsets(%dma_start3A_372 : memref<80xi32, #tpu.memory_space<vmem>>) semaphore(%dma_start3A_377 : memref<!tpu.dma_semaphore, #tpu.memory_space<semaphore_mem>>)
    %dma_wait3A_378 = arith.constant 0 : i32
    %dma_wait3A_379 = arith.constant 1 : i32
    %dma_wait3A_380 = arith.constant 0 : i32
    %dma_wait3A_381 = arith.constant 0 : i32
    %dma_wait3A_382 = tpu.memref_slice %arg8[%dma_wait3A_378, %dma_wait3A_380, %dma_wait3A_381] : memref<3x80x128xf32, #tpu.memory_space<vmem>> -> memref<1x80x128xf32, #tpu.memory_space<vmem>>
    %dma_wait3A_383 = tpu.memref_squeeze %dma_wait3A_382 : memref<1x80x128xf32, #tpu.memory_space<vmem>> -> memref<80x128xf32, #tpu.memory_space<vmem>>
    %dma_wait3A_384 = arith.constant 0 : i32
    %dma_wait3A_385 = arith.constant 0 : i32
    %dma_wait3A_386 = tpu.memref_slice %arg2[%dma_wait3A_384, %dma_wait3A_385] : memref<10000x128xf32, #tpu.memory_space<hbm>> -> memref<80x128xf32, #tpu.memory_space<hbm>>
    %dma_wait3A_387 = tpu.memref_slice %arg10[%dma_wait3A_379] : memref<3x!tpu.dma_semaphore, #tpu.memory_space<semaphore_mem>> -> memref<1x!tpu.dma_semaphore, #tpu.memory_space<semaphore_mem>>
    %dma_wait3A_388 = tpu.memref_squeeze %dma_wait3A_387 : memref<1x!tpu.dma_semaphore, #tpu.memory_space<semaphore_mem>> -> memref<!tpu.dma_semaphore, #tpu.memory_space<semaphore_mem>>
    %dma_wait3A_389 = arith.constant 0 : i32
    %dma_wait3A_390 = arith.constant 0 : i32
    %dma_wait3A_391 = tpu.memref_slice %arg8[%dma_wait3A_378, %dma_wait3A_389, %dma_wait3A_390] : memref<3x80x128xf32, #tpu.memory_space<vmem>> -> memref<1x80x128xf32, #tpu.memory_space<vmem>>
    %dma_wait3A_392 = tpu.memref_squeeze %dma_wait3A_391 : memref<1x80x128xf32, #tpu.memory_space<vmem>> -> memref<80x128xf32, #tpu.memory_space<vmem>>
    %dma_wait3A_393 = arith.constant 0 : i32
    %dma_wait3A_394 = arith.constant 0 : i32
    %dma_wait3A_395 = tpu.memref_slice %arg2[%dma_wait3A_393, %dma_wait3A_394] : memref<10000x128xf32, #tpu.memory_space<hbm>> -> memref<80x128xf32, #tpu.memory_space<hbm>>
    tpu.wait_dma2 semaphore(%dma_wait3A_388 : memref<!tpu.dma_semaphore, #tpu.memory_space<semaphore_mem>>) src(%dma_wait3A_395 : memref<80x128xf32, #tpu.memory_space<hbm>>) dst(%dma_wait3A_392 : memref<80x128xf32, #tpu.memory_space<vmem>>)
    %dma_wait3A_396 = arith.constant 0 : i32
    %dma_wait3A_397 = arith.constant 0 : i32
    %dma_wait3A_398 = arith.constant 0 : i32
    %dma_wait3A_399 = tpu.memref_slice %arg7[%dma_wait3A_396, %dma_wait3A_398] : memref<4x80xi32, #tpu.memory_space<vmem>> -> memref<1x80xi32, #tpu.memory_space<vmem>>
    %dma_wait3A_400 = tpu.memref_squeeze %dma_wait3A_399 : memref<1x80xi32, #tpu.memory_space<vmem>> -> memref<80xi32, #tpu.memory_space<vmem>>
    %dma_wait3A_401 = arith.constant 0 : i32
    %dma_wait3A_402 = tpu.memref_slice %arg3[%dma_wait3A_401] : memref<640000xi32, #tpu.memory_space<hbm>> -> memref<80xi32, #tpu.memory_space<hbm>>
    %dma_wait3A_403 = tpu.memref_slice %arg12[%dma_wait3A_397] : memref<4x!tpu.dma_semaphore, #tpu.memory_space<semaphore_mem>> -> memref<1x!tpu.dma_semaphore, #tpu.memory_space<semaphore_mem>>
    %dma_wait3A_404 = tpu.memref_squeeze %dma_wait3A_403 : memref<1x!tpu.dma_semaphore, #tpu.memory_space<semaphore_mem>> -> memref<!tpu.dma_semaphore, #tpu.memory_space<semaphore_mem>>
    %dma_wait3A_405 = arith.constant 0 : i32
    %dma_wait3A_406 = tpu.memref_slice %arg7[%dma_wait3A_396, %dma_wait3A_405] : memref<4x80xi32, #tpu.memory_space<vmem>> -> memref<1x80xi32, #tpu.memory_space<vmem>>
    %dma_wait3A_407 = tpu.memref_squeeze %dma_wait3A_406 : memref<1x80xi32, #tpu.memory_space<vmem>> -> memref<80xi32, #tpu.memory_space<vmem>>
    %dma_wait3A_408 = arith.constant 0 : i32
    %dma_wait3A_409 = tpu.memref_slice %arg3[%dma_wait3A_408] : memref<640000xi32, #tpu.memory_space<hbm>> -> memref<80xi32, #tpu.memory_space<hbm>>
    tpu.wait_dma2 semaphore(%dma_wait3A_404 : memref<!tpu.dma_semaphore, #tpu.memory_space<semaphore_mem>>) src(%dma_wait3A_409 : memref<80xi32, #tpu.memory_space<hbm>>) dst(%dma_wait3A_407 : memref<80xi32, #tpu.memory_space<vmem>>)
    %dma_start3A_410 = arith.constant 1 : i32
    %dma_start3A_411 = arith.constant 0 : i32
    %dma_start3A_412 = arith.constant 1 : i32
    %dma_start3A_413 = arith.constant 0 : i32
    %dma_start3A_414 = arith.constant 0 : i32
    %dma_start3A_415 = tpu.memref_slice %arg8[%dma_start3A_410, %dma_start3A_413, %dma_start3A_414] : memref<3x80x128xf32, #tpu.memory_space<vmem>> -> memref<1x80x128xf32, #tpu.memory_space<vmem>>
    %dma_start3A_416 = tpu.memref_squeeze %dma_start3A_415 : memref<1x80x128xf32, #tpu.memory_space<vmem>> -> memref<80x128xf32, #tpu.memory_space<vmem>>
    %dma_start3A_417 = arith.constant 0 : i32
    %dma_start3A_418 = tpu.memref_slice %arg7[%dma_start3A_411, %dma_start3A_417] : memref<4x80xi32, #tpu.memory_space<vmem>> -> memref<1x80xi32, #tpu.memory_space<vmem>>
    %dma_start3A_419 = tpu.memref_squeeze %dma_start3A_418 : memref<1x80xi32, #tpu.memory_space<vmem>> -> memref<80xi32, #tpu.memory_space<vmem>>
    %dma_start3A_420 = arith.constant 0 : i32
    %dma_start3A_421 = arith.constant 0 : i32
    %dma_start3A_422 = tpu.memref_slice %arg9[%dma_start3A_420, %dma_start3A_421] : memref<10240x128xf32, #tpu.memory_space<vmem_shared>> -> memref<10240x128xf32, #tpu.memory_space<vmem_shared>>
    %dma_start3A_423 = tpu.memref_slice %arg11[%dma_start3A_412] : memref<3x!tpu.dma_semaphore, #tpu.memory_space<semaphore_mem>> -> memref<1x!tpu.dma_semaphore, #tpu.memory_space<semaphore_mem>>
    %dma_start3A_424 = tpu.memref_squeeze %dma_start3A_423 : memref<1x!tpu.dma_semaphore, #tpu.memory_space<semaphore_mem>> -> memref<!tpu.dma_semaphore, #tpu.memory_space<semaphore_mem>>
    tpu.enqueue_indirect_dma source(%dma_start3A_416 : memref<80x128xf32, #tpu.memory_space<vmem>>) target(%dma_start3A_422 : memref<10240x128xf32, #tpu.memory_space<vmem_shared>>) offsets(%dma_start3A_419 : memref<80xi32, #tpu.memory_space<vmem>>) semaphore(%dma_start3A_424 : memref<!tpu.dma_semaphore, #tpu.memory_space<semaphore_mem>>) {add = true}
    %dma_wait3A_425 = arith.constant 0 : i32
    %dma_wait3A_426 = arith.constant 2 : i32
    %dma_wait3A_427 = arith.constant 0 : i32
    %dma_wait3A_428 = arith.constant 0 : i32
    %dma_wait3A_429 = tpu.memref_slice %arg8[%dma_wait3A_425, %dma_wait3A_427, %dma_wait3A_428] : memref<3x80x128xf32, #tpu.memory_space<vmem>> -> memref<1x80x128xf32, #tpu.memory_space<vmem>>
    %dma_wait3A_430 = tpu.memref_squeeze %dma_wait3A_429 : memref<1x80x128xf32, #tpu.memory_space<vmem>> -> memref<80x128xf32, #tpu.memory_space<vmem>>
    %dma_wait3A_431 = arith.constant 0 : i32
    %dma_wait3A_432 = arith.constant 0 : i32
    %dma_wait3A_433 = tpu.memref_slice %arg2[%dma_wait3A_431, %dma_wait3A_432] : memref<10000x128xf32, #tpu.memory_space<hbm>> -> memref<80x128xf32, #tpu.memory_space<hbm>>
    %dma_wait3A_434 = tpu.memref_slice %arg11[%dma_wait3A_426] : memref<3x!tpu.dma_semaphore, #tpu.memory_space<semaphore_mem>> -> memref<1x!tpu.dma_semaphore, #tpu.memory_space<semaphore_mem>>
    %dma_wait3A_435 = tpu.memref_squeeze %dma_wait3A_434 : memref<1x!tpu.dma_semaphore, #tpu.memory_space<semaphore_mem>> -> memref<!tpu.dma_semaphore, #tpu.memory_space<semaphore_mem>>
    %dma_wait3A_436 = arith.constant 0 : i32
    %dma_wait3A_437 = arith.constant 0 : i32
    %dma_wait3A_438 = tpu.memref_slice %arg8[%dma_wait3A_425, %dma_wait3A_436, %dma_wait3A_437] : memref<3x80x128xf32, #tpu.memory_space<vmem>> -> memref<1x80x128xf32, #tpu.memory_space<vmem>>
    %dma_wait3A_439 = tpu.memref_squeeze %dma_wait3A_438 : memref<1x80x128xf32, #tpu.memory_space<vmem>> -> memref<80x128xf32, #tpu.memory_space<vmem>>
    %dma_wait3A_440 = arith.constant 0 : i32
    %dma_wait3A_441 = arith.constant 0 : i32
    %dma_wait3A_442 = tpu.memref_slice %arg2[%dma_wait3A_440, %dma_wait3A_441] : memref<10000x128xf32, #tpu.memory_space<hbm>> -> memref<80x128xf32, #tpu.memory_space<hbm>>
    tpu.wait_dma2 semaphore(%dma_wait3A_435 : memref<!tpu.dma_semaphore, #tpu.memory_space<semaphore_mem>>) src(%dma_wait3A_442 : memref<80x128xf32, #tpu.memory_space<hbm>>) dst(%dma_wait3A_439 : memref<80x128xf32, #tpu.memory_space<vmem>>)
    %dma_wait3A_443 = arith.constant 0 : i32
    %dma_wait3A_444 = arith.constant 0 : i32
    %dma_wait3A_445 = arith.constant 0 : i32
    %dma_wait3A_446 = arith.constant 0 : i32
    %dma_wait3A_447 = tpu.memref_slice %arg8[%dma_wait3A_443, %dma_wait3A_445, %dma_wait3A_446] : memref<3x80x128xf32, #tpu.memory_space<vmem>> -> memref<1x80x128xf32, #tpu.memory_space<vmem>>
    %dma_wait3A_448 = tpu.memref_squeeze %dma_wait3A_447 : memref<1x80x128xf32, #tpu.memory_space<vmem>> -> memref<80x128xf32, #tpu.memory_space<vmem>>
    %dma_wait3A_449 = arith.constant 0 : i32
    %dma_wait3A_450 = arith.constant 0 : i32
    %dma_wait3A_451 = tpu.memref_slice %arg2[%dma_wait3A_449, %dma_wait3A_450] : memref<10000x128xf32, #tpu.memory_space<hbm>> -> memref<80x128xf32, #tpu.memory_space<hbm>>
    %dma_wait3A_452 = tpu.memref_slice %arg11[%dma_wait3A_444] : memref<3x!tpu.dma_semaphore, #tpu.memory_space<semaphore_mem>> -> memref<1x!tpu.dma_semaphore, #tpu.memory_space<semaphore_mem>>
    %dma_wait3A_453 = tpu.memref_squeeze %dma_wait3A_452 : memref<1x!tpu.dma_semaphore, #tpu.memory_space<semaphore_mem>> -> memref<!tpu.dma_semaphore, #tpu.memory_space<semaphore_mem>>
    %dma_wait3A_454 = arith.constant 0 : i32
    %dma_wait3A_455 = arith.constant 0 : i32
    %dma_wait3A_456 = tpu.memref_slice %arg8[%dma_wait3A_443, %dma_wait3A_454, %dma_wait3A_455] : memref<3x80x128xf32, #tpu.memory_space<vmem>> -> memref<1x80x128xf32, #tpu.memory_space<vmem>>
    %dma_wait3A_457 = tpu.memref_squeeze %dma_wait3A_456 : memref<1x80x128xf32, #tpu.memory_space<vmem>> -> memref<80x128xf32, #tpu.memory_space<vmem>>
    %dma_wait3A_458 = arith.constant 0 : i32
    %dma_wait3A_459 = arith.constant 0 : i32
    %dma_wait3A_460 = tpu.memref_slice %arg2[%dma_wait3A_458, %dma_wait3A_459] : memref<10000x128xf32, #tpu.memory_space<hbm>> -> memref<80x128xf32, #tpu.memory_space<hbm>>
    tpu.wait_dma2 semaphore(%dma_wait3A_453 : memref<!tpu.dma_semaphore, #tpu.memory_space<semaphore_mem>>) src(%dma_wait3A_460 : memref<80x128xf32, #tpu.memory_space<hbm>>) dst(%dma_wait3A_457 : memref<80x128xf32, #tpu.memory_space<vmem>>)
    %dma_wait3A_461 = arith.constant 0 : i32
    %dma_wait3A_462 = arith.constant 1 : i32
    %dma_wait3A_463 = arith.constant 0 : i32
    %dma_wait3A_464 = arith.constant 0 : i32
    %dma_wait3A_465 = tpu.memref_slice %arg8[%dma_wait3A_461, %dma_wait3A_463, %dma_wait3A_464] : memref<3x80x128xf32, #tpu.memory_space<vmem>> -> memref<1x80x128xf32, #tpu.memory_space<vmem>>
    %dma_wait3A_466 = tpu.memref_squeeze %dma_wait3A_465 : memref<1x80x128xf32, #tpu.memory_space<vmem>> -> memref<80x128xf32, #tpu.memory_space<vmem>>
    %dma_wait3A_467 = arith.constant 0 : i32
    %dma_wait3A_468 = arith.constant 0 : i32
    %dma_wait3A_469 = tpu.memref_slice %arg2[%dma_wait3A_467, %dma_wait3A_468] : memref<10000x128xf32, #tpu.memory_space<hbm>> -> memref<80x128xf32, #tpu.memory_space<hbm>>
    %dma_wait3A_470 = tpu.memref_slice %arg11[%dma_wait3A_462] : memref<3x!tpu.dma_semaphore, #tpu.memory_space<semaphore_mem>> -> memref<1x!tpu.dma_semaphore, #tpu.memory_space<semaphore_mem>>
    %dma_wait3A_471 = tpu.memref_squeeze %dma_wait3A_470 : memref<1x!tpu.dma_semaphore, #tpu.memory_space<semaphore_mem>> -> memref<!tpu.dma_semaphore, #tpu.memory_space<semaphore_mem>>
    %dma_wait3A_472 = arith.constant 0 : i32
    %dma_wait3A_473 = arith.constant 0 : i32
    %dma_wait3A_474 = tpu.memref_slice %arg8[%dma_wait3A_461, %dma_wait3A_472, %dma_wait3A_473] : memref<3x80x128xf32, #tpu.memory_space<vmem>> -> memref<1x80x128xf32, #tpu.memory_space<vmem>>
    %dma_wait3A_475 = tpu.memref_squeeze %dma_wait3A_474 : memref<1x80x128xf32, #tpu.memory_space<vmem>> -> memref<80x128xf32, #tpu.memory_space<vmem>>
    %dma_wait3A_476 = arith.constant 0 : i32
    %dma_wait3A_477 = arith.constant 0 : i32
    %dma_wait3A_478 = tpu.memref_slice %arg2[%dma_wait3A_476, %dma_wait3A_477] : memref<10000x128xf32, #tpu.memory_space<hbm>> -> memref<80x128xf32, #tpu.memory_space<hbm>>
    tpu.wait_dma2 semaphore(%dma_wait3A_471 : memref<!tpu.dma_semaphore, #tpu.memory_space<semaphore_mem>>) src(%dma_wait3A_478 : memref<80x128xf32, #tpu.memory_space<hbm>>) dst(%dma_wait3A_475 : memref<80x128xf32, #tpu.memory_space<vmem>>)
    %barrier3A_479 = arith.constant 0 : index
    tpu.barrier barrier_id(%barrier3A_479)
    %mul3A_480 = arith.constant 640 : i32
    %mul3A_481 = arith.muli %arg1, %mul3A_480 : i32
    %mul3A_482 = arith.constant 640 : i32
    %mul3A_483 = arith.muli %arg1, %mul3A_482 : i32
    "tpu.region"() ({
      %run_scoped3A = tpu.sem_alloc : memref<!tpu.dma_semaphore, #tpu.memory_space<semaphore_mem>>
      %dma_start3A_484 = arith.constant 0 : i32
      %dma_start3A_485 = arith.constant 0 : i32
      %dma_start3A_486 = tpu.memref_slice %arg5[%arg0, %dma_start3A_484, %dma_start3A_485] : memref<2x10240x128xf32, #tpu.memory_space<hbm>> -> memref<1x10240x128xf32, #tpu.memory_space<hbm>>
      %dma_start3A_487 = tpu.memref_squeeze %dma_start3A_486 : memref<1x10240x128xf32, #tpu.memory_space<hbm>> -> memref<10240x128xf32, #tpu.memory_space<hbm>>
      %dma_start3A_488 = arith.constant 0 : i32
      %dma_start3A_489 = tpu.memref_slice %dma_start3A_487[%mul3A_483, %dma_start3A_488] : memref<10240x128xf32, #tpu.memory_space<hbm>> -> memref<640x128xf32, #tpu.memory_space<hbm>>
      %dma_start3A_490 = arith.constant 0 : i32
      %dma_start3A_491 = tpu.memref_slice %arg9[%mul3A_481, %dma_start3A_490] : memref<10240x128xf32, #tpu.memory_space<vmem_shared>> -> memref<640x128xf32, #tpu.memory_space<vmem_shared>>
      tpu.enqueue_dma source(%dma_start3A_491 : memref<640x128xf32, #tpu.memory_space<vmem_shared>>) target(%dma_start3A_489 : memref<640x128xf32, #tpu.memory_space<hbm>>) target_semaphore(%run_scoped3A : memref<!tpu.dma_semaphore, #tpu.memory_space<semaphore_mem>>)
      %dma_wait3A_492 = arith.constant 0 : i32
      %dma_wait3A_493 = arith.constant 0 : i32
      %dma_wait3A_494 = tpu.memref_slice %arg5[%arg0, %dma_wait3A_492, %dma_wait3A_493] : memref<2x10240x128xf32, #tpu.memory_space<hbm>> -> memref<1x10240x128xf32, #tpu.memory_space<hbm>>
      %dma_wait3A_495 = tpu.memref_squeeze %dma_wait3A_494 : memref<1x10240x128xf32, #tpu.memory_space<hbm>> -> memref<10240x128xf32, #tpu.memory_space<hbm>>
      %dma_wait3A_496 = arith.constant 0 : i32
      %dma_wait3A_497 = tpu.memref_slice %dma_wait3A_495[%mul3A_483, %dma_wait3A_496] : memref<10240x128xf32, #tpu.memory_space<hbm>> -> memref<640x128xf32, #tpu.memory_space<hbm>>
      %dma_wait3A_498 = arith.constant 0 : i32
      %dma_wait3A_499 = tpu.memref_slice %arg9[%mul3A_481, %dma_wait3A_498] : memref<10240x128xf32, #tpu.memory_space<vmem_shared>> -> memref<640x128xf32, #tpu.memory_space<vmem_shared>>
      tpu.wait_dma2 semaphore(%run_scoped3A : memref<!tpu.dma_semaphore, #tpu.memory_space<semaphore_mem>>) src(%dma_wait3A_499 : memref<640x128xf32, #tpu.memory_space<vmem_shared>>) dst(%dma_wait3A_497 : memref<640x128xf32, #tpu.memory_space<hbm>>)
      tpu.yield
    }) : () -> ()
    return
  }
}

#map = affine_map<(d0, d1) -> (0, 0)>
#map1 = affine_map<(d0, d1) -> (0)>
#map2 = affine_map<(d0, d1) -> (0, 0, 0)>
module attributes {stable_mosaic.version = 14 : i64} {
  func.func @agg(%arg0: i32, %arg1: i32, %arg2: memref<10000x128xf32, #tpu.memory_space<hbm>>, %arg3: memref<640000xi32, #tpu.memory_space<hbm>>, %arg4: memref<10240x128xf32, #tpu.memory_space<hbm>>, %arg5: memref<2x10240x128xf32, #tpu.memory_space<hbm>>, %arg6: memref<2x16x10240xf32, #tpu.memory_space<hbm>>, %arg7: memref<2x10240xf32, #tpu.memory_space<hbm>>, %arg8: memref<10000xi32, #tpu.memory_space<vmem>>, %arg9: memref<4x80xi32, #tpu.memory_space<vmem>>, %arg10: memref<2x80x128xf32, #tpu.memory_space<vmem>>, %arg11: memref<10240x128xf32, #tpu.memory_space<vmem_shared>>, %arg12: memref<2x!tpu.dma_semaphore, #tpu.memory_space<semaphore_mem>>, %arg13: memref<2x!tpu.dma_semaphore, #tpu.memory_space<semaphore_mem>>, %arg14: memref<4x!tpu.dma_semaphore, #tpu.memory_space<semaphore_mem>>, %arg15: memref<10240xf32, #tpu.memory_space<vmem>>, %arg16: memref<640xf32, #tpu.memory_space<vmem>>, %arg17: memref<640xf32, #tpu.memory_space<vmem>>) attributes {dimension_semantics = [#tpu.dimension_semantics<core_parallel>, #tpu.dimension_semantics<subcore_parallel>], iteration_bounds = array<i64: 2, 16>, scalar_prefetch = 0 : i64, scratch_operands = 10 : i64, tpu.core_type = #tpu.core_type<sc_vector_subcore>, window_params = [{transform_indices = #map}, {transform_indices = #map1}, {transform_indices = #map}, {transform_indices = #map2}, {transform_indices = #map2}, {transform_indices = #map}]} {
    %mul3A = arith.constant 16 : i32
    %mul3A_0 = arith.muli %arg0, %mul3A : i32
    %add3A = arith.addi %mul3A_0, %arg1 : i32
    %mul3A_1 = arith.constant 10000 : i32
    %mul3A_2 = arith.muli %add3A, %mul3A_1 : i32
    "tpu.region"() ({
      %run_scoped3A_721 = tpu.sem_alloc : memref<!tpu.dma_semaphore, #tpu.memory_space<semaphore_mem>>
      %dma_start3A_722 = tpu.memref_slice %arg3[%mul3A_2] : memref<640000xi32, #tpu.memory_space<hbm>> -> memref<10000xi32, #tpu.memory_space<hbm>>
      %dma_start3A_723 = tpu.memref_slice %arg3[%mul3A_2] : memref<640000xi32, #tpu.memory_space<hbm>> -> memref<10000xi32, #tpu.memory_space<hbm>>
      tpu.enqueue_dma source(%dma_start3A_723 : memref<10000xi32, #tpu.memory_space<hbm>>) target(%arg8 : memref<10000xi32, #tpu.memory_space<vmem>>) target_semaphore(%run_scoped3A_721 : memref<!tpu.dma_semaphore, #tpu.memory_space<semaphore_mem>>)
      %dma_wait3A_724 = tpu.memref_slice %arg3[%mul3A_2] : memref<640000xi32, #tpu.memory_space<hbm>> -> memref<10000xi32, #tpu.memory_space<hbm>>
      %dma_wait3A_725 = tpu.memref_slice %arg3[%mul3A_2] : memref<640000xi32, #tpu.memory_space<hbm>> -> memref<10000xi32, #tpu.memory_space<hbm>>
      tpu.wait_dma2 semaphore(%run_scoped3A_721 : memref<!tpu.dma_semaphore, #tpu.memory_space<semaphore_mem>>) src(%dma_wait3A_725 : memref<10000xi32, #tpu.memory_space<hbm>>) dst(%arg8 : memref<10000xi32, #tpu.memory_space<vmem>>)
      tpu.yield
    }) : () -> ()
    %mul3A_3 = arith.constant 640 : i32
    %mul3A_4 = arith.muli %arg1, %mul3A_3 : i32
    %mul3A_5 = arith.constant 640 : i32
    %mul3A_6 = arith.muli %arg1, %mul3A_5 : i32
    "tpu.region"() ({
      %run_scoped3A_721 = tpu.sem_alloc : memref<!tpu.dma_semaphore, #tpu.memory_space<semaphore_mem>>
      %dma_start3A_722 = arith.constant 0 : i32
      %dma_start3A_723 = tpu.memref_slice %arg11[%mul3A_6, %dma_start3A_722] : memref<10240x128xf32, #tpu.memory_space<vmem_shared>> -> memref<640x128xf32, #tpu.memory_space<vmem_shared>>
      %dma_start3A_724 = arith.constant 0 : i32
      %dma_start3A_725 = tpu.memref_slice %arg4[%mul3A_4, %dma_start3A_724] : memref<10240x128xf32, #tpu.memory_space<hbm>> -> memref<640x128xf32, #tpu.memory_space<hbm>>
      tpu.enqueue_dma source(%dma_start3A_725 : memref<640x128xf32, #tpu.memory_space<hbm>>) target(%dma_start3A_723 : memref<640x128xf32, #tpu.memory_space<vmem_shared>>) target_semaphore(%run_scoped3A_721 : memref<!tpu.dma_semaphore, #tpu.memory_space<semaphore_mem>>)
      %dma_wait3A_726 = arith.constant 0 : i32
      %dma_wait3A_727 = tpu.memref_slice %arg11[%mul3A_6, %dma_wait3A_726] : memref<10240x128xf32, #tpu.memory_space<vmem_shared>> -> memref<640x128xf32, #tpu.memory_space<vmem_shared>>
      %dma_wait3A_728 = arith.constant 0 : i32
      %dma_wait3A_729 = tpu.memref_slice %arg4[%mul3A_4, %dma_wait3A_728] : memref<10240x128xf32, #tpu.memory_space<hbm>> -> memref<640x128xf32, #tpu.memory_space<hbm>>
      tpu.wait_dma2 semaphore(%run_scoped3A_721 : memref<!tpu.dma_semaphore, #tpu.memory_space<semaphore_mem>>) src(%dma_wait3A_729 : memref<640x128xf32, #tpu.memory_space<hbm>>) dst(%dma_wait3A_727 : memref<640x128xf32, #tpu.memory_space<vmem_shared>>)
      tpu.yield
    }) : () -> ()
    %scan3A = arith.constant 0 : i32
    %scan3A_7 = arith.constant 640 : i32
    %scan3A_8 = arith.addi %scan3A, %scan3A_7 : i32
    %scan3A_9 = arith.constant 1 : i32
    scf.for %scan3A_721 = %scan3A to %scan3A_8 step %scan3A_9  : i32 {
      %mul3A_722 = arith.constant 1 : i32
      %mul3A_723 = arith.muli %scan3A_721, %mul3A_722 : i32
      %add3A_724 = arith.constant 0 : i32
      %add3A_725 = arith.addi %add3A_724, %mul3A_723 : i32
      %broadcast_in_dim3A_726 = arith.constant 0.000000e+00 : f32
      %broadcast_in_dim3A_727 = vector.broadcast %broadcast_in_dim3A_726 : f32 to vector<16xf32>
      %mul3A_728 = arith.constant 16 : i32
      %mul3A_729 = arith.muli %add3A_725, %mul3A_728 : i32
      %swap3A = arith.index_cast %mul3A_729 : i32 to index
      %swap3A_730 = tpu.vector_load %arg15[%swap3A] {strides = array<i32>} : memref<10240xf32, #tpu.memory_space<vmem>>, vector<16xf32>,
      tpu.vector_store %arg15[%swap3A], %broadcast_in_dim3A_727 {strides = array<i32>} : memref<10240xf32, #tpu.memory_space<vmem>>, vector<16xf32>,
    }
    %scan3A_10 = arith.constant 640 : i32
    %barrier3A = arith.constant 0 : index
    tpu.barrier barrier_id(%barrier3A)
    %add3A_11 = arith.constant 320000 : i32
    %add3A_12 = arith.addi %add3A_11, %mul3A_2 : i32
    %add3A_13 = arith.constant 0 : i32
    %add3A_14 = arith.addi %add3A_12, %add3A_13 : i32
    %dma_start3A = arith.constant 0 : i32
    %dma_start3A_15 = arith.constant 0 : i32
    %dma_start3A_16 = arith.constant 0 : i32
    %dma_start3A_17 = tpu.memref_slice %arg9[%dma_start3A, %dma_start3A_16] : memref<4x80xi32, #tpu.memory_space<vmem>> -> memref<1x80xi32, #tpu.memory_space<vmem>>
    %dma_start3A_18 = tpu.memref_squeeze %dma_start3A_17 : memref<1x80xi32, #tpu.memory_space<vmem>> -> memref<80xi32, #tpu.memory_space<vmem>>
    %dma_start3A_19 = tpu.memref_slice %arg3[%add3A_14] : memref<640000xi32, #tpu.memory_space<hbm>> -> memref<80xi32, #tpu.memory_space<hbm>>
    %dma_start3A_20 = tpu.memref_slice %arg14[%dma_start3A_15] : memref<4x!tpu.dma_semaphore, #tpu.memory_space<semaphore_mem>> -> memref<1x!tpu.dma_semaphore, #tpu.memory_space<semaphore_mem>>
    %dma_start3A_21 = tpu.memref_squeeze %dma_start3A_20 : memref<1x!tpu.dma_semaphore, #tpu.memory_space<semaphore_mem>> -> memref<!tpu.dma_semaphore, #tpu.memory_space<semaphore_mem>>
    %dma_start3A_22 = arith.constant 0 : i32
    %dma_start3A_23 = tpu.memref_slice %arg9[%dma_start3A, %dma_start3A_22] : memref<4x80xi32, #tpu.memory_space<vmem>> -> memref<1x80xi32, #tpu.memory_space<vmem>>
    %dma_start3A_24 = tpu.memref_squeeze %dma_start3A_23 : memref<1x80xi32, #tpu.memory_space<vmem>> -> memref<80xi32, #tpu.memory_space<vmem>>
    %dma_start3A_25 = tpu.memref_slice %arg3[%add3A_14] : memref<640000xi32, #tpu.memory_space<hbm>> -> memref<80xi32, #tpu.memory_space<hbm>>
    tpu.enqueue_dma source(%dma_start3A_25 : memref<80xi32, #tpu.memory_space<hbm>>) target(%dma_start3A_24 : memref<80xi32, #tpu.memory_space<vmem>>) target_semaphore(%dma_start3A_21 : memref<!tpu.dma_semaphore, #tpu.memory_space<semaphore_mem>>)
    %add3A_26 = arith.constant 320000 : i32
    %add3A_27 = arith.addi %add3A_26, %mul3A_2 : i32
    %add3A_28 = arith.constant 80 : i32
    %add3A_29 = arith.addi %add3A_27, %add3A_28 : i32
    %dma_start3A_30 = arith.constant 1 : i32
    %dma_start3A_31 = arith.constant 1 : i32
    %dma_start3A_32 = arith.constant 0 : i32
    %dma_start3A_33 = tpu.memref_slice %arg9[%dma_start3A_30, %dma_start3A_32] : memref<4x80xi32, #tpu.memory_space<vmem>> -> memref<1x80xi32, #tpu.memory_space<vmem>>
    %dma_start3A_34 = tpu.memref_squeeze %dma_start3A_33 : memref<1x80xi32, #tpu.memory_space<vmem>> -> memref<80xi32, #tpu.memory_space<vmem>>
    %dma_start3A_35 = tpu.memref_slice %arg3[%add3A_29] : memref<640000xi32, #tpu.memory_space<hbm>> -> memref<80xi32, #tpu.memory_space<hbm>>
    %dma_start3A_36 = tpu.memref_slice %arg14[%dma_start3A_31] : memref<4x!tpu.dma_semaphore, #tpu.memory_space<semaphore_mem>> -> memref<1x!tpu.dma_semaphore, #tpu.memory_space<semaphore_mem>>
    %dma_start3A_37 = tpu.memref_squeeze %dma_start3A_36 : memref<1x!tpu.dma_semaphore, #tpu.memory_space<semaphore_mem>> -> memref<!tpu.dma_semaphore, #tpu.memory_space<semaphore_mem>>
    %dma_start3A_38 = arith.constant 0 : i32
    %dma_start3A_39 = tpu.memref_slice %arg9[%dma_start3A_30, %dma_start3A_38] : memref<4x80xi32, #tpu.memory_space<vmem>> -> memref<1x80xi32, #tpu.memory_space<vmem>>
    %dma_start3A_40 = tpu.memref_squeeze %dma_start3A_39 : memref<1x80xi32, #tpu.memory_space<vmem>> -> memref<80xi32, #tpu.memory_space<vmem>>
    %dma_start3A_41 = tpu.memref_slice %arg3[%add3A_29] : memref<640000xi32, #tpu.memory_space<hbm>> -> memref<80xi32, #tpu.memory_space<hbm>>
    tpu.enqueue_dma source(%dma_start3A_41 : memref<80xi32, #tpu.memory_space<hbm>>) target(%dma_start3A_40 : memref<80xi32, #tpu.memory_space<vmem>>) target_semaphore(%dma_start3A_37 : memref<!tpu.dma_semaphore, #tpu.memory_space<semaphore_mem>>)
    %add3A_42 = arith.constant 320000 : i32
    %add3A_43 = arith.addi %add3A_42, %mul3A_2 : i32
    %add3A_44 = arith.constant 160 : i32
    %add3A_45 = arith.addi %add3A_43, %add3A_44 : i32
    %dma_start3A_46 = arith.constant 2 : i32
    %dma_start3A_47 = arith.constant 2 : i32
    %dma_start3A_48 = arith.constant 0 : i32
    %dma_start3A_49 = tpu.memref_slice %arg9[%dma_start3A_46, %dma_start3A_48] : memref<4x80xi32, #tpu.memory_space<vmem>> -> memref<1x80xi32, #tpu.memory_space<vmem>>
    %dma_start3A_50 = tpu.memref_squeeze %dma_start3A_49 : memref<1x80xi32, #tpu.memory_space<vmem>> -> memref<80xi32, #tpu.memory_space<vmem>>
    %dma_start3A_51 = tpu.memref_slice %arg3[%add3A_45] : memref<640000xi32, #tpu.memory_space<hbm>> -> memref<80xi32, #tpu.memory_space<hbm>>
    %dma_start3A_52 = tpu.memref_slice %arg14[%dma_start3A_47] : memref<4x!tpu.dma_semaphore, #tpu.memory_space<semaphore_mem>> -> memref<1x!tpu.dma_semaphore, #tpu.memory_space<semaphore_mem>>
    %dma_start3A_53 = tpu.memref_squeeze %dma_start3A_52 : memref<1x!tpu.dma_semaphore, #tpu.memory_space<semaphore_mem>> -> memref<!tpu.dma_semaphore, #tpu.memory_space<semaphore_mem>>
    %dma_start3A_54 = arith.constant 0 : i32
    %dma_start3A_55 = tpu.memref_slice %arg9[%dma_start3A_46, %dma_start3A_54] : memref<4x80xi32, #tpu.memory_space<vmem>> -> memref<1x80xi32, #tpu.memory_space<vmem>>
    %dma_start3A_56 = tpu.memref_squeeze %dma_start3A_55 : memref<1x80xi32, #tpu.memory_space<vmem>> -> memref<80xi32, #tpu.memory_space<vmem>>
    %dma_start3A_57 = tpu.memref_slice %arg3[%add3A_45] : memref<640000xi32, #tpu.memory_space<hbm>> -> memref<80xi32, #tpu.memory_space<hbm>>
    tpu.enqueue_dma source(%dma_start3A_57 : memref<80xi32, #tpu.memory_space<hbm>>) target(%dma_start3A_56 : memref<80xi32, #tpu.memory_space<vmem>>) target_semaphore(%dma_start3A_53 : memref<!tpu.dma_semaphore, #tpu.memory_space<semaphore_mem>>)
    %dma_start3A_58 = arith.constant 0 : i32
    %dma_start3A_59 = arith.constant 0 : i32
    %dma_start3A_60 = arith.constant 0 : i32
    %dma_start3A_61 = arith.constant 0 : i32
    %dma_start3A_62 = tpu.memref_slice %arg10[%dma_start3A_58, %dma_start3A_60, %dma_start3A_61] : memref<2x80x128xf32, #tpu.memory_space<vmem>> -> memref<1x80x128xf32, #tpu.memory_space<vmem>>
    %dma_start3A_63 = tpu.memref_squeeze %dma_start3A_62 : memref<1x80x128xf32, #tpu.memory_space<vmem>> -> memref<80x128xf32, #tpu.memory_space<vmem>>
    %dma_start3A_64 = arith.constant 0 : i32
    %dma_start3A_65 = tpu.memref_slice %arg8[%dma_start3A_64] : memref<10000xi32, #tpu.memory_space<vmem>> -> memref<80xi32, #tpu.memory_space<vmem>>
    %dma_start3A_66 = arith.constant 0 : i32
    %dma_start3A_67 = arith.constant 0 : i32
    %dma_start3A_68 = tpu.memref_slice %arg2[%dma_start3A_66, %dma_start3A_67] : memref<10000x128xf32, #tpu.memory_space<hbm>> -> memref<10000x128xf32, #tpu.memory_space<hbm>>
    %dma_start3A_69 = tpu.memref_slice %arg12[%dma_start3A_59] : memref<2x!tpu.dma_semaphore, #tpu.memory_space<semaphore_mem>> -> memref<1x!tpu.dma_semaphore, #tpu.memory_space<semaphore_mem>>
    %dma_start3A_70 = tpu.memref_squeeze %dma_start3A_69 : memref<1x!tpu.dma_semaphore, #tpu.memory_space<semaphore_mem>> -> memref<!tpu.dma_semaphore, #tpu.memory_space<semaphore_mem>>
    tpu.enqueue_indirect_dma source(%dma_start3A_68 : memref<10000x128xf32, #tpu.memory_space<hbm>>) target(%dma_start3A_63 : memref<80x128xf32, #tpu.memory_space<vmem>>) offsets(%dma_start3A_65 : memref<80xi32, #tpu.memory_space<vmem>>) semaphore(%dma_start3A_70 : memref<!tpu.dma_semaphore, #tpu.memory_space<semaphore_mem>>)
    %dma_wait3A = arith.constant 0 : i32
    %dma_wait3A_71 = arith.constant 0 : i32
    %dma_wait3A_72 = arith.constant 0 : i32
    %dma_wait3A_73 = arith.constant 0 : i32
    %dma_wait3A_74 = tpu.memref_slice %arg10[%dma_wait3A, %dma_wait3A_72, %dma_wait3A_73] : memref<2x80x128xf32, #tpu.memory_space<vmem>> -> memref<1x80x128xf32, #tpu.memory_space<vmem>>
    %dma_wait3A_75 = tpu.memref_squeeze %dma_wait3A_74 : memref<1x80x128xf32, #tpu.memory_space<vmem>> -> memref<80x128xf32, #tpu.memory_space<vmem>>
    %dma_wait3A_76 = arith.constant 0 : i32
    %dma_wait3A_77 = arith.constant 0 : i32
    %dma_wait3A_78 = tpu.memref_slice %arg2[%dma_wait3A_76, %dma_wait3A_77] : memref<10000x128xf32, #tpu.memory_space<hbm>> -> memref<80x128xf32, #tpu.memory_space<hbm>>
    %dma_wait3A_79 = tpu.memref_slice %arg12[%dma_wait3A_71] : memref<2x!tpu.dma_semaphore, #tpu.memory_space<semaphore_mem>> -> memref<1x!tpu.dma_semaphore, #tpu.memory_space<semaphore_mem>>
    %dma_wait3A_80 = tpu.memref_squeeze %dma_wait3A_79 : memref<1x!tpu.dma_semaphore, #tpu.memory_space<semaphore_mem>> -> memref<!tpu.dma_semaphore, #tpu.memory_space<semaphore_mem>>
    %dma_wait3A_81 = arith.constant 0 : i32
    %dma_wait3A_82 = arith.constant 0 : i32
    %dma_wait3A_83 = tpu.memref_slice %arg10[%dma_wait3A, %dma_wait3A_81, %dma_wait3A_82] : memref<2x80x128xf32, #tpu.memory_space<vmem>> -> memref<1x80x128xf32, #tpu.memory_space<vmem>>
    %dma_wait3A_84 = tpu.memref_squeeze %dma_wait3A_83 : memref<1x80x128xf32, #tpu.memory_space<vmem>> -> memref<80x128xf32, #tpu.memory_space<vmem>>
    %dma_wait3A_85 = arith.constant 0 : i32
    %dma_wait3A_86 = arith.constant 0 : i32
    %dma_wait3A_87 = tpu.memref_slice %arg2[%dma_wait3A_85, %dma_wait3A_86] : memref<10000x128xf32, #tpu.memory_space<hbm>> -> memref<80x128xf32, #tpu.memory_space<hbm>>
    tpu.wait_dma2 semaphore(%dma_wait3A_80 : memref<!tpu.dma_semaphore, #tpu.memory_space<semaphore_mem>>) src(%dma_wait3A_87 : memref<80x128xf32, #tpu.memory_space<hbm>>) dst(%dma_wait3A_84 : memref<80x128xf32, #tpu.memory_space<vmem>>)
    %dma_wait3A_88 = arith.constant 0 : i32
    %dma_wait3A_89 = arith.constant 0 : i32
    %dma_wait3A_90 = arith.constant 0 : i32
    %dma_wait3A_91 = tpu.memref_slice %arg9[%dma_wait3A_88, %dma_wait3A_90] : memref<4x80xi32, #tpu.memory_space<vmem>> -> memref<1x80xi32, #tpu.memory_space<vmem>>
    %dma_wait3A_92 = tpu.memref_squeeze %dma_wait3A_91 : memref<1x80xi32, #tpu.memory_space<vmem>> -> memref<80xi32, #tpu.memory_space<vmem>>
    %dma_wait3A_93 = arith.constant 0 : i32
    %dma_wait3A_94 = tpu.memref_slice %arg3[%dma_wait3A_93] : memref<640000xi32, #tpu.memory_space<hbm>> -> memref<80xi32, #tpu.memory_space<hbm>>
    %dma_wait3A_95 = tpu.memref_slice %arg14[%dma_wait3A_89] : memref<4x!tpu.dma_semaphore, #tpu.memory_space<semaphore_mem>> -> memref<1x!tpu.dma_semaphore, #tpu.memory_space<semaphore_mem>>
    %dma_wait3A_96 = tpu.memref_squeeze %dma_wait3A_95 : memref<1x!tpu.dma_semaphore, #tpu.memory_space<semaphore_mem>> -> memref<!tpu.dma_semaphore, #tpu.memory_space<semaphore_mem>>
    %dma_wait3A_97 = arith.constant 0 : i32
    %dma_wait3A_98 = tpu.memref_slice %arg9[%dma_wait3A_88, %dma_wait3A_97] : memref<4x80xi32, #tpu.memory_space<vmem>> -> memref<1x80xi32, #tpu.memory_space<vmem>>
    %dma_wait3A_99 = tpu.memref_squeeze %dma_wait3A_98 : memref<1x80xi32, #tpu.memory_space<vmem>> -> memref<80xi32, #tpu.memory_space<vmem>>
    %dma_wait3A_100 = arith.constant 0 : i32
    %dma_wait3A_101 = tpu.memref_slice %arg3[%dma_wait3A_100] : memref<640000xi32, #tpu.memory_space<hbm>> -> memref<80xi32, #tpu.memory_space<hbm>>
    tpu.wait_dma2 semaphore(%dma_wait3A_96 : memref<!tpu.dma_semaphore, #tpu.memory_space<semaphore_mem>>) src(%dma_wait3A_101 : memref<80xi32, #tpu.memory_space<hbm>>) dst(%dma_wait3A_99 : memref<80xi32, #tpu.memory_space<vmem>>)
    %dma_start3A_102 = arith.constant 0 : i32
    %dma_start3A_103 = arith.constant 0 : i32
    %dma_start3A_104 = arith.constant 0 : i32
    %dma_start3A_105 = arith.constant 0 : i32
    %dma_start3A_106 = arith.constant 0 : i32
    %dma_start3A_107 = tpu.memref_slice %arg10[%dma_start3A_102, %dma_start3A_105, %dma_start3A_106] : memref<2x80x128xf32, #tpu.memory_space<vmem>> -> memref<1x80x128xf32, #tpu.memory_space<vmem>>
    %dma_start3A_108 = tpu.memref_squeeze %dma_start3A_107 : memref<1x80x128xf32, #tpu.memory_space<vmem>> -> memref<80x128xf32, #tpu.memory_space<vmem>>
    %dma_start3A_109 = arith.constant 0 : i32
    %dma_start3A_110 = tpu.memref_slice %arg9[%dma_start3A_103, %dma_start3A_109] : memref<4x80xi32, #tpu.memory_space<vmem>> -> memref<1x80xi32, #tpu.memory_space<vmem>>
    %dma_start3A_111 = tpu.memref_squeeze %dma_start3A_110 : memref<1x80xi32, #tpu.memory_space<vmem>> -> memref<80xi32, #tpu.memory_space<vmem>>
    %dma_start3A_112 = arith.constant 0 : i32
    %dma_start3A_113 = arith.constant 0 : i32
    %dma_start3A_114 = tpu.memref_slice %arg11[%dma_start3A_112, %dma_start3A_113] : memref<10240x128xf32, #tpu.memory_space<vmem_shared>> -> memref<10240x128xf32, #tpu.memory_space<vmem_shared>>
    %dma_start3A_115 = tpu.memref_slice %arg13[%dma_start3A_104] : memref<2x!tpu.dma_semaphore, #tpu.memory_space<semaphore_mem>> -> memref<1x!tpu.dma_semaphore, #tpu.memory_space<semaphore_mem>>
    %dma_start3A_116 = tpu.memref_squeeze %dma_start3A_115 : memref<1x!tpu.dma_semaphore, #tpu.memory_space<semaphore_mem>> -> memref<!tpu.dma_semaphore, #tpu.memory_space<semaphore_mem>>
    tpu.enqueue_indirect_dma source(%dma_start3A_108 : memref<80x128xf32, #tpu.memory_space<vmem>>) target(%dma_start3A_114 : memref<10240x128xf32, #tpu.memory_space<vmem_shared>>) offsets(%dma_start3A_111 : memref<80xi32, #tpu.memory_space<vmem>>) semaphore(%dma_start3A_116 : memref<!tpu.dma_semaphore, #tpu.memory_space<semaphore_mem>>) {add = true}
    %dma_start3A_117 = arith.constant 1 : i32
    %dma_start3A_118 = arith.constant 1 : i32
    %dma_start3A_119 = arith.constant 0 : i32
    %dma_start3A_120 = arith.constant 0 : i32
    %dma_start3A_121 = tpu.memref_slice %arg10[%dma_start3A_117, %dma_start3A_119, %dma_start3A_120] : memref<2x80x128xf32, #tpu.memory_space<vmem>> -> memref<1x80x128xf32, #tpu.memory_space<vmem>>
    %dma_start3A_122 = tpu.memref_squeeze %dma_start3A_121 : memref<1x80x128xf32, #tpu.memory_space<vmem>> -> memref<80x128xf32, #tpu.memory_space<vmem>>
    %dma_start3A_123 = arith.constant 80 : i32
    %dma_start3A_124 = tpu.memref_slice %arg8[%dma_start3A_123] : memref<10000xi32, #tpu.memory_space<vmem>> -> memref<80xi32, #tpu.memory_space<vmem>>
    %dma_start3A_125 = arith.constant 0 : i32
    %dma_start3A_126 = arith.constant 0 : i32
    %dma_start3A_127 = tpu.memref_slice %arg2[%dma_start3A_125, %dma_start3A_126] : memref<10000x128xf32, #tpu.memory_space<hbm>> -> memref<10000x128xf32, #tpu.memory_space<hbm>>
    %dma_start3A_128 = tpu.memref_slice %arg12[%dma_start3A_118] : memref<2x!tpu.dma_semaphore, #tpu.memory_space<semaphore_mem>> -> memref<1x!tpu.dma_semaphore, #tpu.memory_space<semaphore_mem>>
    %dma_start3A_129 = tpu.memref_squeeze %dma_start3A_128 : memref<1x!tpu.dma_semaphore, #tpu.memory_space<semaphore_mem>> -> memref<!tpu.dma_semaphore, #tpu.memory_space<semaphore_mem>>
    tpu.enqueue_indirect_dma source(%dma_start3A_127 : memref<10000x128xf32, #tpu.memory_space<hbm>>) target(%dma_start3A_122 : memref<80x128xf32, #tpu.memory_space<vmem>>) offsets(%dma_start3A_124 : memref<80xi32, #tpu.memory_space<vmem>>) semaphore(%dma_start3A_129 : memref<!tpu.dma_semaphore, #tpu.memory_space<semaphore_mem>>)
    %add3A_130 = arith.constant 320000 : i32
    %add3A_131 = arith.addi %add3A_130, %mul3A_2 : i32
    %add3A_132 = arith.constant 240 : i32
    %add3A_133 = arith.addi %add3A_131, %add3A_132 : i32
    %dma_start3A_134 = arith.constant 3 : i32
    %dma_start3A_135 = arith.constant 3 : i32
    %dma_start3A_136 = arith.constant 0 : i32
    %dma_start3A_137 = tpu.memref_slice %arg9[%dma_start3A_134, %dma_start3A_136] : memref<4x80xi32, #tpu.memory_space<vmem>> -> memref<1x80xi32, #tpu.memory_space<vmem>>
    %dma_start3A_138 = tpu.memref_squeeze %dma_start3A_137 : memref<1x80xi32, #tpu.memory_space<vmem>> -> memref<80xi32, #tpu.memory_space<vmem>>
    %dma_start3A_139 = tpu.memref_slice %arg3[%add3A_133] : memref<640000xi32, #tpu.memory_space<hbm>> -> memref<80xi32, #tpu.memory_space<hbm>>
    %dma_start3A_140 = tpu.memref_slice %arg14[%dma_start3A_135] : memref<4x!tpu.dma_semaphore, #tpu.memory_space<semaphore_mem>> -> memref<1x!tpu.dma_semaphore, #tpu.memory_space<semaphore_mem>>
    %dma_start3A_141 = tpu.memref_squeeze %dma_start3A_140 : memref<1x!tpu.dma_semaphore, #tpu.memory_space<semaphore_mem>> -> memref<!tpu.dma_semaphore, #tpu.memory_space<semaphore_mem>>
    %dma_start3A_142 = arith.constant 0 : i32
    %dma_start3A_143 = tpu.memref_slice %arg9[%dma_start3A_134, %dma_start3A_142] : memref<4x80xi32, #tpu.memory_space<vmem>> -> memref<1x80xi32, #tpu.memory_space<vmem>>
    %dma_start3A_144 = tpu.memref_squeeze %dma_start3A_143 : memref<1x80xi32, #tpu.memory_space<vmem>> -> memref<80xi32, #tpu.memory_space<vmem>>
    %dma_start3A_145 = tpu.memref_slice %arg3[%add3A_133] : memref<640000xi32, #tpu.memory_space<hbm>> -> memref<80xi32, #tpu.memory_space<hbm>>
    tpu.enqueue_dma source(%dma_start3A_145 : memref<80xi32, #tpu.memory_space<hbm>>) target(%dma_start3A_144 : memref<80xi32, #tpu.memory_space<vmem>>) target_semaphore(%dma_start3A_141 : memref<!tpu.dma_semaphore, #tpu.memory_space<semaphore_mem>>)
    %broadcast_in_dim3A = arith.constant 1.000000e+00 : f32
    %broadcast_in_dim3A_146 = vector.broadcast %broadcast_in_dim3A : f32 to vector<16xf32>
    %get3A = arith.constant 0 : i32
    %get3A_147 = arith.index_cast %get3A : i32 to index
    %get3A_148 = arith.constant 0 : index
    %get3A_149 = tpu.vector_load %arg9[%get3A_147, %get3A_148] {strides = array<i32>} : memref<4x80xi32, #tpu.memory_space<vmem>>, vector<16xi32>,
    tpu.vector_store_idx %arg15[%get3A_149], %broadcast_in_dim3A_146 {add = true} : memref<10240xf32, #tpu.memory_space<vmem>>[vector<16xi32>], vector<16xf32>,
    %get3A_150 = arith.constant 0 : i32
    %get3A_151 = arith.index_cast %get3A_150 : i32 to index
    %get3A_152 = arith.constant 16 : index
    %get3A_153 = tpu.vector_load %arg9[%get3A_151, %get3A_152] {strides = array<i32>} : memref<4x80xi32, #tpu.memory_space<vmem>>, vector<16xi32>,
    tpu.vector_store_idx %arg15[%get3A_153], %broadcast_in_dim3A_146 {add = true} : memref<10240xf32, #tpu.memory_space<vmem>>[vector<16xi32>], vector<16xf32>,
    %get3A_154 = arith.constant 0 : i32
    %get3A_155 = arith.index_cast %get3A_154 : i32 to index
    %get3A_156 = arith.constant 32 : index
    %get3A_157 = tpu.vector_load %arg9[%get3A_155, %get3A_156] {strides = array<i32>} : memref<4x80xi32, #tpu.memory_space<vmem>>, vector<16xi32>,
    tpu.vector_store_idx %arg15[%get3A_157], %broadcast_in_dim3A_146 {add = true} : memref<10240xf32, #tpu.memory_space<vmem>>[vector<16xi32>], vector<16xf32>,
    %get3A_158 = arith.constant 0 : i32
    %get3A_159 = arith.index_cast %get3A_158 : i32 to index
    %get3A_160 = arith.constant 48 : index
    %get3A_161 = tpu.vector_load %arg9[%get3A_159, %get3A_160] {strides = array<i32>} : memref<4x80xi32, #tpu.memory_space<vmem>>, vector<16xi32>,
    tpu.vector_store_idx %arg15[%get3A_161], %broadcast_in_dim3A_146 {add = true} : memref<10240xf32, #tpu.memory_space<vmem>>[vector<16xi32>], vector<16xf32>,
    %get3A_162 = arith.constant 0 : i32
    %get3A_163 = arith.index_cast %get3A_162 : i32 to index
    %get3A_164 = arith.constant 64 : index
    %get3A_165 = tpu.vector_load %arg9[%get3A_163, %get3A_164] {strides = array<i32>} : memref<4x80xi32, #tpu.memory_space<vmem>>, vector<16xi32>,
    tpu.vector_store_idx %arg15[%get3A_165], %broadcast_in_dim3A_146 {add = true} : memref<10240xf32, #tpu.memory_space<vmem>>[vector<16xi32>], vector<16xf32>,
    %scan3A_166 = arith.constant 0 : i32
    %scan3A_167 = arith.constant 60 : i32
    %scan3A_168 = arith.addi %scan3A_166, %scan3A_167 : i32
    %scan3A_169 = arith.constant 1 : i32
    scf.for %scan3A_721 = %scan3A_166 to %scan3A_168 step %scan3A_169  : i32 {
      %mul3A_722 = arith.constant 1 : i32
      %mul3A_723 = arith.muli %scan3A_721, %mul3A_722 : i32
      %add3A_724 = arith.constant 0 : i32
      %add3A_725 = arith.addi %add3A_724, %mul3A_723 : i32
      %mul3A_726 = arith.constant 2 : i32
      %mul3A_727 = arith.muli %mul3A_726, %add3A_725 : i32
      %add3A_728 = arith.constant 1 : i32
      %add3A_729 = arith.addi %add3A_728, %mul3A_727 : i32
      %rem3A = arith.constant 4 : i32
      %rem3A_730 = arith.remsi %add3A_729, %rem3A : i32
      %dma_wait3A_731 = arith.constant 0 : i32
      %dma_wait3A_732 = arith.constant 1 : i32
      %dma_wait3A_733 = arith.constant 0 : i32
      %dma_wait3A_734 = arith.constant 0 : i32
      %dma_wait3A_735 = tpu.memref_slice %arg10[%dma_wait3A_731, %dma_wait3A_733, %dma_wait3A_734] : memref<2x80x128xf32, #tpu.memory_space<vmem>> -> memref<1x80x128xf32, #tpu.memory_space<vmem>>
      %dma_wait3A_736 = tpu.memref_squeeze %dma_wait3A_735 : memref<1x80x128xf32, #tpu.memory_space<vmem>> -> memref<80x128xf32, #tpu.memory_space<vmem>>
      %dma_wait3A_737 = arith.constant 0 : i32
      %dma_wait3A_738 = arith.constant 0 : i32
      %dma_wait3A_739 = tpu.memref_slice %arg2[%dma_wait3A_737, %dma_wait3A_738] : memref<10000x128xf32, #tpu.memory_space<hbm>> -> memref<80x128xf32, #tpu.memory_space<hbm>>
      %dma_wait3A_740 = tpu.memref_slice %arg12[%dma_wait3A_732] : memref<2x!tpu.dma_semaphore, #tpu.memory_space<semaphore_mem>> -> memref<1x!tpu.dma_semaphore, #tpu.memory_space<semaphore_mem>>
      %dma_wait3A_741 = tpu.memref_squeeze %dma_wait3A_740 : memref<1x!tpu.dma_semaphore, #tpu.memory_space<semaphore_mem>> -> memref<!tpu.dma_semaphore, #tpu.memory_space<semaphore_mem>>
      %dma_wait3A_742 = arith.constant 0 : i32
      %dma_wait3A_743 = arith.constant 0 : i32
      %dma_wait3A_744 = tpu.memref_slice %arg10[%dma_wait3A_731, %dma_wait3A_742, %dma_wait3A_743] : memref<2x80x128xf32, #tpu.memory_space<vmem>> -> memref<1x80x128xf32, #tpu.memory_space<vmem>>
      %dma_wait3A_745 = tpu.memref_squeeze %dma_wait3A_744 : memref<1x80x128xf32, #tpu.memory_space<vmem>> -> memref<80x128xf32, #tpu.memory_space<vmem>>
      %dma_wait3A_746 = arith.constant 0 : i32
      %dma_wait3A_747 = arith.constant 0 : i32
      %dma_wait3A_748 = tpu.memref_slice %arg2[%dma_wait3A_746, %dma_wait3A_747] : memref<10000x128xf32, #tpu.memory_space<hbm>> -> memref<80x128xf32, #tpu.memory_space<hbm>>
      tpu.wait_dma2 semaphore(%dma_wait3A_741 : memref<!tpu.dma_semaphore, #tpu.memory_space<semaphore_mem>>) src(%dma_wait3A_748 : memref<80x128xf32, #tpu.memory_space<hbm>>) dst(%dma_wait3A_745 : memref<80x128xf32, #tpu.memory_space<vmem>>)
      %dma_wait3A_749 = arith.constant 0 : i32
      %dma_wait3A_750 = arith.constant 0 : i32
      %dma_wait3A_751 = tpu.memref_slice %arg9[%dma_wait3A_749, %dma_wait3A_750] : memref<4x80xi32, #tpu.memory_space<vmem>> -> memref<1x80xi32, #tpu.memory_space<vmem>>
      %dma_wait3A_752 = tpu.memref_squeeze %dma_wait3A_751 : memref<1x80xi32, #tpu.memory_space<vmem>> -> memref<80xi32, #tpu.memory_space<vmem>>
      %dma_wait3A_753 = arith.constant 0 : i32
      %dma_wait3A_754 = tpu.memref_slice %arg3[%dma_wait3A_753] : memref<640000xi32, #tpu.memory_space<hbm>> -> memref<80xi32, #tpu.memory_space<hbm>>
      %dma_wait3A_755 = tpu.memref_slice %arg14[%rem3A_730] : memref<4x!tpu.dma_semaphore, #tpu.memory_space<semaphore_mem>> -> memref<1x!tpu.dma_semaphore, #tpu.memory_space<semaphore_mem>>
      %dma_wait3A_756 = tpu.memref_squeeze %dma_wait3A_755 : memref<1x!tpu.dma_semaphore, #tpu.memory_space<semaphore_mem>> -> memref<!tpu.dma_semaphore, #tpu.memory_space<semaphore_mem>>
      %dma_wait3A_757 = arith.constant 0 : i32
      %dma_wait3A_758 = tpu.memref_slice %arg9[%dma_wait3A_749, %dma_wait3A_757] : memref<4x80xi32, #tpu.memory_space<vmem>> -> memref<1x80xi32, #tpu.memory_space<vmem>>
      %dma_wait3A_759 = tpu.memref_squeeze %dma_wait3A_758 : memref<1x80xi32, #tpu.memory_space<vmem>> -> memref<80xi32, #tpu.memory_space<vmem>>
      %dma_wait3A_760 = arith.constant 0 : i32
      %dma_wait3A_761 = tpu.memref_slice %arg3[%dma_wait3A_760] : memref<640000xi32, #tpu.memory_space<hbm>> -> memref<80xi32, #tpu.memory_space<hbm>>
      tpu.wait_dma2 semaphore(%dma_wait3A_756 : memref<!tpu.dma_semaphore, #tpu.memory_space<semaphore_mem>>) src(%dma_wait3A_761 : memref<80xi32, #tpu.memory_space<hbm>>) dst(%dma_wait3A_759 : memref<80xi32, #tpu.memory_space<vmem>>)
      %dma_start3A_762 = arith.constant 1 : i32
      %dma_start3A_763 = arith.constant 1 : i32
      %dma_start3A_764 = arith.constant 0 : i32
      %dma_start3A_765 = arith.constant 0 : i32
      %dma_start3A_766 = tpu.memref_slice %arg10[%dma_start3A_762, %dma_start3A_764, %dma_start3A_765] : memref<2x80x128xf32, #tpu.memory_space<vmem>> -> memref<1x80x128xf32, #tpu.memory_space<vmem>>
      %dma_start3A_767 = tpu.memref_squeeze %dma_start3A_766 : memref<1x80x128xf32, #tpu.memory_space<vmem>> -> memref<80x128xf32, #tpu.memory_space<vmem>>
      %dma_start3A_768 = arith.constant 0 : i32
      %dma_start3A_769 = tpu.memref_slice %arg9[%rem3A_730, %dma_start3A_768] : memref<4x80xi32, #tpu.memory_space<vmem>> -> memref<1x80xi32, #tpu.memory_space<vmem>>
      %dma_start3A_770 = tpu.memref_squeeze %dma_start3A_769 : memref<1x80xi32, #tpu.memory_space<vmem>> -> memref<80xi32, #tpu.memory_space<vmem>>
      %dma_start3A_771 = arith.constant 0 : i32
      %dma_start3A_772 = arith.constant 0 : i32
      %dma_start3A_773 = tpu.memref_slice %arg11[%dma_start3A_771, %dma_start3A_772] : memref<10240x128xf32, #tpu.memory_space<vmem_shared>> -> memref<10240x128xf32, #tpu.memory_space<vmem_shared>>
      %dma_start3A_774 = tpu.memref_slice %arg13[%dma_start3A_763] : memref<2x!tpu.dma_semaphore, #tpu.memory_space<semaphore_mem>> -> memref<1x!tpu.dma_semaphore, #tpu.memory_space<semaphore_mem>>
      %dma_start3A_775 = tpu.memref_squeeze %dma_start3A_774 : memref<1x!tpu.dma_semaphore, #tpu.memory_space<semaphore_mem>> -> memref<!tpu.dma_semaphore, #tpu.memory_space<semaphore_mem>>
      tpu.enqueue_indirect_dma source(%dma_start3A_767 : memref<80x128xf32, #tpu.memory_space<vmem>>) target(%dma_start3A_773 : memref<10240x128xf32, #tpu.memory_space<vmem_shared>>) offsets(%dma_start3A_770 : memref<80xi32, #tpu.memory_space<vmem>>) semaphore(%dma_start3A_775 : memref<!tpu.dma_semaphore, #tpu.memory_space<semaphore_mem>>) {add = true}
      %dma_wait3A_776 = arith.constant 0 : i32
      %dma_wait3A_777 = arith.constant 0 : i32
      %dma_wait3A_778 = arith.constant 0 : i32
      %dma_wait3A_779 = arith.constant 0 : i32
      %dma_wait3A_780 = tpu.memref_slice %arg10[%dma_wait3A_776, %dma_wait3A_778, %dma_wait3A_779] : memref<2x80x128xf32, #tpu.memory_space<vmem>> -> memref<1x80x128xf32, #tpu.memory_space<vmem>>
      %dma_wait3A_781 = tpu.memref_squeeze %dma_wait3A_780 : memref<1x80x128xf32, #tpu.memory_space<vmem>> -> memref<80x128xf32, #tpu.memory_space<vmem>>
      %dma_wait3A_782 = arith.constant 0 : i32
      %dma_wait3A_783 = arith.constant 0 : i32
      %dma_wait3A_784 = tpu.memref_slice %arg2[%dma_wait3A_782, %dma_wait3A_783] : memref<10000x128xf32, #tpu.memory_space<hbm>> -> memref<80x128xf32, #tpu.memory_space<hbm>>
      %dma_wait3A_785 = tpu.memref_slice %arg13[%dma_wait3A_777] : memref<2x!tpu.dma_semaphore, #tpu.memory_space<semaphore_mem>> -> memref<1x!tpu.dma_semaphore, #tpu.memory_space<semaphore_mem>>
      %dma_wait3A_786 = tpu.memref_squeeze %dma_wait3A_785 : memref<1x!tpu.dma_semaphore, #tpu.memory_space<semaphore_mem>> -> memref<!tpu.dma_semaphore, #tpu.memory_space<semaphore_mem>>
      %dma_wait3A_787 = arith.constant 0 : i32
      %dma_wait3A_788 = arith.constant 0 : i32
      %dma_wait3A_789 = tpu.memref_slice %arg10[%dma_wait3A_776, %dma_wait3A_787, %dma_wait3A_788] : memref<2x80x128xf32, #tpu.memory_space<vmem>> -> memref<1x80x128xf32, #tpu.memory_space<vmem>>
      %dma_wait3A_790 = tpu.memref_squeeze %dma_wait3A_789 : memref<1x80x128xf32, #tpu.memory_space<vmem>> -> memref<80x128xf32, #tpu.memory_space<vmem>>
      %dma_wait3A_791 = arith.constant 0 : i32
      %dma_wait3A_792 = arith.constant 0 : i32
      %dma_wait3A_793 = tpu.memref_slice %arg2[%dma_wait3A_791, %dma_wait3A_792] : memref<10000x128xf32, #tpu.memory_space<hbm>> -> memref<80x128xf32, #tpu.memory_space<hbm>>
      tpu.wait_dma2 semaphore(%dma_wait3A_786 : memref<!tpu.dma_semaphore, #tpu.memory_space<semaphore_mem>>) src(%dma_wait3A_793 : memref<80x128xf32, #tpu.memory_space<hbm>>) dst(%dma_wait3A_790 : memref<80x128xf32, #tpu.memory_space<vmem>>)
      %add3A_794 = arith.constant 1 : i32
      %add3A_795 = arith.addi %add3A_729, %add3A_794 : i32
      %mul3A_796 = arith.constant 80 : i32
      %mul3A_797 = arith.muli %add3A_795, %mul3A_796 : i32
      %dma_start3A_798 = arith.constant 0 : i32
      %dma_start3A_799 = arith.constant 0 : i32
      %dma_start3A_800 = arith.constant 0 : i32
      %dma_start3A_801 = arith.constant 0 : i32
      %dma_start3A_802 = tpu.memref_slice %arg10[%dma_start3A_798, %dma_start3A_800, %dma_start3A_801] : memref<2x80x128xf32, #tpu.memory_space<vmem>> -> memref<1x80x128xf32, #tpu.memory_space<vmem>>
      %dma_start3A_803 = tpu.memref_squeeze %dma_start3A_802 : memref<1x80x128xf32, #tpu.memory_space<vmem>> -> memref<80x128xf32, #tpu.memory_space<vmem>>
      %dma_start3A_804 = tpu.memref_slice %arg8[%mul3A_797] : memref<10000xi32, #tpu.memory_space<vmem>> -> memref<80xi32, #tpu.memory_space<vmem>>
      %dma_start3A_805 = arith.constant 0 : i32
      %dma_start3A_806 = arith.constant 0 : i32
      %dma_start3A_807 = tpu.memref_slice %arg2[%dma_start3A_805, %dma_start3A_806] : memref<10000x128xf32, #tpu.memory_space<hbm>> -> memref<10000x128xf32, #tpu.memory_space<hbm>>
      %dma_start3A_808 = tpu.memref_slice %arg12[%dma_start3A_799] : memref<2x!tpu.dma_semaphore, #tpu.memory_space<semaphore_mem>> -> memref<1x!tpu.dma_semaphore, #tpu.memory_space<semaphore_mem>>
      %dma_start3A_809 = tpu.memref_squeeze %dma_start3A_808 : memref<1x!tpu.dma_semaphore, #tpu.memory_space<semaphore_mem>> -> memref<!tpu.dma_semaphore, #tpu.memory_space<semaphore_mem>>
      tpu.enqueue_indirect_dma source(%dma_start3A_807 : memref<10000x128xf32, #tpu.memory_space<hbm>>) target(%dma_start3A_803 : memref<80x128xf32, #tpu.memory_space<vmem>>) offsets(%dma_start3A_804 : memref<80xi32, #tpu.memory_space<vmem>>) semaphore(%dma_start3A_809 : memref<!tpu.dma_semaphore, #tpu.memory_space<semaphore_mem>>)
      %add3A_810 = arith.constant 3 : i32
      %add3A_811 = arith.addi %add3A_729, %add3A_810 : i32
      %rem3A_812 = arith.constant 4 : i32
      %rem3A_813 = arith.remsi %add3A_811, %rem3A_812 : i32
      %add3A_814 = arith.constant 320000 : i32
      %add3A_815 = arith.addi %add3A_814, %mul3A_2 : i32
      %mul3A_816 = arith.constant 80 : i32
      %mul3A_817 = arith.muli %add3A_811, %mul3A_816 : i32
      %add3A_818 = arith.addi %add3A_815, %mul3A_817 : i32
      %dma_start3A_819 = arith.constant 0 : i32
      %dma_start3A_820 = tpu.memref_slice %arg9[%rem3A_813, %dma_start3A_819] : memref<4x80xi32, #tpu.memory_space<vmem>> -> memref<1x80xi32, #tpu.memory_space<vmem>>
      %dma_start3A_821 = tpu.memref_squeeze %dma_start3A_820 : memref<1x80xi32, #tpu.memory_space<vmem>> -> memref<80xi32, #tpu.memory_space<vmem>>
      %dma_start3A_822 = tpu.memref_slice %arg3[%add3A_818] : memref<640000xi32, #tpu.memory_space<hbm>> -> memref<80xi32, #tpu.memory_space<hbm>>
      %dma_start3A_823 = tpu.memref_slice %arg14[%rem3A_813] : memref<4x!tpu.dma_semaphore, #tpu.memory_space<semaphore_mem>> -> memref<1x!tpu.dma_semaphore, #tpu.memory_space<semaphore_mem>>
      %dma_start3A_824 = tpu.memref_squeeze %dma_start3A_823 : memref<1x!tpu.dma_semaphore, #tpu.memory_space<semaphore_mem>> -> memref<!tpu.dma_semaphore, #tpu.memory_space<semaphore_mem>>
      %dma_start3A_825 = arith.constant 0 : i32
      %dma_start3A_826 = tpu.memref_slice %arg9[%rem3A_813, %dma_start3A_825] : memref<4x80xi32, #tpu.memory_space<vmem>> -> memref<1x80xi32, #tpu.memory_space<vmem>>
      %dma_start3A_827 = tpu.memref_squeeze %dma_start3A_826 : memref<1x80xi32, #tpu.memory_space<vmem>> -> memref<80xi32, #tpu.memory_space<vmem>>
      %dma_start3A_828 = tpu.memref_slice %arg3[%add3A_818] : memref<640000xi32, #tpu.memory_space<hbm>> -> memref<80xi32, #tpu.memory_space<hbm>>
      tpu.enqueue_dma source(%dma_start3A_828 : memref<80xi32, #tpu.memory_space<hbm>>) target(%dma_start3A_827 : memref<80xi32, #tpu.memory_space<vmem>>) target_semaphore(%dma_start3A_824 : memref<!tpu.dma_semaphore, #tpu.memory_space<semaphore_mem>>)
      %broadcast_in_dim3A_829 = arith.constant 1.000000e+00 : f32
      %broadcast_in_dim3A_830 = vector.broadcast %broadcast_in_dim3A_829 : f32 to vector<16xf32>
      %get3A_831 = arith.index_cast %rem3A_730 : i32 to index
      %get3A_832 = arith.constant 0 : index
      %get3A_833 = tpu.vector_load %arg9[%get3A_831, %get3A_832] {strides = array<i32>} : memref<4x80xi32, #tpu.memory_space<vmem>>, vector<16xi32>,
      tpu.vector_store_idx %arg15[%get3A_833], %broadcast_in_dim3A_830 {add = true} : memref<10240xf32, #tpu.memory_space<vmem>>[vector<16xi32>], vector<16xf32>,
      %get3A_834 = arith.index_cast %rem3A_730 : i32 to index
      %get3A_835 = arith.constant 16 : index
      %get3A_836 = tpu.vector_load %arg9[%get3A_834, %get3A_835] {strides = array<i32>} : memref<4x80xi32, #tpu.memory_space<vmem>>, vector<16xi32>,
      tpu.vector_store_idx %arg15[%get3A_836], %broadcast_in_dim3A_830 {add = true} : memref<10240xf32, #tpu.memory_space<vmem>>[vector<16xi32>], vector<16xf32>,
      %get3A_837 = arith.index_cast %rem3A_730 : i32 to index
      %get3A_838 = arith.constant 32 : index
      %get3A_839 = tpu.vector_load %arg9[%get3A_837, %get3A_838] {strides = array<i32>} : memref<4x80xi32, #tpu.memory_space<vmem>>, vector<16xi32>,
      tpu.vector_store_idx %arg15[%get3A_839], %broadcast_in_dim3A_830 {add = true} : memref<10240xf32, #tpu.memory_space<vmem>>[vector<16xi32>], vector<16xf32>,
      %get3A_840 = arith.index_cast %rem3A_730 : i32 to index
      %get3A_841 = arith.constant 48 : index
      %get3A_842 = tpu.vector_load %arg9[%get3A_840, %get3A_841] {strides = array<i32>} : memref<4x80xi32, #tpu.memory_space<vmem>>, vector<16xi32>,
      tpu.vector_store_idx %arg15[%get3A_842], %broadcast_in_dim3A_830 {add = true} : memref<10240xf32, #tpu.memory_space<vmem>>[vector<16xi32>], vector<16xf32>,
      %get3A_843 = arith.index_cast %rem3A_730 : i32 to index
      %get3A_844 = arith.constant 64 : index
      %get3A_845 = tpu.vector_load %arg9[%get3A_843, %get3A_844] {strides = array<i32>} : memref<4x80xi32, #tpu.memory_space<vmem>>, vector<16xi32>,
      tpu.vector_store_idx %arg15[%get3A_845], %broadcast_in_dim3A_830 {add = true} : memref<10240xf32, #tpu.memory_space<vmem>>[vector<16xi32>], vector<16xf32>,
      %add3A_846 = arith.constant 1 : i32
      %add3A_847 = arith.addi %add3A_729, %add3A_846 : i32
      %add3A_848 = arith.constant 1 : i32
      %add3A_849 = arith.addi %add3A_729, %add3A_848 : i32
      %rem3A_850 = arith.constant 4 : i32
      %rem3A_851 = arith.remsi %add3A_849, %rem3A_850 : i32
      %dma_wait3A_852 = arith.constant 0 : i32
      %dma_wait3A_853 = arith.constant 0 : i32
      %dma_wait3A_854 = arith.constant 0 : i32
      %dma_wait3A_855 = arith.constant 0 : i32
      %dma_wait3A_856 = tpu.memref_slice %arg10[%dma_wait3A_852, %dma_wait3A_854, %dma_wait3A_855] : memref<2x80x128xf32, #tpu.memory_space<vmem>> -> memref<1x80x128xf32, #tpu.memory_space<vmem>>
      %dma_wait3A_857 = tpu.memref_squeeze %dma_wait3A_856 : memref<1x80x128xf32, #tpu.memory_space<vmem>> -> memref<80x128xf32, #tpu.memory_space<vmem>>
      %dma_wait3A_858 = arith.constant 0 : i32
      %dma_wait3A_859 = arith.constant 0 : i32
      %dma_wait3A_860 = tpu.memref_slice %arg2[%dma_wait3A_858, %dma_wait3A_859] : memref<10000x128xf32, #tpu.memory_space<hbm>> -> memref<80x128xf32, #tpu.memory_space<hbm>>
      %dma_wait3A_861 = tpu.memref_slice %arg12[%dma_wait3A_853] : memref<2x!tpu.dma_semaphore, #tpu.memory_space<semaphore_mem>> -> memref<1x!tpu.dma_semaphore, #tpu.memory_space<semaphore_mem>>
      %dma_wait3A_862 = tpu.memref_squeeze %dma_wait3A_861 : memref<1x!tpu.dma_semaphore, #tpu.memory_space<semaphore_mem>> -> memref<!tpu.dma_semaphore, #tpu.memory_space<semaphore_mem>>
      %dma_wait3A_863 = arith.constant 0 : i32
      %dma_wait3A_864 = arith.constant 0 : i32
      %dma_wait3A_865 = tpu.memref_slice %arg10[%dma_wait3A_852, %dma_wait3A_863, %dma_wait3A_864] : memref<2x80x128xf32, #tpu.memory_space<vmem>> -> memref<1x80x128xf32, #tpu.memory_space<vmem>>
      %dma_wait3A_866 = tpu.memref_squeeze %dma_wait3A_865 : memref<1x80x128xf32, #tpu.memory_space<vmem>> -> memref<80x128xf32, #tpu.memory_space<vmem>>
      %dma_wait3A_867 = arith.constant 0 : i32
      %dma_wait3A_868 = arith.constant 0 : i32
      %dma_wait3A_869 = tpu.memref_slice %arg2[%dma_wait3A_867, %dma_wait3A_868] : memref<10000x128xf32, #tpu.memory_space<hbm>> -> memref<80x128xf32, #tpu.memory_space<hbm>>
      tpu.wait_dma2 semaphore(%dma_wait3A_862 : memref<!tpu.dma_semaphore, #tpu.memory_space<semaphore_mem>>) src(%dma_wait3A_869 : memref<80x128xf32, #tpu.memory_space<hbm>>) dst(%dma_wait3A_866 : memref<80x128xf32, #tpu.memory_space<vmem>>)
      %dma_wait3A_870 = arith.constant 0 : i32
      %dma_wait3A_871 = arith.constant 0 : i32
      %dma_wait3A_872 = tpu.memref_slice %arg9[%dma_wait3A_870, %dma_wait3A_871] : memref<4x80xi32, #tpu.memory_space<vmem>> -> memref<1x80xi32, #tpu.memory_space<vmem>>
      %dma_wait3A_873 = tpu.memref_squeeze %dma_wait3A_872 : memref<1x80xi32, #tpu.memory_space<vmem>> -> memref<80xi32, #tpu.memory_space<vmem>>
      %dma_wait3A_874 = arith.constant 0 : i32
      %dma_wait3A_875 = tpu.memref_slice %arg3[%dma_wait3A_874] : memref<640000xi32, #tpu.memory_space<hbm>> -> memref<80xi32, #tpu.memory_space<hbm>>
      %dma_wait3A_876 = tpu.memref_slice %arg14[%rem3A_851] : memref<4x!tpu.dma_semaphore, #tpu.memory_space<semaphore_mem>> -> memref<1x!tpu.dma_semaphore, #tpu.memory_space<semaphore_mem>>
      %dma_wait3A_877 = tpu.memref_squeeze %dma_wait3A_876 : memref<1x!tpu.dma_semaphore, #tpu.memory_space<semaphore_mem>> -> memref<!tpu.dma_semaphore, #tpu.memory_space<semaphore_mem>>
      %dma_wait3A_878 = arith.constant 0 : i32
      %dma_wait3A_879 = tpu.memref_slice %arg9[%dma_wait3A_870, %dma_wait3A_878] : memref<4x80xi32, #tpu.memory_space<vmem>> -> memref<1x80xi32, #tpu.memory_space<vmem>>
      %dma_wait3A_880 = tpu.memref_squeeze %dma_wait3A_879 : memref<1x80xi32, #tpu.memory_space<vmem>> -> memref<80xi32, #tpu.memory_space<vmem>>
      %dma_wait3A_881 = arith.constant 0 : i32
      %dma_wait3A_882 = tpu.memref_slice %arg3[%dma_wait3A_881] : memref<640000xi32, #tpu.memory_space<hbm>> -> memref<80xi32, #tpu.memory_space<hbm>>
      tpu.wait_dma2 semaphore(%dma_wait3A_877 : memref<!tpu.dma_semaphore, #tpu.memory_space<semaphore_mem>>) src(%dma_wait3A_882 : memref<80xi32, #tpu.memory_space<hbm>>) dst(%dma_wait3A_880 : memref<80xi32, #tpu.memory_space<vmem>>)
      %dma_start3A_883 = arith.constant 0 : i32
      %dma_start3A_884 = arith.constant 0 : i32
      %dma_start3A_885 = arith.constant 0 : i32
      %dma_start3A_886 = arith.constant 0 : i32
      %dma_start3A_887 = tpu.memref_slice %arg10[%dma_start3A_883, %dma_start3A_885, %dma_start3A_886] : memref<2x80x128xf32, #tpu.memory_space<vmem>> -> memref<1x80x128xf32, #tpu.memory_space<vmem>>
      %dma_start3A_888 = tpu.memref_squeeze %dma_start3A_887 : memref<1x80x128xf32, #tpu.memory_space<vmem>> -> memref<80x128xf32, #tpu.memory_space<vmem>>
      %dma_start3A_889 = arith.constant 0 : i32
      %dma_start3A_890 = tpu.memref_slice %arg9[%rem3A_851, %dma_start3A_889] : memref<4x80xi32, #tpu.memory_space<vmem>> -> memref<1x80xi32, #tpu.memory_space<vmem>>
      %dma_start3A_891 = tpu.memref_squeeze %dma_start3A_890 : memref<1x80xi32, #tpu.memory_space<vmem>> -> memref<80xi32, #tpu.memory_space<vmem>>
      %dma_start3A_892 = arith.constant 0 : i32
      %dma_start3A_893 = arith.constant 0 : i32
      %dma_start3A_894 = tpu.memref_slice %arg11[%dma_start3A_892, %dma_start3A_893] : memref<10240x128xf32, #tpu.memory_space<vmem_shared>> -> memref<10240x128xf32, #tpu.memory_space<vmem_shared>>
      %dma_start3A_895 = tpu.memref_slice %arg13[%dma_start3A_884] : memref<2x!tpu.dma_semaphore, #tpu.memory_space<semaphore_mem>> -> memref<1x!tpu.dma_semaphore, #tpu.memory_space<semaphore_mem>>
      %dma_start3A_896 = tpu.memref_squeeze %dma_start3A_895 : memref<1x!tpu.dma_semaphore, #tpu.memory_space<semaphore_mem>> -> memref<!tpu.dma_semaphore, #tpu.memory_space<semaphore_mem>>
      tpu.enqueue_indirect_dma source(%dma_start3A_888 : memref<80x128xf32, #tpu.memory_space<vmem>>) target(%dma_start3A_894 : memref<10240x128xf32, #tpu.memory_space<vmem_shared>>) offsets(%dma_start3A_891 : memref<80xi32, #tpu.memory_space<vmem>>) semaphore(%dma_start3A_896 : memref<!tpu.dma_semaphore, #tpu.memory_space<semaphore_mem>>) {add = true}
      %dma_wait3A_897 = arith.constant 0 : i32
      %dma_wait3A_898 = arith.constant 1 : i32
      %dma_wait3A_899 = arith.constant 0 : i32
      %dma_wait3A_900 = arith.constant 0 : i32
      %dma_wait3A_901 = tpu.memref_slice %arg10[%dma_wait3A_897, %dma_wait3A_899, %dma_wait3A_900] : memref<2x80x128xf32, #tpu.memory_space<vmem>> -> memref<1x80x128xf32, #tpu.memory_space<vmem>>
      %dma_wait3A_902 = tpu.memref_squeeze %dma_wait3A_901 : memref<1x80x128xf32, #tpu.memory_space<vmem>> -> memref<80x128xf32, #tpu.memory_space<vmem>>
      %dma_wait3A_903 = arith.constant 0 : i32
      %dma_wait3A_904 = arith.constant 0 : i32
      %dma_wait3A_905 = tpu.memref_slice %arg2[%dma_wait3A_903, %dma_wait3A_904] : memref<10000x128xf32, #tpu.memory_space<hbm>> -> memref<80x128xf32, #tpu.memory_space<hbm>>
      %dma_wait3A_906 = tpu.memref_slice %arg13[%dma_wait3A_898] : memref<2x!tpu.dma_semaphore, #tpu.memory_space<semaphore_mem>> -> memref<1x!tpu.dma_semaphore, #tpu.memory_space<semaphore_mem>>
      %dma_wait3A_907 = tpu.memref_squeeze %dma_wait3A_906 : memref<1x!tpu.dma_semaphore, #tpu.memory_space<semaphore_mem>> -> memref<!tpu.dma_semaphore, #tpu.memory_space<semaphore_mem>>
      %dma_wait3A_908 = arith.constant 0 : i32
      %dma_wait3A_909 = arith.constant 0 : i32
      %dma_wait3A_910 = tpu.memref_slice %arg10[%dma_wait3A_897, %dma_wait3A_908, %dma_wait3A_909] : memref<2x80x128xf32, #tpu.memory_space<vmem>> -> memref<1x80x128xf32, #tpu.memory_space<vmem>>
      %dma_wait3A_911 = tpu.memref_squeeze %dma_wait3A_910 : memref<1x80x128xf32, #tpu.memory_space<vmem>> -> memref<80x128xf32, #tpu.memory_space<vmem>>
      %dma_wait3A_912 = arith.constant 0 : i32
      %dma_wait3A_913 = arith.constant 0 : i32
      %dma_wait3A_914 = tpu.memref_slice %arg2[%dma_wait3A_912, %dma_wait3A_913] : memref<10000x128xf32, #tpu.memory_space<hbm>> -> memref<80x128xf32, #tpu.memory_space<hbm>>
      tpu.wait_dma2 semaphore(%dma_wait3A_907 : memref<!tpu.dma_semaphore, #tpu.memory_space<semaphore_mem>>) src(%dma_wait3A_914 : memref<80x128xf32, #tpu.memory_space<hbm>>) dst(%dma_wait3A_911 : memref<80x128xf32, #tpu.memory_space<vmem>>)
      %add3A_915 = arith.constant 1 : i32
      %add3A_916 = arith.addi %add3A_847, %add3A_915 : i32
      %mul3A_917 = arith.constant 80 : i32
      %mul3A_918 = arith.muli %add3A_916, %mul3A_917 : i32
      %dma_start3A_919 = arith.constant 1 : i32
      %dma_start3A_920 = arith.constant 1 : i32
      %dma_start3A_921 = arith.constant 0 : i32
      %dma_start3A_922 = arith.constant 0 : i32
      %dma_start3A_923 = tpu.memref_slice %arg10[%dma_start3A_919, %dma_start3A_921, %dma_start3A_922] : memref<2x80x128xf32, #tpu.memory_space<vmem>> -> memref<1x80x128xf32, #tpu.memory_space<vmem>>
      %dma_start3A_924 = tpu.memref_squeeze %dma_start3A_923 : memref<1x80x128xf32, #tpu.memory_space<vmem>> -> memref<80x128xf32, #tpu.memory_space<vmem>>
      %dma_start3A_925 = tpu.memref_slice %arg8[%mul3A_918] : memref<10000xi32, #tpu.memory_space<vmem>> -> memref<80xi32, #tpu.memory_space<vmem>>
      %dma_start3A_926 = arith.constant 0 : i32
      %dma_start3A_927 = arith.constant 0 : i32
      %dma_start3A_928 = tpu.memref_slice %arg2[%dma_start3A_926, %dma_start3A_927] : memref<10000x128xf32, #tpu.memory_space<hbm>> -> memref<10000x128xf32, #tpu.memory_space<hbm>>
      %dma_start3A_929 = tpu.memref_slice %arg12[%dma_start3A_920] : memref<2x!tpu.dma_semaphore, #tpu.memory_space<semaphore_mem>> -> memref<1x!tpu.dma_semaphore, #tpu.memory_space<semaphore_mem>>
      %dma_start3A_930 = tpu.memref_squeeze %dma_start3A_929 : memref<1x!tpu.dma_semaphore, #tpu.memory_space<semaphore_mem>> -> memref<!tpu.dma_semaphore, #tpu.memory_space<semaphore_mem>>
      tpu.enqueue_indirect_dma source(%dma_start3A_928 : memref<10000x128xf32, #tpu.memory_space<hbm>>) target(%dma_start3A_924 : memref<80x128xf32, #tpu.memory_space<vmem>>) offsets(%dma_start3A_925 : memref<80xi32, #tpu.memory_space<vmem>>) semaphore(%dma_start3A_930 : memref<!tpu.dma_semaphore, #tpu.memory_space<semaphore_mem>>)
      %add3A_931 = arith.constant 3 : i32
      %add3A_932 = arith.addi %add3A_847, %add3A_931 : i32
      %rem3A_933 = arith.constant 4 : i32
      %rem3A_934 = arith.remsi %add3A_932, %rem3A_933 : i32
      %add3A_935 = arith.constant 320000 : i32
      %add3A_936 = arith.addi %add3A_935, %mul3A_2 : i32
      %mul3A_937 = arith.constant 80 : i32
      %mul3A_938 = arith.muli %add3A_932, %mul3A_937 : i32
      %add3A_939 = arith.addi %add3A_936, %mul3A_938 : i32
      %dma_start3A_940 = arith.constant 0 : i32
      %dma_start3A_941 = tpu.memref_slice %arg9[%rem3A_934, %dma_start3A_940] : memref<4x80xi32, #tpu.memory_space<vmem>> -> memref<1x80xi32, #tpu.memory_space<vmem>>
      %dma_start3A_942 = tpu.memref_squeeze %dma_start3A_941 : memref<1x80xi32, #tpu.memory_space<vmem>> -> memref<80xi32, #tpu.memory_space<vmem>>
      %dma_start3A_943 = tpu.memref_slice %arg3[%add3A_939] : memref<640000xi32, #tpu.memory_space<hbm>> -> memref<80xi32, #tpu.memory_space<hbm>>
      %dma_start3A_944 = tpu.memref_slice %arg14[%rem3A_934] : memref<4x!tpu.dma_semaphore, #tpu.memory_space<semaphore_mem>> -> memref<1x!tpu.dma_semaphore, #tpu.memory_space<semaphore_mem>>
      %dma_start3A_945 = tpu.memref_squeeze %dma_start3A_944 : memref<1x!tpu.dma_semaphore, #tpu.memory_space<semaphore_mem>> -> memref<!tpu.dma_semaphore, #tpu.memory_space<semaphore_mem>>
      %dma_start3A_946 = arith.constant 0 : i32
      %dma_start3A_947 = tpu.memref_slice %arg9[%rem3A_934, %dma_start3A_946] : memref<4x80xi32, #tpu.memory_space<vmem>> -> memref<1x80xi32, #tpu.memory_space<vmem>>
      %dma_start3A_948 = tpu.memref_squeeze %dma_start3A_947 : memref<1x80xi32, #tpu.memory_space<vmem>> -> memref<80xi32, #tpu.memory_space<vmem>>
      %dma_start3A_949 = tpu.memref_slice %arg3[%add3A_939] : memref<640000xi32, #tpu.memory_space<hbm>> -> memref<80xi32, #tpu.memory_space<hbm>>
      tpu.enqueue_dma source(%dma_start3A_949 : memref<80xi32, #tpu.memory_space<hbm>>) target(%dma_start3A_948 : memref<80xi32, #tpu.memory_space<vmem>>) target_semaphore(%dma_start3A_945 : memref<!tpu.dma_semaphore, #tpu.memory_space<semaphore_mem>>)
      %broadcast_in_dim3A_950 = arith.constant 1.000000e+00 : f32
      %broadcast_in_dim3A_951 = vector.broadcast %broadcast_in_dim3A_950 : f32 to vector<16xf32>
      %get3A_952 = arith.index_cast %rem3A_851 : i32 to index
      %get3A_953 = arith.constant 0 : index
      %get3A_954 = tpu.vector_load %arg9[%get3A_952, %get3A_953] {strides = array<i32>} : memref<4x80xi32, #tpu.memory_space<vmem>>, vector<16xi32>,
      tpu.vector_store_idx %arg15[%get3A_954], %broadcast_in_dim3A_951 {add = true} : memref<10240xf32, #tpu.memory_space<vmem>>[vector<16xi32>], vector<16xf32>,
      %get3A_955 = arith.index_cast %rem3A_851 : i32 to index
      %get3A_956 = arith.constant 16 : index
      %get3A_957 = tpu.vector_load %arg9[%get3A_955, %get3A_956] {strides = array<i32>} : memref<4x80xi32, #tpu.memory_space<vmem>>, vector<16xi32>,
      tpu.vector_store_idx %arg15[%get3A_957], %broadcast_in_dim3A_951 {add = true} : memref<10240xf32, #tpu.memory_space<vmem>>[vector<16xi32>], vector<16xf32>,
      %get3A_958 = arith.index_cast %rem3A_851 : i32 to index
      %get3A_959 = arith.constant 32 : index
      %get3A_960 = tpu.vector_load %arg9[%get3A_958, %get3A_959] {strides = array<i32>} : memref<4x80xi32, #tpu.memory_space<vmem>>, vector<16xi32>,
      tpu.vector_store_idx %arg15[%get3A_960], %broadcast_in_dim3A_951 {add = true} : memref<10240xf32, #tpu.memory_space<vmem>>[vector<16xi32>], vector<16xf32>,
      %get3A_961 = arith.index_cast %rem3A_851 : i32 to index
      %get3A_962 = arith.constant 48 : index
      %get3A_963 = tpu.vector_load %arg9[%get3A_961, %get3A_962] {strides = array<i32>} : memref<4x80xi32, #tpu.memory_space<vmem>>, vector<16xi32>,
      tpu.vector_store_idx %arg15[%get3A_963], %broadcast_in_dim3A_951 {add = true} : memref<10240xf32, #tpu.memory_space<vmem>>[vector<16xi32>], vector<16xf32>,
      %get3A_964 = arith.index_cast %rem3A_851 : i32 to index
      %get3A_965 = arith.constant 64 : index
      %get3A_966 = tpu.vector_load %arg9[%get3A_964, %get3A_965] {strides = array<i32>} : memref<4x80xi32, #tpu.memory_space<vmem>>, vector<16xi32>,
      tpu.vector_store_idx %arg15[%get3A_966], %broadcast_in_dim3A_951 {add = true} : memref<10240xf32, #tpu.memory_space<vmem>>[vector<16xi32>], vector<16xf32>,
    }
    %scan3A_170 = arith.constant 60 : i32
    %dma_wait3A_171 = arith.constant 0 : i32
    %dma_wait3A_172 = arith.constant 1 : i32
    %dma_wait3A_173 = arith.constant 0 : i32
    %dma_wait3A_174 = arith.constant 0 : i32
    %dma_wait3A_175 = tpu.memref_slice %arg10[%dma_wait3A_171, %dma_wait3A_173, %dma_wait3A_174] : memref<2x80x128xf32, #tpu.memory_space<vmem>> -> memref<1x80x128xf32, #tpu.memory_space<vmem>>
    %dma_wait3A_176 = tpu.memref_squeeze %dma_wait3A_175 : memref<1x80x128xf32, #tpu.memory_space<vmem>> -> memref<80x128xf32, #tpu.memory_space<vmem>>
    %dma_wait3A_177 = arith.constant 0 : i32
    %dma_wait3A_178 = arith.constant 0 : i32
    %dma_wait3A_179 = tpu.memref_slice %arg2[%dma_wait3A_177, %dma_wait3A_178] : memref<10000x128xf32, #tpu.memory_space<hbm>> -> memref<80x128xf32, #tpu.memory_space<hbm>>
    %dma_wait3A_180 = tpu.memref_slice %arg12[%dma_wait3A_172] : memref<2x!tpu.dma_semaphore, #tpu.memory_space<semaphore_mem>> -> memref<1x!tpu.dma_semaphore, #tpu.memory_space<semaphore_mem>>
    %dma_wait3A_181 = tpu.memref_squeeze %dma_wait3A_180 : memref<1x!tpu.dma_semaphore, #tpu.memory_space<semaphore_mem>> -> memref<!tpu.dma_semaphore, #tpu.memory_space<semaphore_mem>>
    %dma_wait3A_182 = arith.constant 0 : i32
    %dma_wait3A_183 = arith.constant 0 : i32
    %dma_wait3A_184 = tpu.memref_slice %arg10[%dma_wait3A_171, %dma_wait3A_182, %dma_wait3A_183] : memref<2x80x128xf32, #tpu.memory_space<vmem>> -> memref<1x80x128xf32, #tpu.memory_space<vmem>>
    %dma_wait3A_185 = tpu.memref_squeeze %dma_wait3A_184 : memref<1x80x128xf32, #tpu.memory_space<vmem>> -> memref<80x128xf32, #tpu.memory_space<vmem>>
    %dma_wait3A_186 = arith.constant 0 : i32
    %dma_wait3A_187 = arith.constant 0 : i32
    %dma_wait3A_188 = tpu.memref_slice %arg2[%dma_wait3A_186, %dma_wait3A_187] : memref<10000x128xf32, #tpu.memory_space<hbm>> -> memref<80x128xf32, #tpu.memory_space<hbm>>
    tpu.wait_dma2 semaphore(%dma_wait3A_181 : memref<!tpu.dma_semaphore, #tpu.memory_space<semaphore_mem>>) src(%dma_wait3A_188 : memref<80x128xf32, #tpu.memory_space<hbm>>) dst(%dma_wait3A_185 : memref<80x128xf32, #tpu.memory_space<vmem>>)
    %dma_wait3A_189 = arith.constant 0 : i32
    %dma_wait3A_190 = arith.constant 1 : i32
    %dma_wait3A_191 = arith.constant 0 : i32
    %dma_wait3A_192 = tpu.memref_slice %arg9[%dma_wait3A_189, %dma_wait3A_191] : memref<4x80xi32, #tpu.memory_space<vmem>> -> memref<1x80xi32, #tpu.memory_space<vmem>>
    %dma_wait3A_193 = tpu.memref_squeeze %dma_wait3A_192 : memref<1x80xi32, #tpu.memory_space<vmem>> -> memref<80xi32, #tpu.memory_space<vmem>>
    %dma_wait3A_194 = arith.constant 0 : i32
    %dma_wait3A_195 = tpu.memref_slice %arg3[%dma_wait3A_194] : memref<640000xi32, #tpu.memory_space<hbm>> -> memref<80xi32, #tpu.memory_space<hbm>>
    %dma_wait3A_196 = tpu.memref_slice %arg14[%dma_wait3A_190] : memref<4x!tpu.dma_semaphore, #tpu.memory_space<semaphore_mem>> -> memref<1x!tpu.dma_semaphore, #tpu.memory_space<semaphore_mem>>
    %dma_wait3A_197 = tpu.memref_squeeze %dma_wait3A_196 : memref<1x!tpu.dma_semaphore, #tpu.memory_space<semaphore_mem>> -> memref<!tpu.dma_semaphore, #tpu.memory_space<semaphore_mem>>
    %dma_wait3A_198 = arith.constant 0 : i32
    %dma_wait3A_199 = tpu.memref_slice %arg9[%dma_wait3A_189, %dma_wait3A_198] : memref<4x80xi32, #tpu.memory_space<vmem>> -> memref<1x80xi32, #tpu.memory_space<vmem>>
    %dma_wait3A_200 = tpu.memref_squeeze %dma_wait3A_199 : memref<1x80xi32, #tpu.memory_space<vmem>> -> memref<80xi32, #tpu.memory_space<vmem>>
    %dma_wait3A_201 = arith.constant 0 : i32
    %dma_wait3A_202 = tpu.memref_slice %arg3[%dma_wait3A_201] : memref<640000xi32, #tpu.memory_space<hbm>> -> memref<80xi32, #tpu.memory_space<hbm>>
    tpu.wait_dma2 semaphore(%dma_wait3A_197 : memref<!tpu.dma_semaphore, #tpu.memory_space<semaphore_mem>>) src(%dma_wait3A_202 : memref<80xi32, #tpu.memory_space<hbm>>) dst(%dma_wait3A_200 : memref<80xi32, #tpu.memory_space<vmem>>)
    %dma_start3A_203 = arith.constant 1 : i32
    %dma_start3A_204 = arith.constant 1 : i32
    %dma_start3A_205 = arith.constant 1 : i32
    %dma_start3A_206 = arith.constant 0 : i32
    %dma_start3A_207 = arith.constant 0 : i32
    %dma_start3A_208 = tpu.memref_slice %arg10[%dma_start3A_203, %dma_start3A_206, %dma_start3A_207] : memref<2x80x128xf32, #tpu.memory_space<vmem>> -> memref<1x80x128xf32, #tpu.memory_space<vmem>>
    %dma_start3A_209 = tpu.memref_squeeze %dma_start3A_208 : memref<1x80x128xf32, #tpu.memory_space<vmem>> -> memref<80x128xf32, #tpu.memory_space<vmem>>
    %dma_start3A_210 = arith.constant 0 : i32
    %dma_start3A_211 = tpu.memref_slice %arg9[%dma_start3A_204, %dma_start3A_210] : memref<4x80xi32, #tpu.memory_space<vmem>> -> memref<1x80xi32, #tpu.memory_space<vmem>>
    %dma_start3A_212 = tpu.memref_squeeze %dma_start3A_211 : memref<1x80xi32, #tpu.memory_space<vmem>> -> memref<80xi32, #tpu.memory_space<vmem>>
    %dma_start3A_213 = arith.constant 0 : i32
    %dma_start3A_214 = arith.constant 0 : i32
    %dma_start3A_215 = tpu.memref_slice %arg11[%dma_start3A_213, %dma_start3A_214] : memref<10240x128xf32, #tpu.memory_space<vmem_shared>> -> memref<10240x128xf32, #tpu.memory_space<vmem_shared>>
    %dma_start3A_216 = tpu.memref_slice %arg13[%dma_start3A_205] : memref<2x!tpu.dma_semaphore, #tpu.memory_space<semaphore_mem>> -> memref<1x!tpu.dma_semaphore, #tpu.memory_space<semaphore_mem>>
    %dma_start3A_217 = tpu.memref_squeeze %dma_start3A_216 : memref<1x!tpu.dma_semaphore, #tpu.memory_space<semaphore_mem>> -> memref<!tpu.dma_semaphore, #tpu.memory_space<semaphore_mem>>
    tpu.enqueue_indirect_dma source(%dma_start3A_209 : memref<80x128xf32, #tpu.memory_space<vmem>>) target(%dma_start3A_215 : memref<10240x128xf32, #tpu.memory_space<vmem_shared>>) offsets(%dma_start3A_212 : memref<80xi32, #tpu.memory_space<vmem>>) semaphore(%dma_start3A_217 : memref<!tpu.dma_semaphore, #tpu.memory_space<semaphore_mem>>) {add = true}
    %dma_wait3A_218 = arith.constant 0 : i32
    %dma_wait3A_219 = arith.constant 0 : i32
    %dma_wait3A_220 = arith.constant 0 : i32
    %dma_wait3A_221 = arith.constant 0 : i32
    %dma_wait3A_222 = tpu.memref_slice %arg10[%dma_wait3A_218, %dma_wait3A_220, %dma_wait3A_221] : memref<2x80x128xf32, #tpu.memory_space<vmem>> -> memref<1x80x128xf32, #tpu.memory_space<vmem>>
    %dma_wait3A_223 = tpu.memref_squeeze %dma_wait3A_222 : memref<1x80x128xf32, #tpu.memory_space<vmem>> -> memref<80x128xf32, #tpu.memory_space<vmem>>
    %dma_wait3A_224 = arith.constant 0 : i32
    %dma_wait3A_225 = arith.constant 0 : i32
    %dma_wait3A_226 = tpu.memref_slice %arg2[%dma_wait3A_224, %dma_wait3A_225] : memref<10000x128xf32, #tpu.memory_space<hbm>> -> memref<80x128xf32, #tpu.memory_space<hbm>>
    %dma_wait3A_227 = tpu.memref_slice %arg13[%dma_wait3A_219] : memref<2x!tpu.dma_semaphore, #tpu.memory_space<semaphore_mem>> -> memref<1x!tpu.dma_semaphore, #tpu.memory_space<semaphore_mem>>
    %dma_wait3A_228 = tpu.memref_squeeze %dma_wait3A_227 : memref<1x!tpu.dma_semaphore, #tpu.memory_space<semaphore_mem>> -> memref<!tpu.dma_semaphore, #tpu.memory_space<semaphore_mem>>
    %dma_wait3A_229 = arith.constant 0 : i32
    %dma_wait3A_230 = arith.constant 0 : i32
    %dma_wait3A_231 = tpu.memref_slice %arg10[%dma_wait3A_218, %dma_wait3A_229, %dma_wait3A_230] : memref<2x80x128xf32, #tpu.memory_space<vmem>> -> memref<1x80x128xf32, #tpu.memory_space<vmem>>
    %dma_wait3A_232 = tpu.memref_squeeze %dma_wait3A_231 : memref<1x80x128xf32, #tpu.memory_space<vmem>> -> memref<80x128xf32, #tpu.memory_space<vmem>>
    %dma_wait3A_233 = arith.constant 0 : i32
    %dma_wait3A_234 = arith.constant 0 : i32
    %dma_wait3A_235 = tpu.memref_slice %arg2[%dma_wait3A_233, %dma_wait3A_234] : memref<10000x128xf32, #tpu.memory_space<hbm>> -> memref<80x128xf32, #tpu.memory_space<hbm>>
    tpu.wait_dma2 semaphore(%dma_wait3A_228 : memref<!tpu.dma_semaphore, #tpu.memory_space<semaphore_mem>>) src(%dma_wait3A_235 : memref<80x128xf32, #tpu.memory_space<hbm>>) dst(%dma_wait3A_232 : memref<80x128xf32, #tpu.memory_space<vmem>>)
    %dma_start3A_236 = arith.constant 0 : i32
    %dma_start3A_237 = arith.constant 0 : i32
    %dma_start3A_238 = arith.constant 0 : i32
    %dma_start3A_239 = arith.constant 0 : i32
    %dma_start3A_240 = tpu.memref_slice %arg10[%dma_start3A_236, %dma_start3A_238, %dma_start3A_239] : memref<2x80x128xf32, #tpu.memory_space<vmem>> -> memref<1x80x128xf32, #tpu.memory_space<vmem>>
    %dma_start3A_241 = tpu.memref_squeeze %dma_start3A_240 : memref<1x80x128xf32, #tpu.memory_space<vmem>> -> memref<80x128xf32, #tpu.memory_space<vmem>>
    %dma_start3A_242 = arith.constant 9760 : i32
    %dma_start3A_243 = tpu.memref_slice %arg8[%dma_start3A_242] : memref<10000xi32, #tpu.memory_space<vmem>> -> memref<80xi32, #tpu.memory_space<vmem>>
    %dma_start3A_244 = arith.constant 0 : i32
    %dma_start3A_245 = arith.constant 0 : i32
    %dma_start3A_246 = tpu.memref_slice %arg2[%dma_start3A_244, %dma_start3A_245] : memref<10000x128xf32, #tpu.memory_space<hbm>> -> memref<10000x128xf32, #tpu.memory_space<hbm>>
    %dma_start3A_247 = tpu.memref_slice %arg12[%dma_start3A_237] : memref<2x!tpu.dma_semaphore, #tpu.memory_space<semaphore_mem>> -> memref<1x!tpu.dma_semaphore, #tpu.memory_space<semaphore_mem>>
    %dma_start3A_248 = tpu.memref_squeeze %dma_start3A_247 : memref<1x!tpu.dma_semaphore, #tpu.memory_space<semaphore_mem>> -> memref<!tpu.dma_semaphore, #tpu.memory_space<semaphore_mem>>
    tpu.enqueue_indirect_dma source(%dma_start3A_246 : memref<10000x128xf32, #tpu.memory_space<hbm>>) target(%dma_start3A_241 : memref<80x128xf32, #tpu.memory_space<vmem>>) offsets(%dma_start3A_243 : memref<80xi32, #tpu.memory_space<vmem>>) semaphore(%dma_start3A_248 : memref<!tpu.dma_semaphore, #tpu.memory_space<semaphore_mem>>)
    %add3A_249 = arith.constant 320000 : i32
    %add3A_250 = arith.addi %add3A_249, %mul3A_2 : i32
    %add3A_251 = arith.constant 9920 : i32
    %add3A_252 = arith.addi %add3A_250, %add3A_251 : i32
    %dma_start3A_253 = arith.constant 0 : i32
    %dma_start3A_254 = arith.constant 0 : i32
    %dma_start3A_255 = arith.constant 0 : i32
    %dma_start3A_256 = tpu.memref_slice %arg9[%dma_start3A_253, %dma_start3A_255] : memref<4x80xi32, #tpu.memory_space<vmem>> -> memref<1x80xi32, #tpu.memory_space<vmem>>
    %dma_start3A_257 = tpu.memref_squeeze %dma_start3A_256 : memref<1x80xi32, #tpu.memory_space<vmem>> -> memref<80xi32, #tpu.memory_space<vmem>>
    %dma_start3A_258 = tpu.memref_slice %arg3[%add3A_252] : memref<640000xi32, #tpu.memory_space<hbm>> -> memref<80xi32, #tpu.memory_space<hbm>>
    %dma_start3A_259 = tpu.memref_slice %arg14[%dma_start3A_254] : memref<4x!tpu.dma_semaphore, #tpu.memory_space<semaphore_mem>> -> memref<1x!tpu.dma_semaphore, #tpu.memory_space<semaphore_mem>>
    %dma_start3A_260 = tpu.memref_squeeze %dma_start3A_259 : memref<1x!tpu.dma_semaphore, #tpu.memory_space<semaphore_mem>> -> memref<!tpu.dma_semaphore, #tpu.memory_space<semaphore_mem>>
    %dma_start3A_261 = arith.constant 0 : i32
    %dma_start3A_262 = tpu.memref_slice %arg9[%dma_start3A_253, %dma_start3A_261] : memref<4x80xi32, #tpu.memory_space<vmem>> -> memref<1x80xi32, #tpu.memory_space<vmem>>
    %dma_start3A_263 = tpu.memref_squeeze %dma_start3A_262 : memref<1x80xi32, #tpu.memory_space<vmem>> -> memref<80xi32, #tpu.memory_space<vmem>>
    %dma_start3A_264 = tpu.memref_slice %arg3[%add3A_252] : memref<640000xi32, #tpu.memory_space<hbm>> -> memref<80xi32, #tpu.memory_space<hbm>>
    tpu.enqueue_dma source(%dma_start3A_264 : memref<80xi32, #tpu.memory_space<hbm>>) target(%dma_start3A_263 : memref<80xi32, #tpu.memory_space<vmem>>) target_semaphore(%dma_start3A_260 : memref<!tpu.dma_semaphore, #tpu.memory_space<semaphore_mem>>)
    %broadcast_in_dim3A_265 = arith.constant 1.000000e+00 : f32
    %broadcast_in_dim3A_266 = vector.broadcast %broadcast_in_dim3A_265 : f32 to vector<16xf32>
    %get3A_267 = arith.constant 1 : i32
    %get3A_268 = arith.index_cast %get3A_267 : i32 to index
    %get3A_269 = arith.constant 0 : index
    %get3A_270 = tpu.vector_load %arg9[%get3A_268, %get3A_269] {strides = array<i32>} : memref<4x80xi32, #tpu.memory_space<vmem>>, vector<16xi32>,
    tpu.vector_store_idx %arg15[%get3A_270], %broadcast_in_dim3A_266 {add = true} : memref<10240xf32, #tpu.memory_space<vmem>>[vector<16xi32>], vector<16xf32>,
    %get3A_271 = arith.constant 1 : i32
    %get3A_272 = arith.index_cast %get3A_271 : i32 to index
    %get3A_273 = arith.constant 16 : index
    %get3A_274 = tpu.vector_load %arg9[%get3A_272, %get3A_273] {strides = array<i32>} : memref<4x80xi32, #tpu.memory_space<vmem>>, vector<16xi32>,
    tpu.vector_store_idx %arg15[%get3A_274], %broadcast_in_dim3A_266 {add = true} : memref<10240xf32, #tpu.memory_space<vmem>>[vector<16xi32>], vector<16xf32>,
    %get3A_275 = arith.constant 1 : i32
    %get3A_276 = arith.index_cast %get3A_275 : i32 to index
    %get3A_277 = arith.constant 32 : index
    %get3A_278 = tpu.vector_load %arg9[%get3A_276, %get3A_277] {strides = array<i32>} : memref<4x80xi32, #tpu.memory_space<vmem>>, vector<16xi32>,
    tpu.vector_store_idx %arg15[%get3A_278], %broadcast_in_dim3A_266 {add = true} : memref<10240xf32, #tpu.memory_space<vmem>>[vector<16xi32>], vector<16xf32>,
    %get3A_279 = arith.constant 1 : i32
    %get3A_280 = arith.index_cast %get3A_279 : i32 to index
    %get3A_281 = arith.constant 48 : index
    %get3A_282 = tpu.vector_load %arg9[%get3A_280, %get3A_281] {strides = array<i32>} : memref<4x80xi32, #tpu.memory_space<vmem>>, vector<16xi32>,
    tpu.vector_store_idx %arg15[%get3A_282], %broadcast_in_dim3A_266 {add = true} : memref<10240xf32, #tpu.memory_space<vmem>>[vector<16xi32>], vector<16xf32>,
    %get3A_283 = arith.constant 1 : i32
    %get3A_284 = arith.index_cast %get3A_283 : i32 to index
    %get3A_285 = arith.constant 64 : index
    %get3A_286 = tpu.vector_load %arg9[%get3A_284, %get3A_285] {strides = array<i32>} : memref<4x80xi32, #tpu.memory_space<vmem>>, vector<16xi32>,
    tpu.vector_store_idx %arg15[%get3A_286], %broadcast_in_dim3A_266 {add = true} : memref<10240xf32, #tpu.memory_space<vmem>>[vector<16xi32>], vector<16xf32>,
    %dma_wait3A_287 = arith.constant 0 : i32
    %dma_wait3A_288 = arith.constant 0 : i32
    %dma_wait3A_289 = arith.constant 0 : i32
    %dma_wait3A_290 = arith.constant 0 : i32
    %dma_wait3A_291 = tpu.memref_slice %arg10[%dma_wait3A_287, %dma_wait3A_289, %dma_wait3A_290] : memref<2x80x128xf32, #tpu.memory_space<vmem>> -> memref<1x80x128xf32, #tpu.memory_space<vmem>>
    %dma_wait3A_292 = tpu.memref_squeeze %dma_wait3A_291 : memref<1x80x128xf32, #tpu.memory_space<vmem>> -> memref<80x128xf32, #tpu.memory_space<vmem>>
    %dma_wait3A_293 = arith.constant 0 : i32
    %dma_wait3A_294 = arith.constant 0 : i32
    %dma_wait3A_295 = tpu.memref_slice %arg2[%dma_wait3A_293, %dma_wait3A_294] : memref<10000x128xf32, #tpu.memory_space<hbm>> -> memref<80x128xf32, #tpu.memory_space<hbm>>
    %dma_wait3A_296 = tpu.memref_slice %arg12[%dma_wait3A_288] : memref<2x!tpu.dma_semaphore, #tpu.memory_space<semaphore_mem>> -> memref<1x!tpu.dma_semaphore, #tpu.memory_space<semaphore_mem>>
    %dma_wait3A_297 = tpu.memref_squeeze %dma_wait3A_296 : memref<1x!tpu.dma_semaphore, #tpu.memory_space<semaphore_mem>> -> memref<!tpu.dma_semaphore, #tpu.memory_space<semaphore_mem>>
    %dma_wait3A_298 = arith.constant 0 : i32
    %dma_wait3A_299 = arith.constant 0 : i32
    %dma_wait3A_300 = tpu.memref_slice %arg10[%dma_wait3A_287, %dma_wait3A_298, %dma_wait3A_299] : memref<2x80x128xf32, #tpu.memory_space<vmem>> -> memref<1x80x128xf32, #tpu.memory_space<vmem>>
    %dma_wait3A_301 = tpu.memref_squeeze %dma_wait3A_300 : memref<1x80x128xf32, #tpu.memory_space<vmem>> -> memref<80x128xf32, #tpu.memory_space<vmem>>
    %dma_wait3A_302 = arith.constant 0 : i32
    %dma_wait3A_303 = arith.constant 0 : i32
    %dma_wait3A_304 = tpu.memref_slice %arg2[%dma_wait3A_302, %dma_wait3A_303] : memref<10000x128xf32, #tpu.memory_space<hbm>> -> memref<80x128xf32, #tpu.memory_space<hbm>>
    tpu.wait_dma2 semaphore(%dma_wait3A_297 : memref<!tpu.dma_semaphore, #tpu.memory_space<semaphore_mem>>) src(%dma_wait3A_304 : memref<80x128xf32, #tpu.memory_space<hbm>>) dst(%dma_wait3A_301 : memref<80x128xf32, #tpu.memory_space<vmem>>)
    %dma_wait3A_305 = arith.constant 0 : i32
    %dma_wait3A_306 = arith.constant 2 : i32
    %dma_wait3A_307 = arith.constant 0 : i32
    %dma_wait3A_308 = tpu.memref_slice %arg9[%dma_wait3A_305, %dma_wait3A_307] : memref<4x80xi32, #tpu.memory_space<vmem>> -> memref<1x80xi32, #tpu.memory_space<vmem>>
    %dma_wait3A_309 = tpu.memref_squeeze %dma_wait3A_308 : memref<1x80xi32, #tpu.memory_space<vmem>> -> memref<80xi32, #tpu.memory_space<vmem>>
    %dma_wait3A_310 = arith.constant 0 : i32
    %dma_wait3A_311 = tpu.memref_slice %arg3[%dma_wait3A_310] : memref<640000xi32, #tpu.memory_space<hbm>> -> memref<80xi32, #tpu.memory_space<hbm>>
    %dma_wait3A_312 = tpu.memref_slice %arg14[%dma_wait3A_306] : memref<4x!tpu.dma_semaphore, #tpu.memory_space<semaphore_mem>> -> memref<1x!tpu.dma_semaphore, #tpu.memory_space<semaphore_mem>>
    %dma_wait3A_313 = tpu.memref_squeeze %dma_wait3A_312 : memref<1x!tpu.dma_semaphore, #tpu.memory_space<semaphore_mem>> -> memref<!tpu.dma_semaphore, #tpu.memory_space<semaphore_mem>>
    %dma_wait3A_314 = arith.constant 0 : i32
    %dma_wait3A_315 = tpu.memref_slice %arg9[%dma_wait3A_305, %dma_wait3A_314] : memref<4x80xi32, #tpu.memory_space<vmem>> -> memref<1x80xi32, #tpu.memory_space<vmem>>
    %dma_wait3A_316 = tpu.memref_squeeze %dma_wait3A_315 : memref<1x80xi32, #tpu.memory_space<vmem>> -> memref<80xi32, #tpu.memory_space<vmem>>
    %dma_wait3A_317 = arith.constant 0 : i32
    %dma_wait3A_318 = tpu.memref_slice %arg3[%dma_wait3A_317] : memref<640000xi32, #tpu.memory_space<hbm>> -> memref<80xi32, #tpu.memory_space<hbm>>
    tpu.wait_dma2 semaphore(%dma_wait3A_313 : memref<!tpu.dma_semaphore, #tpu.memory_space<semaphore_mem>>) src(%dma_wait3A_318 : memref<80xi32, #tpu.memory_space<hbm>>) dst(%dma_wait3A_316 : memref<80xi32, #tpu.memory_space<vmem>>)
    %dma_start3A_319 = arith.constant 0 : i32
    %dma_start3A_320 = arith.constant 2 : i32
    %dma_start3A_321 = arith.constant 0 : i32
    %dma_start3A_322 = arith.constant 0 : i32
    %dma_start3A_323 = arith.constant 0 : i32
    %dma_start3A_324 = tpu.memref_slice %arg10[%dma_start3A_319, %dma_start3A_322, %dma_start3A_323] : memref<2x80x128xf32, #tpu.memory_space<vmem>> -> memref<1x80x128xf32, #tpu.memory_space<vmem>>
    %dma_start3A_325 = tpu.memref_squeeze %dma_start3A_324 : memref<1x80x128xf32, #tpu.memory_space<vmem>> -> memref<80x128xf32, #tpu.memory_space<vmem>>
    %dma_start3A_326 = arith.constant 0 : i32
    %dma_start3A_327 = tpu.memref_slice %arg9[%dma_start3A_320, %dma_start3A_326] : memref<4x80xi32, #tpu.memory_space<vmem>> -> memref<1x80xi32, #tpu.memory_space<vmem>>
    %dma_start3A_328 = tpu.memref_squeeze %dma_start3A_327 : memref<1x80xi32, #tpu.memory_space<vmem>> -> memref<80xi32, #tpu.memory_space<vmem>>
    %dma_start3A_329 = arith.constant 0 : i32
    %dma_start3A_330 = arith.constant 0 : i32
    %dma_start3A_331 = tpu.memref_slice %arg11[%dma_start3A_329, %dma_start3A_330] : memref<10240x128xf32, #tpu.memory_space<vmem_shared>> -> memref<10240x128xf32, #tpu.memory_space<vmem_shared>>
    %dma_start3A_332 = tpu.memref_slice %arg13[%dma_start3A_321] : memref<2x!tpu.dma_semaphore, #tpu.memory_space<semaphore_mem>> -> memref<1x!tpu.dma_semaphore, #tpu.memory_space<semaphore_mem>>
    %dma_start3A_333 = tpu.memref_squeeze %dma_start3A_332 : memref<1x!tpu.dma_semaphore, #tpu.memory_space<semaphore_mem>> -> memref<!tpu.dma_semaphore, #tpu.memory_space<semaphore_mem>>
    tpu.enqueue_indirect_dma source(%dma_start3A_325 : memref<80x128xf32, #tpu.memory_space<vmem>>) target(%dma_start3A_331 : memref<10240x128xf32, #tpu.memory_space<vmem_shared>>) offsets(%dma_start3A_328 : memref<80xi32, #tpu.memory_space<vmem>>) semaphore(%dma_start3A_333 : memref<!tpu.dma_semaphore, #tpu.memory_space<semaphore_mem>>) {add = true}
    %dma_wait3A_334 = arith.constant 0 : i32
    %dma_wait3A_335 = arith.constant 1 : i32
    %dma_wait3A_336 = arith.constant 0 : i32
    %dma_wait3A_337 = arith.constant 0 : i32
    %dma_wait3A_338 = tpu.memref_slice %arg10[%dma_wait3A_334, %dma_wait3A_336, %dma_wait3A_337] : memref<2x80x128xf32, #tpu.memory_space<vmem>> -> memref<1x80x128xf32, #tpu.memory_space<vmem>>
    %dma_wait3A_339 = tpu.memref_squeeze %dma_wait3A_338 : memref<1x80x128xf32, #tpu.memory_space<vmem>> -> memref<80x128xf32, #tpu.memory_space<vmem>>
    %dma_wait3A_340 = arith.constant 0 : i32
    %dma_wait3A_341 = arith.constant 0 : i32
    %dma_wait3A_342 = tpu.memref_slice %arg2[%dma_wait3A_340, %dma_wait3A_341] : memref<10000x128xf32, #tpu.memory_space<hbm>> -> memref<80x128xf32, #tpu.memory_space<hbm>>
    %dma_wait3A_343 = tpu.memref_slice %arg13[%dma_wait3A_335] : memref<2x!tpu.dma_semaphore, #tpu.memory_space<semaphore_mem>> -> memref<1x!tpu.dma_semaphore, #tpu.memory_space<semaphore_mem>>
    %dma_wait3A_344 = tpu.memref_squeeze %dma_wait3A_343 : memref<1x!tpu.dma_semaphore, #tpu.memory_space<semaphore_mem>> -> memref<!tpu.dma_semaphore, #tpu.memory_space<semaphore_mem>>
    %dma_wait3A_345 = arith.constant 0 : i32
    %dma_wait3A_346 = arith.constant 0 : i32
    %dma_wait3A_347 = tpu.memref_slice %arg10[%dma_wait3A_334, %dma_wait3A_345, %dma_wait3A_346] : memref<2x80x128xf32, #tpu.memory_space<vmem>> -> memref<1x80x128xf32, #tpu.memory_space<vmem>>
    %dma_wait3A_348 = tpu.memref_squeeze %dma_wait3A_347 : memref<1x80x128xf32, #tpu.memory_space<vmem>> -> memref<80x128xf32, #tpu.memory_space<vmem>>
    %dma_wait3A_349 = arith.constant 0 : i32
    %dma_wait3A_350 = arith.constant 0 : i32
    %dma_wait3A_351 = tpu.memref_slice %arg2[%dma_wait3A_349, %dma_wait3A_350] : memref<10000x128xf32, #tpu.memory_space<hbm>> -> memref<80x128xf32, #tpu.memory_space<hbm>>
    tpu.wait_dma2 semaphore(%dma_wait3A_344 : memref<!tpu.dma_semaphore, #tpu.memory_space<semaphore_mem>>) src(%dma_wait3A_351 : memref<80x128xf32, #tpu.memory_space<hbm>>) dst(%dma_wait3A_348 : memref<80x128xf32, #tpu.memory_space<vmem>>)
    %dma_start3A_352 = arith.constant 1 : i32
    %dma_start3A_353 = arith.constant 1 : i32
    %dma_start3A_354 = arith.constant 0 : i32
    %dma_start3A_355 = arith.constant 0 : i32
    %dma_start3A_356 = tpu.memref_slice %arg10[%dma_start3A_352, %dma_start3A_354, %dma_start3A_355] : memref<2x80x128xf32, #tpu.memory_space<vmem>> -> memref<1x80x128xf32, #tpu.memory_space<vmem>>
    %dma_start3A_357 = tpu.memref_squeeze %dma_start3A_356 : memref<1x80x128xf32, #tpu.memory_space<vmem>> -> memref<80x128xf32, #tpu.memory_space<vmem>>
    %dma_start3A_358 = arith.constant 9840 : i32
    %dma_start3A_359 = tpu.memref_slice %arg8[%dma_start3A_358] : memref<10000xi32, #tpu.memory_space<vmem>> -> memref<80xi32, #tpu.memory_space<vmem>>
    %dma_start3A_360 = arith.constant 0 : i32
    %dma_start3A_361 = arith.constant 0 : i32
    %dma_start3A_362 = tpu.memref_slice %arg2[%dma_start3A_360, %dma_start3A_361] : memref<10000x128xf32, #tpu.memory_space<hbm>> -> memref<10000x128xf32, #tpu.memory_space<hbm>>
    %dma_start3A_363 = tpu.memref_slice %arg12[%dma_start3A_353] : memref<2x!tpu.dma_semaphore, #tpu.memory_space<semaphore_mem>> -> memref<1x!tpu.dma_semaphore, #tpu.memory_space<semaphore_mem>>
    %dma_start3A_364 = tpu.memref_squeeze %dma_start3A_363 : memref<1x!tpu.dma_semaphore, #tpu.memory_space<semaphore_mem>> -> memref<!tpu.dma_semaphore, #tpu.memory_space<semaphore_mem>>
    tpu.enqueue_indirect_dma source(%dma_start3A_362 : memref<10000x128xf32, #tpu.memory_space<hbm>>) target(%dma_start3A_357 : memref<80x128xf32, #tpu.memory_space<vmem>>) offsets(%dma_start3A_359 : memref<80xi32, #tpu.memory_space<vmem>>) semaphore(%dma_start3A_364 : memref<!tpu.dma_semaphore, #tpu.memory_space<semaphore_mem>>)
    %broadcast_in_dim3A_365 = arith.constant 1.000000e+00 : f32
    %broadcast_in_dim3A_366 = vector.broadcast %broadcast_in_dim3A_365 : f32 to vector<16xf32>
    %get3A_367 = arith.constant 2 : i32
    %get3A_368 = arith.index_cast %get3A_367 : i32 to index
    %get3A_369 = arith.constant 0 : index
    %get3A_370 = tpu.vector_load %arg9[%get3A_368, %get3A_369] {strides = array<i32>} : memref<4x80xi32, #tpu.memory_space<vmem>>, vector<16xi32>,
    tpu.vector_store_idx %arg15[%get3A_370], %broadcast_in_dim3A_366 {add = true} : memref<10240xf32, #tpu.memory_space<vmem>>[vector<16xi32>], vector<16xf32>,
    %get3A_371 = arith.constant 2 : i32
    %get3A_372 = arith.index_cast %get3A_371 : i32 to index
    %get3A_373 = arith.constant 16 : index
    %get3A_374 = tpu.vector_load %arg9[%get3A_372, %get3A_373] {strides = array<i32>} : memref<4x80xi32, #tpu.memory_space<vmem>>, vector<16xi32>,
    tpu.vector_store_idx %arg15[%get3A_374], %broadcast_in_dim3A_366 {add = true} : memref<10240xf32, #tpu.memory_space<vmem>>[vector<16xi32>], vector<16xf32>,
    %get3A_375 = arith.constant 2 : i32
    %get3A_376 = arith.index_cast %get3A_375 : i32 to index
    %get3A_377 = arith.constant 32 : index
    %get3A_378 = tpu.vector_load %arg9[%get3A_376, %get3A_377] {strides = array<i32>} : memref<4x80xi32, #tpu.memory_space<vmem>>, vector<16xi32>,
    tpu.vector_store_idx %arg15[%get3A_378], %broadcast_in_dim3A_366 {add = true} : memref<10240xf32, #tpu.memory_space<vmem>>[vector<16xi32>], vector<16xf32>,
    %get3A_379 = arith.constant 2 : i32
    %get3A_380 = arith.index_cast %get3A_379 : i32 to index
    %get3A_381 = arith.constant 48 : index
    %get3A_382 = tpu.vector_load %arg9[%get3A_380, %get3A_381] {strides = array<i32>} : memref<4x80xi32, #tpu.memory_space<vmem>>, vector<16xi32>,
    tpu.vector_store_idx %arg15[%get3A_382], %broadcast_in_dim3A_366 {add = true} : memref<10240xf32, #tpu.memory_space<vmem>>[vector<16xi32>], vector<16xf32>,
    %get3A_383 = arith.constant 2 : i32
    %get3A_384 = arith.index_cast %get3A_383 : i32 to index
    %get3A_385 = arith.constant 64 : index
    %get3A_386 = tpu.vector_load %arg9[%get3A_384, %get3A_385] {strides = array<i32>} : memref<4x80xi32, #tpu.memory_space<vmem>>, vector<16xi32>,
    tpu.vector_store_idx %arg15[%get3A_386], %broadcast_in_dim3A_366 {add = true} : memref<10240xf32, #tpu.memory_space<vmem>>[vector<16xi32>], vector<16xf32>,
    %dma_wait3A_387 = arith.constant 0 : i32
    %dma_wait3A_388 = arith.constant 1 : i32
    %dma_wait3A_389 = arith.constant 0 : i32
    %dma_wait3A_390 = arith.constant 0 : i32
    %dma_wait3A_391 = tpu.memref_slice %arg10[%dma_wait3A_387, %dma_wait3A_389, %dma_wait3A_390] : memref<2x80x128xf32, #tpu.memory_space<vmem>> -> memref<1x80x128xf32, #tpu.memory_space<vmem>>
    %dma_wait3A_392 = tpu.memref_squeeze %dma_wait3A_391 : memref<1x80x128xf32, #tpu.memory_space<vmem>> -> memref<80x128xf32, #tpu.memory_space<vmem>>
    %dma_wait3A_393 = arith.constant 0 : i32
    %dma_wait3A_394 = arith.constant 0 : i32
    %dma_wait3A_395 = tpu.memref_slice %arg2[%dma_wait3A_393, %dma_wait3A_394] : memref<10000x128xf32, #tpu.memory_space<hbm>> -> memref<80x128xf32, #tpu.memory_space<hbm>>
    %dma_wait3A_396 = tpu.memref_slice %arg12[%dma_wait3A_388] : memref<2x!tpu.dma_semaphore, #tpu.memory_space<semaphore_mem>> -> memref<1x!tpu.dma_semaphore, #tpu.memory_space<semaphore_mem>>
    %dma_wait3A_397 = tpu.memref_squeeze %dma_wait3A_396 : memref<1x!tpu.dma_semaphore, #tpu.memory_space<semaphore_mem>> -> memref<!tpu.dma_semaphore, #tpu.memory_space<semaphore_mem>>
    %dma_wait3A_398 = arith.constant 0 : i32
    %dma_wait3A_399 = arith.constant 0 : i32
    %dma_wait3A_400 = tpu.memref_slice %arg10[%dma_wait3A_387, %dma_wait3A_398, %dma_wait3A_399] : memref<2x80x128xf32, #tpu.memory_space<vmem>> -> memref<1x80x128xf32, #tpu.memory_space<vmem>>
    %dma_wait3A_401 = tpu.memref_squeeze %dma_wait3A_400 : memref<1x80x128xf32, #tpu.memory_space<vmem>> -> memref<80x128xf32, #tpu.memory_space<vmem>>
    %dma_wait3A_402 = arith.constant 0 : i32
    %dma_wait3A_403 = arith.constant 0 : i32
    %dma_wait3A_404 = tpu.memref_slice %arg2[%dma_wait3A_402, %dma_wait3A_403] : memref<10000x128xf32, #tpu.memory_space<hbm>> -> memref<80x128xf32, #tpu.memory_space<hbm>>
    tpu.wait_dma2 semaphore(%dma_wait3A_397 : memref<!tpu.dma_semaphore, #tpu.memory_space<semaphore_mem>>) src(%dma_wait3A_404 : memref<80x128xf32, #tpu.memory_space<hbm>>) dst(%dma_wait3A_401 : memref<80x128xf32, #tpu.memory_space<vmem>>)
    %dma_wait3A_405 = arith.constant 0 : i32
    %dma_wait3A_406 = arith.constant 3 : i32
    %dma_wait3A_407 = arith.constant 0 : i32
    %dma_wait3A_408 = tpu.memref_slice %arg9[%dma_wait3A_405, %dma_wait3A_407] : memref<4x80xi32, #tpu.memory_space<vmem>> -> memref<1x80xi32, #tpu.memory_space<vmem>>
    %dma_wait3A_409 = tpu.memref_squeeze %dma_wait3A_408 : memref<1x80xi32, #tpu.memory_space<vmem>> -> memref<80xi32, #tpu.memory_space<vmem>>
    %dma_wait3A_410 = arith.constant 0 : i32
    %dma_wait3A_411 = tpu.memref_slice %arg3[%dma_wait3A_410] : memref<640000xi32, #tpu.memory_space<hbm>> -> memref<80xi32, #tpu.memory_space<hbm>>
    %dma_wait3A_412 = tpu.memref_slice %arg14[%dma_wait3A_406] : memref<4x!tpu.dma_semaphore, #tpu.memory_space<semaphore_mem>> -> memref<1x!tpu.dma_semaphore, #tpu.memory_space<semaphore_mem>>
    %dma_wait3A_413 = tpu.memref_squeeze %dma_wait3A_412 : memref<1x!tpu.dma_semaphore, #tpu.memory_space<semaphore_mem>> -> memref<!tpu.dma_semaphore, #tpu.memory_space<semaphore_mem>>
    %dma_wait3A_414 = arith.constant 0 : i32
    %dma_wait3A_415 = tpu.memref_slice %arg9[%dma_wait3A_405, %dma_wait3A_414] : memref<4x80xi32, #tpu.memory_space<vmem>> -> memref<1x80xi32, #tpu.memory_space<vmem>>
    %dma_wait3A_416 = tpu.memref_squeeze %dma_wait3A_415 : memref<1x80xi32, #tpu.memory_space<vmem>> -> memref<80xi32, #tpu.memory_space<vmem>>
    %dma_wait3A_417 = arith.constant 0 : i32
    %dma_wait3A_418 = tpu.memref_slice %arg3[%dma_wait3A_417] : memref<640000xi32, #tpu.memory_space<hbm>> -> memref<80xi32, #tpu.memory_space<hbm>>
    tpu.wait_dma2 semaphore(%dma_wait3A_413 : memref<!tpu.dma_semaphore, #tpu.memory_space<semaphore_mem>>) src(%dma_wait3A_418 : memref<80xi32, #tpu.memory_space<hbm>>) dst(%dma_wait3A_416 : memref<80xi32, #tpu.memory_space<vmem>>)
    %dma_start3A_419 = arith.constant 1 : i32
    %dma_start3A_420 = arith.constant 3 : i32
    %dma_start3A_421 = arith.constant 1 : i32
    %dma_start3A_422 = arith.constant 0 : i32
    %dma_start3A_423 = arith.constant 0 : i32
    %dma_start3A_424 = tpu.memref_slice %arg10[%dma_start3A_419, %dma_start3A_422, %dma_start3A_423] : memref<2x80x128xf32, #tpu.memory_space<vmem>> -> memref<1x80x128xf32, #tpu.memory_space<vmem>>
    %dma_start3A_425 = tpu.memref_squeeze %dma_start3A_424 : memref<1x80x128xf32, #tpu.memory_space<vmem>> -> memref<80x128xf32, #tpu.memory_space<vmem>>
    %dma_start3A_426 = arith.constant 0 : i32
    %dma_start3A_427 = tpu.memref_slice %arg9[%dma_start3A_420, %dma_start3A_426] : memref<4x80xi32, #tpu.memory_space<vmem>> -> memref<1x80xi32, #tpu.memory_space<vmem>>
    %dma_start3A_428 = tpu.memref_squeeze %dma_start3A_427 : memref<1x80xi32, #tpu.memory_space<vmem>> -> memref<80xi32, #tpu.memory_space<vmem>>
    %dma_start3A_429 = arith.constant 0 : i32
    %dma_start3A_430 = arith.constant 0 : i32
    %dma_start3A_431 = tpu.memref_slice %arg11[%dma_start3A_429, %dma_start3A_430] : memref<10240x128xf32, #tpu.memory_space<vmem_shared>> -> memref<10240x128xf32, #tpu.memory_space<vmem_shared>>
    %dma_start3A_432 = tpu.memref_slice %arg13[%dma_start3A_421] : memref<2x!tpu.dma_semaphore, #tpu.memory_space<semaphore_mem>> -> memref<1x!tpu.dma_semaphore, #tpu.memory_space<semaphore_mem>>
    %dma_start3A_433 = tpu.memref_squeeze %dma_start3A_432 : memref<1x!tpu.dma_semaphore, #tpu.memory_space<semaphore_mem>> -> memref<!tpu.dma_semaphore, #tpu.memory_space<semaphore_mem>>
    tpu.enqueue_indirect_dma source(%dma_start3A_425 : memref<80x128xf32, #tpu.memory_space<vmem>>) target(%dma_start3A_431 : memref<10240x128xf32, #tpu.memory_space<vmem_shared>>) offsets(%dma_start3A_428 : memref<80xi32, #tpu.memory_space<vmem>>) semaphore(%dma_start3A_433 : memref<!tpu.dma_semaphore, #tpu.memory_space<semaphore_mem>>) {add = true}
    %dma_wait3A_434 = arith.constant 0 : i32
    %dma_wait3A_435 = arith.constant 0 : i32
    %dma_wait3A_436 = arith.constant 0 : i32
    %dma_wait3A_437 = arith.constant 0 : i32
    %dma_wait3A_438 = tpu.memref_slice %arg10[%dma_wait3A_434, %dma_wait3A_436, %dma_wait3A_437] : memref<2x80x128xf32, #tpu.memory_space<vmem>> -> memref<1x80x128xf32, #tpu.memory_space<vmem>>
    %dma_wait3A_439 = tpu.memref_squeeze %dma_wait3A_438 : memref<1x80x128xf32, #tpu.memory_space<vmem>> -> memref<80x128xf32, #tpu.memory_space<vmem>>
    %dma_wait3A_440 = arith.constant 0 : i32
    %dma_wait3A_441 = arith.constant 0 : i32
    %dma_wait3A_442 = tpu.memref_slice %arg2[%dma_wait3A_440, %dma_wait3A_441] : memref<10000x128xf32, #tpu.memory_space<hbm>> -> memref<80x128xf32, #tpu.memory_space<hbm>>
    %dma_wait3A_443 = tpu.memref_slice %arg13[%dma_wait3A_435] : memref<2x!tpu.dma_semaphore, #tpu.memory_space<semaphore_mem>> -> memref<1x!tpu.dma_semaphore, #tpu.memory_space<semaphore_mem>>
    %dma_wait3A_444 = tpu.memref_squeeze %dma_wait3A_443 : memref<1x!tpu.dma_semaphore, #tpu.memory_space<semaphore_mem>> -> memref<!tpu.dma_semaphore, #tpu.memory_space<semaphore_mem>>
    %dma_wait3A_445 = arith.constant 0 : i32
    %dma_wait3A_446 = arith.constant 0 : i32
    %dma_wait3A_447 = tpu.memref_slice %arg10[%dma_wait3A_434, %dma_wait3A_445, %dma_wait3A_446] : memref<2x80x128xf32, #tpu.memory_space<vmem>> -> memref<1x80x128xf32, #tpu.memory_space<vmem>>
    %dma_wait3A_448 = tpu.memref_squeeze %dma_wait3A_447 : memref<1x80x128xf32, #tpu.memory_space<vmem>> -> memref<80x128xf32, #tpu.memory_space<vmem>>
    %dma_wait3A_449 = arith.constant 0 : i32
    %dma_wait3A_450 = arith.constant 0 : i32
    %dma_wait3A_451 = tpu.memref_slice %arg2[%dma_wait3A_449, %dma_wait3A_450] : memref<10000x128xf32, #tpu.memory_space<hbm>> -> memref<80x128xf32, #tpu.memory_space<hbm>>
    tpu.wait_dma2 semaphore(%dma_wait3A_444 : memref<!tpu.dma_semaphore, #tpu.memory_space<semaphore_mem>>) src(%dma_wait3A_451 : memref<80x128xf32, #tpu.memory_space<hbm>>) dst(%dma_wait3A_448 : memref<80x128xf32, #tpu.memory_space<vmem>>)
    %dma_start3A_452 = arith.constant 0 : i32
    %dma_start3A_453 = arith.constant 0 : i32
    %dma_start3A_454 = arith.constant 0 : i32
    %dma_start3A_455 = arith.constant 0 : i32
    %dma_start3A_456 = tpu.memref_slice %arg10[%dma_start3A_452, %dma_start3A_454, %dma_start3A_455] : memref<2x80x128xf32, #tpu.memory_space<vmem>> -> memref<1x80x128xf32, #tpu.memory_space<vmem>>
    %dma_start3A_457 = tpu.memref_squeeze %dma_start3A_456 : memref<1x80x128xf32, #tpu.memory_space<vmem>> -> memref<80x128xf32, #tpu.memory_space<vmem>>
    %dma_start3A_458 = arith.constant 9920 : i32
    %dma_start3A_459 = tpu.memref_slice %arg8[%dma_start3A_458] : memref<10000xi32, #tpu.memory_space<vmem>> -> memref<80xi32, #tpu.memory_space<vmem>>
    %dma_start3A_460 = arith.constant 0 : i32
    %dma_start3A_461 = arith.constant 0 : i32
    %dma_start3A_462 = tpu.memref_slice %arg2[%dma_start3A_460, %dma_start3A_461] : memref<10000x128xf32, #tpu.memory_space<hbm>> -> memref<10000x128xf32, #tpu.memory_space<hbm>>
    %dma_start3A_463 = tpu.memref_slice %arg12[%dma_start3A_453] : memref<2x!tpu.dma_semaphore, #tpu.memory_space<semaphore_mem>> -> memref<1x!tpu.dma_semaphore, #tpu.memory_space<semaphore_mem>>
    %dma_start3A_464 = tpu.memref_squeeze %dma_start3A_463 : memref<1x!tpu.dma_semaphore, #tpu.memory_space<semaphore_mem>> -> memref<!tpu.dma_semaphore, #tpu.memory_space<semaphore_mem>>
    tpu.enqueue_indirect_dma source(%dma_start3A_462 : memref<10000x128xf32, #tpu.memory_space<hbm>>) target(%dma_start3A_457 : memref<80x128xf32, #tpu.memory_space<vmem>>) offsets(%dma_start3A_459 : memref<80xi32, #tpu.memory_space<vmem>>) semaphore(%dma_start3A_464 : memref<!tpu.dma_semaphore, #tpu.memory_space<semaphore_mem>>)
    %broadcast_in_dim3A_465 = arith.constant 1.000000e+00 : f32
    %broadcast_in_dim3A_466 = vector.broadcast %broadcast_in_dim3A_465 : f32 to vector<16xf32>
    %get3A_467 = arith.constant 3 : i32
    %get3A_468 = arith.index_cast %get3A_467 : i32 to index
    %get3A_469 = arith.constant 0 : index
    %get3A_470 = tpu.vector_load %arg9[%get3A_468, %get3A_469] {strides = array<i32>} : memref<4x80xi32, #tpu.memory_space<vmem>>, vector<16xi32>,
    tpu.vector_store_idx %arg15[%get3A_470], %broadcast_in_dim3A_466 {add = true} : memref<10240xf32, #tpu.memory_space<vmem>>[vector<16xi32>], vector<16xf32>,
    %get3A_471 = arith.constant 3 : i32
    %get3A_472 = arith.index_cast %get3A_471 : i32 to index
    %get3A_473 = arith.constant 16 : index
    %get3A_474 = tpu.vector_load %arg9[%get3A_472, %get3A_473] {strides = array<i32>} : memref<4x80xi32, #tpu.memory_space<vmem>>, vector<16xi32>,
    tpu.vector_store_idx %arg15[%get3A_474], %broadcast_in_dim3A_466 {add = true} : memref<10240xf32, #tpu.memory_space<vmem>>[vector<16xi32>], vector<16xf32>,
    %get3A_475 = arith.constant 3 : i32
    %get3A_476 = arith.index_cast %get3A_475 : i32 to index
    %get3A_477 = arith.constant 32 : index
    %get3A_478 = tpu.vector_load %arg9[%get3A_476, %get3A_477] {strides = array<i32>} : memref<4x80xi32, #tpu.memory_space<vmem>>, vector<16xi32>,
    tpu.vector_store_idx %arg15[%get3A_478], %broadcast_in_dim3A_466 {add = true} : memref<10240xf32, #tpu.memory_space<vmem>>[vector<16xi32>], vector<16xf32>,
    %get3A_479 = arith.constant 3 : i32
    %get3A_480 = arith.index_cast %get3A_479 : i32 to index
    %get3A_481 = arith.constant 48 : index
    %get3A_482 = tpu.vector_load %arg9[%get3A_480, %get3A_481] {strides = array<i32>} : memref<4x80xi32, #tpu.memory_space<vmem>>, vector<16xi32>,
    tpu.vector_store_idx %arg15[%get3A_482], %broadcast_in_dim3A_466 {add = true} : memref<10240xf32, #tpu.memory_space<vmem>>[vector<16xi32>], vector<16xf32>,
    %get3A_483 = arith.constant 3 : i32
    %get3A_484 = arith.index_cast %get3A_483 : i32 to index
    %get3A_485 = arith.constant 64 : index
    %get3A_486 = tpu.vector_load %arg9[%get3A_484, %get3A_485] {strides = array<i32>} : memref<4x80xi32, #tpu.memory_space<vmem>>, vector<16xi32>,
    tpu.vector_store_idx %arg15[%get3A_486], %broadcast_in_dim3A_466 {add = true} : memref<10240xf32, #tpu.memory_space<vmem>>[vector<16xi32>], vector<16xf32>,
    %dma_wait3A_487 = arith.constant 0 : i32
    %dma_wait3A_488 = arith.constant 0 : i32
    %dma_wait3A_489 = arith.constant 0 : i32
    %dma_wait3A_490 = arith.constant 0 : i32
    %dma_wait3A_491 = tpu.memref_slice %arg10[%dma_wait3A_487, %dma_wait3A_489, %dma_wait3A_490] : memref<2x80x128xf32, #tpu.memory_space<vmem>> -> memref<1x80x128xf32, #tpu.memory_space<vmem>>
    %dma_wait3A_492 = tpu.memref_squeeze %dma_wait3A_491 : memref<1x80x128xf32, #tpu.memory_space<vmem>> -> memref<80x128xf32, #tpu.memory_space<vmem>>
    %dma_wait3A_493 = arith.constant 0 : i32
    %dma_wait3A_494 = arith.constant 0 : i32
    %dma_wait3A_495 = tpu.memref_slice %arg2[%dma_wait3A_493, %dma_wait3A_494] : memref<10000x128xf32, #tpu.memory_space<hbm>> -> memref<80x128xf32, #tpu.memory_space<hbm>>
    %dma_wait3A_496 = tpu.memref_slice %arg12[%dma_wait3A_488] : memref<2x!tpu.dma_semaphore, #tpu.memory_space<semaphore_mem>> -> memref<1x!tpu.dma_semaphore, #tpu.memory_space<semaphore_mem>>
    %dma_wait3A_497 = tpu.memref_squeeze %dma_wait3A_496 : memref<1x!tpu.dma_semaphore, #tpu.memory_space<semaphore_mem>> -> memref<!tpu.dma_semaphore, #tpu.memory_space<semaphore_mem>>
    %dma_wait3A_498 = arith.constant 0 : i32
    %dma_wait3A_499 = arith.constant 0 : i32
    %dma_wait3A_500 = tpu.memref_slice %arg10[%dma_wait3A_487, %dma_wait3A_498, %dma_wait3A_499] : memref<2x80x128xf32, #tpu.memory_space<vmem>> -> memref<1x80x128xf32, #tpu.memory_space<vmem>>
    %dma_wait3A_501 = tpu.memref_squeeze %dma_wait3A_500 : memref<1x80x128xf32, #tpu.memory_space<vmem>> -> memref<80x128xf32, #tpu.memory_space<vmem>>
    %dma_wait3A_502 = arith.constant 0 : i32
    %dma_wait3A_503 = arith.constant 0 : i32
    %dma_wait3A_504 = tpu.memref_slice %arg2[%dma_wait3A_502, %dma_wait3A_503] : memref<10000x128xf32, #tpu.memory_space<hbm>> -> memref<80x128xf32, #tpu.memory_space<hbm>>
    tpu.wait_dma2 semaphore(%dma_wait3A_497 : memref<!tpu.dma_semaphore, #tpu.memory_space<semaphore_mem>>) src(%dma_wait3A_504 : memref<80x128xf32, #tpu.memory_space<hbm>>) dst(%dma_wait3A_501 : memref<80x128xf32, #tpu.memory_space<vmem>>)
    %dma_wait3A_505 = arith.constant 0 : i32
    %dma_wait3A_506 = arith.constant 0 : i32
    %dma_wait3A_507 = arith.constant 0 : i32
    %dma_wait3A_508 = tpu.memref_slice %arg9[%dma_wait3A_505, %dma_wait3A_507] : memref<4x80xi32, #tpu.memory_space<vmem>> -> memref<1x80xi32, #tpu.memory_space<vmem>>
    %dma_wait3A_509 = tpu.memref_squeeze %dma_wait3A_508 : memref<1x80xi32, #tpu.memory_space<vmem>> -> memref<80xi32, #tpu.memory_space<vmem>>
    %dma_wait3A_510 = arith.constant 0 : i32
    %dma_wait3A_511 = tpu.memref_slice %arg3[%dma_wait3A_510] : memref<640000xi32, #tpu.memory_space<hbm>> -> memref<80xi32, #tpu.memory_space<hbm>>
    %dma_wait3A_512 = tpu.memref_slice %arg14[%dma_wait3A_506] : memref<4x!tpu.dma_semaphore, #tpu.memory_space<semaphore_mem>> -> memref<1x!tpu.dma_semaphore, #tpu.memory_space<semaphore_mem>>
    %dma_wait3A_513 = tpu.memref_squeeze %dma_wait3A_512 : memref<1x!tpu.dma_semaphore, #tpu.memory_space<semaphore_mem>> -> memref<!tpu.dma_semaphore, #tpu.memory_space<semaphore_mem>>
    %dma_wait3A_514 = arith.constant 0 : i32
    %dma_wait3A_515 = tpu.memref_slice %arg9[%dma_wait3A_505, %dma_wait3A_514] : memref<4x80xi32, #tpu.memory_space<vmem>> -> memref<1x80xi32, #tpu.memory_space<vmem>>
    %dma_wait3A_516 = tpu.memref_squeeze %dma_wait3A_515 : memref<1x80xi32, #tpu.memory_space<vmem>> -> memref<80xi32, #tpu.memory_space<vmem>>
    %dma_wait3A_517 = arith.constant 0 : i32
    %dma_wait3A_518 = tpu.memref_slice %arg3[%dma_wait3A_517] : memref<640000xi32, #tpu.memory_space<hbm>> -> memref<80xi32, #tpu.memory_space<hbm>>
    tpu.wait_dma2 semaphore(%dma_wait3A_513 : memref<!tpu.dma_semaphore, #tpu.memory_space<semaphore_mem>>) src(%dma_wait3A_518 : memref<80xi32, #tpu.memory_space<hbm>>) dst(%dma_wait3A_516 : memref<80xi32, #tpu.memory_space<vmem>>)
    %dma_start3A_519 = arith.constant 0 : i32
    %dma_start3A_520 = arith.constant 0 : i32
    %dma_start3A_521 = arith.constant 0 : i32
    %dma_start3A_522 = arith.constant 0 : i32
    %dma_start3A_523 = arith.constant 0 : i32
    %dma_start3A_524 = tpu.memref_slice %arg10[%dma_start3A_519, %dma_start3A_522, %dma_start3A_523] : memref<2x80x128xf32, #tpu.memory_space<vmem>> -> memref<1x80x128xf32, #tpu.memory_space<vmem>>
    %dma_start3A_525 = tpu.memref_squeeze %dma_start3A_524 : memref<1x80x128xf32, #tpu.memory_space<vmem>> -> memref<80x128xf32, #tpu.memory_space<vmem>>
    %dma_start3A_526 = arith.constant 0 : i32
    %dma_start3A_527 = tpu.memref_slice %arg9[%dma_start3A_520, %dma_start3A_526] : memref<4x80xi32, #tpu.memory_space<vmem>> -> memref<1x80xi32, #tpu.memory_space<vmem>>
    %dma_start3A_528 = tpu.memref_squeeze %dma_start3A_527 : memref<1x80xi32, #tpu.memory_space<vmem>> -> memref<80xi32, #tpu.memory_space<vmem>>
    %dma_start3A_529 = arith.constant 0 : i32
    %dma_start3A_530 = arith.constant 0 : i32
    %dma_start3A_531 = tpu.memref_slice %arg11[%dma_start3A_529, %dma_start3A_530] : memref<10240x128xf32, #tpu.memory_space<vmem_shared>> -> memref<10240x128xf32, #tpu.memory_space<vmem_shared>>
    %dma_start3A_532 = tpu.memref_slice %arg13[%dma_start3A_521] : memref<2x!tpu.dma_semaphore, #tpu.memory_space<semaphore_mem>> -> memref<1x!tpu.dma_semaphore, #tpu.memory_space<semaphore_mem>>
    %dma_start3A_533 = tpu.memref_squeeze %dma_start3A_532 : memref<1x!tpu.dma_semaphore, #tpu.memory_space<semaphore_mem>> -> memref<!tpu.dma_semaphore, #tpu.memory_space<semaphore_mem>>
    tpu.enqueue_indirect_dma source(%dma_start3A_525 : memref<80x128xf32, #tpu.memory_space<vmem>>) target(%dma_start3A_531 : memref<10240x128xf32, #tpu.memory_space<vmem_shared>>) offsets(%dma_start3A_528 : memref<80xi32, #tpu.memory_space<vmem>>) semaphore(%dma_start3A_533 : memref<!tpu.dma_semaphore, #tpu.memory_space<semaphore_mem>>) {add = true}
    %broadcast_in_dim3A_534 = arith.constant 1.000000e+00 : f32
    %broadcast_in_dim3A_535 = vector.broadcast %broadcast_in_dim3A_534 : f32 to vector<16xf32>
    %get3A_536 = arith.constant 0 : i32
    %get3A_537 = arith.index_cast %get3A_536 : i32 to index
    %get3A_538 = arith.constant 0 : index
    %get3A_539 = tpu.vector_load %arg9[%get3A_537, %get3A_538] {strides = array<i32>} : memref<4x80xi32, #tpu.memory_space<vmem>>, vector<16xi32>,
    tpu.vector_store_idx %arg15[%get3A_539], %broadcast_in_dim3A_535 {add = true} : memref<10240xf32, #tpu.memory_space<vmem>>[vector<16xi32>], vector<16xf32>,
    %get3A_540 = arith.constant 0 : i32
    %get3A_541 = arith.index_cast %get3A_540 : i32 to index
    %get3A_542 = arith.constant 16 : index
    %get3A_543 = tpu.vector_load %arg9[%get3A_541, %get3A_542] {strides = array<i32>} : memref<4x80xi32, #tpu.memory_space<vmem>>, vector<16xi32>,
    tpu.vector_store_idx %arg15[%get3A_543], %broadcast_in_dim3A_535 {add = true} : memref<10240xf32, #tpu.memory_space<vmem>>[vector<16xi32>], vector<16xf32>,
    %get3A_544 = arith.constant 0 : i32
    %get3A_545 = arith.index_cast %get3A_544 : i32 to index
    %get3A_546 = arith.constant 32 : index
    %get3A_547 = tpu.vector_load %arg9[%get3A_545, %get3A_546] {strides = array<i32>} : memref<4x80xi32, #tpu.memory_space<vmem>>, vector<16xi32>,
    tpu.vector_store_idx %arg15[%get3A_547], %broadcast_in_dim3A_535 {add = true} : memref<10240xf32, #tpu.memory_space<vmem>>[vector<16xi32>], vector<16xf32>,
    %get3A_548 = arith.constant 0 : i32
    %get3A_549 = arith.index_cast %get3A_548 : i32 to index
    %get3A_550 = arith.constant 48 : index
    %get3A_551 = tpu.vector_load %arg9[%get3A_549, %get3A_550] {strides = array<i32>} : memref<4x80xi32, #tpu.memory_space<vmem>>, vector<16xi32>,
    tpu.vector_store_idx %arg15[%get3A_551], %broadcast_in_dim3A_535 {add = true} : memref<10240xf32, #tpu.memory_space<vmem>>[vector<16xi32>], vector<16xf32>,
    %get3A_552 = arith.constant 0 : i32
    %get3A_553 = arith.index_cast %get3A_552 : i32 to index
    %get3A_554 = arith.constant 64 : index
    %get3A_555 = tpu.vector_load %arg9[%get3A_553, %get3A_554] {strides = array<i32>} : memref<4x80xi32, #tpu.memory_space<vmem>>, vector<16xi32>,
    tpu.vector_store_idx %arg15[%get3A_555], %broadcast_in_dim3A_535 {add = true} : memref<10240xf32, #tpu.memory_space<vmem>>[vector<16xi32>], vector<16xf32>,
    %dma_wait3A_556 = arith.constant 0 : i32
    %dma_wait3A_557 = arith.constant 1 : i32
    %dma_wait3A_558 = arith.constant 0 : i32
    %dma_wait3A_559 = arith.constant 0 : i32
    %dma_wait3A_560 = tpu.memref_slice %arg10[%dma_wait3A_556, %dma_wait3A_558, %dma_wait3A_559] : memref<2x80x128xf32, #tpu.memory_space<vmem>> -> memref<1x80x128xf32, #tpu.memory_space<vmem>>
    %dma_wait3A_561 = tpu.memref_squeeze %dma_wait3A_560 : memref<1x80x128xf32, #tpu.memory_space<vmem>> -> memref<80x128xf32, #tpu.memory_space<vmem>>
    %dma_wait3A_562 = arith.constant 0 : i32
    %dma_wait3A_563 = arith.constant 0 : i32
    %dma_wait3A_564 = tpu.memref_slice %arg2[%dma_wait3A_562, %dma_wait3A_563] : memref<10000x128xf32, #tpu.memory_space<hbm>> -> memref<80x128xf32, #tpu.memory_space<hbm>>
    %dma_wait3A_565 = tpu.memref_slice %arg13[%dma_wait3A_557] : memref<2x!tpu.dma_semaphore, #tpu.memory_space<semaphore_mem>> -> memref<1x!tpu.dma_semaphore, #tpu.memory_space<semaphore_mem>>
    %dma_wait3A_566 = tpu.memref_squeeze %dma_wait3A_565 : memref<1x!tpu.dma_semaphore, #tpu.memory_space<semaphore_mem>> -> memref<!tpu.dma_semaphore, #tpu.memory_space<semaphore_mem>>
    %dma_wait3A_567 = arith.constant 0 : i32
    %dma_wait3A_568 = arith.constant 0 : i32
    %dma_wait3A_569 = tpu.memref_slice %arg10[%dma_wait3A_556, %dma_wait3A_567, %dma_wait3A_568] : memref<2x80x128xf32, #tpu.memory_space<vmem>> -> memref<1x80x128xf32, #tpu.memory_space<vmem>>
    %dma_wait3A_570 = tpu.memref_squeeze %dma_wait3A_569 : memref<1x80x128xf32, #tpu.memory_space<vmem>> -> memref<80x128xf32, #tpu.memory_space<vmem>>
    %dma_wait3A_571 = arith.constant 0 : i32
    %dma_wait3A_572 = arith.constant 0 : i32
    %dma_wait3A_573 = tpu.memref_slice %arg2[%dma_wait3A_571, %dma_wait3A_572] : memref<10000x128xf32, #tpu.memory_space<hbm>> -> memref<80x128xf32, #tpu.memory_space<hbm>>
    tpu.wait_dma2 semaphore(%dma_wait3A_566 : memref<!tpu.dma_semaphore, #tpu.memory_space<semaphore_mem>>) src(%dma_wait3A_573 : memref<80x128xf32, #tpu.memory_space<hbm>>) dst(%dma_wait3A_570 : memref<80x128xf32, #tpu.memory_space<vmem>>)
    %dma_wait3A_574 = arith.constant 0 : i32
    %dma_wait3A_575 = arith.constant 0 : i32
    %dma_wait3A_576 = arith.constant 0 : i32
    %dma_wait3A_577 = arith.constant 0 : i32
    %dma_wait3A_578 = tpu.memref_slice %arg10[%dma_wait3A_574, %dma_wait3A_576, %dma_wait3A_577] : memref<2x80x128xf32, #tpu.memory_space<vmem>> -> memref<1x80x128xf32, #tpu.memory_space<vmem>>
    %dma_wait3A_579 = tpu.memref_squeeze %dma_wait3A_578 : memref<1x80x128xf32, #tpu.memory_space<vmem>> -> memref<80x128xf32, #tpu.memory_space<vmem>>
    %dma_wait3A_580 = arith.constant 0 : i32
    %dma_wait3A_581 = arith.constant 0 : i32
    %dma_wait3A_582 = tpu.memref_slice %arg2[%dma_wait3A_580, %dma_wait3A_581] : memref<10000x128xf32, #tpu.memory_space<hbm>> -> memref<80x128xf32, #tpu.memory_space<hbm>>
    %dma_wait3A_583 = tpu.memref_slice %arg13[%dma_wait3A_575] : memref<2x!tpu.dma_semaphore, #tpu.memory_space<semaphore_mem>> -> memref<1x!tpu.dma_semaphore, #tpu.memory_space<semaphore_mem>>
    %dma_wait3A_584 = tpu.memref_squeeze %dma_wait3A_583 : memref<1x!tpu.dma_semaphore, #tpu.memory_space<semaphore_mem>> -> memref<!tpu.dma_semaphore, #tpu.memory_space<semaphore_mem>>
    %dma_wait3A_585 = arith.constant 0 : i32
    %dma_wait3A_586 = arith.constant 0 : i32
    %dma_wait3A_587 = tpu.memref_slice %arg10[%dma_wait3A_574, %dma_wait3A_585, %dma_wait3A_586] : memref<2x80x128xf32, #tpu.memory_space<vmem>> -> memref<1x80x128xf32, #tpu.memory_space<vmem>>
    %dma_wait3A_588 = tpu.memref_squeeze %dma_wait3A_587 : memref<1x80x128xf32, #tpu.memory_space<vmem>> -> memref<80x128xf32, #tpu.memory_space<vmem>>
    %dma_wait3A_589 = arith.constant 0 : i32
    %dma_wait3A_590 = arith.constant 0 : i32
    %dma_wait3A_591 = tpu.memref_slice %arg2[%dma_wait3A_589, %dma_wait3A_590] : memref<10000x128xf32, #tpu.memory_space<hbm>> -> memref<80x128xf32, #tpu.memory_space<hbm>>
    tpu.wait_dma2 semaphore(%dma_wait3A_584 : memref<!tpu.dma_semaphore, #tpu.memory_space<semaphore_mem>>) src(%dma_wait3A_591 : memref<80x128xf32, #tpu.memory_space<hbm>>) dst(%dma_wait3A_588 : memref<80x128xf32, #tpu.memory_space<vmem>>)
    "tpu.region"() ({
      %run_scoped3A_721 = tpu.sem_alloc : memref<!tpu.dma_semaphore, #tpu.memory_space<semaphore_mem>>
      %dma_start3A_722 = arith.constant 0 : i32
      %dma_start3A_723 = tpu.memref_slice %arg6[%arg0, %arg1, %dma_start3A_722] : memref<2x16x10240xf32, #tpu.memory_space<hbm>> -> memref<1x1x10240xf32, #tpu.memory_space<hbm>>
      %dma_start3A_724 = tpu.memref_squeeze %dma_start3A_723 : memref<1x1x10240xf32, #tpu.memory_space<hbm>> -> memref<10240xf32, #tpu.memory_space<hbm>>
      %dma_start3A_725 = arith.constant 0 : i32
      %dma_start3A_726 = tpu.memref_slice %arg6[%arg0, %arg1, %dma_start3A_725] : memref<2x16x10240xf32, #tpu.memory_space<hbm>> -> memref<1x1x10240xf32, #tpu.memory_space<hbm>>
      %dma_start3A_727 = tpu.memref_squeeze %dma_start3A_726 : memref<1x1x10240xf32, #tpu.memory_space<hbm>> -> memref<10240xf32, #tpu.memory_space<hbm>>
      tpu.enqueue_dma source(%arg15 : memref<10240xf32, #tpu.memory_space<vmem>>) target(%dma_start3A_727 : memref<10240xf32, #tpu.memory_space<hbm>>) target_semaphore(%run_scoped3A_721 : memref<!tpu.dma_semaphore, #tpu.memory_space<semaphore_mem>>)
      %dma_wait3A_728 = arith.constant 0 : i32
      %dma_wait3A_729 = tpu.memref_slice %arg6[%arg0, %arg1, %dma_wait3A_728] : memref<2x16x10240xf32, #tpu.memory_space<hbm>> -> memref<1x1x10240xf32, #tpu.memory_space<hbm>>
      %dma_wait3A_730 = tpu.memref_squeeze %dma_wait3A_729 : memref<1x1x10240xf32, #tpu.memory_space<hbm>> -> memref<10240xf32, #tpu.memory_space<hbm>>
      %dma_wait3A_731 = arith.constant 0 : i32
      %dma_wait3A_732 = tpu.memref_slice %arg6[%arg0, %arg1, %dma_wait3A_731] : memref<2x16x10240xf32, #tpu.memory_space<hbm>> -> memref<1x1x10240xf32, #tpu.memory_space<hbm>>
      %dma_wait3A_733 = tpu.memref_squeeze %dma_wait3A_732 : memref<1x1x10240xf32, #tpu.memory_space<hbm>> -> memref<10240xf32, #tpu.memory_space<hbm>>
      tpu.wait_dma2 semaphore(%run_scoped3A_721 : memref<!tpu.dma_semaphore, #tpu.memory_space<semaphore_mem>>) src(%arg15 : memref<10240xf32, #tpu.memory_space<vmem>>) dst(%dma_wait3A_733 : memref<10240xf32, #tpu.memory_space<hbm>>)
      tpu.yield
    }) : () -> ()
    %barrier3A_592 = arith.constant 0 : index
    tpu.barrier barrier_id(%barrier3A_592)
    %mul3A_593 = arith.constant 640 : i32
    %mul3A_594 = arith.muli %arg1, %mul3A_593 : i32
    %mul3A_595 = arith.constant 640 : i32
    %mul3A_596 = arith.muli %arg1, %mul3A_595 : i32
    "tpu.region"() ({
      %run_scoped3A_721 = tpu.sem_alloc : memref<!tpu.dma_semaphore, #tpu.memory_space<semaphore_mem>>
      %dma_start3A_722 = arith.constant 0 : i32
      %dma_start3A_723 = arith.constant 0 : i32
      %dma_start3A_724 = tpu.memref_slice %arg5[%arg0, %dma_start3A_722, %dma_start3A_723] : memref<2x10240x128xf32, #tpu.memory_space<hbm>> -> memref<1x10240x128xf32, #tpu.memory_space<hbm>>
      %dma_start3A_725 = tpu.memref_squeeze %dma_start3A_724 : memref<1x10240x128xf32, #tpu.memory_space<hbm>> -> memref<10240x128xf32, #tpu.memory_space<hbm>>
      %dma_start3A_726 = arith.constant 0 : i32
      %dma_start3A_727 = tpu.memref_slice %dma_start3A_725[%mul3A_596, %dma_start3A_726] : memref<10240x128xf32, #tpu.memory_space<hbm>> -> memref<640x128xf32, #tpu.memory_space<hbm>>
      %dma_start3A_728 = arith.constant 0 : i32
      %dma_start3A_729 = tpu.memref_slice %arg11[%mul3A_594, %dma_start3A_728] : memref<10240x128xf32, #tpu.memory_space<vmem_shared>> -> memref<640x128xf32, #tpu.memory_space<vmem_shared>>
      tpu.enqueue_dma source(%dma_start3A_729 : memref<640x128xf32, #tpu.memory_space<vmem_shared>>) target(%dma_start3A_727 : memref<640x128xf32, #tpu.memory_space<hbm>>) target_semaphore(%run_scoped3A_721 : memref<!tpu.dma_semaphore, #tpu.memory_space<semaphore_mem>>)
      %dma_wait3A_730 = arith.constant 0 : i32
      %dma_wait3A_731 = arith.constant 0 : i32
      %dma_wait3A_732 = tpu.memref_slice %arg5[%arg0, %dma_wait3A_730, %dma_wait3A_731] : memref<2x10240x128xf32, #tpu.memory_space<hbm>> -> memref<1x10240x128xf32, #tpu.memory_space<hbm>>
      %dma_wait3A_733 = tpu.memref_squeeze %dma_wait3A_732 : memref<1x10240x128xf32, #tpu.memory_space<hbm>> -> memref<10240x128xf32, #tpu.memory_space<hbm>>
      %dma_wait3A_734 = arith.constant 0 : i32
      %dma_wait3A_735 = tpu.memref_slice %dma_wait3A_733[%mul3A_596, %dma_wait3A_734] : memref<10240x128xf32, #tpu.memory_space<hbm>> -> memref<640x128xf32, #tpu.memory_space<hbm>>
      %dma_wait3A_736 = arith.constant 0 : i32
      %dma_wait3A_737 = tpu.memref_slice %arg11[%mul3A_594, %dma_wait3A_736] : memref<10240x128xf32, #tpu.memory_space<vmem_shared>> -> memref<640x128xf32, #tpu.memory_space<vmem_shared>>
      tpu.wait_dma2 semaphore(%run_scoped3A_721 : memref<!tpu.dma_semaphore, #tpu.memory_space<semaphore_mem>>) src(%dma_wait3A_737 : memref<640x128xf32, #tpu.memory_space<vmem_shared>>) dst(%dma_wait3A_735 : memref<640x128xf32, #tpu.memory_space<hbm>>)
      tpu.yield
    }) : () -> ()
    %mul3A_597 = arith.constant 640 : i32
    %mul3A_598 = arith.muli %arg1, %mul3A_597 : i32
    %run_scoped3A = arith.constant 0 : i32
    "tpu.region"() ({
      %run_scoped3A_721 = tpu.sem_alloc : memref<!tpu.dma_semaphore, #tpu.memory_space<semaphore_mem>>
      %dma_start3A_722 = tpu.memref_slice %arg6[%arg0, %run_scoped3A, %mul3A_598] : memref<2x16x10240xf32, #tpu.memory_space<hbm>> -> memref<1x1x640xf32, #tpu.memory_space<hbm>>
      %dma_start3A_723 = tpu.memref_squeeze %dma_start3A_722 : memref<1x1x640xf32, #tpu.memory_space<hbm>> -> memref<640xf32, #tpu.memory_space<hbm>>
      %dma_start3A_724 = tpu.memref_slice %arg6[%arg0, %run_scoped3A, %mul3A_598] : memref<2x16x10240xf32, #tpu.memory_space<hbm>> -> memref<1x1x640xf32, #tpu.memory_space<hbm>>
      %dma_start3A_725 = tpu.memref_squeeze %dma_start3A_724 : memref<1x1x640xf32, #tpu.memory_space<hbm>> -> memref<640xf32, #tpu.memory_space<hbm>>
      tpu.enqueue_dma source(%dma_start3A_725 : memref<640xf32, #tpu.memory_space<hbm>>) target(%arg17 : memref<640xf32, #tpu.memory_space<vmem>>) target_semaphore(%run_scoped3A_721 : memref<!tpu.dma_semaphore, #tpu.memory_space<semaphore_mem>>)
      %dma_wait3A_726 = tpu.memref_slice %arg6[%arg0, %run_scoped3A, %mul3A_598] : memref<2x16x10240xf32, #tpu.memory_space<hbm>> -> memref<1x1x640xf32, #tpu.memory_space<hbm>>
      %dma_wait3A_727 = tpu.memref_squeeze %dma_wait3A_726 : memref<1x1x640xf32, #tpu.memory_space<hbm>> -> memref<640xf32, #tpu.memory_space<hbm>>
      %dma_wait3A_728 = tpu.memref_slice %arg6[%arg0, %run_scoped3A, %mul3A_598] : memref<2x16x10240xf32, #tpu.memory_space<hbm>> -> memref<1x1x640xf32, #tpu.memory_space<hbm>>
      %dma_wait3A_729 = tpu.memref_squeeze %dma_wait3A_728 : memref<1x1x640xf32, #tpu.memory_space<hbm>> -> memref<640xf32, #tpu.memory_space<hbm>>
      tpu.wait_dma2 semaphore(%run_scoped3A_721 : memref<!tpu.dma_semaphore, #tpu.memory_space<semaphore_mem>>) src(%dma_wait3A_729 : memref<640xf32, #tpu.memory_space<hbm>>) dst(%arg17 : memref<640xf32, #tpu.memory_space<vmem>>)
      tpu.yield
    }) : () -> ()
    %mul3A_599 = arith.constant 640 : i32
    %mul3A_600 = arith.muli %arg1, %mul3A_599 : i32
    %run_scoped3A_601 = arith.constant 1 : i32
    "tpu.region"() ({
      %run_scoped3A_721 = tpu.sem_alloc : memref<!tpu.dma_semaphore, #tpu.memory_space<semaphore_mem>>
      %dma_start3A_722 = tpu.memref_slice %arg6[%arg0, %run_scoped3A_601, %mul3A_600] : memref<2x16x10240xf32, #tpu.memory_space<hbm>> -> memref<1x1x640xf32, #tpu.memory_space<hbm>>
      %dma_start3A_723 = tpu.memref_squeeze %dma_start3A_722 : memref<1x1x640xf32, #tpu.memory_space<hbm>> -> memref<640xf32, #tpu.memory_space<hbm>>
      %dma_start3A_724 = tpu.memref_slice %arg6[%arg0, %run_scoped3A_601, %mul3A_600] : memref<2x16x10240xf32, #tpu.memory_space<hbm>> -> memref<1x1x640xf32, #tpu.memory_space<hbm>>
      %dma_start3A_725 = tpu.memref_squeeze %dma_start3A_724 : memref<1x1x640xf32, #tpu.memory_space<hbm>> -> memref<640xf32, #tpu.memory_space<hbm>>
      tpu.enqueue_dma source(%dma_start3A_725 : memref<640xf32, #tpu.memory_space<hbm>>) target(%arg16 : memref<640xf32, #tpu.memory_space<vmem>>) target_semaphore(%run_scoped3A_721 : memref<!tpu.dma_semaphore, #tpu.memory_space<semaphore_mem>>)
      %dma_wait3A_726 = tpu.memref_slice %arg6[%arg0, %run_scoped3A_601, %mul3A_600] : memref<2x16x10240xf32, #tpu.memory_space<hbm>> -> memref<1x1x640xf32, #tpu.memory_space<hbm>>
      %dma_wait3A_727 = tpu.memref_squeeze %dma_wait3A_726 : memref<1x1x640xf32, #tpu.memory_space<hbm>> -> memref<640xf32, #tpu.memory_space<hbm>>
      %dma_wait3A_728 = tpu.memref_slice %arg6[%arg0, %run_scoped3A_601, %mul3A_600] : memref<2x16x10240xf32, #tpu.memory_space<hbm>> -> memref<1x1x640xf32, #tpu.memory_space<hbm>>
      %dma_wait3A_729 = tpu.memref_squeeze %dma_wait3A_728 : memref<1x1x640xf32, #tpu.memory_space<hbm>> -> memref<640xf32, #tpu.memory_space<hbm>>
      tpu.wait_dma2 semaphore(%run_scoped3A_721 : memref<!tpu.dma_semaphore, #tpu.memory_space<semaphore_mem>>) src(%dma_wait3A_729 : memref<640xf32, #tpu.memory_space<hbm>>) dst(%arg16 : memref<640xf32, #tpu.memory_space<vmem>>)
      tpu.yield
    }) : () -> ()
    %scan3A_602 = arith.constant 0 : i32
    %scan3A_603 = arith.constant 40 : i32
    %scan3A_604 = arith.addi %scan3A_602, %scan3A_603 : i32
    %scan3A_605 = arith.constant 1 : i32
    scf.for %scan3A_721 = %scan3A_602 to %scan3A_604 step %scan3A_605  : i32 {
      %mul3A_722 = arith.constant 1 : i32
      %mul3A_723 = arith.muli %scan3A_721, %mul3A_722 : i32
      %add3A_724 = arith.constant 0 : i32
      %add3A_725 = arith.addi %add3A_724, %mul3A_723 : i32
      %mul3A_726 = arith.constant 16 : i32
      %mul3A_727 = arith.muli %add3A_725, %mul3A_726 : i32
      %get3A_728 = arith.index_cast %mul3A_727 : i32 to index
      %get3A_729 = tpu.vector_load %arg17[%get3A_728] {strides = array<i32>} : memref<640xf32, #tpu.memory_space<vmem>>, vector<16xf32>,
      %get3A_730 = arith.index_cast %mul3A_727 : i32 to index
      %get3A_731 = tpu.vector_load %arg16[%get3A_730] {strides = array<i32>} : memref<640xf32, #tpu.memory_space<vmem>>, vector<16xf32>,
      %add3A_732 = arith.addf %get3A_729, %get3A_731 : vector<16xf32>
      %swap3A = arith.index_cast %mul3A_727 : i32 to index
      %swap3A_733 = tpu.vector_load %arg17[%swap3A] {strides = array<i32>} : memref<640xf32, #tpu.memory_space<vmem>>, vector<16xf32>,
      tpu.vector_store %arg17[%swap3A], %add3A_732 {strides = array<i32>} : memref<640xf32, #tpu.memory_space<vmem>>, vector<16xf32>,
    }
    %scan3A_606 = arith.constant 40 : i32
    %mul3A_607 = arith.constant 640 : i32
    %mul3A_608 = arith.muli %arg1, %mul3A_607 : i32
    %run_scoped3A_609 = arith.constant 2 : i32
    "tpu.region"() ({
      %run_scoped3A_721 = tpu.sem_alloc : memref<!tpu.dma_semaphore, #tpu.memory_space<semaphore_mem>>
      %dma_start3A_722 = tpu.memref_slice %arg6[%arg0, %run_scoped3A_609, %mul3A_608] : memref<2x16x10240xf32, #tpu.memory_space<hbm>> -> memref<1x1x640xf32, #tpu.memory_space<hbm>>
      %dma_start3A_723 = tpu.memref_squeeze %dma_start3A_722 : memref<1x1x640xf32, #tpu.memory_space<hbm>> -> memref<640xf32, #tpu.memory_space<hbm>>
      %dma_start3A_724 = tpu.memref_slice %arg6[%arg0, %run_scoped3A_609, %mul3A_608] : memref<2x16x10240xf32, #tpu.memory_space<hbm>> -> memref<1x1x640xf32, #tpu.memory_space<hbm>>
      %dma_start3A_725 = tpu.memref_squeeze %dma_start3A_724 : memref<1x1x640xf32, #tpu.memory_space<hbm>> -> memref<640xf32, #tpu.memory_space<hbm>>
      tpu.enqueue_dma source(%dma_start3A_725 : memref<640xf32, #tpu.memory_space<hbm>>) target(%arg16 : memref<640xf32, #tpu.memory_space<vmem>>) target_semaphore(%run_scoped3A_721 : memref<!tpu.dma_semaphore, #tpu.memory_space<semaphore_mem>>)
      %dma_wait3A_726 = tpu.memref_slice %arg6[%arg0, %run_scoped3A_609, %mul3A_608] : memref<2x16x10240xf32, #tpu.memory_space<hbm>> -> memref<1x1x640xf32, #tpu.memory_space<hbm>>
      %dma_wait3A_727 = tpu.memref_squeeze %dma_wait3A_726 : memref<1x1x640xf32, #tpu.memory_space<hbm>> -> memref<640xf32, #tpu.memory_space<hbm>>
      %dma_wait3A_728 = tpu.memref_slice %arg6[%arg0, %run_scoped3A_609, %mul3A_608] : memref<2x16x10240xf32, #tpu.memory_space<hbm>> -> memref<1x1x640xf32, #tpu.memory_space<hbm>>
      %dma_wait3A_729 = tpu.memref_squeeze %dma_wait3A_728 : memref<1x1x640xf32, #tpu.memory_space<hbm>> -> memref<640xf32, #tpu.memory_space<hbm>>
      tpu.wait_dma2 semaphore(%run_scoped3A_721 : memref<!tpu.dma_semaphore, #tpu.memory_space<semaphore_mem>>) src(%dma_wait3A_729 : memref<640xf32, #tpu.memory_space<hbm>>) dst(%arg16 : memref<640xf32, #tpu.memory_space<vmem>>)
      tpu.yield
    }) : () -> ()
    %scan3A_610 = arith.constant 0 : i32
    %scan3A_611 = arith.constant 40 : i32
    %scan3A_612 = arith.addi %scan3A_610, %scan3A_611 : i32
    %scan3A_613 = arith.constant 1 : i32
    scf.for %scan3A_721 = %scan3A_610 to %scan3A_612 step %scan3A_613  : i32 {
      %mul3A_722 = arith.constant 1 : i32
      %mul3A_723 = arith.muli %scan3A_721, %mul3A_722 : i32
      %add3A_724 = arith.constant 0 : i32
      %add3A_725 = arith.addi %add3A_724, %mul3A_723 : i32
      %mul3A_726 = arith.constant 16 : i32
      %mul3A_727 = arith.muli %add3A_725, %mul3A_726 : i32
      %get3A_728 = arith.index_cast %mul3A_727 : i32 to index
      %get3A_729 = tpu.vector_load %arg17[%get3A_728] {strides = array<i32>} : memref<640xf32, #tpu.memory_space<vmem>>, vector<16xf32>,
      %get3A_730 = arith.index_cast %mul3A_727 : i32 to index
      %get3A_731 = tpu.vector_load %arg16[%get3A_730] {strides = array<i32>} : memref<640xf32, #tpu.memory_space<vmem>>, vector<16xf32>,
      %add3A_732 = arith.addf %get3A_729, %get3A_731 : vector<16xf32>
      %swap3A = arith.index_cast %mul3A_727 : i32 to index
      %swap3A_733 = tpu.vector_load %arg17[%swap3A] {strides = array<i32>} : memref<640xf32, #tpu.memory_space<vmem>>, vector<16xf32>,
      tpu.vector_store %arg17[%swap3A], %add3A_732 {strides = array<i32>} : memref<640xf32, #tpu.memory_space<vmem>>, vector<16xf32>,
    }
    %scan3A_614 = arith.constant 40 : i32
    %mul3A_615 = arith.constant 640 : i32
    %mul3A_616 = arith.muli %arg1, %mul3A_615 : i32
    %run_scoped3A_617 = arith.constant 3 : i32
    "tpu.region"() ({
      %run_scoped3A_721 = tpu.sem_alloc : memref<!tpu.dma_semaphore, #tpu.memory_space<semaphore_mem>>
      %dma_start3A_722 = tpu.memref_slice %arg6[%arg0, %run_scoped3A_617, %mul3A_616] : memref<2x16x10240xf32, #tpu.memory_space<hbm>> -> memref<1x1x640xf32, #tpu.memory_space<hbm>>
      %dma_start3A_723 = tpu.memref_squeeze %dma_start3A_722 : memref<1x1x640xf32, #tpu.memory_space<hbm>> -> memref<640xf32, #tpu.memory_space<hbm>>
      %dma_start3A_724 = tpu.memref_slice %arg6[%arg0, %run_scoped3A_617, %mul3A_616] : memref<2x16x10240xf32, #tpu.memory_space<hbm>> -> memref<1x1x640xf32, #tpu.memory_space<hbm>>
      %dma_start3A_725 = tpu.memref_squeeze %dma_start3A_724 : memref<1x1x640xf32, #tpu.memory_space<hbm>> -> memref<640xf32, #tpu.memory_space<hbm>>
      tpu.enqueue_dma source(%dma_start3A_725 : memref<640xf32, #tpu.memory_space<hbm>>) target(%arg16 : memref<640xf32, #tpu.memory_space<vmem>>) target_semaphore(%run_scoped3A_721 : memref<!tpu.dma_semaphore, #tpu.memory_space<semaphore_mem>>)
      %dma_wait3A_726 = tpu.memref_slice %arg6[%arg0, %run_scoped3A_617, %mul3A_616] : memref<2x16x10240xf32, #tpu.memory_space<hbm>> -> memref<1x1x640xf32, #tpu.memory_space<hbm>>
      %dma_wait3A_727 = tpu.memref_squeeze %dma_wait3A_726 : memref<1x1x640xf32, #tpu.memory_space<hbm>> -> memref<640xf32, #tpu.memory_space<hbm>>
      %dma_wait3A_728 = tpu.memref_slice %arg6[%arg0, %run_scoped3A_617, %mul3A_616] : memref<2x16x10240xf32, #tpu.memory_space<hbm>> -> memref<1x1x640xf32, #tpu.memory_space<hbm>>
      %dma_wait3A_729 = tpu.memref_squeeze %dma_wait3A_728 : memref<1x1x640xf32, #tpu.memory_space<hbm>> -> memref<640xf32, #tpu.memory_space<hbm>>
      tpu.wait_dma2 semaphore(%run_scoped3A_721 : memref<!tpu.dma_semaphore, #tpu.memory_space<semaphore_mem>>) src(%dma_wait3A_729 : memref<640xf32, #tpu.memory_space<hbm>>) dst(%arg16 : memref<640xf32, #tpu.memory_space<vmem>>)
      tpu.yield
    }) : () -> ()
    %scan3A_618 = arith.constant 0 : i32
    %scan3A_619 = arith.constant 40 : i32
    %scan3A_620 = arith.addi %scan3A_618, %scan3A_619 : i32
    %scan3A_621 = arith.constant 1 : i32
    scf.for %scan3A_721 = %scan3A_618 to %scan3A_620 step %scan3A_621  : i32 {
      %mul3A_722 = arith.constant 1 : i32
      %mul3A_723 = arith.muli %scan3A_721, %mul3A_722 : i32
      %add3A_724 = arith.constant 0 : i32
      %add3A_725 = arith.addi %add3A_724, %mul3A_723 : i32
      %mul3A_726 = arith.constant 16 : i32
      %mul3A_727 = arith.muli %add3A_725, %mul3A_726 : i32
      %get3A_728 = arith.index_cast %mul3A_727 : i32 to index
      %get3A_729 = tpu.vector_load %arg17[%get3A_728] {strides = array<i32>} : memref<640xf32, #tpu.memory_space<vmem>>, vector<16xf32>,
      %get3A_730 = arith.index_cast %mul3A_727 : i32 to index
      %get3A_731 = tpu.vector_load %arg16[%get3A_730] {strides = array<i32>} : memref<640xf32, #tpu.memory_space<vmem>>, vector<16xf32>,
      %add3A_732 = arith.addf %get3A_729, %get3A_731 : vector<16xf32>
      %swap3A = arith.index_cast %mul3A_727 : i32 to index
      %swap3A_733 = tpu.vector_load %arg17[%swap3A] {strides = array<i32>} : memref<640xf32, #tpu.memory_space<vmem>>, vector<16xf32>,
      tpu.vector_store %arg17[%swap3A], %add3A_732 {strides = array<i32>} : memref<640xf32, #tpu.memory_space<vmem>>, vector<16xf32>,
    }
    %scan3A_622 = arith.constant 40 : i32
    %mul3A_623 = arith.constant 640 : i32
    %mul3A_624 = arith.muli %arg1, %mul3A_623 : i32
    %run_scoped3A_625 = arith.constant 4 : i32
    "tpu.region"() ({
      %run_scoped3A_721 = tpu.sem_alloc : memref<!tpu.dma_semaphore, #tpu.memory_space<semaphore_mem>>
      %dma_start3A_722 = tpu.memref_slice %arg6[%arg0, %run_scoped3A_625, %mul3A_624] : memref<2x16x10240xf32, #tpu.memory_space<hbm>> -> memref<1x1x640xf32, #tpu.memory_space<hbm>>
      %dma_start3A_723 = tpu.memref_squeeze %dma_start3A_722 : memref<1x1x640xf32, #tpu.memory_space<hbm>> -> memref<640xf32, #tpu.memory_space<hbm>>
      %dma_start3A_724 = tpu.memref_slice %arg6[%arg0, %run_scoped3A_625, %mul3A_624] : memref<2x16x10240xf32, #tpu.memory_space<hbm>> -> memref<1x1x640xf32, #tpu.memory_space<hbm>>
      %dma_start3A_725 = tpu.memref_squeeze %dma_start3A_724 : memref<1x1x640xf32, #tpu.memory_space<hbm>> -> memref<640xf32, #tpu.memory_space<hbm>>
      tpu.enqueue_dma source(%dma_start3A_725 : memref<640xf32, #tpu.memory_space<hbm>>) target(%arg16 : memref<640xf32, #tpu.memory_space<vmem>>) target_semaphore(%run_scoped3A_721 : memref<!tpu.dma_semaphore, #tpu.memory_space<semaphore_mem>>)
      %dma_wait3A_726 = tpu.memref_slice %arg6[%arg0, %run_scoped3A_625, %mul3A_624] : memref<2x16x10240xf32, #tpu.memory_space<hbm>> -> memref<1x1x640xf32, #tpu.memory_space<hbm>>
      %dma_wait3A_727 = tpu.memref_squeeze %dma_wait3A_726 : memref<1x1x640xf32, #tpu.memory_space<hbm>> -> memref<640xf32, #tpu.memory_space<hbm>>
      %dma_wait3A_728 = tpu.memref_slice %arg6[%arg0, %run_scoped3A_625, %mul3A_624] : memref<2x16x10240xf32, #tpu.memory_space<hbm>> -> memref<1x1x640xf32, #tpu.memory_space<hbm>>
      %dma_wait3A_729 = tpu.memref_squeeze %dma_wait3A_728 : memref<1x1x640xf32, #tpu.memory_space<hbm>> -> memref<640xf32, #tpu.memory_space<hbm>>
      tpu.wait_dma2 semaphore(%run_scoped3A_721 : memref<!tpu.dma_semaphore, #tpu.memory_space<semaphore_mem>>) src(%dma_wait3A_729 : memref<640xf32, #tpu.memory_space<hbm>>) dst(%arg16 : memref<640xf32, #tpu.memory_space<vmem>>)
      tpu.yield
    }) : () -> ()
    %scan3A_626 = arith.constant 0 : i32
    %scan3A_627 = arith.constant 40 : i32
    %scan3A_628 = arith.addi %scan3A_626, %scan3A_627 : i32
    %scan3A_629 = arith.constant 1 : i32
    scf.for %scan3A_721 = %scan3A_626 to %scan3A_628 step %scan3A_629  : i32 {
      %mul3A_722 = arith.constant 1 : i32
      %mul3A_723 = arith.muli %scan3A_721, %mul3A_722 : i32
      %add3A_724 = arith.constant 0 : i32
      %add3A_725 = arith.addi %add3A_724, %mul3A_723 : i32
      %mul3A_726 = arith.constant 16 : i32
      %mul3A_727 = arith.muli %add3A_725, %mul3A_726 : i32
      %get3A_728 = arith.index_cast %mul3A_727 : i32 to index
      %get3A_729 = tpu.vector_load %arg17[%get3A_728] {strides = array<i32>} : memref<640xf32, #tpu.memory_space<vmem>>, vector<16xf32>,
      %get3A_730 = arith.index_cast %mul3A_727 : i32 to index
      %get3A_731 = tpu.vector_load %arg16[%get3A_730] {strides = array<i32>} : memref<640xf32, #tpu.memory_space<vmem>>, vector<16xf32>,
      %add3A_732 = arith.addf %get3A_729, %get3A_731 : vector<16xf32>
      %swap3A = arith.index_cast %mul3A_727 : i32 to index
      %swap3A_733 = tpu.vector_load %arg17[%swap3A] {strides = array<i32>} : memref<640xf32, #tpu.memory_space<vmem>>, vector<16xf32>,
      tpu.vector_store %arg17[%swap3A], %add3A_732 {strides = array<i32>} : memref<640xf32, #tpu.memory_space<vmem>>, vector<16xf32>,
    }
    %scan3A_630 = arith.constant 40 : i32
    %mul3A_631 = arith.constant 640 : i32
    %mul3A_632 = arith.muli %arg1, %mul3A_631 : i32
    %run_scoped3A_633 = arith.constant 5 : i32
    "tpu.region"() ({
      %run_scoped3A_721 = tpu.sem_alloc : memref<!tpu.dma_semaphore, #tpu.memory_space<semaphore_mem>>
      %dma_start3A_722 = tpu.memref_slice %arg6[%arg0, %run_scoped3A_633, %mul3A_632] : memref<2x16x10240xf32, #tpu.memory_space<hbm>> -> memref<1x1x640xf32, #tpu.memory_space<hbm>>
      %dma_start3A_723 = tpu.memref_squeeze %dma_start3A_722 : memref<1x1x640xf32, #tpu.memory_space<hbm>> -> memref<640xf32, #tpu.memory_space<hbm>>
      %dma_start3A_724 = tpu.memref_slice %arg6[%arg0, %run_scoped3A_633, %mul3A_632] : memref<2x16x10240xf32, #tpu.memory_space<hbm>> -> memref<1x1x640xf32, #tpu.memory_space<hbm>>
      %dma_start3A_725 = tpu.memref_squeeze %dma_start3A_724 : memref<1x1x640xf32, #tpu.memory_space<hbm>> -> memref<640xf32, #tpu.memory_space<hbm>>
      tpu.enqueue_dma source(%dma_start3A_725 : memref<640xf32, #tpu.memory_space<hbm>>) target(%arg16 : memref<640xf32, #tpu.memory_space<vmem>>) target_semaphore(%run_scoped3A_721 : memref<!tpu.dma_semaphore, #tpu.memory_space<semaphore_mem>>)
      %dma_wait3A_726 = tpu.memref_slice %arg6[%arg0, %run_scoped3A_633, %mul3A_632] : memref<2x16x10240xf32, #tpu.memory_space<hbm>> -> memref<1x1x640xf32, #tpu.memory_space<hbm>>
      %dma_wait3A_727 = tpu.memref_squeeze %dma_wait3A_726 : memref<1x1x640xf32, #tpu.memory_space<hbm>> -> memref<640xf32, #tpu.memory_space<hbm>>
      %dma_wait3A_728 = tpu.memref_slice %arg6[%arg0, %run_scoped3A_633, %mul3A_632] : memref<2x16x10240xf32, #tpu.memory_space<hbm>> -> memref<1x1x640xf32, #tpu.memory_space<hbm>>
      %dma_wait3A_729 = tpu.memref_squeeze %dma_wait3A_728 : memref<1x1x640xf32, #tpu.memory_space<hbm>> -> memref<640xf32, #tpu.memory_space<hbm>>
      tpu.wait_dma2 semaphore(%run_scoped3A_721 : memref<!tpu.dma_semaphore, #tpu.memory_space<semaphore_mem>>) src(%dma_wait3A_729 : memref<640xf32, #tpu.memory_space<hbm>>) dst(%arg16 : memref<640xf32, #tpu.memory_space<vmem>>)
      tpu.yield
    }) : () -> ()
    %scan3A_634 = arith.constant 0 : i32
    %scan3A_635 = arith.constant 40 : i32
    %scan3A_636 = arith.addi %scan3A_634, %scan3A_635 : i32
    %scan3A_637 = arith.constant 1 : i32
    scf.for %scan3A_721 = %scan3A_634 to %scan3A_636 step %scan3A_637  : i32 {
      %mul3A_722 = arith.constant 1 : i32
      %mul3A_723 = arith.muli %scan3A_721, %mul3A_722 : i32
      %add3A_724 = arith.constant 0 : i32
      %add3A_725 = arith.addi %add3A_724, %mul3A_723 : i32
      %mul3A_726 = arith.constant 16 : i32
      %mul3A_727 = arith.muli %add3A_725, %mul3A_726 : i32
      %get3A_728 = arith.index_cast %mul3A_727 : i32 to index
      %get3A_729 = tpu.vector_load %arg17[%get3A_728] {strides = array<i32>} : memref<640xf32, #tpu.memory_space<vmem>>, vector<16xf32>,
      %get3A_730 = arith.index_cast %mul3A_727 : i32 to index
      %get3A_731 = tpu.vector_load %arg16[%get3A_730] {strides = array<i32>} : memref<640xf32, #tpu.memory_space<vmem>>, vector<16xf32>,
      %add3A_732 = arith.addf %get3A_729, %get3A_731 : vector<16xf32>
      %swap3A = arith.index_cast %mul3A_727 : i32 to index
      %swap3A_733 = tpu.vector_load %arg17[%swap3A] {strides = array<i32>} : memref<640xf32, #tpu.memory_space<vmem>>, vector<16xf32>,
      tpu.vector_store %arg17[%swap3A], %add3A_732 {strides = array<i32>} : memref<640xf32, #tpu.memory_space<vmem>>, vector<16xf32>,
    }
    %scan3A_638 = arith.constant 40 : i32
    %mul3A_639 = arith.constant 640 : i32
    %mul3A_640 = arith.muli %arg1, %mul3A_639 : i32
    %run_scoped3A_641 = arith.constant 6 : i32
    "tpu.region"() ({
      %run_scoped3A_721 = tpu.sem_alloc : memref<!tpu.dma_semaphore, #tpu.memory_space<semaphore_mem>>
      %dma_start3A_722 = tpu.memref_slice %arg6[%arg0, %run_scoped3A_641, %mul3A_640] : memref<2x16x10240xf32, #tpu.memory_space<hbm>> -> memref<1x1x640xf32, #tpu.memory_space<hbm>>
      %dma_start3A_723 = tpu.memref_squeeze %dma_start3A_722 : memref<1x1x640xf32, #tpu.memory_space<hbm>> -> memref<640xf32, #tpu.memory_space<hbm>>
      %dma_start3A_724 = tpu.memref_slice %arg6[%arg0, %run_scoped3A_641, %mul3A_640] : memref<2x16x10240xf32, #tpu.memory_space<hbm>> -> memref<1x1x640xf32, #tpu.memory_space<hbm>>
      %dma_start3A_725 = tpu.memref_squeeze %dma_start3A_724 : memref<1x1x640xf32, #tpu.memory_space<hbm>> -> memref<640xf32, #tpu.memory_space<hbm>>
      tpu.enqueue_dma source(%dma_start3A_725 : memref<640xf32, #tpu.memory_space<hbm>>) target(%arg16 : memref<640xf32, #tpu.memory_space<vmem>>) target_semaphore(%run_scoped3A_721 : memref<!tpu.dma_semaphore, #tpu.memory_space<semaphore_mem>>)
      %dma_wait3A_726 = tpu.memref_slice %arg6[%arg0, %run_scoped3A_641, %mul3A_640] : memref<2x16x10240xf32, #tpu.memory_space<hbm>> -> memref<1x1x640xf32, #tpu.memory_space<hbm>>
      %dma_wait3A_727 = tpu.memref_squeeze %dma_wait3A_726 : memref<1x1x640xf32, #tpu.memory_space<hbm>> -> memref<640xf32, #tpu.memory_space<hbm>>
      %dma_wait3A_728 = tpu.memref_slice %arg6[%arg0, %run_scoped3A_641, %mul3A_640] : memref<2x16x10240xf32, #tpu.memory_space<hbm>> -> memref<1x1x640xf32, #tpu.memory_space<hbm>>
      %dma_wait3A_729 = tpu.memref_squeeze %dma_wait3A_728 : memref<1x1x640xf32, #tpu.memory_space<hbm>> -> memref<640xf32, #tpu.memory_space<hbm>>
      tpu.wait_dma2 semaphore(%run_scoped3A_721 : memref<!tpu.dma_semaphore, #tpu.memory_space<semaphore_mem>>) src(%dma_wait3A_729 : memref<640xf32, #tpu.memory_space<hbm>>) dst(%arg16 : memref<640xf32, #tpu.memory_space<vmem>>)
      tpu.yield
    }) : () -> ()
    %scan3A_642 = arith.constant 0 : i32
    %scan3A_643 = arith.constant 40 : i32
    %scan3A_644 = arith.addi %scan3A_642, %scan3A_643 : i32
    %scan3A_645 = arith.constant 1 : i32
    scf.for %scan3A_721 = %scan3A_642 to %scan3A_644 step %scan3A_645  : i32 {
      %mul3A_722 = arith.constant 1 : i32
      %mul3A_723 = arith.muli %scan3A_721, %mul3A_722 : i32
      %add3A_724 = arith.constant 0 : i32
      %add3A_725 = arith.addi %add3A_724, %mul3A_723 : i32
      %mul3A_726 = arith.constant 16 : i32
      %mul3A_727 = arith.muli %add3A_725, %mul3A_726 : i32
      %get3A_728 = arith.index_cast %mul3A_727 : i32 to index
      %get3A_729 = tpu.vector_load %arg17[%get3A_728] {strides = array<i32>} : memref<640xf32, #tpu.memory_space<vmem>>, vector<16xf32>,
      %get3A_730 = arith.index_cast %mul3A_727 : i32 to index
      %get3A_731 = tpu.vector_load %arg16[%get3A_730] {strides = array<i32>} : memref<640xf32, #tpu.memory_space<vmem>>, vector<16xf32>,
      %add3A_732 = arith.addf %get3A_729, %get3A_731 : vector<16xf32>
      %swap3A = arith.index_cast %mul3A_727 : i32 to index
      %swap3A_733 = tpu.vector_load %arg17[%swap3A] {strides = array<i32>} : memref<640xf32, #tpu.memory_space<vmem>>, vector<16xf32>,
      tpu.vector_store %arg17[%swap3A], %add3A_732 {strides = array<i32>} : memref<640xf32, #tpu.memory_space<vmem>>, vector<16xf32>,
    }
    %scan3A_646 = arith.constant 40 : i32
    %mul3A_647 = arith.constant 640 : i32
    %mul3A_648 = arith.muli %arg1, %mul3A_647 : i32
    %run_scoped3A_649 = arith.constant 7 : i32
    "tpu.region"() ({
      %run_scoped3A_721 = tpu.sem_alloc : memref<!tpu.dma_semaphore, #tpu.memory_space<semaphore_mem>>
      %dma_start3A_722 = tpu.memref_slice %arg6[%arg0, %run_scoped3A_649, %mul3A_648] : memref<2x16x10240xf32, #tpu.memory_space<hbm>> -> memref<1x1x640xf32, #tpu.memory_space<hbm>>
      %dma_start3A_723 = tpu.memref_squeeze %dma_start3A_722 : memref<1x1x640xf32, #tpu.memory_space<hbm>> -> memref<640xf32, #tpu.memory_space<hbm>>
      %dma_start3A_724 = tpu.memref_slice %arg6[%arg0, %run_scoped3A_649, %mul3A_648] : memref<2x16x10240xf32, #tpu.memory_space<hbm>> -> memref<1x1x640xf32, #tpu.memory_space<hbm>>
      %dma_start3A_725 = tpu.memref_squeeze %dma_start3A_724 : memref<1x1x640xf32, #tpu.memory_space<hbm>> -> memref<640xf32, #tpu.memory_space<hbm>>
      tpu.enqueue_dma source(%dma_start3A_725 : memref<640xf32, #tpu.memory_space<hbm>>) target(%arg16 : memref<640xf32, #tpu.memory_space<vmem>>) target_semaphore(%run_scoped3A_721 : memref<!tpu.dma_semaphore, #tpu.memory_space<semaphore_mem>>)
      %dma_wait3A_726 = tpu.memref_slice %arg6[%arg0, %run_scoped3A_649, %mul3A_648] : memref<2x16x10240xf32, #tpu.memory_space<hbm>> -> memref<1x1x640xf32, #tpu.memory_space<hbm>>
      %dma_wait3A_727 = tpu.memref_squeeze %dma_wait3A_726 : memref<1x1x640xf32, #tpu.memory_space<hbm>> -> memref<640xf32, #tpu.memory_space<hbm>>
      %dma_wait3A_728 = tpu.memref_slice %arg6[%arg0, %run_scoped3A_649, %mul3A_648] : memref<2x16x10240xf32, #tpu.memory_space<hbm>> -> memref<1x1x640xf32, #tpu.memory_space<hbm>>
      %dma_wait3A_729 = tpu.memref_squeeze %dma_wait3A_728 : memref<1x1x640xf32, #tpu.memory_space<hbm>> -> memref<640xf32, #tpu.memory_space<hbm>>
      tpu.wait_dma2 semaphore(%run_scoped3A_721 : memref<!tpu.dma_semaphore, #tpu.memory_space<semaphore_mem>>) src(%dma_wait3A_729 : memref<640xf32, #tpu.memory_space<hbm>>) dst(%arg16 : memref<640xf32, #tpu.memory_space<vmem>>)
      tpu.yield
    }) : () -> ()
    %scan3A_650 = arith.constant 0 : i32
    %scan3A_651 = arith.constant 40 : i32
    %scan3A_652 = arith.addi %scan3A_650, %scan3A_651 : i32
    %scan3A_653 = arith.constant 1 : i32
    scf.for %scan3A_721 = %scan3A_650 to %scan3A_652 step %scan3A_653  : i32 {
      %mul3A_722 = arith.constant 1 : i32
      %mul3A_723 = arith.muli %scan3A_721, %mul3A_722 : i32
      %add3A_724 = arith.constant 0 : i32
      %add3A_725 = arith.addi %add3A_724, %mul3A_723 : i32
      %mul3A_726 = arith.constant 16 : i32
      %mul3A_727 = arith.muli %add3A_725, %mul3A_726 : i32
      %get3A_728 = arith.index_cast %mul3A_727 : i32 to index
      %get3A_729 = tpu.vector_load %arg17[%get3A_728] {strides = array<i32>} : memref<640xf32, #tpu.memory_space<vmem>>, vector<16xf32>,
      %get3A_730 = arith.index_cast %mul3A_727 : i32 to index
      %get3A_731 = tpu.vector_load %arg16[%get3A_730] {strides = array<i32>} : memref<640xf32, #tpu.memory_space<vmem>>, vector<16xf32>,
      %add3A_732 = arith.addf %get3A_729, %get3A_731 : vector<16xf32>
      %swap3A = arith.index_cast %mul3A_727 : i32 to index
      %swap3A_733 = tpu.vector_load %arg17[%swap3A] {strides = array<i32>} : memref<640xf32, #tpu.memory_space<vmem>>, vector<16xf32>,
      tpu.vector_store %arg17[%swap3A], %add3A_732 {strides = array<i32>} : memref<640xf32, #tpu.memory_space<vmem>>, vector<16xf32>,
    }
    %scan3A_654 = arith.constant 40 : i32
    %mul3A_655 = arith.constant 640 : i32
    %mul3A_656 = arith.muli %arg1, %mul3A_655 : i32
    %run_scoped3A_657 = arith.constant 8 : i32
    "tpu.region"() ({
      %run_scoped3A_721 = tpu.sem_alloc : memref<!tpu.dma_semaphore, #tpu.memory_space<semaphore_mem>>
      %dma_start3A_722 = tpu.memref_slice %arg6[%arg0, %run_scoped3A_657, %mul3A_656] : memref<2x16x10240xf32, #tpu.memory_space<hbm>> -> memref<1x1x640xf32, #tpu.memory_space<hbm>>
      %dma_start3A_723 = tpu.memref_squeeze %dma_start3A_722 : memref<1x1x640xf32, #tpu.memory_space<hbm>> -> memref<640xf32, #tpu.memory_space<hbm>>
      %dma_start3A_724 = tpu.memref_slice %arg6[%arg0, %run_scoped3A_657, %mul3A_656] : memref<2x16x10240xf32, #tpu.memory_space<hbm>> -> memref<1x1x640xf32, #tpu.memory_space<hbm>>
      %dma_start3A_725 = tpu.memref_squeeze %dma_start3A_724 : memref<1x1x640xf32, #tpu.memory_space<hbm>> -> memref<640xf32, #tpu.memory_space<hbm>>
      tpu.enqueue_dma source(%dma_start3A_725 : memref<640xf32, #tpu.memory_space<hbm>>) target(%arg16 : memref<640xf32, #tpu.memory_space<vmem>>) target_semaphore(%run_scoped3A_721 : memref<!tpu.dma_semaphore, #tpu.memory_space<semaphore_mem>>)
      %dma_wait3A_726 = tpu.memref_slice %arg6[%arg0, %run_scoped3A_657, %mul3A_656] : memref<2x16x10240xf32, #tpu.memory_space<hbm>> -> memref<1x1x640xf32, #tpu.memory_space<hbm>>
      %dma_wait3A_727 = tpu.memref_squeeze %dma_wait3A_726 : memref<1x1x640xf32, #tpu.memory_space<hbm>> -> memref<640xf32, #tpu.memory_space<hbm>>
      %dma_wait3A_728 = tpu.memref_slice %arg6[%arg0, %run_scoped3A_657, %mul3A_656] : memref<2x16x10240xf32, #tpu.memory_space<hbm>> -> memref<1x1x640xf32, #tpu.memory_space<hbm>>
      %dma_wait3A_729 = tpu.memref_squeeze %dma_wait3A_728 : memref<1x1x640xf32, #tpu.memory_space<hbm>> -> memref<640xf32, #tpu.memory_space<hbm>>
      tpu.wait_dma2 semaphore(%run_scoped3A_721 : memref<!tpu.dma_semaphore, #tpu.memory_space<semaphore_mem>>) src(%dma_wait3A_729 : memref<640xf32, #tpu.memory_space<hbm>>) dst(%arg16 : memref<640xf32, #tpu.memory_space<vmem>>)
      tpu.yield
    }) : () -> ()
    %scan3A_658 = arith.constant 0 : i32
    %scan3A_659 = arith.constant 40 : i32
    %scan3A_660 = arith.addi %scan3A_658, %scan3A_659 : i32
    %scan3A_661 = arith.constant 1 : i32
    scf.for %scan3A_721 = %scan3A_658 to %scan3A_660 step %scan3A_661  : i32 {
      %mul3A_722 = arith.constant 1 : i32
      %mul3A_723 = arith.muli %scan3A_721, %mul3A_722 : i32
      %add3A_724 = arith.constant 0 : i32
      %add3A_725 = arith.addi %add3A_724, %mul3A_723 : i32
      %mul3A_726 = arith.constant 16 : i32
      %mul3A_727 = arith.muli %add3A_725, %mul3A_726 : i32
      %get3A_728 = arith.index_cast %mul3A_727 : i32 to index
      %get3A_729 = tpu.vector_load %arg17[%get3A_728] {strides = array<i32>} : memref<640xf32, #tpu.memory_space<vmem>>, vector<16xf32>,
      %get3A_730 = arith.index_cast %mul3A_727 : i32 to index
      %get3A_731 = tpu.vector_load %arg16[%get3A_730] {strides = array<i32>} : memref<640xf32, #tpu.memory_space<vmem>>, vector<16xf32>,
      %add3A_732 = arith.addf %get3A_729, %get3A_731 : vector<16xf32>
      %swap3A = arith.index_cast %mul3A_727 : i32 to index
      %swap3A_733 = tpu.vector_load %arg17[%swap3A] {strides = array<i32>} : memref<640xf32, #tpu.memory_space<vmem>>, vector<16xf32>,
      tpu.vector_store %arg17[%swap3A], %add3A_732 {strides = array<i32>} : memref<640xf32, #tpu.memory_space<vmem>>, vector<16xf32>,
    }
    %scan3A_662 = arith.constant 40 : i32
    %mul3A_663 = arith.constant 640 : i32
    %mul3A_664 = arith.muli %arg1, %mul3A_663 : i32
    %run_scoped3A_665 = arith.constant 9 : i32
    "tpu.region"() ({
      %run_scoped3A_721 = tpu.sem_alloc : memref<!tpu.dma_semaphore, #tpu.memory_space<semaphore_mem>>
      %dma_start3A_722 = tpu.memref_slice %arg6[%arg0, %run_scoped3A_665, %mul3A_664] : memref<2x16x10240xf32, #tpu.memory_space<hbm>> -> memref<1x1x640xf32, #tpu.memory_space<hbm>>
      %dma_start3A_723 = tpu.memref_squeeze %dma_start3A_722 : memref<1x1x640xf32, #tpu.memory_space<hbm>> -> memref<640xf32, #tpu.memory_space<hbm>>
      %dma_start3A_724 = tpu.memref_slice %arg6[%arg0, %run_scoped3A_665, %mul3A_664] : memref<2x16x10240xf32, #tpu.memory_space<hbm>> -> memref<1x1x640xf32, #tpu.memory_space<hbm>>
      %dma_start3A_725 = tpu.memref_squeeze %dma_start3A_724 : memref<1x1x640xf32, #tpu.memory_space<hbm>> -> memref<640xf32, #tpu.memory_space<hbm>>
      tpu.enqueue_dma source(%dma_start3A_725 : memref<640xf32, #tpu.memory_space<hbm>>) target(%arg16 : memref<640xf32, #tpu.memory_space<vmem>>) target_semaphore(%run_scoped3A_721 : memref<!tpu.dma_semaphore, #tpu.memory_space<semaphore_mem>>)
      %dma_wait3A_726 = tpu.memref_slice %arg6[%arg0, %run_scoped3A_665, %mul3A_664] : memref<2x16x10240xf32, #tpu.memory_space<hbm>> -> memref<1x1x640xf32, #tpu.memory_space<hbm>>
      %dma_wait3A_727 = tpu.memref_squeeze %dma_wait3A_726 : memref<1x1x640xf32, #tpu.memory_space<hbm>> -> memref<640xf32, #tpu.memory_space<hbm>>
      %dma_wait3A_728 = tpu.memref_slice %arg6[%arg0, %run_scoped3A_665, %mul3A_664] : memref<2x16x10240xf32, #tpu.memory_space<hbm>> -> memref<1x1x640xf32, #tpu.memory_space<hbm>>
      %dma_wait3A_729 = tpu.memref_squeeze %dma_wait3A_728 : memref<1x1x640xf32, #tpu.memory_space<hbm>> -> memref<640xf32, #tpu.memory_space<hbm>>
      tpu.wait_dma2 semaphore(%run_scoped3A_721 : memref<!tpu.dma_semaphore, #tpu.memory_space<semaphore_mem>>) src(%dma_wait3A_729 : memref<640xf32, #tpu.memory_space<hbm>>) dst(%arg16 : memref<640xf32, #tpu.memory_space<vmem>>)
      tpu.yield
    }) : () -> ()
    %scan3A_666 = arith.constant 0 : i32
    %scan3A_667 = arith.constant 40 : i32
    %scan3A_668 = arith.addi %scan3A_666, %scan3A_667 : i32
    %scan3A_669 = arith.constant 1 : i32
    scf.for %scan3A_721 = %scan3A_666 to %scan3A_668 step %scan3A_669  : i32 {
      %mul3A_722 = arith.constant 1 : i32
      %mul3A_723 = arith.muli %scan3A_721, %mul3A_722 : i32
      %add3A_724 = arith.constant 0 : i32
      %add3A_725 = arith.addi %add3A_724, %mul3A_723 : i32
      %mul3A_726 = arith.constant 16 : i32
      %mul3A_727 = arith.muli %add3A_725, %mul3A_726 : i32
      %get3A_728 = arith.index_cast %mul3A_727 : i32 to index
      %get3A_729 = tpu.vector_load %arg17[%get3A_728] {strides = array<i32>} : memref<640xf32, #tpu.memory_space<vmem>>, vector<16xf32>,
      %get3A_730 = arith.index_cast %mul3A_727 : i32 to index
      %get3A_731 = tpu.vector_load %arg16[%get3A_730] {strides = array<i32>} : memref<640xf32, #tpu.memory_space<vmem>>, vector<16xf32>,
      %add3A_732 = arith.addf %get3A_729, %get3A_731 : vector<16xf32>
      %swap3A = arith.index_cast %mul3A_727 : i32 to index
      %swap3A_733 = tpu.vector_load %arg17[%swap3A] {strides = array<i32>} : memref<640xf32, #tpu.memory_space<vmem>>, vector<16xf32>,
      tpu.vector_store %arg17[%swap3A], %add3A_732 {strides = array<i32>} : memref<640xf32, #tpu.memory_space<vmem>>, vector<16xf32>,
    }
    %scan3A_670 = arith.constant 40 : i32
    %mul3A_671 = arith.constant 640 : i32
    %mul3A_672 = arith.muli %arg1, %mul3A_671 : i32
    %run_scoped3A_673 = arith.constant 10 : i32
    "tpu.region"() ({
      %run_scoped3A_721 = tpu.sem_alloc : memref<!tpu.dma_semaphore, #tpu.memory_space<semaphore_mem>>
      %dma_start3A_722 = tpu.memref_slice %arg6[%arg0, %run_scoped3A_673, %mul3A_672] : memref<2x16x10240xf32, #tpu.memory_space<hbm>> -> memref<1x1x640xf32, #tpu.memory_space<hbm>>
      %dma_start3A_723 = tpu.memref_squeeze %dma_start3A_722 : memref<1x1x640xf32, #tpu.memory_space<hbm>> -> memref<640xf32, #tpu.memory_space<hbm>>
      %dma_start3A_724 = tpu.memref_slice %arg6[%arg0, %run_scoped3A_673, %mul3A_672] : memref<2x16x10240xf32, #tpu.memory_space<hbm>> -> memref<1x1x640xf32, #tpu.memory_space<hbm>>
      %dma_start3A_725 = tpu.memref_squeeze %dma_start3A_724 : memref<1x1x640xf32, #tpu.memory_space<hbm>> -> memref<640xf32, #tpu.memory_space<hbm>>
      tpu.enqueue_dma source(%dma_start3A_725 : memref<640xf32, #tpu.memory_space<hbm>>) target(%arg16 : memref<640xf32, #tpu.memory_space<vmem>>) target_semaphore(%run_scoped3A_721 : memref<!tpu.dma_semaphore, #tpu.memory_space<semaphore_mem>>)
      %dma_wait3A_726 = tpu.memref_slice %arg6[%arg0, %run_scoped3A_673, %mul3A_672] : memref<2x16x10240xf32, #tpu.memory_space<hbm>> -> memref<1x1x640xf32, #tpu.memory_space<hbm>>
      %dma_wait3A_727 = tpu.memref_squeeze %dma_wait3A_726 : memref<1x1x640xf32, #tpu.memory_space<hbm>> -> memref<640xf32, #tpu.memory_space<hbm>>
      %dma_wait3A_728 = tpu.memref_slice %arg6[%arg0, %run_scoped3A_673, %mul3A_672] : memref<2x16x10240xf32, #tpu.memory_space<hbm>> -> memref<1x1x640xf32, #tpu.memory_space<hbm>>
      %dma_wait3A_729 = tpu.memref_squeeze %dma_wait3A_728 : memref<1x1x640xf32, #tpu.memory_space<hbm>> -> memref<640xf32, #tpu.memory_space<hbm>>
      tpu.wait_dma2 semaphore(%run_scoped3A_721 : memref<!tpu.dma_semaphore, #tpu.memory_space<semaphore_mem>>) src(%dma_wait3A_729 : memref<640xf32, #tpu.memory_space<hbm>>) dst(%arg16 : memref<640xf32, #tpu.memory_space<vmem>>)
      tpu.yield
    }) : () -> ()
    %scan3A_674 = arith.constant 0 : i32
    %scan3A_675 = arith.constant 40 : i32
    %scan3A_676 = arith.addi %scan3A_674, %scan3A_675 : i32
    %scan3A_677 = arith.constant 1 : i32
    scf.for %scan3A_721 = %scan3A_674 to %scan3A_676 step %scan3A_677  : i32 {
      %mul3A_722 = arith.constant 1 : i32
      %mul3A_723 = arith.muli %scan3A_721, %mul3A_722 : i32
      %add3A_724 = arith.constant 0 : i32
      %add3A_725 = arith.addi %add3A_724, %mul3A_723 : i32
      %mul3A_726 = arith.constant 16 : i32
      %mul3A_727 = arith.muli %add3A_725, %mul3A_726 : i32
      %get3A_728 = arith.index_cast %mul3A_727 : i32 to index
      %get3A_729 = tpu.vector_load %arg17[%get3A_728] {strides = array<i32>} : memref<640xf32, #tpu.memory_space<vmem>>, vector<16xf32>,
      %get3A_730 = arith.index_cast %mul3A_727 : i32 to index
      %get3A_731 = tpu.vector_load %arg16[%get3A_730] {strides = array<i32>} : memref<640xf32, #tpu.memory_space<vmem>>, vector<16xf32>,
      %add3A_732 = arith.addf %get3A_729, %get3A_731 : vector<16xf32>
      %swap3A = arith.index_cast %mul3A_727 : i32 to index
      %swap3A_733 = tpu.vector_load %arg17[%swap3A] {strides = array<i32>} : memref<640xf32, #tpu.memory_space<vmem>>, vector<16xf32>,
      tpu.vector_store %arg17[%swap3A], %add3A_732 {strides = array<i32>} : memref<640xf32, #tpu.memory_space<vmem>>, vector<16xf32>,
    }
    %scan3A_678 = arith.constant 40 : i32
    %mul3A_679 = arith.constant 640 : i32
    %mul3A_680 = arith.muli %arg1, %mul3A_679 : i32
    %run_scoped3A_681 = arith.constant 11 : i32
    "tpu.region"() ({
      %run_scoped3A_721 = tpu.sem_alloc : memref<!tpu.dma_semaphore, #tpu.memory_space<semaphore_mem>>
      %dma_start3A_722 = tpu.memref_slice %arg6[%arg0, %run_scoped3A_681, %mul3A_680] : memref<2x16x10240xf32, #tpu.memory_space<hbm>> -> memref<1x1x640xf32, #tpu.memory_space<hbm>>
      %dma_start3A_723 = tpu.memref_squeeze %dma_start3A_722 : memref<1x1x640xf32, #tpu.memory_space<hbm>> -> memref<640xf32, #tpu.memory_space<hbm>>
      %dma_start3A_724 = tpu.memref_slice %arg6[%arg0, %run_scoped3A_681, %mul3A_680] : memref<2x16x10240xf32, #tpu.memory_space<hbm>> -> memref<1x1x640xf32, #tpu.memory_space<hbm>>
      %dma_start3A_725 = tpu.memref_squeeze %dma_start3A_724 : memref<1x1x640xf32, #tpu.memory_space<hbm>> -> memref<640xf32, #tpu.memory_space<hbm>>
      tpu.enqueue_dma source(%dma_start3A_725 : memref<640xf32, #tpu.memory_space<hbm>>) target(%arg16 : memref<640xf32, #tpu.memory_space<vmem>>) target_semaphore(%run_scoped3A_721 : memref<!tpu.dma_semaphore, #tpu.memory_space<semaphore_mem>>)
      %dma_wait3A_726 = tpu.memref_slice %arg6[%arg0, %run_scoped3A_681, %mul3A_680] : memref<2x16x10240xf32, #tpu.memory_space<hbm>> -> memref<1x1x640xf32, #tpu.memory_space<hbm>>
      %dma_wait3A_727 = tpu.memref_squeeze %dma_wait3A_726 : memref<1x1x640xf32, #tpu.memory_space<hbm>> -> memref<640xf32, #tpu.memory_space<hbm>>
      %dma_wait3A_728 = tpu.memref_slice %arg6[%arg0, %run_scoped3A_681, %mul3A_680] : memref<2x16x10240xf32, #tpu.memory_space<hbm>> -> memref<1x1x640xf32, #tpu.memory_space<hbm>>
      %dma_wait3A_729 = tpu.memref_squeeze %dma_wait3A_728 : memref<1x1x640xf32, #tpu.memory_space<hbm>> -> memref<640xf32, #tpu.memory_space<hbm>>
      tpu.wait_dma2 semaphore(%run_scoped3A_721 : memref<!tpu.dma_semaphore, #tpu.memory_space<semaphore_mem>>) src(%dma_wait3A_729 : memref<640xf32, #tpu.memory_space<hbm>>) dst(%arg16 : memref<640xf32, #tpu.memory_space<vmem>>)
      tpu.yield
    }) : () -> ()
    %scan3A_682 = arith.constant 0 : i32
    %scan3A_683 = arith.constant 40 : i32
    %scan3A_684 = arith.addi %scan3A_682, %scan3A_683 : i32
    %scan3A_685 = arith.constant 1 : i32
    scf.for %scan3A_721 = %scan3A_682 to %scan3A_684 step %scan3A_685  : i32 {
      %mul3A_722 = arith.constant 1 : i32
      %mul3A_723 = arith.muli %scan3A_721, %mul3A_722 : i32
      %add3A_724 = arith.constant 0 : i32
      %add3A_725 = arith.addi %add3A_724, %mul3A_723 : i32
      %mul3A_726 = arith.constant 16 : i32
      %mul3A_727 = arith.muli %add3A_725, %mul3A_726 : i32
      %get3A_728 = arith.index_cast %mul3A_727 : i32 to index
      %get3A_729 = tpu.vector_load %arg17[%get3A_728] {strides = array<i32>} : memref<640xf32, #tpu.memory_space<vmem>>, vector<16xf32>,
      %get3A_730 = arith.index_cast %mul3A_727 : i32 to index
      %get3A_731 = tpu.vector_load %arg16[%get3A_730] {strides = array<i32>} : memref<640xf32, #tpu.memory_space<vmem>>, vector<16xf32>,
      %add3A_732 = arith.addf %get3A_729, %get3A_731 : vector<16xf32>
      %swap3A = arith.index_cast %mul3A_727 : i32 to index
      %swap3A_733 = tpu.vector_load %arg17[%swap3A] {strides = array<i32>} : memref<640xf32, #tpu.memory_space<vmem>>, vector<16xf32>,
      tpu.vector_store %arg17[%swap3A], %add3A_732 {strides = array<i32>} : memref<640xf32, #tpu.memory_space<vmem>>, vector<16xf32>,
    }
    %scan3A_686 = arith.constant 40 : i32
    %mul3A_687 = arith.constant 640 : i32
    %mul3A_688 = arith.muli %arg1, %mul3A_687 : i32
    %run_scoped3A_689 = arith.constant 12 : i32
    "tpu.region"() ({
      %run_scoped3A_721 = tpu.sem_alloc : memref<!tpu.dma_semaphore, #tpu.memory_space<semaphore_mem>>
      %dma_start3A_722 = tpu.memref_slice %arg6[%arg0, %run_scoped3A_689, %mul3A_688] : memref<2x16x10240xf32, #tpu.memory_space<hbm>> -> memref<1x1x640xf32, #tpu.memory_space<hbm>>
      %dma_start3A_723 = tpu.memref_squeeze %dma_start3A_722 : memref<1x1x640xf32, #tpu.memory_space<hbm>> -> memref<640xf32, #tpu.memory_space<hbm>>
      %dma_start3A_724 = tpu.memref_slice %arg6[%arg0, %run_scoped3A_689, %mul3A_688] : memref<2x16x10240xf32, #tpu.memory_space<hbm>> -> memref<1x1x640xf32, #tpu.memory_space<hbm>>
      %dma_start3A_725 = tpu.memref_squeeze %dma_start3A_724 : memref<1x1x640xf32, #tpu.memory_space<hbm>> -> memref<640xf32, #tpu.memory_space<hbm>>
      tpu.enqueue_dma source(%dma_start3A_725 : memref<640xf32, #tpu.memory_space<hbm>>) target(%arg16 : memref<640xf32, #tpu.memory_space<vmem>>) target_semaphore(%run_scoped3A_721 : memref<!tpu.dma_semaphore, #tpu.memory_space<semaphore_mem>>)
      %dma_wait3A_726 = tpu.memref_slice %arg6[%arg0, %run_scoped3A_689, %mul3A_688] : memref<2x16x10240xf32, #tpu.memory_space<hbm>> -> memref<1x1x640xf32, #tpu.memory_space<hbm>>
      %dma_wait3A_727 = tpu.memref_squeeze %dma_wait3A_726 : memref<1x1x640xf32, #tpu.memory_space<hbm>> -> memref<640xf32, #tpu.memory_space<hbm>>
      %dma_wait3A_728 = tpu.memref_slice %arg6[%arg0, %run_scoped3A_689, %mul3A_688] : memref<2x16x10240xf32, #tpu.memory_space<hbm>> -> memref<1x1x640xf32, #tpu.memory_space<hbm>>
      %dma_wait3A_729 = tpu.memref_squeeze %dma_wait3A_728 : memref<1x1x640xf32, #tpu.memory_space<hbm>> -> memref<640xf32, #tpu.memory_space<hbm>>
      tpu.wait_dma2 semaphore(%run_scoped3A_721 : memref<!tpu.dma_semaphore, #tpu.memory_space<semaphore_mem>>) src(%dma_wait3A_729 : memref<640xf32, #tpu.memory_space<hbm>>) dst(%arg16 : memref<640xf32, #tpu.memory_space<vmem>>)
      tpu.yield
    }) : () -> ()
    %scan3A_690 = arith.constant 0 : i32
    %scan3A_691 = arith.constant 40 : i32
    %scan3A_692 = arith.addi %scan3A_690, %scan3A_691 : i32
    %scan3A_693 = arith.constant 1 : i32
    scf.for %scan3A_721 = %scan3A_690 to %scan3A_692 step %scan3A_693  : i32 {
      %mul3A_722 = arith.constant 1 : i32
      %mul3A_723 = arith.muli %scan3A_721, %mul3A_722 : i32
      %add3A_724 = arith.constant 0 : i32
      %add3A_725 = arith.addi %add3A_724, %mul3A_723 : i32
      %mul3A_726 = arith.constant 16 : i32
      %mul3A_727 = arith.muli %add3A_725, %mul3A_726 : i32
      %get3A_728 = arith.index_cast %mul3A_727 : i32 to index
      %get3A_729 = tpu.vector_load %arg17[%get3A_728] {strides = array<i32>} : memref<640xf32, #tpu.memory_space<vmem>>, vector<16xf32>,
      %get3A_730 = arith.index_cast %mul3A_727 : i32 to index
      %get3A_731 = tpu.vector_load %arg16[%get3A_730] {strides = array<i32>} : memref<640xf32, #tpu.memory_space<vmem>>, vector<16xf32>,
      %add3A_732 = arith.addf %get3A_729, %get3A_731 : vector<16xf32>
      %swap3A = arith.index_cast %mul3A_727 : i32 to index
      %swap3A_733 = tpu.vector_load %arg17[%swap3A] {strides = array<i32>} : memref<640xf32, #tpu.memory_space<vmem>>, vector<16xf32>,
      tpu.vector_store %arg17[%swap3A], %add3A_732 {strides = array<i32>} : memref<640xf32, #tpu.memory_space<vmem>>, vector<16xf32>,
    }
    %scan3A_694 = arith.constant 40 : i32
    %mul3A_695 = arith.constant 640 : i32
    %mul3A_696 = arith.muli %arg1, %mul3A_695 : i32
    %run_scoped3A_697 = arith.constant 13 : i32
    "tpu.region"() ({
      %run_scoped3A_721 = tpu.sem_alloc : memref<!tpu.dma_semaphore, #tpu.memory_space<semaphore_mem>>
      %dma_start3A_722 = tpu.memref_slice %arg6[%arg0, %run_scoped3A_697, %mul3A_696] : memref<2x16x10240xf32, #tpu.memory_space<hbm>> -> memref<1x1x640xf32, #tpu.memory_space<hbm>>
      %dma_start3A_723 = tpu.memref_squeeze %dma_start3A_722 : memref<1x1x640xf32, #tpu.memory_space<hbm>> -> memref<640xf32, #tpu.memory_space<hbm>>
      %dma_start3A_724 = tpu.memref_slice %arg6[%arg0, %run_scoped3A_697, %mul3A_696] : memref<2x16x10240xf32, #tpu.memory_space<hbm>> -> memref<1x1x640xf32, #tpu.memory_space<hbm>>
      %dma_start3A_725 = tpu.memref_squeeze %dma_start3A_724 : memref<1x1x640xf32, #tpu.memory_space<hbm>> -> memref<640xf32, #tpu.memory_space<hbm>>
      tpu.enqueue_dma source(%dma_start3A_725 : memref<640xf32, #tpu.memory_space<hbm>>) target(%arg16 : memref<640xf32, #tpu.memory_space<vmem>>) target_semaphore(%run_scoped3A_721 : memref<!tpu.dma_semaphore, #tpu.memory_space<semaphore_mem>>)
      %dma_wait3A_726 = tpu.memref_slice %arg6[%arg0, %run_scoped3A_697, %mul3A_696] : memref<2x16x10240xf32, #tpu.memory_space<hbm>> -> memref<1x1x640xf32, #tpu.memory_space<hbm>>
      %dma_wait3A_727 = tpu.memref_squeeze %dma_wait3A_726 : memref<1x1x640xf32, #tpu.memory_space<hbm>> -> memref<640xf32, #tpu.memory_space<hbm>>
      %dma_wait3A_728 = tpu.memref_slice %arg6[%arg0, %run_scoped3A_697, %mul3A_696] : memref<2x16x10240xf32, #tpu.memory_space<hbm>> -> memref<1x1x640xf32, #tpu.memory_space<hbm>>
      %dma_wait3A_729 = tpu.memref_squeeze %dma_wait3A_728 : memref<1x1x640xf32, #tpu.memory_space<hbm>> -> memref<640xf32, #tpu.memory_space<hbm>>
      tpu.wait_dma2 semaphore(%run_scoped3A_721 : memref<!tpu.dma_semaphore, #tpu.memory_space<semaphore_mem>>) src(%dma_wait3A_729 : memref<640xf32, #tpu.memory_space<hbm>>) dst(%arg16 : memref<640xf32, #tpu.memory_space<vmem>>)
      tpu.yield
    }) : () -> ()
    %scan3A_698 = arith.constant 0 : i32
    %scan3A_699 = arith.constant 40 : i32
    %scan3A_700 = arith.addi %scan3A_698, %scan3A_699 : i32
    %scan3A_701 = arith.constant 1 : i32
    scf.for %scan3A_721 = %scan3A_698 to %scan3A_700 step %scan3A_701  : i32 {
      %mul3A_722 = arith.constant 1 : i32
      %mul3A_723 = arith.muli %scan3A_721, %mul3A_722 : i32
      %add3A_724 = arith.constant 0 : i32
      %add3A_725 = arith.addi %add3A_724, %mul3A_723 : i32
      %mul3A_726 = arith.constant 16 : i32
      %mul3A_727 = arith.muli %add3A_725, %mul3A_726 : i32
      %get3A_728 = arith.index_cast %mul3A_727 : i32 to index
      %get3A_729 = tpu.vector_load %arg17[%get3A_728] {strides = array<i32>} : memref<640xf32, #tpu.memory_space<vmem>>, vector<16xf32>,
      %get3A_730 = arith.index_cast %mul3A_727 : i32 to index
      %get3A_731 = tpu.vector_load %arg16[%get3A_730] {strides = array<i32>} : memref<640xf32, #tpu.memory_space<vmem>>, vector<16xf32>,
      %add3A_732 = arith.addf %get3A_729, %get3A_731 : vector<16xf32>
      %swap3A = arith.index_cast %mul3A_727 : i32 to index
      %swap3A_733 = tpu.vector_load %arg17[%swap3A] {strides = array<i32>} : memref<640xf32, #tpu.memory_space<vmem>>, vector<16xf32>,
      tpu.vector_store %arg17[%swap3A], %add3A_732 {strides = array<i32>} : memref<640xf32, #tpu.memory_space<vmem>>, vector<16xf32>,
    }
    %scan3A_702 = arith.constant 40 : i32
    %mul3A_703 = arith.constant 640 : i32
    %mul3A_704 = arith.muli %arg1, %mul3A_703 : i32
    %run_scoped3A_705 = arith.constant 14 : i32
    "tpu.region"() ({
      %run_scoped3A_721 = tpu.sem_alloc : memref<!tpu.dma_semaphore, #tpu.memory_space<semaphore_mem>>
      %dma_start3A_722 = tpu.memref_slice %arg6[%arg0, %run_scoped3A_705, %mul3A_704] : memref<2x16x10240xf32, #tpu.memory_space<hbm>> -> memref<1x1x640xf32, #tpu.memory_space<hbm>>
      %dma_start3A_723 = tpu.memref_squeeze %dma_start3A_722 : memref<1x1x640xf32, #tpu.memory_space<hbm>> -> memref<640xf32, #tpu.memory_space<hbm>>
      %dma_start3A_724 = tpu.memref_slice %arg6[%arg0, %run_scoped3A_705, %mul3A_704] : memref<2x16x10240xf32, #tpu.memory_space<hbm>> -> memref<1x1x640xf32, #tpu.memory_space<hbm>>
      %dma_start3A_725 = tpu.memref_squeeze %dma_start3A_724 : memref<1x1x640xf32, #tpu.memory_space<hbm>> -> memref<640xf32, #tpu.memory_space<hbm>>
      tpu.enqueue_dma source(%dma_start3A_725 : memref<640xf32, #tpu.memory_space<hbm>>) target(%arg16 : memref<640xf32, #tpu.memory_space<vmem>>) target_semaphore(%run_scoped3A_721 : memref<!tpu.dma_semaphore, #tpu.memory_space<semaphore_mem>>)
      %dma_wait3A_726 = tpu.memref_slice %arg6[%arg0, %run_scoped3A_705, %mul3A_704] : memref<2x16x10240xf32, #tpu.memory_space<hbm>> -> memref<1x1x640xf32, #tpu.memory_space<hbm>>
      %dma_wait3A_727 = tpu.memref_squeeze %dma_wait3A_726 : memref<1x1x640xf32, #tpu.memory_space<hbm>> -> memref<640xf32, #tpu.memory_space<hbm>>
      %dma_wait3A_728 = tpu.memref_slice %arg6[%arg0, %run_scoped3A_705, %mul3A_704] : memref<2x16x10240xf32, #tpu.memory_space<hbm>> -> memref<1x1x640xf32, #tpu.memory_space<hbm>>
      %dma_wait3A_729 = tpu.memref_squeeze %dma_wait3A_728 : memref<1x1x640xf32, #tpu.memory_space<hbm>> -> memref<640xf32, #tpu.memory_space<hbm>>
      tpu.wait_dma2 semaphore(%run_scoped3A_721 : memref<!tpu.dma_semaphore, #tpu.memory_space<semaphore_mem>>) src(%dma_wait3A_729 : memref<640xf32, #tpu.memory_space<hbm>>) dst(%arg16 : memref<640xf32, #tpu.memory_space<vmem>>)
      tpu.yield
    }) : () -> ()
    %scan3A_706 = arith.constant 0 : i32
    %scan3A_707 = arith.constant 40 : i32
    %scan3A_708 = arith.addi %scan3A_706, %scan3A_707 : i32
    %scan3A_709 = arith.constant 1 : i32
    scf.for %scan3A_721 = %scan3A_706 to %scan3A_708 step %scan3A_709  : i32 {
      %mul3A_722 = arith.constant 1 : i32
      %mul3A_723 = arith.muli %scan3A_721, %mul3A_722 : i32
      %add3A_724 = arith.constant 0 : i32
      %add3A_725 = arith.addi %add3A_724, %mul3A_723 : i32
      %mul3A_726 = arith.constant 16 : i32
      %mul3A_727 = arith.muli %add3A_725, %mul3A_726 : i32
      %get3A_728 = arith.index_cast %mul3A_727 : i32 to index
      %get3A_729 = tpu.vector_load %arg17[%get3A_728] {strides = array<i32>} : memref<640xf32, #tpu.memory_space<vmem>>, vector<16xf32>,
      %get3A_730 = arith.index_cast %mul3A_727 : i32 to index
      %get3A_731 = tpu.vector_load %arg16[%get3A_730] {strides = array<i32>} : memref<640xf32, #tpu.memory_space<vmem>>, vector<16xf32>,
      %add3A_732 = arith.addf %get3A_729, %get3A_731 : vector<16xf32>
      %swap3A = arith.index_cast %mul3A_727 : i32 to index
      %swap3A_733 = tpu.vector_load %arg17[%swap3A] {strides = array<i32>} : memref<640xf32, #tpu.memory_space<vmem>>, vector<16xf32>,
      tpu.vector_store %arg17[%swap3A], %add3A_732 {strides = array<i32>} : memref<640xf32, #tpu.memory_space<vmem>>, vector<16xf32>,
    }
    %scan3A_710 = arith.constant 40 : i32
    %mul3A_711 = arith.constant 640 : i32
    %mul3A_712 = arith.muli %arg1, %mul3A_711 : i32
    %run_scoped3A_713 = arith.constant 15 : i32
    "tpu.region"() ({
      %run_scoped3A_721 = tpu.sem_alloc : memref<!tpu.dma_semaphore, #tpu.memory_space<semaphore_mem>>
      %dma_start3A_722 = tpu.memref_slice %arg6[%arg0, %run_scoped3A_713, %mul3A_712] : memref<2x16x10240xf32, #tpu.memory_space<hbm>> -> memref<1x1x640xf32, #tpu.memory_space<hbm>>
      %dma_start3A_723 = tpu.memref_squeeze %dma_start3A_722 : memref<1x1x640xf32, #tpu.memory_space<hbm>> -> memref<640xf32, #tpu.memory_space<hbm>>
      %dma_start3A_724 = tpu.memref_slice %arg6[%arg0, %run_scoped3A_713, %mul3A_712] : memref<2x16x10240xf32, #tpu.memory_space<hbm>> -> memref<1x1x640xf32, #tpu.memory_space<hbm>>
      %dma_start3A_725 = tpu.memref_squeeze %dma_start3A_724 : memref<1x1x640xf32, #tpu.memory_space<hbm>> -> memref<640xf32, #tpu.memory_space<hbm>>
      tpu.enqueue_dma source(%dma_start3A_725 : memref<640xf32, #tpu.memory_space<hbm>>) target(%arg16 : memref<640xf32, #tpu.memory_space<vmem>>) target_semaphore(%run_scoped3A_721 : memref<!tpu.dma_semaphore, #tpu.memory_space<semaphore_mem>>)
      %dma_wait3A_726 = tpu.memref_slice %arg6[%arg0, %run_scoped3A_713, %mul3A_712] : memref<2x16x10240xf32, #tpu.memory_space<hbm>> -> memref<1x1x640xf32, #tpu.memory_space<hbm>>
      %dma_wait3A_727 = tpu.memref_squeeze %dma_wait3A_726 : memref<1x1x640xf32, #tpu.memory_space<hbm>> -> memref<640xf32, #tpu.memory_space<hbm>>
      %dma_wait3A_728 = tpu.memref_slice %arg6[%arg0, %run_scoped3A_713, %mul3A_712] : memref<2x16x10240xf32, #tpu.memory_space<hbm>> -> memref<1x1x640xf32, #tpu.memory_space<hbm>>
      %dma_wait3A_729 = tpu.memref_squeeze %dma_wait3A_728 : memref<1x1x640xf32, #tpu.memory_space<hbm>> -> memref<640xf32, #tpu.memory_space<hbm>>
      tpu.wait_dma2 semaphore(%run_scoped3A_721 : memref<!tpu.dma_semaphore, #tpu.memory_space<semaphore_mem>>) src(%dma_wait3A_729 : memref<640xf32, #tpu.memory_space<hbm>>) dst(%arg16 : memref<640xf32, #tpu.memory_space<vmem>>)
      tpu.yield
    }) : () -> ()
    %scan3A_714 = arith.constant 0 : i32
    %scan3A_715 = arith.constant 40 : i32
    %scan3A_716 = arith.addi %scan3A_714, %scan3A_715 : i32
    %scan3A_717 = arith.constant 1 : i32
    scf.for %scan3A_721 = %scan3A_714 to %scan3A_716 step %scan3A_717  : i32 {
      %mul3A_722 = arith.constant 1 : i32
      %mul3A_723 = arith.muli %scan3A_721, %mul3A_722 : i32
      %add3A_724 = arith.constant 0 : i32
      %add3A_725 = arith.addi %add3A_724, %mul3A_723 : i32
      %mul3A_726 = arith.constant 16 : i32
      %mul3A_727 = arith.muli %add3A_725, %mul3A_726 : i32
      %get3A_728 = arith.index_cast %mul3A_727 : i32 to index
      %get3A_729 = tpu.vector_load %arg17[%get3A_728] {strides = array<i32>} : memref<640xf32, #tpu.memory_space<vmem>>, vector<16xf32>,
      %get3A_730 = arith.index_cast %mul3A_727 : i32 to index
      %get3A_731 = tpu.vector_load %arg16[%get3A_730] {strides = array<i32>} : memref<640xf32, #tpu.memory_space<vmem>>, vector<16xf32>,
      %add3A_732 = arith.addf %get3A_729, %get3A_731 : vector<16xf32>
      %swap3A = arith.index_cast %mul3A_727 : i32 to index
      %swap3A_733 = tpu.vector_load %arg17[%swap3A] {strides = array<i32>} : memref<640xf32, #tpu.memory_space<vmem>>, vector<16xf32>,
      tpu.vector_store %arg17[%swap3A], %add3A_732 {strides = array<i32>} : memref<640xf32, #tpu.memory_space<vmem>>, vector<16xf32>,
    }
    %scan3A_718 = arith.constant 40 : i32
    %mul3A_719 = arith.constant 640 : i32
    %mul3A_720 = arith.muli %arg1, %mul3A_719 : i32
    "tpu.region"() ({
      %run_scoped3A_721 = tpu.sem_alloc : memref<!tpu.dma_semaphore, #tpu.memory_space<semaphore_mem>>
      %dma_start3A_722 = tpu.memref_slice %arg7[%arg0, %mul3A_720] : memref<2x10240xf32, #tpu.memory_space<hbm>> -> memref<1x640xf32, #tpu.memory_space<hbm>>
      %dma_start3A_723 = tpu.memref_squeeze %dma_start3A_722 : memref<1x640xf32, #tpu.memory_space<hbm>> -> memref<640xf32, #tpu.memory_space<hbm>>
      %dma_start3A_724 = tpu.memref_slice %arg7[%arg0, %mul3A_720] : memref<2x10240xf32, #tpu.memory_space<hbm>> -> memref<1x640xf32, #tpu.memory_space<hbm>>
      %dma_start3A_725 = tpu.memref_squeeze %dma_start3A_724 : memref<1x640xf32, #tpu.memory_space<hbm>> -> memref<640xf32, #tpu.memory_space<hbm>>
      tpu.enqueue_dma source(%arg17 : memref<640xf32, #tpu.memory_space<vmem>>) target(%dma_start3A_725 : memref<640xf32, #tpu.memory_space<hbm>>) target_semaphore(%run_scoped3A_721 : memref<!tpu.dma_semaphore, #tpu.memory_space<semaphore_mem>>)
      %dma_wait3A_726 = tpu.memref_slice %arg7[%arg0, %mul3A_720] : memref<2x10240xf32, #tpu.memory_space<hbm>> -> memref<1x640xf32, #tpu.memory_space<hbm>>
      %dma_wait3A_727 = tpu.memref_squeeze %dma_wait3A_726 : memref<1x640xf32, #tpu.memory_space<hbm>> -> memref<640xf32, #tpu.memory_space<hbm>>
      %dma_wait3A_728 = tpu.memref_slice %arg7[%arg0, %mul3A_720] : memref<2x10240xf32, #tpu.memory_space<hbm>> -> memref<1x640xf32, #tpu.memory_space<hbm>>
      %dma_wait3A_729 = tpu.memref_squeeze %dma_wait3A_728 : memref<1x640xf32, #tpu.memory_space<hbm>> -> memref<640xf32, #tpu.memory_space<hbm>>
      tpu.wait_dma2 semaphore(%run_scoped3A_721 : memref<!tpu.dma_semaphore, #tpu.memory_space<semaphore_mem>>) src(%arg17 : memref<640xf32, #tpu.memory_space<vmem>>) dst(%dma_wait3A_729 : memref<640xf32, #tpu.memory_space<hbm>>)
      tpu.yield
    }) : () -> ()
    return
  }
}

#map = affine_map<(d0, d1) -> (0, 0)>
#map1 = affine_map<(d0, d1) -> (0)>
#map2 = affine_map<(d0, d1) -> (0, 0, 0)>
module attributes {stable_mosaic.version = 14 : i64} {
  func.func @agg(%arg0: i32, %arg1: i32, %arg2: memref<10000x64xf32, #tpu.memory_space<hbm>>, %arg3: memref<640000xi32, #tpu.memory_space<hbm>>, %arg4: memref<10240x64xf32, #tpu.memory_space<hbm>>, %arg5: memref<2x10240x64xf32, #tpu.memory_space<hbm>>, %arg6: memref<10000xi32, #tpu.memory_space<vmem>>, %arg7: memref<4x80xi32, #tpu.memory_space<vmem>>, %arg8: memref<3x80x64xf32, #tpu.memory_space<vmem>>, %arg9: memref<10240x64xf32, #tpu.memory_space<vmem_shared>>, %arg10: memref<3x!tpu.dma_semaphore, #tpu.memory_space<semaphore_mem>>, %arg11: memref<3x!tpu.dma_semaphore, #tpu.memory_space<semaphore_mem>>, %arg12: memref<4x!tpu.dma_semaphore, #tpu.memory_space<semaphore_mem>>) attributes {dimension_semantics = [#tpu.dimension_semantics<core_parallel>, #tpu.dimension_semantics<subcore_parallel>], iteration_bounds = array<i64: 2, 16>, scalar_prefetch = 0 : i64, scratch_operands = 7 : i64, tpu.core_type = #tpu.core_type<sc_vector_subcore>, window_params = [{transform_indices = #map}, {transform_indices = #map1}, {transform_indices = #map}, {transform_indices = #map2}]} {
    %mul3A = arith.constant 16 : i32
    %mul3A_0 = arith.muli %arg0, %mul3A : i32
    %add3A = arith.addi %mul3A_0, %arg1 : i32
    %mul3A_1 = arith.constant 10000 : i32
    %mul3A_2 = arith.muli %add3A, %mul3A_1 : i32
    "tpu.region"() ({
      %run_scoped3A = tpu.sem_alloc : memref<!tpu.dma_semaphore, #tpu.memory_space<semaphore_mem>>
      %dma_start3A_484 = tpu.memref_slice %arg3[%mul3A_2] : memref<640000xi32, #tpu.memory_space<hbm>> -> memref<10000xi32, #tpu.memory_space<hbm>>
      %dma_start3A_485 = tpu.memref_slice %arg3[%mul3A_2] : memref<640000xi32, #tpu.memory_space<hbm>> -> memref<10000xi32, #tpu.memory_space<hbm>>
      tpu.enqueue_dma source(%dma_start3A_485 : memref<10000xi32, #tpu.memory_space<hbm>>) target(%arg6 : memref<10000xi32, #tpu.memory_space<vmem>>) target_semaphore(%run_scoped3A : memref<!tpu.dma_semaphore, #tpu.memory_space<semaphore_mem>>)
      %dma_wait3A_486 = tpu.memref_slice %arg3[%mul3A_2] : memref<640000xi32, #tpu.memory_space<hbm>> -> memref<10000xi32, #tpu.memory_space<hbm>>
      %dma_wait3A_487 = tpu.memref_slice %arg3[%mul3A_2] : memref<640000xi32, #tpu.memory_space<hbm>> -> memref<10000xi32, #tpu.memory_space<hbm>>
      tpu.wait_dma2 semaphore(%run_scoped3A : memref<!tpu.dma_semaphore, #tpu.memory_space<semaphore_mem>>) src(%dma_wait3A_487 : memref<10000xi32, #tpu.memory_space<hbm>>) dst(%arg6 : memref<10000xi32, #tpu.memory_space<vmem>>)
      tpu.yield
    }) : () -> ()
    %mul3A_3 = arith.constant 640 : i32
    %mul3A_4 = arith.muli %arg1, %mul3A_3 : i32
    %mul3A_5 = arith.constant 640 : i32
    %mul3A_6 = arith.muli %arg1, %mul3A_5 : i32
    "tpu.region"() ({
      %run_scoped3A = tpu.sem_alloc : memref<!tpu.dma_semaphore, #tpu.memory_space<semaphore_mem>>
      %dma_start3A_484 = arith.constant 0 : i32
      %dma_start3A_485 = tpu.memref_slice %arg9[%mul3A_6, %dma_start3A_484] : memref<10240x64xf32, #tpu.memory_space<vmem_shared>> -> memref<640x64xf32, #tpu.memory_space<vmem_shared>>
      %dma_start3A_486 = arith.constant 0 : i32
      %dma_start3A_487 = tpu.memref_slice %arg4[%mul3A_4, %dma_start3A_486] : memref<10240x64xf32, #tpu.memory_space<hbm>> -> memref<640x64xf32, #tpu.memory_space<hbm>>
      tpu.enqueue_dma source(%dma_start3A_487 : memref<640x64xf32, #tpu.memory_space<hbm>>) target(%dma_start3A_485 : memref<640x64xf32, #tpu.memory_space<vmem_shared>>) target_semaphore(%run_scoped3A : memref<!tpu.dma_semaphore, #tpu.memory_space<semaphore_mem>>)
      %dma_wait3A_488 = arith.constant 0 : i32
      %dma_wait3A_489 = tpu.memref_slice %arg9[%mul3A_6, %dma_wait3A_488] : memref<10240x64xf32, #tpu.memory_space<vmem_shared>> -> memref<640x64xf32, #tpu.memory_space<vmem_shared>>
      %dma_wait3A_490 = arith.constant 0 : i32
      %dma_wait3A_491 = tpu.memref_slice %arg4[%mul3A_4, %dma_wait3A_490] : memref<10240x64xf32, #tpu.memory_space<hbm>> -> memref<640x64xf32, #tpu.memory_space<hbm>>
      tpu.wait_dma2 semaphore(%run_scoped3A : memref<!tpu.dma_semaphore, #tpu.memory_space<semaphore_mem>>) src(%dma_wait3A_491 : memref<640x64xf32, #tpu.memory_space<hbm>>) dst(%dma_wait3A_489 : memref<640x64xf32, #tpu.memory_space<vmem_shared>>)
      tpu.yield
    }) : () -> ()
    %barrier3A = arith.constant 0 : index
    tpu.barrier barrier_id(%barrier3A)
    %add3A_7 = arith.constant 320000 : i32
    %add3A_8 = arith.addi %add3A_7, %mul3A_2 : i32
    %add3A_9 = arith.constant 0 : i32
    %add3A_10 = arith.addi %add3A_8, %add3A_9 : i32
    %dma_start3A = arith.constant 0 : i32
    %dma_start3A_11 = arith.constant 0 : i32
    %dma_start3A_12 = arith.constant 0 : i32
    %dma_start3A_13 = tpu.memref_slice %arg7[%dma_start3A, %dma_start3A_12] : memref<4x80xi32, #tpu.memory_space<vmem>> -> memref<1x80xi32, #tpu.memory_space<vmem>>
    %dma_start3A_14 = tpu.memref_squeeze %dma_start3A_13 : memref<1x80xi32, #tpu.memory_space<vmem>> -> memref<80xi32, #tpu.memory_space<vmem>>
    %dma_start3A_15 = tpu.memref_slice %arg3[%add3A_10] : memref<640000xi32, #tpu.memory_space<hbm>> -> memref<80xi32, #tpu.memory_space<hbm>>
    %dma_start3A_16 = tpu.memref_slice %arg12[%dma_start3A_11] : memref<4x!tpu.dma_semaphore, #tpu.memory_space<semaphore_mem>> -> memref<1x!tpu.dma_semaphore, #tpu.memory_space<semaphore_mem>>
    %dma_start3A_17 = tpu.memref_squeeze %dma_start3A_16 : memref<1x!tpu.dma_semaphore, #tpu.memory_space<semaphore_mem>> -> memref<!tpu.dma_semaphore, #tpu.memory_space<semaphore_mem>>
    %dma_start3A_18 = arith.constant 0 : i32
    %dma_start3A_19 = tpu.memref_slice %arg7[%dma_start3A, %dma_start3A_18] : memref<4x80xi32, #tpu.memory_space<vmem>> -> memref<1x80xi32, #tpu.memory_space<vmem>>
    %dma_start3A_20 = tpu.memref_squeeze %dma_start3A_19 : memref<1x80xi32, #tpu.memory_space<vmem>> -> memref<80xi32, #tpu.memory_space<vmem>>
    %dma_start3A_21 = tpu.memref_slice %arg3[%add3A_10] : memref<640000xi32, #tpu.memory_space<hbm>> -> memref<80xi32, #tpu.memory_space<hbm>>
    tpu.enqueue_dma source(%dma_start3A_21 : memref<80xi32, #tpu.memory_space<hbm>>) target(%dma_start3A_20 : memref<80xi32, #tpu.memory_space<vmem>>) target_semaphore(%dma_start3A_17 : memref<!tpu.dma_semaphore, #tpu.memory_space<semaphore_mem>>)
    %add3A_22 = arith.constant 320000 : i32
    %add3A_23 = arith.addi %add3A_22, %mul3A_2 : i32
    %add3A_24 = arith.constant 80 : i32
    %add3A_25 = arith.addi %add3A_23, %add3A_24 : i32
    %dma_start3A_26 = arith.constant 1 : i32
    %dma_start3A_27 = arith.constant 1 : i32
    %dma_start3A_28 = arith.constant 0 : i32
    %dma_start3A_29 = tpu.memref_slice %arg7[%dma_start3A_26, %dma_start3A_28] : memref<4x80xi32, #tpu.memory_space<vmem>> -> memref<1x80xi32, #tpu.memory_space<vmem>>
    %dma_start3A_30 = tpu.memref_squeeze %dma_start3A_29 : memref<1x80xi32, #tpu.memory_space<vmem>> -> memref<80xi32, #tpu.memory_space<vmem>>
    %dma_start3A_31 = tpu.memref_slice %arg3[%add3A_25] : memref<640000xi32, #tpu.memory_space<hbm>> -> memref<80xi32, #tpu.memory_space<hbm>>
    %dma_start3A_32 = tpu.memref_slice %arg12[%dma_start3A_27] : memref<4x!tpu.dma_semaphore, #tpu.memory_space<semaphore_mem>> -> memref<1x!tpu.dma_semaphore, #tpu.memory_space<semaphore_mem>>
    %dma_start3A_33 = tpu.memref_squeeze %dma_start3A_32 : memref<1x!tpu.dma_semaphore, #tpu.memory_space<semaphore_mem>> -> memref<!tpu.dma_semaphore, #tpu.memory_space<semaphore_mem>>
    %dma_start3A_34 = arith.constant 0 : i32
    %dma_start3A_35 = tpu.memref_slice %arg7[%dma_start3A_26, %dma_start3A_34] : memref<4x80xi32, #tpu.memory_space<vmem>> -> memref<1x80xi32, #tpu.memory_space<vmem>>
    %dma_start3A_36 = tpu.memref_squeeze %dma_start3A_35 : memref<1x80xi32, #tpu.memory_space<vmem>> -> memref<80xi32, #tpu.memory_space<vmem>>
    %dma_start3A_37 = tpu.memref_slice %arg3[%add3A_25] : memref<640000xi32, #tpu.memory_space<hbm>> -> memref<80xi32, #tpu.memory_space<hbm>>
    tpu.enqueue_dma source(%dma_start3A_37 : memref<80xi32, #tpu.memory_space<hbm>>) target(%dma_start3A_36 : memref<80xi32, #tpu.memory_space<vmem>>) target_semaphore(%dma_start3A_33 : memref<!tpu.dma_semaphore, #tpu.memory_space<semaphore_mem>>)
    %dma_start3A_38 = arith.constant 0 : i32
    %dma_start3A_39 = arith.constant 0 : i32
    %dma_start3A_40 = arith.constant 0 : i32
    %dma_start3A_41 = arith.constant 0 : i32
    %dma_start3A_42 = tpu.memref_slice %arg8[%dma_start3A_38, %dma_start3A_40, %dma_start3A_41] : memref<3x80x64xf32, #tpu.memory_space<vmem>> -> memref<1x80x64xf32, #tpu.memory_space<vmem>>
    %dma_start3A_43 = tpu.memref_squeeze %dma_start3A_42 : memref<1x80x64xf32, #tpu.memory_space<vmem>> -> memref<80x64xf32, #tpu.memory_space<vmem>>
    %dma_start3A_44 = arith.constant 0 : i32
    %dma_start3A_45 = tpu.memref_slice %arg6[%dma_start3A_44] : memref<10000xi32, #tpu.memory_space<vmem>> -> memref<80xi32, #tpu.memory_space<vmem>>
    %dma_start3A_46 = arith.constant 0 : i32
    %dma_start3A_47 = arith.constant 0 : i32
    %dma_start3A_48 = tpu.memref_slice %arg2[%dma_start3A_46, %dma_start3A_47] : memref<10000x64xf32, #tpu.memory_space<hbm>> -> memref<10000x64xf32, #tpu.memory_space<hbm>>
    %dma_start3A_49 = tpu.memref_slice %arg10[%dma_start3A_39] : memref<3x!tpu.dma_semaphore, #tpu.memory_space<semaphore_mem>> -> memref<1x!tpu.dma_semaphore, #tpu.memory_space<semaphore_mem>>
    %dma_start3A_50 = tpu.memref_squeeze %dma_start3A_49 : memref<1x!tpu.dma_semaphore, #tpu.memory_space<semaphore_mem>> -> memref<!tpu.dma_semaphore, #tpu.memory_space<semaphore_mem>>
    tpu.enqueue_indirect_dma source(%dma_start3A_48 : memref<10000x64xf32, #tpu.memory_space<hbm>>) target(%dma_start3A_43 : memref<80x64xf32, #tpu.memory_space<vmem>>) offsets(%dma_start3A_45 : memref<80xi32, #tpu.memory_space<vmem>>) semaphore(%dma_start3A_50 : memref<!tpu.dma_semaphore, #tpu.memory_space<semaphore_mem>>)
    %dma_wait3A = arith.constant 0 : i32
    %dma_wait3A_51 = arith.constant 0 : i32
    %dma_wait3A_52 = arith.constant 0 : i32
    %dma_wait3A_53 = arith.constant 0 : i32
    %dma_wait3A_54 = tpu.memref_slice %arg8[%dma_wait3A, %dma_wait3A_52, %dma_wait3A_53] : memref<3x80x64xf32, #tpu.memory_space<vmem>> -> memref<1x80x64xf32, #tpu.memory_space<vmem>>
    %dma_wait3A_55 = tpu.memref_squeeze %dma_wait3A_54 : memref<1x80x64xf32, #tpu.memory_space<vmem>> -> memref<80x64xf32, #tpu.memory_space<vmem>>
    %dma_wait3A_56 = arith.constant 0 : i32
    %dma_wait3A_57 = arith.constant 0 : i32
    %dma_wait3A_58 = tpu.memref_slice %arg2[%dma_wait3A_56, %dma_wait3A_57] : memref<10000x64xf32, #tpu.memory_space<hbm>> -> memref<80x64xf32, #tpu.memory_space<hbm>>
    %dma_wait3A_59 = tpu.memref_slice %arg10[%dma_wait3A_51] : memref<3x!tpu.dma_semaphore, #tpu.memory_space<semaphore_mem>> -> memref<1x!tpu.dma_semaphore, #tpu.memory_space<semaphore_mem>>
    %dma_wait3A_60 = tpu.memref_squeeze %dma_wait3A_59 : memref<1x!tpu.dma_semaphore, #tpu.memory_space<semaphore_mem>> -> memref<!tpu.dma_semaphore, #tpu.memory_space<semaphore_mem>>
    %dma_wait3A_61 = arith.constant 0 : i32
    %dma_wait3A_62 = arith.constant 0 : i32
    %dma_wait3A_63 = tpu.memref_slice %arg8[%dma_wait3A, %dma_wait3A_61, %dma_wait3A_62] : memref<3x80x64xf32, #tpu.memory_space<vmem>> -> memref<1x80x64xf32, #tpu.memory_space<vmem>>
    %dma_wait3A_64 = tpu.memref_squeeze %dma_wait3A_63 : memref<1x80x64xf32, #tpu.memory_space<vmem>> -> memref<80x64xf32, #tpu.memory_space<vmem>>
    %dma_wait3A_65 = arith.constant 0 : i32
    %dma_wait3A_66 = arith.constant 0 : i32
    %dma_wait3A_67 = tpu.memref_slice %arg2[%dma_wait3A_65, %dma_wait3A_66] : memref<10000x64xf32, #tpu.memory_space<hbm>> -> memref<80x64xf32, #tpu.memory_space<hbm>>
    tpu.wait_dma2 semaphore(%dma_wait3A_60 : memref<!tpu.dma_semaphore, #tpu.memory_space<semaphore_mem>>) src(%dma_wait3A_67 : memref<80x64xf32, #tpu.memory_space<hbm>>) dst(%dma_wait3A_64 : memref<80x64xf32, #tpu.memory_space<vmem>>)
    %dma_wait3A_68 = arith.constant 0 : i32
    %dma_wait3A_69 = arith.constant 0 : i32
    %dma_wait3A_70 = arith.constant 0 : i32
    %dma_wait3A_71 = tpu.memref_slice %arg7[%dma_wait3A_68, %dma_wait3A_70] : memref<4x80xi32, #tpu.memory_space<vmem>> -> memref<1x80xi32, #tpu.memory_space<vmem>>
    %dma_wait3A_72 = tpu.memref_squeeze %dma_wait3A_71 : memref<1x80xi32, #tpu.memory_space<vmem>> -> memref<80xi32, #tpu.memory_space<vmem>>
    %dma_wait3A_73 = arith.constant 0 : i32
    %dma_wait3A_74 = tpu.memref_slice %arg3[%dma_wait3A_73] : memref<640000xi32, #tpu.memory_space<hbm>> -> memref<80xi32, #tpu.memory_space<hbm>>
    %dma_wait3A_75 = tpu.memref_slice %arg12[%dma_wait3A_69] : memref<4x!tpu.dma_semaphore, #tpu.memory_space<semaphore_mem>> -> memref<1x!tpu.dma_semaphore, #tpu.memory_space<semaphore_mem>>
    %dma_wait3A_76 = tpu.memref_squeeze %dma_wait3A_75 : memref<1x!tpu.dma_semaphore, #tpu.memory_space<semaphore_mem>> -> memref<!tpu.dma_semaphore, #tpu.memory_space<semaphore_mem>>
    %dma_wait3A_77 = arith.constant 0 : i32
    %dma_wait3A_78 = tpu.memref_slice %arg7[%dma_wait3A_68, %dma_wait3A_77] : memref<4x80xi32, #tpu.memory_space<vmem>> -> memref<1x80xi32, #tpu.memory_space<vmem>>
    %dma_wait3A_79 = tpu.memref_squeeze %dma_wait3A_78 : memref<1x80xi32, #tpu.memory_space<vmem>> -> memref<80xi32, #tpu.memory_space<vmem>>
    %dma_wait3A_80 = arith.constant 0 : i32
    %dma_wait3A_81 = tpu.memref_slice %arg3[%dma_wait3A_80] : memref<640000xi32, #tpu.memory_space<hbm>> -> memref<80xi32, #tpu.memory_space<hbm>>
    tpu.wait_dma2 semaphore(%dma_wait3A_76 : memref<!tpu.dma_semaphore, #tpu.memory_space<semaphore_mem>>) src(%dma_wait3A_81 : memref<80xi32, #tpu.memory_space<hbm>>) dst(%dma_wait3A_79 : memref<80xi32, #tpu.memory_space<vmem>>)
    %dma_start3A_82 = arith.constant 0 : i32
    %dma_start3A_83 = arith.constant 0 : i32
    %dma_start3A_84 = arith.constant 0 : i32
    %dma_start3A_85 = arith.constant 0 : i32
    %dma_start3A_86 = arith.constant 0 : i32
    %dma_start3A_87 = tpu.memref_slice %arg8[%dma_start3A_82, %dma_start3A_85, %dma_start3A_86] : memref<3x80x64xf32, #tpu.memory_space<vmem>> -> memref<1x80x64xf32, #tpu.memory_space<vmem>>
    %dma_start3A_88 = tpu.memref_squeeze %dma_start3A_87 : memref<1x80x64xf32, #tpu.memory_space<vmem>> -> memref<80x64xf32, #tpu.memory_space<vmem>>
    %dma_start3A_89 = arith.constant 0 : i32
    %dma_start3A_90 = tpu.memref_slice %arg7[%dma_start3A_83, %dma_start3A_89] : memref<4x80xi32, #tpu.memory_space<vmem>> -> memref<1x80xi32, #tpu.memory_space<vmem>>
    %dma_start3A_91 = tpu.memref_squeeze %dma_start3A_90 : memref<1x80xi32, #tpu.memory_space<vmem>> -> memref<80xi32, #tpu.memory_space<vmem>>
    %dma_start3A_92 = arith.constant 0 : i32
    %dma_start3A_93 = arith.constant 0 : i32
    %dma_start3A_94 = tpu.memref_slice %arg9[%dma_start3A_92, %dma_start3A_93] : memref<10240x64xf32, #tpu.memory_space<vmem_shared>> -> memref<10240x64xf32, #tpu.memory_space<vmem_shared>>
    %dma_start3A_95 = tpu.memref_slice %arg11[%dma_start3A_84] : memref<3x!tpu.dma_semaphore, #tpu.memory_space<semaphore_mem>> -> memref<1x!tpu.dma_semaphore, #tpu.memory_space<semaphore_mem>>
    %dma_start3A_96 = tpu.memref_squeeze %dma_start3A_95 : memref<1x!tpu.dma_semaphore, #tpu.memory_space<semaphore_mem>> -> memref<!tpu.dma_semaphore, #tpu.memory_space<semaphore_mem>>
    tpu.enqueue_indirect_dma source(%dma_start3A_88 : memref<80x64xf32, #tpu.memory_space<vmem>>) target(%dma_start3A_94 : memref<10240x64xf32, #tpu.memory_space<vmem_shared>>) offsets(%dma_start3A_91 : memref<80xi32, #tpu.memory_space<vmem>>) semaphore(%dma_start3A_96 : memref<!tpu.dma_semaphore, #tpu.memory_space<semaphore_mem>>) {add = true}
    %dma_start3A_97 = arith.constant 1 : i32
    %dma_start3A_98 = arith.constant 1 : i32
    %dma_start3A_99 = arith.constant 0 : i32
    %dma_start3A_100 = arith.constant 0 : i32
    %dma_start3A_101 = tpu.memref_slice %arg8[%dma_start3A_97, %dma_start3A_99, %dma_start3A_100] : memref<3x80x64xf32, #tpu.memory_space<vmem>> -> memref<1x80x64xf32, #tpu.memory_space<vmem>>
    %dma_start3A_102 = tpu.memref_squeeze %dma_start3A_101 : memref<1x80x64xf32, #tpu.memory_space<vmem>> -> memref<80x64xf32, #tpu.memory_space<vmem>>
    %dma_start3A_103 = arith.constant 80 : i32
    %dma_start3A_104 = tpu.memref_slice %arg6[%dma_start3A_103] : memref<10000xi32, #tpu.memory_space<vmem>> -> memref<80xi32, #tpu.memory_space<vmem>>
    %dma_start3A_105 = arith.constant 0 : i32
    %dma_start3A_106 = arith.constant 0 : i32
    %dma_start3A_107 = tpu.memref_slice %arg2[%dma_start3A_105, %dma_start3A_106] : memref<10000x64xf32, #tpu.memory_space<hbm>> -> memref<10000x64xf32, #tpu.memory_space<hbm>>
    %dma_start3A_108 = tpu.memref_slice %arg10[%dma_start3A_98] : memref<3x!tpu.dma_semaphore, #tpu.memory_space<semaphore_mem>> -> memref<1x!tpu.dma_semaphore, #tpu.memory_space<semaphore_mem>>
    %dma_start3A_109 = tpu.memref_squeeze %dma_start3A_108 : memref<1x!tpu.dma_semaphore, #tpu.memory_space<semaphore_mem>> -> memref<!tpu.dma_semaphore, #tpu.memory_space<semaphore_mem>>
    tpu.enqueue_indirect_dma source(%dma_start3A_107 : memref<10000x64xf32, #tpu.memory_space<hbm>>) target(%dma_start3A_102 : memref<80x64xf32, #tpu.memory_space<vmem>>) offsets(%dma_start3A_104 : memref<80xi32, #tpu.memory_space<vmem>>) semaphore(%dma_start3A_109 : memref<!tpu.dma_semaphore, #tpu.memory_space<semaphore_mem>>)
    %add3A_110 = arith.constant 320000 : i32
    %add3A_111 = arith.addi %add3A_110, %mul3A_2 : i32
    %add3A_112 = arith.constant 160 : i32
    %add3A_113 = arith.addi %add3A_111, %add3A_112 : i32
    %dma_start3A_114 = arith.constant 2 : i32
    %dma_start3A_115 = arith.constant 2 : i32
    %dma_start3A_116 = arith.constant 0 : i32
    %dma_start3A_117 = tpu.memref_slice %arg7[%dma_start3A_114, %dma_start3A_116] : memref<4x80xi32, #tpu.memory_space<vmem>> -> memref<1x80xi32, #tpu.memory_space<vmem>>
    %dma_start3A_118 = tpu.memref_squeeze %dma_start3A_117 : memref<1x80xi32, #tpu.memory_space<vmem>> -> memref<80xi32, #tpu.memory_space<vmem>>
    %dma_start3A_119 = tpu.memref_slice %arg3[%add3A_113] : memref<640000xi32, #tpu.memory_space<hbm>> -> memref<80xi32, #tpu.memory_space<hbm>>
    %dma_start3A_120 = tpu.memref_slice %arg12[%dma_start3A_115] : memref<4x!tpu.dma_semaphore, #tpu.memory_space<semaphore_mem>> -> memref<1x!tpu.dma_semaphore, #tpu.memory_space<semaphore_mem>>
    %dma_start3A_121 = tpu.memref_squeeze %dma_start3A_120 : memref<1x!tpu.dma_semaphore, #tpu.memory_space<semaphore_mem>> -> memref<!tpu.dma_semaphore, #tpu.memory_space<semaphore_mem>>
    %dma_start3A_122 = arith.constant 0 : i32
    %dma_start3A_123 = tpu.memref_slice %arg7[%dma_start3A_114, %dma_start3A_122] : memref<4x80xi32, #tpu.memory_space<vmem>> -> memref<1x80xi32, #tpu.memory_space<vmem>>
    %dma_start3A_124 = tpu.memref_squeeze %dma_start3A_123 : memref<1x80xi32, #tpu.memory_space<vmem>> -> memref<80xi32, #tpu.memory_space<vmem>>
    %dma_start3A_125 = tpu.memref_slice %arg3[%add3A_113] : memref<640000xi32, #tpu.memory_space<hbm>> -> memref<80xi32, #tpu.memory_space<hbm>>
    tpu.enqueue_dma source(%dma_start3A_125 : memref<80xi32, #tpu.memory_space<hbm>>) target(%dma_start3A_124 : memref<80xi32, #tpu.memory_space<vmem>>) target_semaphore(%dma_start3A_121 : memref<!tpu.dma_semaphore, #tpu.memory_space<semaphore_mem>>)
    %dma_wait3A_126 = arith.constant 0 : i32
    %dma_wait3A_127 = arith.constant 1 : i32
    %dma_wait3A_128 = arith.constant 0 : i32
    %dma_wait3A_129 = arith.constant 0 : i32
    %dma_wait3A_130 = tpu.memref_slice %arg8[%dma_wait3A_126, %dma_wait3A_128, %dma_wait3A_129] : memref<3x80x64xf32, #tpu.memory_space<vmem>> -> memref<1x80x64xf32, #tpu.memory_space<vmem>>
    %dma_wait3A_131 = tpu.memref_squeeze %dma_wait3A_130 : memref<1x80x64xf32, #tpu.memory_space<vmem>> -> memref<80x64xf32, #tpu.memory_space<vmem>>
    %dma_wait3A_132 = arith.constant 0 : i32
    %dma_wait3A_133 = arith.constant 0 : i32
    %dma_wait3A_134 = tpu.memref_slice %arg2[%dma_wait3A_132, %dma_wait3A_133] : memref<10000x64xf32, #tpu.memory_space<hbm>> -> memref<80x64xf32, #tpu.memory_space<hbm>>
    %dma_wait3A_135 = tpu.memref_slice %arg10[%dma_wait3A_127] : memref<3x!tpu.dma_semaphore, #tpu.memory_space<semaphore_mem>> -> memref<1x!tpu.dma_semaphore, #tpu.memory_space<semaphore_mem>>
    %dma_wait3A_136 = tpu.memref_squeeze %dma_wait3A_135 : memref<1x!tpu.dma_semaphore, #tpu.memory_space<semaphore_mem>> -> memref<!tpu.dma_semaphore, #tpu.memory_space<semaphore_mem>>
    %dma_wait3A_137 = arith.constant 0 : i32
    %dma_wait3A_138 = arith.constant 0 : i32
    %dma_wait3A_139 = tpu.memref_slice %arg8[%dma_wait3A_126, %dma_wait3A_137, %dma_wait3A_138] : memref<3x80x64xf32, #tpu.memory_space<vmem>> -> memref<1x80x64xf32, #tpu.memory_space<vmem>>
    %dma_wait3A_140 = tpu.memref_squeeze %dma_wait3A_139 : memref<1x80x64xf32, #tpu.memory_space<vmem>> -> memref<80x64xf32, #tpu.memory_space<vmem>>
    %dma_wait3A_141 = arith.constant 0 : i32
    %dma_wait3A_142 = arith.constant 0 : i32
    %dma_wait3A_143 = tpu.memref_slice %arg2[%dma_wait3A_141, %dma_wait3A_142] : memref<10000x64xf32, #tpu.memory_space<hbm>> -> memref<80x64xf32, #tpu.memory_space<hbm>>
    tpu.wait_dma2 semaphore(%dma_wait3A_136 : memref<!tpu.dma_semaphore, #tpu.memory_space<semaphore_mem>>) src(%dma_wait3A_143 : memref<80x64xf32, #tpu.memory_space<hbm>>) dst(%dma_wait3A_140 : memref<80x64xf32, #tpu.memory_space<vmem>>)
    %dma_wait3A_144 = arith.constant 0 : i32
    %dma_wait3A_145 = arith.constant 1 : i32
    %dma_wait3A_146 = arith.constant 0 : i32
    %dma_wait3A_147 = tpu.memref_slice %arg7[%dma_wait3A_144, %dma_wait3A_146] : memref<4x80xi32, #tpu.memory_space<vmem>> -> memref<1x80xi32, #tpu.memory_space<vmem>>
    %dma_wait3A_148 = tpu.memref_squeeze %dma_wait3A_147 : memref<1x80xi32, #tpu.memory_space<vmem>> -> memref<80xi32, #tpu.memory_space<vmem>>
    %dma_wait3A_149 = arith.constant 0 : i32
    %dma_wait3A_150 = tpu.memref_slice %arg3[%dma_wait3A_149] : memref<640000xi32, #tpu.memory_space<hbm>> -> memref<80xi32, #tpu.memory_space<hbm>>
    %dma_wait3A_151 = tpu.memref_slice %arg12[%dma_wait3A_145] : memref<4x!tpu.dma_semaphore, #tpu.memory_space<semaphore_mem>> -> memref<1x!tpu.dma_semaphore, #tpu.memory_space<semaphore_mem>>
    %dma_wait3A_152 = tpu.memref_squeeze %dma_wait3A_151 : memref<1x!tpu.dma_semaphore, #tpu.memory_space<semaphore_mem>> -> memref<!tpu.dma_semaphore, #tpu.memory_space<semaphore_mem>>
    %dma_wait3A_153 = arith.constant 0 : i32
    %dma_wait3A_154 = tpu.memref_slice %arg7[%dma_wait3A_144, %dma_wait3A_153] : memref<4x80xi32, #tpu.memory_space<vmem>> -> memref<1x80xi32, #tpu.memory_space<vmem>>
    %dma_wait3A_155 = tpu.memref_squeeze %dma_wait3A_154 : memref<1x80xi32, #tpu.memory_space<vmem>> -> memref<80xi32, #tpu.memory_space<vmem>>
    %dma_wait3A_156 = arith.constant 0 : i32
    %dma_wait3A_157 = tpu.memref_slice %arg3[%dma_wait3A_156] : memref<640000xi32, #tpu.memory_space<hbm>> -> memref<80xi32, #tpu.memory_space<hbm>>
    tpu.wait_dma2 semaphore(%dma_wait3A_152 : memref<!tpu.dma_semaphore, #tpu.memory_space<semaphore_mem>>) src(%dma_wait3A_157 : memref<80xi32, #tpu.memory_space<hbm>>) dst(%dma_wait3A_155 : memref<80xi32, #tpu.memory_space<vmem>>)
    %dma_start3A_158 = arith.constant 1 : i32
    %dma_start3A_159 = arith.constant 1 : i32
    %dma_start3A_160 = arith.constant 1 : i32
    %dma_start3A_161 = arith.constant 0 : i32
    %dma_start3A_162 = arith.constant 0 : i32
    %dma_start3A_163 = tpu.memref_slice %arg8[%dma_start3A_158, %dma_start3A_161, %dma_start3A_162] : memref<3x80x64xf32, #tpu.memory_space<vmem>> -> memref<1x80x64xf32, #tpu.memory_space<vmem>>
    %dma_start3A_164 = tpu.memref_squeeze %dma_start3A_163 : memref<1x80x64xf32, #tpu.memory_space<vmem>> -> memref<80x64xf32, #tpu.memory_space<vmem>>
    %dma_start3A_165 = arith.constant 0 : i32
    %dma_start3A_166 = tpu.memref_slice %arg7[%dma_start3A_159, %dma_start3A_165] : memref<4x80xi32, #tpu.memory_space<vmem>> -> memref<1x80xi32, #tpu.memory_space<vmem>>
    %dma_start3A_167 = tpu.memref_squeeze %dma_start3A_166 : memref<1x80xi32, #tpu.memory_space<vmem>> -> memref<80xi32, #tpu.memory_space<vmem>>
    %dma_start3A_168 = arith.constant 0 : i32
    %dma_start3A_169 = arith.constant 0 : i32
    %dma_start3A_170 = tpu.memref_slice %arg9[%dma_start3A_168, %dma_start3A_169] : memref<10240x64xf32, #tpu.memory_space<vmem_shared>> -> memref<10240x64xf32, #tpu.memory_space<vmem_shared>>
    %dma_start3A_171 = tpu.memref_slice %arg11[%dma_start3A_160] : memref<3x!tpu.dma_semaphore, #tpu.memory_space<semaphore_mem>> -> memref<1x!tpu.dma_semaphore, #tpu.memory_space<semaphore_mem>>
    %dma_start3A_172 = tpu.memref_squeeze %dma_start3A_171 : memref<1x!tpu.dma_semaphore, #tpu.memory_space<semaphore_mem>> -> memref<!tpu.dma_semaphore, #tpu.memory_space<semaphore_mem>>
    tpu.enqueue_indirect_dma source(%dma_start3A_164 : memref<80x64xf32, #tpu.memory_space<vmem>>) target(%dma_start3A_170 : memref<10240x64xf32, #tpu.memory_space<vmem_shared>>) offsets(%dma_start3A_167 : memref<80xi32, #tpu.memory_space<vmem>>) semaphore(%dma_start3A_172 : memref<!tpu.dma_semaphore, #tpu.memory_space<semaphore_mem>>) {add = true}
    %dma_start3A_173 = arith.constant 2 : i32
    %dma_start3A_174 = arith.constant 2 : i32
    %dma_start3A_175 = arith.constant 0 : i32
    %dma_start3A_176 = arith.constant 0 : i32
    %dma_start3A_177 = tpu.memref_slice %arg8[%dma_start3A_173, %dma_start3A_175, %dma_start3A_176] : memref<3x80x64xf32, #tpu.memory_space<vmem>> -> memref<1x80x64xf32, #tpu.memory_space<vmem>>
    %dma_start3A_178 = tpu.memref_squeeze %dma_start3A_177 : memref<1x80x64xf32, #tpu.memory_space<vmem>> -> memref<80x64xf32, #tpu.memory_space<vmem>>
    %dma_start3A_179 = arith.constant 160 : i32
    %dma_start3A_180 = tpu.memref_slice %arg6[%dma_start3A_179] : memref<10000xi32, #tpu.memory_space<vmem>> -> memref<80xi32, #tpu.memory_space<vmem>>
    %dma_start3A_181 = arith.constant 0 : i32
    %dma_start3A_182 = arith.constant 0 : i32
    %dma_start3A_183 = tpu.memref_slice %arg2[%dma_start3A_181, %dma_start3A_182] : memref<10000x64xf32, #tpu.memory_space<hbm>> -> memref<10000x64xf32, #tpu.memory_space<hbm>>
    %dma_start3A_184 = tpu.memref_slice %arg10[%dma_start3A_174] : memref<3x!tpu.dma_semaphore, #tpu.memory_space<semaphore_mem>> -> memref<1x!tpu.dma_semaphore, #tpu.memory_space<semaphore_mem>>
    %dma_start3A_185 = tpu.memref_squeeze %dma_start3A_184 : memref<1x!tpu.dma_semaphore, #tpu.memory_space<semaphore_mem>> -> memref<!tpu.dma_semaphore, #tpu.memory_space<semaphore_mem>>
    tpu.enqueue_indirect_dma source(%dma_start3A_183 : memref<10000x64xf32, #tpu.memory_space<hbm>>) target(%dma_start3A_178 : memref<80x64xf32, #tpu.memory_space<vmem>>) offsets(%dma_start3A_180 : memref<80xi32, #tpu.memory_space<vmem>>) semaphore(%dma_start3A_185 : memref<!tpu.dma_semaphore, #tpu.memory_space<semaphore_mem>>)
    %add3A_186 = arith.constant 320000 : i32
    %add3A_187 = arith.addi %add3A_186, %mul3A_2 : i32
    %add3A_188 = arith.constant 240 : i32
    %add3A_189 = arith.addi %add3A_187, %add3A_188 : i32
    %dma_start3A_190 = arith.constant 3 : i32
    %dma_start3A_191 = arith.constant 3 : i32
    %dma_start3A_192 = arith.constant 0 : i32
    %dma_start3A_193 = tpu.memref_slice %arg7[%dma_start3A_190, %dma_start3A_192] : memref<4x80xi32, #tpu.memory_space<vmem>> -> memref<1x80xi32, #tpu.memory_space<vmem>>
    %dma_start3A_194 = tpu.memref_squeeze %dma_start3A_193 : memref<1x80xi32, #tpu.memory_space<vmem>> -> memref<80xi32, #tpu.memory_space<vmem>>
    %dma_start3A_195 = tpu.memref_slice %arg3[%add3A_189] : memref<640000xi32, #tpu.memory_space<hbm>> -> memref<80xi32, #tpu.memory_space<hbm>>
    %dma_start3A_196 = tpu.memref_slice %arg12[%dma_start3A_191] : memref<4x!tpu.dma_semaphore, #tpu.memory_space<semaphore_mem>> -> memref<1x!tpu.dma_semaphore, #tpu.memory_space<semaphore_mem>>
    %dma_start3A_197 = tpu.memref_squeeze %dma_start3A_196 : memref<1x!tpu.dma_semaphore, #tpu.memory_space<semaphore_mem>> -> memref<!tpu.dma_semaphore, #tpu.memory_space<semaphore_mem>>
    %dma_start3A_198 = arith.constant 0 : i32
    %dma_start3A_199 = tpu.memref_slice %arg7[%dma_start3A_190, %dma_start3A_198] : memref<4x80xi32, #tpu.memory_space<vmem>> -> memref<1x80xi32, #tpu.memory_space<vmem>>
    %dma_start3A_200 = tpu.memref_squeeze %dma_start3A_199 : memref<1x80xi32, #tpu.memory_space<vmem>> -> memref<80xi32, #tpu.memory_space<vmem>>
    %dma_start3A_201 = tpu.memref_slice %arg3[%add3A_189] : memref<640000xi32, #tpu.memory_space<hbm>> -> memref<80xi32, #tpu.memory_space<hbm>>
    tpu.enqueue_dma source(%dma_start3A_201 : memref<80xi32, #tpu.memory_space<hbm>>) target(%dma_start3A_200 : memref<80xi32, #tpu.memory_space<vmem>>) target_semaphore(%dma_start3A_197 : memref<!tpu.dma_semaphore, #tpu.memory_space<semaphore_mem>>)
    %scan3A = arith.constant 0 : i32
    %scan3A_202 = arith.constant 120 : i32
    %scan3A_203 = arith.addi %scan3A, %scan3A_202 : i32
    %scan3A_204 = arith.constant 1 : i32
    scf.for %scan3A_484 = %scan3A to %scan3A_203 step %scan3A_204  : i32 {
      %mul3A_485 = arith.constant 1 : i32
      %mul3A_486 = arith.muli %scan3A_484, %mul3A_485 : i32
      %add3A_487 = arith.constant 2 : i32
      %add3A_488 = arith.addi %add3A_487, %mul3A_486 : i32
      %rem3A = arith.constant 3 : i32
      %rem3A_489 = arith.remsi %add3A_488, %rem3A : i32
      %rem3A_490 = arith.constant 4 : i32
      %rem3A_491 = arith.remsi %add3A_488, %rem3A_490 : i32
      %dma_wait3A_492 = arith.constant 0 : i32
      %dma_wait3A_493 = arith.constant 0 : i32
      %dma_wait3A_494 = arith.constant 0 : i32
      %dma_wait3A_495 = tpu.memref_slice %arg8[%dma_wait3A_492, %dma_wait3A_493, %dma_wait3A_494] : memref<3x80x64xf32, #tpu.memory_space<vmem>> -> memref<1x80x64xf32, #tpu.memory_space<vmem>>
      %dma_wait3A_496 = tpu.memref_squeeze %dma_wait3A_495 : memref<1x80x64xf32, #tpu.memory_space<vmem>> -> memref<80x64xf32, #tpu.memory_space<vmem>>
      %dma_wait3A_497 = arith.constant 0 : i32
      %dma_wait3A_498 = arith.constant 0 : i32
      %dma_wait3A_499 = tpu.memref_slice %arg2[%dma_wait3A_497, %dma_wait3A_498] : memref<10000x64xf32, #tpu.memory_space<hbm>> -> memref<80x64xf32, #tpu.memory_space<hbm>>
      %dma_wait3A_500 = tpu.memref_slice %arg10[%rem3A_489] : memref<3x!tpu.dma_semaphore, #tpu.memory_space<semaphore_mem>> -> memref<1x!tpu.dma_semaphore, #tpu.memory_space<semaphore_mem>>
      %dma_wait3A_501 = tpu.memref_squeeze %dma_wait3A_500 : memref<1x!tpu.dma_semaphore, #tpu.memory_space<semaphore_mem>> -> memref<!tpu.dma_semaphore, #tpu.memory_space<semaphore_mem>>
      %dma_wait3A_502 = arith.constant 0 : i32
      %dma_wait3A_503 = arith.constant 0 : i32
      %dma_wait3A_504 = tpu.memref_slice %arg8[%dma_wait3A_492, %dma_wait3A_502, %dma_wait3A_503] : memref<3x80x64xf32, #tpu.memory_space<vmem>> -> memref<1x80x64xf32, #tpu.memory_space<vmem>>
      %dma_wait3A_505 = tpu.memref_squeeze %dma_wait3A_504 : memref<1x80x64xf32, #tpu.memory_space<vmem>> -> memref<80x64xf32, #tpu.memory_space<vmem>>
      %dma_wait3A_506 = arith.constant 0 : i32
      %dma_wait3A_507 = arith.constant 0 : i32
      %dma_wait3A_508 = tpu.memref_slice %arg2[%dma_wait3A_506, %dma_wait3A_507] : memref<10000x64xf32, #tpu.memory_space<hbm>> -> memref<80x64xf32, #tpu.memory_space<hbm>>
      tpu.wait_dma2 semaphore(%dma_wait3A_501 : memref<!tpu.dma_semaphore, #tpu.memory_space<semaphore_mem>>) src(%dma_wait3A_508 : memref<80x64xf32, #tpu.memory_space<hbm>>) dst(%dma_wait3A_505 : memref<80x64xf32, #tpu.memory_space<vmem>>)
      %dma_wait3A_509 = arith.constant 0 : i32
      %dma_wait3A_510 = arith.constant 0 : i32
      %dma_wait3A_511 = tpu.memref_slice %arg7[%dma_wait3A_509, %dma_wait3A_510] : memref<4x80xi32, #tpu.memory_space<vmem>> -> memref<1x80xi32, #tpu.memory_space<vmem>>
      %dma_wait3A_512 = tpu.memref_squeeze %dma_wait3A_511 : memref<1x80xi32, #tpu.memory_space<vmem>> -> memref<80xi32, #tpu.memory_space<vmem>>
      %dma_wait3A_513 = arith.constant 0 : i32
      %dma_wait3A_514 = tpu.memref_slice %arg3[%dma_wait3A_513] : memref<640000xi32, #tpu.memory_space<hbm>> -> memref<80xi32, #tpu.memory_space<hbm>>
      %dma_wait3A_515 = tpu.memref_slice %arg12[%rem3A_491] : memref<4x!tpu.dma_semaphore, #tpu.memory_space<semaphore_mem>> -> memref<1x!tpu.dma_semaphore, #tpu.memory_space<semaphore_mem>>
      %dma_wait3A_516 = tpu.memref_squeeze %dma_wait3A_515 : memref<1x!tpu.dma_semaphore, #tpu.memory_space<semaphore_mem>> -> memref<!tpu.dma_semaphore, #tpu.memory_space<semaphore_mem>>
      %dma_wait3A_517 = arith.constant 0 : i32
      %dma_wait3A_518 = tpu.memref_slice %arg7[%dma_wait3A_509, %dma_wait3A_517] : memref<4x80xi32, #tpu.memory_space<vmem>> -> memref<1x80xi32, #tpu.memory_space<vmem>>
      %dma_wait3A_519 = tpu.memref_squeeze %dma_wait3A_518 : memref<1x80xi32, #tpu.memory_space<vmem>> -> memref<80xi32, #tpu.memory_space<vmem>>
      %dma_wait3A_520 = arith.constant 0 : i32
      %dma_wait3A_521 = tpu.memref_slice %arg3[%dma_wait3A_520] : memref<640000xi32, #tpu.memory_space<hbm>> -> memref<80xi32, #tpu.memory_space<hbm>>
      tpu.wait_dma2 semaphore(%dma_wait3A_516 : memref<!tpu.dma_semaphore, #tpu.memory_space<semaphore_mem>>) src(%dma_wait3A_521 : memref<80xi32, #tpu.memory_space<hbm>>) dst(%dma_wait3A_519 : memref<80xi32, #tpu.memory_space<vmem>>)
      %dma_start3A_522 = arith.constant 0 : i32
      %dma_start3A_523 = arith.constant 0 : i32
      %dma_start3A_524 = tpu.memref_slice %arg8[%rem3A_489, %dma_start3A_522, %dma_start3A_523] : memref<3x80x64xf32, #tpu.memory_space<vmem>> -> memref<1x80x64xf32, #tpu.memory_space<vmem>>
      %dma_start3A_525 = tpu.memref_squeeze %dma_start3A_524 : memref<1x80x64xf32, #tpu.memory_space<vmem>> -> memref<80x64xf32, #tpu.memory_space<vmem>>
      %dma_start3A_526 = arith.constant 0 : i32
      %dma_start3A_527 = tpu.memref_slice %arg7[%rem3A_491, %dma_start3A_526] : memref<4x80xi32, #tpu.memory_space<vmem>> -> memref<1x80xi32, #tpu.memory_space<vmem>>
      %dma_start3A_528 = tpu.memref_squeeze %dma_start3A_527 : memref<1x80xi32, #tpu.memory_space<vmem>> -> memref<80xi32, #tpu.memory_space<vmem>>
      %dma_start3A_529 = arith.constant 0 : i32
      %dma_start3A_530 = arith.constant 0 : i32
      %dma_start3A_531 = tpu.memref_slice %arg9[%dma_start3A_529, %dma_start3A_530] : memref<10240x64xf32, #tpu.memory_space<vmem_shared>> -> memref<10240x64xf32, #tpu.memory_space<vmem_shared>>
      %dma_start3A_532 = tpu.memref_slice %arg11[%rem3A_489] : memref<3x!tpu.dma_semaphore, #tpu.memory_space<semaphore_mem>> -> memref<1x!tpu.dma_semaphore, #tpu.memory_space<semaphore_mem>>
      %dma_start3A_533 = tpu.memref_squeeze %dma_start3A_532 : memref<1x!tpu.dma_semaphore, #tpu.memory_space<semaphore_mem>> -> memref<!tpu.dma_semaphore, #tpu.memory_space<semaphore_mem>>
      tpu.enqueue_indirect_dma source(%dma_start3A_525 : memref<80x64xf32, #tpu.memory_space<vmem>>) target(%dma_start3A_531 : memref<10240x64xf32, #tpu.memory_space<vmem_shared>>) offsets(%dma_start3A_528 : memref<80xi32, #tpu.memory_space<vmem>>) semaphore(%dma_start3A_533 : memref<!tpu.dma_semaphore, #tpu.memory_space<semaphore_mem>>) {add = true}
      %add3A_534 = arith.constant 1 : i32
      %add3A_535 = arith.addi %add3A_488, %add3A_534 : i32
      %rem3A_536 = arith.constant 3 : i32
      %rem3A_537 = arith.remsi %add3A_535, %rem3A_536 : i32
      %dma_wait3A_538 = arith.constant 0 : i32
      %dma_wait3A_539 = arith.constant 0 : i32
      %dma_wait3A_540 = arith.constant 0 : i32
      %dma_wait3A_541 = tpu.memref_slice %arg8[%dma_wait3A_538, %dma_wait3A_539, %dma_wait3A_540] : memref<3x80x64xf32, #tpu.memory_space<vmem>> -> memref<1x80x64xf32, #tpu.memory_space<vmem>>
      %dma_wait3A_542 = tpu.memref_squeeze %dma_wait3A_541 : memref<1x80x64xf32, #tpu.memory_space<vmem>> -> memref<80x64xf32, #tpu.memory_space<vmem>>
      %dma_wait3A_543 = arith.constant 0 : i32
      %dma_wait3A_544 = arith.constant 0 : i32
      %dma_wait3A_545 = tpu.memref_slice %arg2[%dma_wait3A_543, %dma_wait3A_544] : memref<10000x64xf32, #tpu.memory_space<hbm>> -> memref<80x64xf32, #tpu.memory_space<hbm>>
      %dma_wait3A_546 = tpu.memref_slice %arg11[%rem3A_537] : memref<3x!tpu.dma_semaphore, #tpu.memory_space<semaphore_mem>> -> memref<1x!tpu.dma_semaphore, #tpu.memory_space<semaphore_mem>>
      %dma_wait3A_547 = tpu.memref_squeeze %dma_wait3A_546 : memref<1x!tpu.dma_semaphore, #tpu.memory_space<semaphore_mem>> -> memref<!tpu.dma_semaphore, #tpu.memory_space<semaphore_mem>>
      %dma_wait3A_548 = arith.constant 0 : i32
      %dma_wait3A_549 = arith.constant 0 : i32
      %dma_wait3A_550 = tpu.memref_slice %arg8[%dma_wait3A_538, %dma_wait3A_548, %dma_wait3A_549] : memref<3x80x64xf32, #tpu.memory_space<vmem>> -> memref<1x80x64xf32, #tpu.memory_space<vmem>>
      %dma_wait3A_551 = tpu.memref_squeeze %dma_wait3A_550 : memref<1x80x64xf32, #tpu.memory_space<vmem>> -> memref<80x64xf32, #tpu.memory_space<vmem>>
      %dma_wait3A_552 = arith.constant 0 : i32
      %dma_wait3A_553 = arith.constant 0 : i32
      %dma_wait3A_554 = tpu.memref_slice %arg2[%dma_wait3A_552, %dma_wait3A_553] : memref<10000x64xf32, #tpu.memory_space<hbm>> -> memref<80x64xf32, #tpu.memory_space<hbm>>
      tpu.wait_dma2 semaphore(%dma_wait3A_547 : memref<!tpu.dma_semaphore, #tpu.memory_space<semaphore_mem>>) src(%dma_wait3A_554 : memref<80x64xf32, #tpu.memory_space<hbm>>) dst(%dma_wait3A_551 : memref<80x64xf32, #tpu.memory_space<vmem>>)
      %add3A_555 = arith.constant 1 : i32
      %add3A_556 = arith.addi %add3A_488, %add3A_555 : i32
      %mul3A_557 = arith.constant 80 : i32
      %mul3A_558 = arith.muli %add3A_556, %mul3A_557 : i32
      %dma_start3A_559 = arith.constant 0 : i32
      %dma_start3A_560 = arith.constant 0 : i32
      %dma_start3A_561 = tpu.memref_slice %arg8[%rem3A_537, %dma_start3A_559, %dma_start3A_560] : memref<3x80x64xf32, #tpu.memory_space<vmem>> -> memref<1x80x64xf32, #tpu.memory_space<vmem>>
      %dma_start3A_562 = tpu.memref_squeeze %dma_start3A_561 : memref<1x80x64xf32, #tpu.memory_space<vmem>> -> memref<80x64xf32, #tpu.memory_space<vmem>>
      %dma_start3A_563 = tpu.memref_slice %arg6[%mul3A_558] : memref<10000xi32, #tpu.memory_space<vmem>> -> memref<80xi32, #tpu.memory_space<vmem>>
      %dma_start3A_564 = arith.constant 0 : i32
      %dma_start3A_565 = arith.constant 0 : i32
      %dma_start3A_566 = tpu.memref_slice %arg2[%dma_start3A_564, %dma_start3A_565] : memref<10000x64xf32, #tpu.memory_space<hbm>> -> memref<10000x64xf32, #tpu.memory_space<hbm>>
      %dma_start3A_567 = tpu.memref_slice %arg10[%rem3A_537] : memref<3x!tpu.dma_semaphore, #tpu.memory_space<semaphore_mem>> -> memref<1x!tpu.dma_semaphore, #tpu.memory_space<semaphore_mem>>
      %dma_start3A_568 = tpu.memref_squeeze %dma_start3A_567 : memref<1x!tpu.dma_semaphore, #tpu.memory_space<semaphore_mem>> -> memref<!tpu.dma_semaphore, #tpu.memory_space<semaphore_mem>>
      tpu.enqueue_indirect_dma source(%dma_start3A_566 : memref<10000x64xf32, #tpu.memory_space<hbm>>) target(%dma_start3A_562 : memref<80x64xf32, #tpu.memory_space<vmem>>) offsets(%dma_start3A_563 : memref<80xi32, #tpu.memory_space<vmem>>) semaphore(%dma_start3A_568 : memref<!tpu.dma_semaphore, #tpu.memory_space<semaphore_mem>>)
      %add3A_569 = arith.constant 2 : i32
      %add3A_570 = arith.addi %add3A_488, %add3A_569 : i32
      %rem3A_571 = arith.constant 4 : i32
      %rem3A_572 = arith.remsi %add3A_570, %rem3A_571 : i32
      %add3A_573 = arith.constant 320000 : i32
      %add3A_574 = arith.addi %add3A_573, %mul3A_2 : i32
      %mul3A_575 = arith.constant 80 : i32
      %mul3A_576 = arith.muli %add3A_570, %mul3A_575 : i32
      %add3A_577 = arith.addi %add3A_574, %mul3A_576 : i32
      %dma_start3A_578 = arith.constant 0 : i32
      %dma_start3A_579 = tpu.memref_slice %arg7[%rem3A_572, %dma_start3A_578] : memref<4x80xi32, #tpu.memory_space<vmem>> -> memref<1x80xi32, #tpu.memory_space<vmem>>
      %dma_start3A_580 = tpu.memref_squeeze %dma_start3A_579 : memref<1x80xi32, #tpu.memory_space<vmem>> -> memref<80xi32, #tpu.memory_space<vmem>>
      %dma_start3A_581 = tpu.memref_slice %arg3[%add3A_577] : memref<640000xi32, #tpu.memory_space<hbm>> -> memref<80xi32, #tpu.memory_space<hbm>>
      %dma_start3A_582 = tpu.memref_slice %arg12[%rem3A_572] : memref<4x!tpu.dma_semaphore, #tpu.memory_space<semaphore_mem>> -> memref<1x!tpu.dma_semaphore, #tpu.memory_space<semaphore_mem>>
      %dma_start3A_583 = tpu.memref_squeeze %dma_start3A_582 : memref<1x!tpu.dma_semaphore, #tpu.memory_space<semaphore_mem>> -> memref<!tpu.dma_semaphore, #tpu.memory_space<semaphore_mem>>
      %dma_start3A_584 = arith.constant 0 : i32
      %dma_start3A_585 = tpu.memref_slice %arg7[%rem3A_572, %dma_start3A_584] : memref<4x80xi32, #tpu.memory_space<vmem>> -> memref<1x80xi32, #tpu.memory_space<vmem>>
      %dma_start3A_586 = tpu.memref_squeeze %dma_start3A_585 : memref<1x80xi32, #tpu.memory_space<vmem>> -> memref<80xi32, #tpu.memory_space<vmem>>
      %dma_start3A_587 = tpu.memref_slice %arg3[%add3A_577] : memref<640000xi32, #tpu.memory_space<hbm>> -> memref<80xi32, #tpu.memory_space<hbm>>
      tpu.enqueue_dma source(%dma_start3A_587 : memref<80xi32, #tpu.memory_space<hbm>>) target(%dma_start3A_586 : memref<80xi32, #tpu.memory_space<vmem>>) target_semaphore(%dma_start3A_583 : memref<!tpu.dma_semaphore, #tpu.memory_space<semaphore_mem>>)
    }
    %scan3A_205 = arith.constant 120 : i32
    %dma_wait3A_206 = arith.constant 0 : i32
    %dma_wait3A_207 = arith.constant 2 : i32
    %dma_wait3A_208 = arith.constant 0 : i32
    %dma_wait3A_209 = arith.constant 0 : i32
    %dma_wait3A_210 = tpu.memref_slice %arg8[%dma_wait3A_206, %dma_wait3A_208, %dma_wait3A_209] : memref<3x80x64xf32, #tpu.memory_space<vmem>> -> memref<1x80x64xf32, #tpu.memory_space<vmem>>
    %dma_wait3A_211 = tpu.memref_squeeze %dma_wait3A_210 : memref<1x80x64xf32, #tpu.memory_space<vmem>> -> memref<80x64xf32, #tpu.memory_space<vmem>>
    %dma_wait3A_212 = arith.constant 0 : i32
    %dma_wait3A_213 = arith.constant 0 : i32
    %dma_wait3A_214 = tpu.memref_slice %arg2[%dma_wait3A_212, %dma_wait3A_213] : memref<10000x64xf32, #tpu.memory_space<hbm>> -> memref<80x64xf32, #tpu.memory_space<hbm>>
    %dma_wait3A_215 = tpu.memref_slice %arg10[%dma_wait3A_207] : memref<3x!tpu.dma_semaphore, #tpu.memory_space<semaphore_mem>> -> memref<1x!tpu.dma_semaphore, #tpu.memory_space<semaphore_mem>>
    %dma_wait3A_216 = tpu.memref_squeeze %dma_wait3A_215 : memref<1x!tpu.dma_semaphore, #tpu.memory_space<semaphore_mem>> -> memref<!tpu.dma_semaphore, #tpu.memory_space<semaphore_mem>>
    %dma_wait3A_217 = arith.constant 0 : i32
    %dma_wait3A_218 = arith.constant 0 : i32
    %dma_wait3A_219 = tpu.memref_slice %arg8[%dma_wait3A_206, %dma_wait3A_217, %dma_wait3A_218] : memref<3x80x64xf32, #tpu.memory_space<vmem>> -> memref<1x80x64xf32, #tpu.memory_space<vmem>>
    %dma_wait3A_220 = tpu.memref_squeeze %dma_wait3A_219 : memref<1x80x64xf32, #tpu.memory_space<vmem>> -> memref<80x64xf32, #tpu.memory_space<vmem>>
    %dma_wait3A_221 = arith.constant 0 : i32
    %dma_wait3A_222 = arith.constant 0 : i32
    %dma_wait3A_223 = tpu.memref_slice %arg2[%dma_wait3A_221, %dma_wait3A_222] : memref<10000x64xf32, #tpu.memory_space<hbm>> -> memref<80x64xf32, #tpu.memory_space<hbm>>
    tpu.wait_dma2 semaphore(%dma_wait3A_216 : memref<!tpu.dma_semaphore, #tpu.memory_space<semaphore_mem>>) src(%dma_wait3A_223 : memref<80x64xf32, #tpu.memory_space<hbm>>) dst(%dma_wait3A_220 : memref<80x64xf32, #tpu.memory_space<vmem>>)
    %dma_wait3A_224 = arith.constant 0 : i32
    %dma_wait3A_225 = arith.constant 2 : i32
    %dma_wait3A_226 = arith.constant 0 : i32
    %dma_wait3A_227 = tpu.memref_slice %arg7[%dma_wait3A_224, %dma_wait3A_226] : memref<4x80xi32, #tpu.memory_space<vmem>> -> memref<1x80xi32, #tpu.memory_space<vmem>>
    %dma_wait3A_228 = tpu.memref_squeeze %dma_wait3A_227 : memref<1x80xi32, #tpu.memory_space<vmem>> -> memref<80xi32, #tpu.memory_space<vmem>>
    %dma_wait3A_229 = arith.constant 0 : i32
    %dma_wait3A_230 = tpu.memref_slice %arg3[%dma_wait3A_229] : memref<640000xi32, #tpu.memory_space<hbm>> -> memref<80xi32, #tpu.memory_space<hbm>>
    %dma_wait3A_231 = tpu.memref_slice %arg12[%dma_wait3A_225] : memref<4x!tpu.dma_semaphore, #tpu.memory_space<semaphore_mem>> -> memref<1x!tpu.dma_semaphore, #tpu.memory_space<semaphore_mem>>
    %dma_wait3A_232 = tpu.memref_squeeze %dma_wait3A_231 : memref<1x!tpu.dma_semaphore, #tpu.memory_space<semaphore_mem>> -> memref<!tpu.dma_semaphore, #tpu.memory_space<semaphore_mem>>
    %dma_wait3A_233 = arith.constant 0 : i32
    %dma_wait3A_234 = tpu.memref_slice %arg7[%dma_wait3A_224, %dma_wait3A_233] : memref<4x80xi32, #tpu.memory_space<vmem>> -> memref<1x80xi32, #tpu.memory_space<vmem>>
    %dma_wait3A_235 = tpu.memref_squeeze %dma_wait3A_234 : memref<1x80xi32, #tpu.memory_space<vmem>> -> memref<80xi32, #tpu.memory_space<vmem>>
    %dma_wait3A_236 = arith.constant 0 : i32
    %dma_wait3A_237 = tpu.memref_slice %arg3[%dma_wait3A_236] : memref<640000xi32, #tpu.memory_space<hbm>> -> memref<80xi32, #tpu.memory_space<hbm>>
    tpu.wait_dma2 semaphore(%dma_wait3A_232 : memref<!tpu.dma_semaphore, #tpu.memory_space<semaphore_mem>>) src(%dma_wait3A_237 : memref<80xi32, #tpu.memory_space<hbm>>) dst(%dma_wait3A_235 : memref<80xi32, #tpu.memory_space<vmem>>)
    %dma_start3A_238 = arith.constant 2 : i32
    %dma_start3A_239 = arith.constant 2 : i32
    %dma_start3A_240 = arith.constant 2 : i32
    %dma_start3A_241 = arith.constant 0 : i32
    %dma_start3A_242 = arith.constant 0 : i32
    %dma_start3A_243 = tpu.memref_slice %arg8[%dma_start3A_238, %dma_start3A_241, %dma_start3A_242] : memref<3x80x64xf32, #tpu.memory_space<vmem>> -> memref<1x80x64xf32, #tpu.memory_space<vmem>>
    %dma_start3A_244 = tpu.memref_squeeze %dma_start3A_243 : memref<1x80x64xf32, #tpu.memory_space<vmem>> -> memref<80x64xf32, #tpu.memory_space<vmem>>
    %dma_start3A_245 = arith.constant 0 : i32
    %dma_start3A_246 = tpu.memref_slice %arg7[%dma_start3A_239, %dma_start3A_245] : memref<4x80xi32, #tpu.memory_space<vmem>> -> memref<1x80xi32, #tpu.memory_space<vmem>>
    %dma_start3A_247 = tpu.memref_squeeze %dma_start3A_246 : memref<1x80xi32, #tpu.memory_space<vmem>> -> memref<80xi32, #tpu.memory_space<vmem>>
    %dma_start3A_248 = arith.constant 0 : i32
    %dma_start3A_249 = arith.constant 0 : i32
    %dma_start3A_250 = tpu.memref_slice %arg9[%dma_start3A_248, %dma_start3A_249] : memref<10240x64xf32, #tpu.memory_space<vmem_shared>> -> memref<10240x64xf32, #tpu.memory_space<vmem_shared>>
    %dma_start3A_251 = tpu.memref_slice %arg11[%dma_start3A_240] : memref<3x!tpu.dma_semaphore, #tpu.memory_space<semaphore_mem>> -> memref<1x!tpu.dma_semaphore, #tpu.memory_space<semaphore_mem>>
    %dma_start3A_252 = tpu.memref_squeeze %dma_start3A_251 : memref<1x!tpu.dma_semaphore, #tpu.memory_space<semaphore_mem>> -> memref<!tpu.dma_semaphore, #tpu.memory_space<semaphore_mem>>
    tpu.enqueue_indirect_dma source(%dma_start3A_244 : memref<80x64xf32, #tpu.memory_space<vmem>>) target(%dma_start3A_250 : memref<10240x64xf32, #tpu.memory_space<vmem_shared>>) offsets(%dma_start3A_247 : memref<80xi32, #tpu.memory_space<vmem>>) semaphore(%dma_start3A_252 : memref<!tpu.dma_semaphore, #tpu.memory_space<semaphore_mem>>) {add = true}
    %dma_wait3A_253 = arith.constant 0 : i32
    %dma_wait3A_254 = arith.constant 0 : i32
    %dma_wait3A_255 = arith.constant 0 : i32
    %dma_wait3A_256 = arith.constant 0 : i32
    %dma_wait3A_257 = tpu.memref_slice %arg8[%dma_wait3A_253, %dma_wait3A_255, %dma_wait3A_256] : memref<3x80x64xf32, #tpu.memory_space<vmem>> -> memref<1x80x64xf32, #tpu.memory_space<vmem>>
    %dma_wait3A_258 = tpu.memref_squeeze %dma_wait3A_257 : memref<1x80x64xf32, #tpu.memory_space<vmem>> -> memref<80x64xf32, #tpu.memory_space<vmem>>
    %dma_wait3A_259 = arith.constant 0 : i32
    %dma_wait3A_260 = arith.constant 0 : i32
    %dma_wait3A_261 = tpu.memref_slice %arg2[%dma_wait3A_259, %dma_wait3A_260] : memref<10000x64xf32, #tpu.memory_space<hbm>> -> memref<80x64xf32, #tpu.memory_space<hbm>>
    %dma_wait3A_262 = tpu.memref_slice %arg11[%dma_wait3A_254] : memref<3x!tpu.dma_semaphore, #tpu.memory_space<semaphore_mem>> -> memref<1x!tpu.dma_semaphore, #tpu.memory_space<semaphore_mem>>
    %dma_wait3A_263 = tpu.memref_squeeze %dma_wait3A_262 : memref<1x!tpu.dma_semaphore, #tpu.memory_space<semaphore_mem>> -> memref<!tpu.dma_semaphore, #tpu.memory_space<semaphore_mem>>
    %dma_wait3A_264 = arith.constant 0 : i32
    %dma_wait3A_265 = arith.constant 0 : i32
    %dma_wait3A_266 = tpu.memref_slice %arg8[%dma_wait3A_253, %dma_wait3A_264, %dma_wait3A_265] : memref<3x80x64xf32, #tpu.memory_space<vmem>> -> memref<1x80x64xf32, #tpu.memory_space<vmem>>
    %dma_wait3A_267 = tpu.memref_squeeze %dma_wait3A_266 : memref<1x80x64xf32, #tpu.memory_space<vmem>> -> memref<80x64xf32, #tpu.memory_space<vmem>>
    %dma_wait3A_268 = arith.constant 0 : i32
    %dma_wait3A_269 = arith.constant 0 : i32
    %dma_wait3A_270 = tpu.memref_slice %arg2[%dma_wait3A_268, %dma_wait3A_269] : memref<10000x64xf32, #tpu.memory_space<hbm>> -> memref<80x64xf32, #tpu.memory_space<hbm>>
    tpu.wait_dma2 semaphore(%dma_wait3A_263 : memref<!tpu.dma_semaphore, #tpu.memory_space<semaphore_mem>>) src(%dma_wait3A_270 : memref<80x64xf32, #tpu.memory_space<hbm>>) dst(%dma_wait3A_267 : memref<80x64xf32, #tpu.memory_space<vmem>>)
    %dma_start3A_271 = arith.constant 0 : i32
    %dma_start3A_272 = arith.constant 0 : i32
    %dma_start3A_273 = arith.constant 0 : i32
    %dma_start3A_274 = arith.constant 0 : i32
    %dma_start3A_275 = tpu.memref_slice %arg8[%dma_start3A_271, %dma_start3A_273, %dma_start3A_274] : memref<3x80x64xf32, #tpu.memory_space<vmem>> -> memref<1x80x64xf32, #tpu.memory_space<vmem>>
    %dma_start3A_276 = tpu.memref_squeeze %dma_start3A_275 : memref<1x80x64xf32, #tpu.memory_space<vmem>> -> memref<80x64xf32, #tpu.memory_space<vmem>>
    %dma_start3A_277 = arith.constant 9840 : i32
    %dma_start3A_278 = tpu.memref_slice %arg6[%dma_start3A_277] : memref<10000xi32, #tpu.memory_space<vmem>> -> memref<80xi32, #tpu.memory_space<vmem>>
    %dma_start3A_279 = arith.constant 0 : i32
    %dma_start3A_280 = arith.constant 0 : i32
    %dma_start3A_281 = tpu.memref_slice %arg2[%dma_start3A_279, %dma_start3A_280] : memref<10000x64xf32, #tpu.memory_space<hbm>> -> memref<10000x64xf32, #tpu.memory_space<hbm>>
    %dma_start3A_282 = tpu.memref_slice %arg10[%dma_start3A_272] : memref<3x!tpu.dma_semaphore, #tpu.memory_space<semaphore_mem>> -> memref<1x!tpu.dma_semaphore, #tpu.memory_space<semaphore_mem>>
    %dma_start3A_283 = tpu.memref_squeeze %dma_start3A_282 : memref<1x!tpu.dma_semaphore, #tpu.memory_space<semaphore_mem>> -> memref<!tpu.dma_semaphore, #tpu.memory_space<semaphore_mem>>
    tpu.enqueue_indirect_dma source(%dma_start3A_281 : memref<10000x64xf32, #tpu.memory_space<hbm>>) target(%dma_start3A_276 : memref<80x64xf32, #tpu.memory_space<vmem>>) offsets(%dma_start3A_278 : memref<80xi32, #tpu.memory_space<vmem>>) semaphore(%dma_start3A_283 : memref<!tpu.dma_semaphore, #tpu.memory_space<semaphore_mem>>)
    %add3A_284 = arith.constant 320000 : i32
    %add3A_285 = arith.addi %add3A_284, %mul3A_2 : i32
    %add3A_286 = arith.constant 9920 : i32
    %add3A_287 = arith.addi %add3A_285, %add3A_286 : i32
    %dma_start3A_288 = arith.constant 0 : i32
    %dma_start3A_289 = arith.constant 0 : i32
    %dma_start3A_290 = arith.constant 0 : i32
    %dma_start3A_291 = tpu.memref_slice %arg7[%dma_start3A_288, %dma_start3A_290] : memref<4x80xi32, #tpu.memory_space<vmem>> -> memref<1x80xi32, #tpu.memory_space<vmem>>
    %dma_start3A_292 = tpu.memref_squeeze %dma_start3A_291 : memref<1x80xi32, #tpu.memory_space<vmem>> -> memref<80xi32, #tpu.memory_space<vmem>>
    %dma_start3A_293 = tpu.memref_slice %arg3[%add3A_287] : memref<640000xi32, #tpu.memory_space<hbm>> -> memref<80xi32, #tpu.memory_space<hbm>>
    %dma_start3A_294 = tpu.memref_slice %arg12[%dma_start3A_289] : memref<4x!tpu.dma_semaphore, #tpu.memory_space<semaphore_mem>> -> memref<1x!tpu.dma_semaphore, #tpu.memory_space<semaphore_mem>>
    %dma_start3A_295 = tpu.memref_squeeze %dma_start3A_294 : memref<1x!tpu.dma_semaphore, #tpu.memory_space<semaphore_mem>> -> memref<!tpu.dma_semaphore, #tpu.memory_space<semaphore_mem>>
    %dma_start3A_296 = arith.constant 0 : i32
    %dma_start3A_297 = tpu.memref_slice %arg7[%dma_start3A_288, %dma_start3A_296] : memref<4x80xi32, #tpu.memory_space<vmem>> -> memref<1x80xi32, #tpu.memory_space<vmem>>
    %dma_start3A_298 = tpu.memref_squeeze %dma_start3A_297 : memref<1x80xi32, #tpu.memory_space<vmem>> -> memref<80xi32, #tpu.memory_space<vmem>>
    %dma_start3A_299 = tpu.memref_slice %arg3[%add3A_287] : memref<640000xi32, #tpu.memory_space<hbm>> -> memref<80xi32, #tpu.memory_space<hbm>>
    tpu.enqueue_dma source(%dma_start3A_299 : memref<80xi32, #tpu.memory_space<hbm>>) target(%dma_start3A_298 : memref<80xi32, #tpu.memory_space<vmem>>) target_semaphore(%dma_start3A_295 : memref<!tpu.dma_semaphore, #tpu.memory_space<semaphore_mem>>)
    %dma_wait3A_300 = arith.constant 0 : i32
    %dma_wait3A_301 = arith.constant 0 : i32
    %dma_wait3A_302 = arith.constant 0 : i32
    %dma_wait3A_303 = arith.constant 0 : i32
    %dma_wait3A_304 = tpu.memref_slice %arg8[%dma_wait3A_300, %dma_wait3A_302, %dma_wait3A_303] : memref<3x80x64xf32, #tpu.memory_space<vmem>> -> memref<1x80x64xf32, #tpu.memory_space<vmem>>
    %dma_wait3A_305 = tpu.memref_squeeze %dma_wait3A_304 : memref<1x80x64xf32, #tpu.memory_space<vmem>> -> memref<80x64xf32, #tpu.memory_space<vmem>>
    %dma_wait3A_306 = arith.constant 0 : i32
    %dma_wait3A_307 = arith.constant 0 : i32
    %dma_wait3A_308 = tpu.memref_slice %arg2[%dma_wait3A_306, %dma_wait3A_307] : memref<10000x64xf32, #tpu.memory_space<hbm>> -> memref<80x64xf32, #tpu.memory_space<hbm>>
    %dma_wait3A_309 = tpu.memref_slice %arg10[%dma_wait3A_301] : memref<3x!tpu.dma_semaphore, #tpu.memory_space<semaphore_mem>> -> memref<1x!tpu.dma_semaphore, #tpu.memory_space<semaphore_mem>>
    %dma_wait3A_310 = tpu.memref_squeeze %dma_wait3A_309 : memref<1x!tpu.dma_semaphore, #tpu.memory_space<semaphore_mem>> -> memref<!tpu.dma_semaphore, #tpu.memory_space<semaphore_mem>>
    %dma_wait3A_311 = arith.constant 0 : i32
    %dma_wait3A_312 = arith.constant 0 : i32
    %dma_wait3A_313 = tpu.memref_slice %arg8[%dma_wait3A_300, %dma_wait3A_311, %dma_wait3A_312] : memref<3x80x64xf32, #tpu.memory_space<vmem>> -> memref<1x80x64xf32, #tpu.memory_space<vmem>>
    %dma_wait3A_314 = tpu.memref_squeeze %dma_wait3A_313 : memref<1x80x64xf32, #tpu.memory_space<vmem>> -> memref<80x64xf32, #tpu.memory_space<vmem>>
    %dma_wait3A_315 = arith.constant 0 : i32
    %dma_wait3A_316 = arith.constant 0 : i32
    %dma_wait3A_317 = tpu.memref_slice %arg2[%dma_wait3A_315, %dma_wait3A_316] : memref<10000x64xf32, #tpu.memory_space<hbm>> -> memref<80x64xf32, #tpu.memory_space<hbm>>
    tpu.wait_dma2 semaphore(%dma_wait3A_310 : memref<!tpu.dma_semaphore, #tpu.memory_space<semaphore_mem>>) src(%dma_wait3A_317 : memref<80x64xf32, #tpu.memory_space<hbm>>) dst(%dma_wait3A_314 : memref<80x64xf32, #tpu.memory_space<vmem>>)
    %dma_wait3A_318 = arith.constant 0 : i32
    %dma_wait3A_319 = arith.constant 3 : i32
    %dma_wait3A_320 = arith.constant 0 : i32
    %dma_wait3A_321 = tpu.memref_slice %arg7[%dma_wait3A_318, %dma_wait3A_320] : memref<4x80xi32, #tpu.memory_space<vmem>> -> memref<1x80xi32, #tpu.memory_space<vmem>>
    %dma_wait3A_322 = tpu.memref_squeeze %dma_wait3A_321 : memref<1x80xi32, #tpu.memory_space<vmem>> -> memref<80xi32, #tpu.memory_space<vmem>>
    %dma_wait3A_323 = arith.constant 0 : i32
    %dma_wait3A_324 = tpu.memref_slice %arg3[%dma_wait3A_323] : memref<640000xi32, #tpu.memory_space<hbm>> -> memref<80xi32, #tpu.memory_space<hbm>>
    %dma_wait3A_325 = tpu.memref_slice %arg12[%dma_wait3A_319] : memref<4x!tpu.dma_semaphore, #tpu.memory_space<semaphore_mem>> -> memref<1x!tpu.dma_semaphore, #tpu.memory_space<semaphore_mem>>
    %dma_wait3A_326 = tpu.memref_squeeze %dma_wait3A_325 : memref<1x!tpu.dma_semaphore, #tpu.memory_space<semaphore_mem>> -> memref<!tpu.dma_semaphore, #tpu.memory_space<semaphore_mem>>
    %dma_wait3A_327 = arith.constant 0 : i32
    %dma_wait3A_328 = tpu.memref_slice %arg7[%dma_wait3A_318, %dma_wait3A_327] : memref<4x80xi32, #tpu.memory_space<vmem>> -> memref<1x80xi32, #tpu.memory_space<vmem>>
    %dma_wait3A_329 = tpu.memref_squeeze %dma_wait3A_328 : memref<1x80xi32, #tpu.memory_space<vmem>> -> memref<80xi32, #tpu.memory_space<vmem>>
    %dma_wait3A_330 = arith.constant 0 : i32
    %dma_wait3A_331 = tpu.memref_slice %arg3[%dma_wait3A_330] : memref<640000xi32, #tpu.memory_space<hbm>> -> memref<80xi32, #tpu.memory_space<hbm>>
    tpu.wait_dma2 semaphore(%dma_wait3A_326 : memref<!tpu.dma_semaphore, #tpu.memory_space<semaphore_mem>>) src(%dma_wait3A_331 : memref<80xi32, #tpu.memory_space<hbm>>) dst(%dma_wait3A_329 : memref<80xi32, #tpu.memory_space<vmem>>)
    %dma_start3A_332 = arith.constant 0 : i32
    %dma_start3A_333 = arith.constant 3 : i32
    %dma_start3A_334 = arith.constant 0 : i32
    %dma_start3A_335 = arith.constant 0 : i32
    %dma_start3A_336 = arith.constant 0 : i32
    %dma_start3A_337 = tpu.memref_slice %arg8[%dma_start3A_332, %dma_start3A_335, %dma_start3A_336] : memref<3x80x64xf32, #tpu.memory_space<vmem>> -> memref<1x80x64xf32, #tpu.memory_space<vmem>>
    %dma_start3A_338 = tpu.memref_squeeze %dma_start3A_337 : memref<1x80x64xf32, #tpu.memory_space<vmem>> -> memref<80x64xf32, #tpu.memory_space<vmem>>
    %dma_start3A_339 = arith.constant 0 : i32
    %dma_start3A_340 = tpu.memref_slice %arg7[%dma_start3A_333, %dma_start3A_339] : memref<4x80xi32, #tpu.memory_space<vmem>> -> memref<1x80xi32, #tpu.memory_space<vmem>>
    %dma_start3A_341 = tpu.memref_squeeze %dma_start3A_340 : memref<1x80xi32, #tpu.memory_space<vmem>> -> memref<80xi32, #tpu.memory_space<vmem>>
    %dma_start3A_342 = arith.constant 0 : i32
    %dma_start3A_343 = arith.constant 0 : i32
    %dma_start3A_344 = tpu.memref_slice %arg9[%dma_start3A_342, %dma_start3A_343] : memref<10240x64xf32, #tpu.memory_space<vmem_shared>> -> memref<10240x64xf32, #tpu.memory_space<vmem_shared>>
    %dma_start3A_345 = tpu.memref_slice %arg11[%dma_start3A_334] : memref<3x!tpu.dma_semaphore, #tpu.memory_space<semaphore_mem>> -> memref<1x!tpu.dma_semaphore, #tpu.memory_space<semaphore_mem>>
    %dma_start3A_346 = tpu.memref_squeeze %dma_start3A_345 : memref<1x!tpu.dma_semaphore, #tpu.memory_space<semaphore_mem>> -> memref<!tpu.dma_semaphore, #tpu.memory_space<semaphore_mem>>
    tpu.enqueue_indirect_dma source(%dma_start3A_338 : memref<80x64xf32, #tpu.memory_space<vmem>>) target(%dma_start3A_344 : memref<10240x64xf32, #tpu.memory_space<vmem_shared>>) offsets(%dma_start3A_341 : memref<80xi32, #tpu.memory_space<vmem>>) semaphore(%dma_start3A_346 : memref<!tpu.dma_semaphore, #tpu.memory_space<semaphore_mem>>) {add = true}
    %dma_wait3A_347 = arith.constant 0 : i32
    %dma_wait3A_348 = arith.constant 1 : i32
    %dma_wait3A_349 = arith.constant 0 : i32
    %dma_wait3A_350 = arith.constant 0 : i32
    %dma_wait3A_351 = tpu.memref_slice %arg8[%dma_wait3A_347, %dma_wait3A_349, %dma_wait3A_350] : memref<3x80x64xf32, #tpu.memory_space<vmem>> -> memref<1x80x64xf32, #tpu.memory_space<vmem>>
    %dma_wait3A_352 = tpu.memref_squeeze %dma_wait3A_351 : memref<1x80x64xf32, #tpu.memory_space<vmem>> -> memref<80x64xf32, #tpu.memory_space<vmem>>
    %dma_wait3A_353 = arith.constant 0 : i32
    %dma_wait3A_354 = arith.constant 0 : i32
    %dma_wait3A_355 = tpu.memref_slice %arg2[%dma_wait3A_353, %dma_wait3A_354] : memref<10000x64xf32, #tpu.memory_space<hbm>> -> memref<80x64xf32, #tpu.memory_space<hbm>>
    %dma_wait3A_356 = tpu.memref_slice %arg11[%dma_wait3A_348] : memref<3x!tpu.dma_semaphore, #tpu.memory_space<semaphore_mem>> -> memref<1x!tpu.dma_semaphore, #tpu.memory_space<semaphore_mem>>
    %dma_wait3A_357 = tpu.memref_squeeze %dma_wait3A_356 : memref<1x!tpu.dma_semaphore, #tpu.memory_space<semaphore_mem>> -> memref<!tpu.dma_semaphore, #tpu.memory_space<semaphore_mem>>
    %dma_wait3A_358 = arith.constant 0 : i32
    %dma_wait3A_359 = arith.constant 0 : i32
    %dma_wait3A_360 = tpu.memref_slice %arg8[%dma_wait3A_347, %dma_wait3A_358, %dma_wait3A_359] : memref<3x80x64xf32, #tpu.memory_space<vmem>> -> memref<1x80x64xf32, #tpu.memory_space<vmem>>
    %dma_wait3A_361 = tpu.memref_squeeze %dma_wait3A_360 : memref<1x80x64xf32, #tpu.memory_space<vmem>> -> memref<80x64xf32, #tpu.memory_space<vmem>>
    %dma_wait3A_362 = arith.constant 0 : i32
    %dma_wait3A_363 = arith.constant 0 : i32
    %dma_wait3A_364 = tpu.memref_slice %arg2[%dma_wait3A_362, %dma_wait3A_363] : memref<10000x64xf32, #tpu.memory_space<hbm>> -> memref<80x64xf32, #tpu.memory_space<hbm>>
    tpu.wait_dma2 semaphore(%dma_wait3A_357 : memref<!tpu.dma_semaphore, #tpu.memory_space<semaphore_mem>>) src(%dma_wait3A_364 : memref<80x64xf32, #tpu.memory_space<hbm>>) dst(%dma_wait3A_361 : memref<80x64xf32, #tpu.memory_space<vmem>>)
    %dma_start3A_365 = arith.constant 1 : i32
    %dma_start3A_366 = arith.constant 1 : i32
    %dma_start3A_367 = arith.constant 0 : i32
    %dma_start3A_368 = arith.constant 0 : i32
    %dma_start3A_369 = tpu.memref_slice %arg8[%dma_start3A_365, %dma_start3A_367, %dma_start3A_368] : memref<3x80x64xf32, #tpu.memory_space<vmem>> -> memref<1x80x64xf32, #tpu.memory_space<vmem>>
    %dma_start3A_370 = tpu.memref_squeeze %dma_start3A_369 : memref<1x80x64xf32, #tpu.memory_space<vmem>> -> memref<80x64xf32, #tpu.memory_space<vmem>>
    %dma_start3A_371 = arith.constant 9920 : i32
    %dma_start3A_372 = tpu.memref_slice %arg6[%dma_start3A_371] : memref<10000xi32, #tpu.memory_space<vmem>> -> memref<80xi32, #tpu.memory_space<vmem>>
    %dma_start3A_373 = arith.constant 0 : i32
    %dma_start3A_374 = arith.constant 0 : i32
    %dma_start3A_375 = tpu.memref_slice %arg2[%dma_start3A_373, %dma_start3A_374] : memref<10000x64xf32, #tpu.memory_space<hbm>> -> memref<10000x64xf32, #tpu.memory_space<hbm>>
    %dma_start3A_376 = tpu.memref_slice %arg10[%dma_start3A_366] : memref<3x!tpu.dma_semaphore, #tpu.memory_space<semaphore_mem>> -> memref<1x!tpu.dma_semaphore, #tpu.memory_space<semaphore_mem>>
    %dma_start3A_377 = tpu.memref_squeeze %dma_start3A_376 : memref<1x!tpu.dma_semaphore, #tpu.memory_space<semaphore_mem>> -> memref<!tpu.dma_semaphore, #tpu.memory_space<semaphore_mem>>
    tpu.enqueue_indirect_dma source(%dma_start3A_375 : memref<10000x64xf32, #tpu.memory_space<hbm>>) target(%dma_start3A_370 : memref<80x64xf32, #tpu.memory_space<vmem>>) offsets(%dma_start3A_372 : memref<80xi32, #tpu.memory_space<vmem>>) semaphore(%dma_start3A_377 : memref<!tpu.dma_semaphore, #tpu.memory_space<semaphore_mem>>)
    %dma_wait3A_378 = arith.constant 0 : i32
    %dma_wait3A_379 = arith.constant 1 : i32
    %dma_wait3A_380 = arith.constant 0 : i32
    %dma_wait3A_381 = arith.constant 0 : i32
    %dma_wait3A_382 = tpu.memref_slice %arg8[%dma_wait3A_378, %dma_wait3A_380, %dma_wait3A_381] : memref<3x80x64xf32, #tpu.memory_space<vmem>> -> memref<1x80x64xf32, #tpu.memory_space<vmem>>
    %dma_wait3A_383 = tpu.memref_squeeze %dma_wait3A_382 : memref<1x80x64xf32, #tpu.memory_space<vmem>> -> memref<80x64xf32, #tpu.memory_space<vmem>>
    %dma_wait3A_384 = arith.constant 0 : i32
    %dma_wait3A_385 = arith.constant 0 : i32
    %dma_wait3A_386 = tpu.memref_slice %arg2[%dma_wait3A_384, %dma_wait3A_385] : memref<10000x64xf32, #tpu.memory_space<hbm>> -> memref<80x64xf32, #tpu.memory_space<hbm>>
    %dma_wait3A_387 = tpu.memref_slice %arg10[%dma_wait3A_379] : memref<3x!tpu.dma_semaphore, #tpu.memory_space<semaphore_mem>> -> memref<1x!tpu.dma_semaphore, #tpu.memory_space<semaphore_mem>>
    %dma_wait3A_388 = tpu.memref_squeeze %dma_wait3A_387 : memref<1x!tpu.dma_semaphore, #tpu.memory_space<semaphore_mem>> -> memref<!tpu.dma_semaphore, #tpu.memory_space<semaphore_mem>>
    %dma_wait3A_389 = arith.constant 0 : i32
    %dma_wait3A_390 = arith.constant 0 : i32
    %dma_wait3A_391 = tpu.memref_slice %arg8[%dma_wait3A_378, %dma_wait3A_389, %dma_wait3A_390] : memref<3x80x64xf32, #tpu.memory_space<vmem>> -> memref<1x80x64xf32, #tpu.memory_space<vmem>>
    %dma_wait3A_392 = tpu.memref_squeeze %dma_wait3A_391 : memref<1x80x64xf32, #tpu.memory_space<vmem>> -> memref<80x64xf32, #tpu.memory_space<vmem>>
    %dma_wait3A_393 = arith.constant 0 : i32
    %dma_wait3A_394 = arith.constant 0 : i32
    %dma_wait3A_395 = tpu.memref_slice %arg2[%dma_wait3A_393, %dma_wait3A_394] : memref<10000x64xf32, #tpu.memory_space<hbm>> -> memref<80x64xf32, #tpu.memory_space<hbm>>
    tpu.wait_dma2 semaphore(%dma_wait3A_388 : memref<!tpu.dma_semaphore, #tpu.memory_space<semaphore_mem>>) src(%dma_wait3A_395 : memref<80x64xf32, #tpu.memory_space<hbm>>) dst(%dma_wait3A_392 : memref<80x64xf32, #tpu.memory_space<vmem>>)
    %dma_wait3A_396 = arith.constant 0 : i32
    %dma_wait3A_397 = arith.constant 0 : i32
    %dma_wait3A_398 = arith.constant 0 : i32
    %dma_wait3A_399 = tpu.memref_slice %arg7[%dma_wait3A_396, %dma_wait3A_398] : memref<4x80xi32, #tpu.memory_space<vmem>> -> memref<1x80xi32, #tpu.memory_space<vmem>>
    %dma_wait3A_400 = tpu.memref_squeeze %dma_wait3A_399 : memref<1x80xi32, #tpu.memory_space<vmem>> -> memref<80xi32, #tpu.memory_space<vmem>>
    %dma_wait3A_401 = arith.constant 0 : i32
    %dma_wait3A_402 = tpu.memref_slice %arg3[%dma_wait3A_401] : memref<640000xi32, #tpu.memory_space<hbm>> -> memref<80xi32, #tpu.memory_space<hbm>>
    %dma_wait3A_403 = tpu.memref_slice %arg12[%dma_wait3A_397] : memref<4x!tpu.dma_semaphore, #tpu.memory_space<semaphore_mem>> -> memref<1x!tpu.dma_semaphore, #tpu.memory_space<semaphore_mem>>
    %dma_wait3A_404 = tpu.memref_squeeze %dma_wait3A_403 : memref<1x!tpu.dma_semaphore, #tpu.memory_space<semaphore_mem>> -> memref<!tpu.dma_semaphore, #tpu.memory_space<semaphore_mem>>
    %dma_wait3A_405 = arith.constant 0 : i32
    %dma_wait3A_406 = tpu.memref_slice %arg7[%dma_wait3A_396, %dma_wait3A_405] : memref<4x80xi32, #tpu.memory_space<vmem>> -> memref<1x80xi32, #tpu.memory_space<vmem>>
    %dma_wait3A_407 = tpu.memref_squeeze %dma_wait3A_406 : memref<1x80xi32, #tpu.memory_space<vmem>> -> memref<80xi32, #tpu.memory_space<vmem>>
    %dma_wait3A_408 = arith.constant 0 : i32
    %dma_wait3A_409 = tpu.memref_slice %arg3[%dma_wait3A_408] : memref<640000xi32, #tpu.memory_space<hbm>> -> memref<80xi32, #tpu.memory_space<hbm>>
    tpu.wait_dma2 semaphore(%dma_wait3A_404 : memref<!tpu.dma_semaphore, #tpu.memory_space<semaphore_mem>>) src(%dma_wait3A_409 : memref<80xi32, #tpu.memory_space<hbm>>) dst(%dma_wait3A_407 : memref<80xi32, #tpu.memory_space<vmem>>)
    %dma_start3A_410 = arith.constant 1 : i32
    %dma_start3A_411 = arith.constant 0 : i32
    %dma_start3A_412 = arith.constant 1 : i32
    %dma_start3A_413 = arith.constant 0 : i32
    %dma_start3A_414 = arith.constant 0 : i32
    %dma_start3A_415 = tpu.memref_slice %arg8[%dma_start3A_410, %dma_start3A_413, %dma_start3A_414] : memref<3x80x64xf32, #tpu.memory_space<vmem>> -> memref<1x80x64xf32, #tpu.memory_space<vmem>>
    %dma_start3A_416 = tpu.memref_squeeze %dma_start3A_415 : memref<1x80x64xf32, #tpu.memory_space<vmem>> -> memref<80x64xf32, #tpu.memory_space<vmem>>
    %dma_start3A_417 = arith.constant 0 : i32
    %dma_start3A_418 = tpu.memref_slice %arg7[%dma_start3A_411, %dma_start3A_417] : memref<4x80xi32, #tpu.memory_space<vmem>> -> memref<1x80xi32, #tpu.memory_space<vmem>>
    %dma_start3A_419 = tpu.memref_squeeze %dma_start3A_418 : memref<1x80xi32, #tpu.memory_space<vmem>> -> memref<80xi32, #tpu.memory_space<vmem>>
    %dma_start3A_420 = arith.constant 0 : i32
    %dma_start3A_421 = arith.constant 0 : i32
    %dma_start3A_422 = tpu.memref_slice %arg9[%dma_start3A_420, %dma_start3A_421] : memref<10240x64xf32, #tpu.memory_space<vmem_shared>> -> memref<10240x64xf32, #tpu.memory_space<vmem_shared>>
    %dma_start3A_423 = tpu.memref_slice %arg11[%dma_start3A_412] : memref<3x!tpu.dma_semaphore, #tpu.memory_space<semaphore_mem>> -> memref<1x!tpu.dma_semaphore, #tpu.memory_space<semaphore_mem>>
    %dma_start3A_424 = tpu.memref_squeeze %dma_start3A_423 : memref<1x!tpu.dma_semaphore, #tpu.memory_space<semaphore_mem>> -> memref<!tpu.dma_semaphore, #tpu.memory_space<semaphore_mem>>
    tpu.enqueue_indirect_dma source(%dma_start3A_416 : memref<80x64xf32, #tpu.memory_space<vmem>>) target(%dma_start3A_422 : memref<10240x64xf32, #tpu.memory_space<vmem_shared>>) offsets(%dma_start3A_419 : memref<80xi32, #tpu.memory_space<vmem>>) semaphore(%dma_start3A_424 : memref<!tpu.dma_semaphore, #tpu.memory_space<semaphore_mem>>) {add = true}
    %dma_wait3A_425 = arith.constant 0 : i32
    %dma_wait3A_426 = arith.constant 2 : i32
    %dma_wait3A_427 = arith.constant 0 : i32
    %dma_wait3A_428 = arith.constant 0 : i32
    %dma_wait3A_429 = tpu.memref_slice %arg8[%dma_wait3A_425, %dma_wait3A_427, %dma_wait3A_428] : memref<3x80x64xf32, #tpu.memory_space<vmem>> -> memref<1x80x64xf32, #tpu.memory_space<vmem>>
    %dma_wait3A_430 = tpu.memref_squeeze %dma_wait3A_429 : memref<1x80x64xf32, #tpu.memory_space<vmem>> -> memref<80x64xf32, #tpu.memory_space<vmem>>
    %dma_wait3A_431 = arith.constant 0 : i32
    %dma_wait3A_432 = arith.constant 0 : i32
    %dma_wait3A_433 = tpu.memref_slice %arg2[%dma_wait3A_431, %dma_wait3A_432] : memref<10000x64xf32, #tpu.memory_space<hbm>> -> memref<80x64xf32, #tpu.memory_space<hbm>>
    %dma_wait3A_434 = tpu.memref_slice %arg11[%dma_wait3A_426] : memref<3x!tpu.dma_semaphore, #tpu.memory_space<semaphore_mem>> -> memref<1x!tpu.dma_semaphore, #tpu.memory_space<semaphore_mem>>
    %dma_wait3A_435 = tpu.memref_squeeze %dma_wait3A_434 : memref<1x!tpu.dma_semaphore, #tpu.memory_space<semaphore_mem>> -> memref<!tpu.dma_semaphore, #tpu.memory_space<semaphore_mem>>
    %dma_wait3A_436 = arith.constant 0 : i32
    %dma_wait3A_437 = arith.constant 0 : i32
    %dma_wait3A_438 = tpu.memref_slice %arg8[%dma_wait3A_425, %dma_wait3A_436, %dma_wait3A_437] : memref<3x80x64xf32, #tpu.memory_space<vmem>> -> memref<1x80x64xf32, #tpu.memory_space<vmem>>
    %dma_wait3A_439 = tpu.memref_squeeze %dma_wait3A_438 : memref<1x80x64xf32, #tpu.memory_space<vmem>> -> memref<80x64xf32, #tpu.memory_space<vmem>>
    %dma_wait3A_440 = arith.constant 0 : i32
    %dma_wait3A_441 = arith.constant 0 : i32
    %dma_wait3A_442 = tpu.memref_slice %arg2[%dma_wait3A_440, %dma_wait3A_441] : memref<10000x64xf32, #tpu.memory_space<hbm>> -> memref<80x64xf32, #tpu.memory_space<hbm>>
    tpu.wait_dma2 semaphore(%dma_wait3A_435 : memref<!tpu.dma_semaphore, #tpu.memory_space<semaphore_mem>>) src(%dma_wait3A_442 : memref<80x64xf32, #tpu.memory_space<hbm>>) dst(%dma_wait3A_439 : memref<80x64xf32, #tpu.memory_space<vmem>>)
    %dma_wait3A_443 = arith.constant 0 : i32
    %dma_wait3A_444 = arith.constant 0 : i32
    %dma_wait3A_445 = arith.constant 0 : i32
    %dma_wait3A_446 = arith.constant 0 : i32
    %dma_wait3A_447 = tpu.memref_slice %arg8[%dma_wait3A_443, %dma_wait3A_445, %dma_wait3A_446] : memref<3x80x64xf32, #tpu.memory_space<vmem>> -> memref<1x80x64xf32, #tpu.memory_space<vmem>>
    %dma_wait3A_448 = tpu.memref_squeeze %dma_wait3A_447 : memref<1x80x64xf32, #tpu.memory_space<vmem>> -> memref<80x64xf32, #tpu.memory_space<vmem>>
    %dma_wait3A_449 = arith.constant 0 : i32
    %dma_wait3A_450 = arith.constant 0 : i32
    %dma_wait3A_451 = tpu.memref_slice %arg2[%dma_wait3A_449, %dma_wait3A_450] : memref<10000x64xf32, #tpu.memory_space<hbm>> -> memref<80x64xf32, #tpu.memory_space<hbm>>
    %dma_wait3A_452 = tpu.memref_slice %arg11[%dma_wait3A_444] : memref<3x!tpu.dma_semaphore, #tpu.memory_space<semaphore_mem>> -> memref<1x!tpu.dma_semaphore, #tpu.memory_space<semaphore_mem>>
    %dma_wait3A_453 = tpu.memref_squeeze %dma_wait3A_452 : memref<1x!tpu.dma_semaphore, #tpu.memory_space<semaphore_mem>> -> memref<!tpu.dma_semaphore, #tpu.memory_space<semaphore_mem>>
    %dma_wait3A_454 = arith.constant 0 : i32
    %dma_wait3A_455 = arith.constant 0 : i32
    %dma_wait3A_456 = tpu.memref_slice %arg8[%dma_wait3A_443, %dma_wait3A_454, %dma_wait3A_455] : memref<3x80x64xf32, #tpu.memory_space<vmem>> -> memref<1x80x64xf32, #tpu.memory_space<vmem>>
    %dma_wait3A_457 = tpu.memref_squeeze %dma_wait3A_456 : memref<1x80x64xf32, #tpu.memory_space<vmem>> -> memref<80x64xf32, #tpu.memory_space<vmem>>
    %dma_wait3A_458 = arith.constant 0 : i32
    %dma_wait3A_459 = arith.constant 0 : i32
    %dma_wait3A_460 = tpu.memref_slice %arg2[%dma_wait3A_458, %dma_wait3A_459] : memref<10000x64xf32, #tpu.memory_space<hbm>> -> memref<80x64xf32, #tpu.memory_space<hbm>>
    tpu.wait_dma2 semaphore(%dma_wait3A_453 : memref<!tpu.dma_semaphore, #tpu.memory_space<semaphore_mem>>) src(%dma_wait3A_460 : memref<80x64xf32, #tpu.memory_space<hbm>>) dst(%dma_wait3A_457 : memref<80x64xf32, #tpu.memory_space<vmem>>)
    %dma_wait3A_461 = arith.constant 0 : i32
    %dma_wait3A_462 = arith.constant 1 : i32
    %dma_wait3A_463 = arith.constant 0 : i32
    %dma_wait3A_464 = arith.constant 0 : i32
    %dma_wait3A_465 = tpu.memref_slice %arg8[%dma_wait3A_461, %dma_wait3A_463, %dma_wait3A_464] : memref<3x80x64xf32, #tpu.memory_space<vmem>> -> memref<1x80x64xf32, #tpu.memory_space<vmem>>
    %dma_wait3A_466 = tpu.memref_squeeze %dma_wait3A_465 : memref<1x80x64xf32, #tpu.memory_space<vmem>> -> memref<80x64xf32, #tpu.memory_space<vmem>>
    %dma_wait3A_467 = arith.constant 0 : i32
    %dma_wait3A_468 = arith.constant 0 : i32
    %dma_wait3A_469 = tpu.memref_slice %arg2[%dma_wait3A_467, %dma_wait3A_468] : memref<10000x64xf32, #tpu.memory_space<hbm>> -> memref<80x64xf32, #tpu.memory_space<hbm>>
    %dma_wait3A_470 = tpu.memref_slice %arg11[%dma_wait3A_462] : memref<3x!tpu.dma_semaphore, #tpu.memory_space<semaphore_mem>> -> memref<1x!tpu.dma_semaphore, #tpu.memory_space<semaphore_mem>>
    %dma_wait3A_471 = tpu.memref_squeeze %dma_wait3A_470 : memref<1x!tpu.dma_semaphore, #tpu.memory_space<semaphore_mem>> -> memref<!tpu.dma_semaphore, #tpu.memory_space<semaphore_mem>>
    %dma_wait3A_472 = arith.constant 0 : i32
    %dma_wait3A_473 = arith.constant 0 : i32
    %dma_wait3A_474 = tpu.memref_slice %arg8[%dma_wait3A_461, %dma_wait3A_472, %dma_wait3A_473] : memref<3x80x64xf32, #tpu.memory_space<vmem>> -> memref<1x80x64xf32, #tpu.memory_space<vmem>>
    %dma_wait3A_475 = tpu.memref_squeeze %dma_wait3A_474 : memref<1x80x64xf32, #tpu.memory_space<vmem>> -> memref<80x64xf32, #tpu.memory_space<vmem>>
    %dma_wait3A_476 = arith.constant 0 : i32
    %dma_wait3A_477 = arith.constant 0 : i32
    %dma_wait3A_478 = tpu.memref_slice %arg2[%dma_wait3A_476, %dma_wait3A_477] : memref<10000x64xf32, #tpu.memory_space<hbm>> -> memref<80x64xf32, #tpu.memory_space<hbm>>
    tpu.wait_dma2 semaphore(%dma_wait3A_471 : memref<!tpu.dma_semaphore, #tpu.memory_space<semaphore_mem>>) src(%dma_wait3A_478 : memref<80x64xf32, #tpu.memory_space<hbm>>) dst(%dma_wait3A_475 : memref<80x64xf32, #tpu.memory_space<vmem>>)
    %barrier3A_479 = arith.constant 0 : index
    tpu.barrier barrier_id(%barrier3A_479)
    %mul3A_480 = arith.constant 640 : i32
    %mul3A_481 = arith.muli %arg1, %mul3A_480 : i32
    %mul3A_482 = arith.constant 640 : i32
    %mul3A_483 = arith.muli %arg1, %mul3A_482 : i32
    "tpu.region"() ({
      %run_scoped3A = tpu.sem_alloc : memref<!tpu.dma_semaphore, #tpu.memory_space<semaphore_mem>>
      %dma_start3A_484 = arith.constant 0 : i32
      %dma_start3A_485 = arith.constant 0 : i32
      %dma_start3A_486 = tpu.memref_slice %arg5[%arg0, %dma_start3A_484, %dma_start3A_485] : memref<2x10240x64xf32, #tpu.memory_space<hbm>> -> memref<1x10240x64xf32, #tpu.memory_space<hbm>>
      %dma_start3A_487 = tpu.memref_squeeze %dma_start3A_486 : memref<1x10240x64xf32, #tpu.memory_space<hbm>> -> memref<10240x64xf32, #tpu.memory_space<hbm>>
      %dma_start3A_488 = arith.constant 0 : i32
      %dma_start3A_489 = tpu.memref_slice %dma_start3A_487[%mul3A_483, %dma_start3A_488] : memref<10240x64xf32, #tpu.memory_space<hbm>> -> memref<640x64xf32, #tpu.memory_space<hbm>>
      %dma_start3A_490 = arith.constant 0 : i32
      %dma_start3A_491 = tpu.memref_slice %arg9[%mul3A_481, %dma_start3A_490] : memref<10240x64xf32, #tpu.memory_space<vmem_shared>> -> memref<640x64xf32, #tpu.memory_space<vmem_shared>>
      tpu.enqueue_dma source(%dma_start3A_491 : memref<640x64xf32, #tpu.memory_space<vmem_shared>>) target(%dma_start3A_489 : memref<640x64xf32, #tpu.memory_space<hbm>>) target_semaphore(%run_scoped3A : memref<!tpu.dma_semaphore, #tpu.memory_space<semaphore_mem>>)
      %dma_wait3A_492 = arith.constant 0 : i32
      %dma_wait3A_493 = arith.constant 0 : i32
      %dma_wait3A_494 = tpu.memref_slice %arg5[%arg0, %dma_wait3A_492, %dma_wait3A_493] : memref<2x10240x64xf32, #tpu.memory_space<hbm>> -> memref<1x10240x64xf32, #tpu.memory_space<hbm>>
      %dma_wait3A_495 = tpu.memref_squeeze %dma_wait3A_494 : memref<1x10240x64xf32, #tpu.memory_space<hbm>> -> memref<10240x64xf32, #tpu.memory_space<hbm>>
      %dma_wait3A_496 = arith.constant 0 : i32
      %dma_wait3A_497 = tpu.memref_slice %dma_wait3A_495[%mul3A_483, %dma_wait3A_496] : memref<10240x64xf32, #tpu.memory_space<hbm>> -> memref<640x64xf32, #tpu.memory_space<hbm>>
      %dma_wait3A_498 = arith.constant 0 : i32
      %dma_wait3A_499 = tpu.memref_slice %arg9[%mul3A_481, %dma_wait3A_498] : memref<10240x64xf32, #tpu.memory_space<vmem_shared>> -> memref<640x64xf32, #tpu.memory_space<vmem_shared>>
      tpu.wait_dma2 semaphore(%run_scoped3A : memref<!tpu.dma_semaphore, #tpu.memory_space<semaphore_mem>>) src(%dma_wait3A_499 : memref<640x64xf32, #tpu.memory_space<vmem_shared>>) dst(%dma_wait3A_497 : memref<640x64xf32, #tpu.memory_space<hbm>>)
      tpu.yield
    }) : () -> ()
    return
  }
}

module attributes {stable_mosaic.version = 14 : i64} {
  func.func @_mm0_body(%arg0: memref<10000x128xf32, #tpu.memory_space<vmem>>, %arg1: memref<128x128xf32, #tpu.memory_space<vmem>>, %arg2: memref<1x128xf32, #tpu.memory_space<vmem>>, %arg3: memref<10000x128xf32, #tpu.memory_space<vmem>>) attributes {dimension_semantics = [], scalar_prefetch = 0 : i64, scratch_operands = 0 : i64, tpu.core_type = #tpu.core_type<tc>} {
    %get3A = arith.constant 0 : index
    %get3A_0 = arith.constant 0 : index
    %get3A_1 = vector.load %arg0[%get3A, %get3A_0] : memref<10000x128xf32, #tpu.memory_space<vmem>>, vector<10000x128xf32>
    %get3A_2 = arith.constant 0 : index
    %get3A_3 = arith.constant 0 : index
    %get3A_4 = vector.load %arg1[%get3A_2, %get3A_3] : memref<128x128xf32, #tpu.memory_space<vmem>>, vector<128x128xf32>
    %dot_general3A = arith.constant dense<0.000000e+00> : vector<10000x128xf32>
    %dot_general3A_5 = tpu.matmul %get3A_1, %get3A_4, %dot_general3A {dimension_numbers = #tpu.dot_dimension_numbers<[1], [0], [0], [1], [0, 0, 1, 1], [], []>, transpose_lhs_hint = false} : vector<10000x128xf32>, vector<128x128xf32>, vector<10000x128xf32> -> vector<10000x128xf32>
    %get3A_6 = arith.constant 0 : index
    %get3A_7 = arith.constant 0 : index
    %get3A_8 = vector.load %arg2[%get3A_6, %get3A_7] : memref<1x128xf32, #tpu.memory_space<vmem>>, vector<1x128xf32>
    %add3A = vector.broadcast %get3A_8 : vector<1x128xf32> to vector<10000x128xf32>
    %add3A_9 = arith.addf %dot_general3A_5, %add3A : vector<10000x128xf32>
    %swap3A = arith.constant 0 : index
    %swap3A_10 = arith.constant 0 : index
    %swap3A_11 = vector.load %arg3[%swap3A, %swap3A_10] : memref<10000x128xf32, #tpu.memory_space<vmem>>, vector<10000x128xf32>
    tpu.vector_store %arg3[%swap3A, %swap3A_10], %add3A_9 {strides = array<i32>} : memref<10000x128xf32, #tpu.memory_space<vmem>>, vector<10000x128xf32>,
    return
  }
}

module attributes {stable_mosaic.version = 14 : i64} {
  func.func @_mid1_body(%arg0: memref<2x10240x128xf32, #tpu.memory_space<vmem>>, %arg1: memref<10000x1xf32, #tpu.memory_space<vmem>>, %arg2: memref<10000x1xf32, #tpu.memory_space<vmem>>, %arg3: memref<1x128xf32, #tpu.memory_space<vmem>>, %arg4: memref<1x128xf32, #tpu.memory_space<vmem>>, %arg5: memref<128x128xf32, #tpu.memory_space<vmem>>, %arg6: memref<1x128xf32, #tpu.memory_space<vmem>>, %arg7: memref<10000x128xf32, #tpu.memory_space<vmem>>, %arg8: memref<10000x1xf32, #tpu.memory_space<vmem>>) attributes {dimension_semantics = [], scalar_prefetch = 0 : i64, scratch_operands = 0 : i64, tpu.core_type = #tpu.core_type<tc>} {
    %get3A = arith.constant 0 : index
    %get3A_0 = arith.constant 0 : index
    %get3A_1 = vector.load %arg1[%get3A, %get3A_0] : memref<10000x1xf32, #tpu.memory_space<vmem>>, vector<10000x1xf32>
    %get3A_2 = arith.constant 0 : index
    %get3A_3 = arith.constant 0 : index
    %get3A_4 = vector.load %arg2[%get3A_2, %get3A_3] : memref<10000x1xf32, #tpu.memory_space<vmem>>, vector<10000x1xf32>
    %add3A = arith.addf %get3A_1, %get3A_4 : vector<10000x1xf32>
    %eq3A = arith.constant 0.000000e+00 : f32
    %eq3A_5 = vector.broadcast %eq3A : f32 to vector<10000x1xf32>
    %eq3A_6 = arith.cmpf oeq, %add3A, %eq3A_5 : vector<10000x1xf32>
    %jit3A = arith.constant 1.000000e+00 : f32
    %broadcast_in_dim3A = vector.broadcast %jit3A : f32 to vector<10000x1xf32>
    %select_n3A = arith.select %eq3A_6, %broadcast_in_dim3A, %add3A : vector<10000x1xi1>, vector<10000x1xf32>
    %div3A = arith.constant 1.000000e+00 : f32
    %div3A_7 = vector.broadcast %div3A : f32 to vector<10000x1xf32>
    %div3A_8 = arith.divf %div3A_7, %select_n3A : vector<10000x1xf32>
    %get3A_9 = arith.constant 0 : index
    %get3A_10 = arith.constant 0 : index
    %get3A_11 = arith.constant 0 : index
    %get3A_12 = vector.load %arg0[%get3A_9, %get3A_10, %get3A_11] : memref<2x10240x128xf32, #tpu.memory_space<vmem>>, vector<1x10000x128xf32>
    %get3A_13 = vector.shape_cast %get3A_12 : vector<1x10000x128xf32> to vector<10000x128xf32>
    %get3A_14 = arith.constant 1 : index
    %get3A_15 = arith.constant 0 : index
    %get3A_16 = arith.constant 0 : index
    %get3A_17 = vector.load %arg0[%get3A_14, %get3A_15, %get3A_16] : memref<2x10240x128xf32, #tpu.memory_space<vmem>>, vector<1x10000x128xf32>
    %get3A_18 = vector.shape_cast %get3A_17 : vector<1x10000x128xf32> to vector<10000x128xf32>
    %add3A_19 = arith.addf %get3A_13, %get3A_18 : vector<10000x128xf32>
    %mul3A = vector.broadcast %div3A_8 : vector<10000x1xf32> to vector<10000x128xf32>
    %mul3A_20 = arith.mulf %add3A_19, %mul3A : vector<10000x128xf32>
    %get3A_21 = arith.constant 0 : index
    %get3A_22 = arith.constant 0 : index
    %get3A_23 = vector.load %arg3[%get3A_21, %get3A_22] : memref<1x128xf32, #tpu.memory_space<vmem>>, vector<1x128xf32>
    %get3A_24 = arith.constant 0 : index
    %get3A_25 = arith.constant 0 : index
    %get3A_26 = vector.load %arg4[%get3A_24, %get3A_25] : memref<1x128xf32, #tpu.memory_space<vmem>>, vector<1x128xf32>
    %reduce_sum3A = arith.constant dense<0.000000e+00> : vector<10000xf32>
    %reduce_sum3A_27 = vector.multi_reduction <add>, %mul3A_20, %reduce_sum3A [1] : vector<10000x128xf32> to vector<10000xf32>
    %broadcast_in_dim3A_28 = vector.shape_cast %reduce_sum3A_27 : vector<10000xf32> to vector<10000x1xf32>
    %div3A_29 = arith.constant 1.280000e+02 : f32
    %div3A_30 = vector.broadcast %div3A_29 : f32 to vector<10000x1xf32>
    %div3A_31 = arith.divf %broadcast_in_dim3A_28, %div3A_30 : vector<10000x1xf32>
    %sub3A = vector.broadcast %div3A_31 : vector<10000x1xf32> to vector<10000x128xf32>
    %sub3A_32 = arith.subf %mul3A_20, %sub3A : vector<10000x128xf32>
    %integer_pow3A = arith.mulf %sub3A_32, %sub3A_32 : vector<10000x128xf32>
    %reduce_sum3A_33 = arith.constant dense<0.000000e+00> : vector<10000xf32>
    %reduce_sum3A_34 = vector.multi_reduction <add>, %integer_pow3A, %reduce_sum3A_33 [1] : vector<10000x128xf32> to vector<10000xf32>
    %broadcast_in_dim3A_35 = vector.shape_cast %reduce_sum3A_34 : vector<10000xf32> to vector<10000x1xf32>
    %div3A_36 = arith.constant 1.280000e+02 : f32
    %div3A_37 = vector.broadcast %div3A_36 : f32 to vector<10000x1xf32>
    %div3A_38 = arith.divf %broadcast_in_dim3A_35, %div3A_37 : vector<10000x1xf32>
    %sub3A_39 = vector.broadcast %div3A_31 : vector<10000x1xf32> to vector<10000x128xf32>
    %sub3A_40 = arith.subf %mul3A_20, %sub3A_39 : vector<10000x128xf32>
    %add3A_41 = arith.constant 9.99999974E-6 : f32
    %add3A_42 = vector.broadcast %add3A_41 : f32 to vector<10000x1xf32>
    %add3A_43 = arith.addf %div3A_38, %add3A_42 : vector<10000x1xf32>
    %rsqrt3A = math.rsqrt %add3A_43 : vector<10000x1xf32>
    %mul3A_44 = vector.broadcast %rsqrt3A : vector<10000x1xf32> to vector<10000x128xf32>
    %mul3A_45 = arith.mulf %sub3A_40, %mul3A_44 : vector<10000x128xf32>
    %mul3A_46 = vector.broadcast %get3A_23 : vector<1x128xf32> to vector<10000x128xf32>
    %mul3A_47 = arith.mulf %mul3A_45, %mul3A_46 : vector<10000x128xf32>
    %add3A_48 = vector.broadcast %get3A_26 : vector<1x128xf32> to vector<10000x128xf32>
    %add3A_49 = arith.addf %mul3A_47, %add3A_48 : vector<10000x128xf32>
    %max3A = arith.constant 0.000000e+00 : f32
    %max3A_50 = vector.broadcast %max3A : f32 to vector<10000x128xf32>
    %max3A_51 = arith.maximumf %add3A_49, %max3A_50 : vector<10000x128xf32>
    %get3A_52 = arith.constant 0 : index
    %get3A_53 = arith.constant 0 : index
    %get3A_54 = vector.load %arg5[%get3A_52, %get3A_53] : memref<128x128xf32, #tpu.memory_space<vmem>>, vector<128x128xf32>
    %dot_general3A = arith.constant dense<0.000000e+00> : vector<10000x128xf32>
    %dot_general3A_55 = tpu.matmul %max3A_51, %get3A_54, %dot_general3A {dimension_numbers = #tpu.dot_dimension_numbers<[1], [0], [0], [1], [0, 0, 1, 1], [], []>, transpose_lhs_hint = false} : vector<10000x128xf32>, vector<128x128xf32>, vector<10000x128xf32> -> vector<10000x128xf32>
    %get3A_56 = arith.constant 0 : index
    %get3A_57 = arith.constant 0 : index
    %get3A_58 = vector.load %arg6[%get3A_56, %get3A_57] : memref<1x128xf32, #tpu.memory_space<vmem>>, vector<1x128xf32>
    %add3A_59 = vector.broadcast %get3A_58 : vector<1x128xf32> to vector<10000x128xf32>
    %add3A_60 = arith.addf %dot_general3A_55, %add3A_59 : vector<10000x128xf32>
    %swap3A = arith.constant 0 : index
    %swap3A_61 = arith.constant 0 : index
    %swap3A_62 = vector.load %arg7[%swap3A, %swap3A_61] : memref<10000x128xf32, #tpu.memory_space<vmem>>, vector<10000x128xf32>
    tpu.vector_store %arg7[%swap3A, %swap3A_61], %add3A_60 {strides = array<i32>} : memref<10000x128xf32, #tpu.memory_space<vmem>>, vector<10000x128xf32>,
    %swap3A_63 = arith.constant 0 : index
    %swap3A_64 = arith.constant 0 : index
    %swap3A_65 = vector.load %arg8[%swap3A_63, %swap3A_64] : memref<10000x1xf32, #tpu.memory_space<vmem>>, vector<10000x1xf32>
    tpu.vector_store %arg8[%swap3A_63, %swap3A_64], %div3A_8 {strides = array<i32>} : memref<10000x1xf32, #tpu.memory_space<vmem>>, vector<10000x1xf32>,
    return
  }
}

module attributes {stable_mosaic.version = 14 : i64} {
  func.func @_mid2_body(%arg0: memref<2x10240x128xf32, #tpu.memory_space<vmem>>, %arg1: memref<10000x1xf32, #tpu.memory_space<vmem>>, %arg2: memref<1x128xf32, #tpu.memory_space<vmem>>, %arg3: memref<1x128xf32, #tpu.memory_space<vmem>>, %arg4: memref<128x64xf32, #tpu.memory_space<vmem>>, %arg5: memref<1x64xf32, #tpu.memory_space<vmem>>, %arg6: memref<10000x64xf32, #tpu.memory_space<vmem>>) attributes {dimension_semantics = [], scalar_prefetch = 0 : i64, scratch_operands = 0 : i64, tpu.core_type = #tpu.core_type<tc>} {
    %get3A = arith.constant 0 : index
    %get3A_0 = arith.constant 0 : index
    %get3A_1 = arith.constant 0 : index
    %get3A_2 = vector.load %arg0[%get3A, %get3A_0, %get3A_1] : memref<2x10240x128xf32, #tpu.memory_space<vmem>>, vector<1x10000x128xf32>
    %get3A_3 = vector.shape_cast %get3A_2 : vector<1x10000x128xf32> to vector<10000x128xf32>
    %get3A_4 = arith.constant 1 : index
    %get3A_5 = arith.constant 0 : index
    %get3A_6 = arith.constant 0 : index
    %get3A_7 = vector.load %arg0[%get3A_4, %get3A_5, %get3A_6] : memref<2x10240x128xf32, #tpu.memory_space<vmem>>, vector<1x10000x128xf32>
    %get3A_8 = vector.shape_cast %get3A_7 : vector<1x10000x128xf32> to vector<10000x128xf32>
    %add3A = arith.addf %get3A_3, %get3A_8 : vector<10000x128xf32>
    %get3A_9 = arith.constant 0 : index
    %get3A_10 = arith.constant 0 : index
    %get3A_11 = vector.load %arg1[%get3A_9, %get3A_10] : memref<10000x1xf32, #tpu.memory_space<vmem>>, vector<10000x1xf32>
    %mul3A = vector.broadcast %get3A_11 : vector<10000x1xf32> to vector<10000x128xf32>
    %mul3A_12 = arith.mulf %add3A, %mul3A : vector<10000x128xf32>
    %get3A_13 = arith.constant 0 : index
    %get3A_14 = arith.constant 0 : index
    %get3A_15 = vector.load %arg2[%get3A_13, %get3A_14] : memref<1x128xf32, #tpu.memory_space<vmem>>, vector<1x128xf32>
    %get3A_16 = arith.constant 0 : index
    %get3A_17 = arith.constant 0 : index
    %get3A_18 = vector.load %arg3[%get3A_16, %get3A_17] : memref<1x128xf32, #tpu.memory_space<vmem>>, vector<1x128xf32>
    %reduce_sum3A = arith.constant dense<0.000000e+00> : vector<10000xf32>
    %reduce_sum3A_19 = vector.multi_reduction <add>, %mul3A_12, %reduce_sum3A [1] : vector<10000x128xf32> to vector<10000xf32>
    %broadcast_in_dim3A = vector.shape_cast %reduce_sum3A_19 : vector<10000xf32> to vector<10000x1xf32>
    %div3A = arith.constant 1.280000e+02 : f32
    %div3A_20 = vector.broadcast %div3A : f32 to vector<10000x1xf32>
    %div3A_21 = arith.divf %broadcast_in_dim3A, %div3A_20 : vector<10000x1xf32>
    %sub3A = vector.broadcast %div3A_21 : vector<10000x1xf32> to vector<10000x128xf32>
    %sub3A_22 = arith.subf %mul3A_12, %sub3A : vector<10000x128xf32>
    %integer_pow3A = arith.mulf %sub3A_22, %sub3A_22 : vector<10000x128xf32>
    %reduce_sum3A_23 = arith.constant dense<0.000000e+00> : vector<10000xf32>
    %reduce_sum3A_24 = vector.multi_reduction <add>, %integer_pow3A, %reduce_sum3A_23 [1] : vector<10000x128xf32> to vector<10000xf32>
    %broadcast_in_dim3A_25 = vector.shape_cast %reduce_sum3A_24 : vector<10000xf32> to vector<10000x1xf32>
    %div3A_26 = arith.constant 1.280000e+02 : f32
    %div3A_27 = vector.broadcast %div3A_26 : f32 to vector<10000x1xf32>
    %div3A_28 = arith.divf %broadcast_in_dim3A_25, %div3A_27 : vector<10000x1xf32>
    %sub3A_29 = vector.broadcast %div3A_21 : vector<10000x1xf32> to vector<10000x128xf32>
    %sub3A_30 = arith.subf %mul3A_12, %sub3A_29 : vector<10000x128xf32>
    %add3A_31 = arith.constant 9.99999974E-6 : f32
    %add3A_32 = vector.broadcast %add3A_31 : f32 to vector<10000x1xf32>
    %add3A_33 = arith.addf %div3A_28, %add3A_32 : vector<10000x1xf32>
    %rsqrt3A = math.rsqrt %add3A_33 : vector<10000x1xf32>
    %mul3A_34 = vector.broadcast %rsqrt3A : vector<10000x1xf32> to vector<10000x128xf32>
    %mul3A_35 = arith.mulf %sub3A_30, %mul3A_34 : vector<10000x128xf32>
    %mul3A_36 = vector.broadcast %get3A_15 : vector<1x128xf32> to vector<10000x128xf32>
    %mul3A_37 = arith.mulf %mul3A_35, %mul3A_36 : vector<10000x128xf32>
    %add3A_38 = vector.broadcast %get3A_18 : vector<1x128xf32> to vector<10000x128xf32>
    %add3A_39 = arith.addf %mul3A_37, %add3A_38 : vector<10000x128xf32>
    %max3A = arith.constant 0.000000e+00 : f32
    %max3A_40 = vector.broadcast %max3A : f32 to vector<10000x128xf32>
    %max3A_41 = arith.maximumf %add3A_39, %max3A_40 : vector<10000x128xf32>
    %get3A_42 = arith.constant 0 : index
    %get3A_43 = arith.constant 0 : index
    %get3A_44 = vector.load %arg4[%get3A_42, %get3A_43] : memref<128x64xf32, #tpu.memory_space<vmem>>, vector<128x64xf32>
    %dot_general3A = arith.constant dense<0.000000e+00> : vector<10000x64xf32>
    %dot_general3A_45 = tpu.matmul %max3A_41, %get3A_44, %dot_general3A {dimension_numbers = #tpu.dot_dimension_numbers<[1], [0], [0], [1], [0, 0, 1, 1], [], []>, transpose_lhs_hint = false} : vector<10000x128xf32>, vector<128x64xf32>, vector<10000x64xf32> -> vector<10000x64xf32>
    %get3A_46 = arith.constant 0 : index
    %get3A_47 = arith.constant 0 : index
    %get3A_48 = vector.load %arg5[%get3A_46, %get3A_47] : memref<1x64xf32, #tpu.memory_space<vmem>>, vector<1x64xf32>
    %add3A_49 = vector.broadcast %get3A_48 : vector<1x64xf32> to vector<10000x64xf32>
    %add3A_50 = arith.addf %dot_general3A_45, %add3A_49 : vector<10000x64xf32>
    %swap3A = arith.constant 0 : index
    %swap3A_51 = arith.constant 0 : index
    %swap3A_52 = vector.load %arg6[%swap3A, %swap3A_51] : memref<10000x64xf32, #tpu.memory_space<vmem>>, vector<10000x64xf32>
    tpu.vector_store %arg6[%swap3A, %swap3A_51], %add3A_50 {strides = array<i32>} : memref<10000x64xf32, #tpu.memory_space<vmem>>, vector<10000x64xf32>,
    return
  }
}

module attributes {stable_mosaic.version = 14 : i64} {
  func.func @_fin_body(%arg0: memref<2x10240x64xf32, #tpu.memory_space<vmem>>, %arg1: memref<10000x1xf32, #tpu.memory_space<vmem>>, %arg2: memref<1x64xf32, #tpu.memory_space<vmem>>, %arg3: memref<1x64xf32, #tpu.memory_space<vmem>>, %arg4: memref<10000x64xf32, #tpu.memory_space<vmem>>) attributes {dimension_semantics = [], scalar_prefetch = 0 : i64, scratch_operands = 0 : i64, tpu.core_type = #tpu.core_type<tc>} {
    %get3A = arith.constant 0 : index
    %get3A_0 = arith.constant 0 : index
    %get3A_1 = arith.constant 0 : index
    %get3A_2 = vector.load %arg0[%get3A, %get3A_0, %get3A_1] : memref<2x10240x64xf32, #tpu.memory_space<vmem>>, vector<1x10000x64xf32>
    %get3A_3 = vector.shape_cast %get3A_2 : vector<1x10000x64xf32> to vector<10000x64xf32>
    %get3A_4 = arith.constant 1 : index
    %get3A_5 = arith.constant 0 : index
    %get3A_6 = arith.constant 0 : index
    %get3A_7 = vector.load %arg0[%get3A_4, %get3A_5, %get3A_6] : memref<2x10240x64xf32, #tpu.memory_space<vmem>>, vector<1x10000x64xf32>
    %get3A_8 = vector.shape_cast %get3A_7 : vector<1x10000x64xf32> to vector<10000x64xf32>
    %add3A = arith.addf %get3A_3, %get3A_8 : vector<10000x64xf32>
    %get3A_9 = arith.constant 0 : index
    %get3A_10 = arith.constant 0 : index
    %get3A_11 = vector.load %arg1[%get3A_9, %get3A_10] : memref<10000x1xf32, #tpu.memory_space<vmem>>, vector<10000x1xf32>
    %mul3A = vector.broadcast %get3A_11 : vector<10000x1xf32> to vector<10000x64xf32>
    %mul3A_12 = arith.mulf %add3A, %mul3A : vector<10000x64xf32>
    %get3A_13 = arith.constant 0 : index
    %get3A_14 = arith.constant 0 : index
    %get3A_15 = vector.load %arg2[%get3A_13, %get3A_14] : memref<1x64xf32, #tpu.memory_space<vmem>>, vector<1x64xf32>
    %get3A_16 = arith.constant 0 : index
    %get3A_17 = arith.constant 0 : index
    %get3A_18 = vector.load %arg3[%get3A_16, %get3A_17] : memref<1x64xf32, #tpu.memory_space<vmem>>, vector<1x64xf32>
    %reduce_sum3A = arith.constant dense<0.000000e+00> : vector<10000xf32>
    %reduce_sum3A_19 = vector.multi_reduction <add>, %mul3A_12, %reduce_sum3A [1] : vector<10000x64xf32> to vector<10000xf32>
    %broadcast_in_dim3A = vector.shape_cast %reduce_sum3A_19 : vector<10000xf32> to vector<10000x1xf32>
    %div3A = arith.constant 6.400000e+01 : f32
    %div3A_20 = vector.broadcast %div3A : f32 to vector<10000x1xf32>
    %div3A_21 = arith.divf %broadcast_in_dim3A, %div3A_20 : vector<10000x1xf32>
    %sub3A = vector.broadcast %div3A_21 : vector<10000x1xf32> to vector<10000x64xf32>
    %sub3A_22 = arith.subf %mul3A_12, %sub3A : vector<10000x64xf32>
    %integer_pow3A = arith.mulf %sub3A_22, %sub3A_22 : vector<10000x64xf32>
    %reduce_sum3A_23 = arith.constant dense<0.000000e+00> : vector<10000xf32>
    %reduce_sum3A_24 = vector.multi_reduction <add>, %integer_pow3A, %reduce_sum3A_23 [1] : vector<10000x64xf32> to vector<10000xf32>
    %broadcast_in_dim3A_25 = vector.shape_cast %reduce_sum3A_24 : vector<10000xf32> to vector<10000x1xf32>
    %div3A_26 = arith.constant 6.400000e+01 : f32
    %div3A_27 = vector.broadcast %div3A_26 : f32 to vector<10000x1xf32>
    %div3A_28 = arith.divf %broadcast_in_dim3A_25, %div3A_27 : vector<10000x1xf32>
    %sub3A_29 = vector.broadcast %div3A_21 : vector<10000x1xf32> to vector<10000x64xf32>
    %sub3A_30 = arith.subf %mul3A_12, %sub3A_29 : vector<10000x64xf32>
    %add3A_31 = arith.constant 9.99999974E-6 : f32
    %add3A_32 = vector.broadcast %add3A_31 : f32 to vector<10000x1xf32>
    %add3A_33 = arith.addf %div3A_28, %add3A_32 : vector<10000x1xf32>
    %rsqrt3A = math.rsqrt %add3A_33 : vector<10000x1xf32>
    %mul3A_34 = vector.broadcast %rsqrt3A : vector<10000x1xf32> to vector<10000x64xf32>
    %mul3A_35 = arith.mulf %sub3A_30, %mul3A_34 : vector<10000x64xf32>
    %mul3A_36 = vector.broadcast %get3A_15 : vector<1x64xf32> to vector<10000x64xf32>
    %mul3A_37 = arith.mulf %mul3A_35, %mul3A_36 : vector<10000x64xf32>
    %add3A_38 = vector.broadcast %get3A_18 : vector<1x64xf32> to vector<10000x64xf32>
    %add3A_39 = arith.addf %mul3A_37, %add3A_38 : vector<10000x64xf32>
    %swap3A = arith.constant 0 : index
    %swap3A_40 = arith.constant 0 : index
    %swap3A_41 = vector.load %arg4[%swap3A, %swap3A_40] : memref<10000x64xf32, #tpu.memory_space<vmem>>, vector<10000x64xf32>
    tpu.vector_store %arg4[%swap3A, %swap3A_40], %add3A_39 {strides = array<i32>} : memref<10000x64xf32, #tpu.memory_space<vmem>>, vector<10000x64xf32>,
    return
  }
}

</mosaic_0001>

<sc_bundles>
// kernel: kernel.12.cloned.1.call-start
scs
__scs_entry_jumppad:
0x0: {  	(pc) =	sbr.rel $0x88, $3  }
0x1: {  	(tag) =	ssettag $0x0;
	lr =	simm.s32 $0x1  }
0x2: {  	[smem:$0x3F93] =	sst lr;
	_ =	strace $0xD0000000  }
0x3: {  	_ = 	snop  }
0x4: {  	_ = 	snop  }
0x5: {  	_ = 	snop  }
0x6: {  	_ = 	snop  }
0x7: {  	_ = 	snop  }
__scs_overlays_trampoline_lowered:
0x8: {  	[smem:$0x3FA2] =	sst s0  }
0x9: {  	[smem:$0x3FA3] =	sst s1  }
0xa: {  	[smem:$0x3FA4] =	sst s2  }
0xb: {  	[smem:$0x3FA5] =	sst s3  }
0xc: {  	[smem:$0x3FA6] =	sst s4  }
0xd: {  	[smem:$0x3FA7] =	sst s5  }
0xe: {  	[smem:$0x3FA8] =	sst s6  }
0xf: {  	[smem:$0x3FA9] =	sst s7  }
0x10: {  	[smem:$0x3FAA] =	sst s8  }
0x11: {  	[smem:$0x3FAB] =	sst s9;
	s0 =	simm.s32 @!p0 $0x0  }
0x12: {  	s1 =	sld [smem:$0x3F91];
	s0 =	simm.s32 @p0 $0x1  }
0x13: {  	[smem:$0x3FAC] =	sst s0;
	s0 =	simm.s32 @!p1 $0x0  }
0x14: {  	s2 =	sld [smem:$0x3F90];
	s0 =	simm.s32 @p1 $0x1  }
0x15: {  	[smem:$0x3FAD] =	sst s0;
	s0 =	simm.s32 @!p2 $0x0  }
0x16: {  	s3 =	sld [smem:$0x3FDB];
	s0 =	simm.s32 @p2 $0x1  }
0x17: {  	s4 =	simm.s32 $0x1BF5;
	[smem:$0x3FAF] =	sst s0  }
0x18: {  	s0 =	sld [smem:$0x3F92];
	_ =	swait.ge [sflag:s4], $0x0  }
0x19: {  	s7 =	sld [smem:$0x3F93]  }
0x1a: {  	s8 =	sadd.s32 $0xFFFFE003, lr  }
0x1b: {  	s9 =	sadd.s32 $0xFFFFFEF7, lr;
	s5 =	simm.s32 $0xFFFFFFFF;
	p2 =	slt.u32 s8, $0xFFFFF086  }
0x1c: {  	p1 =	slt.u32 s9, $0xF7A;
	s5 =	simm.s32 @!p2 $0x0  }
0x1d: {  	s5 =	simm.s32 @p1 $0x1;
	p0 =	seq.s32 s7, s2  }
0x1e: {  	s7 =	smul.u32 @!p0 $0xF7A, s2;
	p2 =	seq.s32 @!p0 s5, $0x0  }
0x1f: {  	s9 =	smul.u32 $0xF7A, s1;
	s8 =	simm.s32 @!p0 $0x1BF5;
	p2 =	por !p2, p0  }
0x20: {  	[sflag:s8] =	ssyncset.s32 @!p0 $0xFFFFF086;
	s6 =	sadd.s32 @!p0 s3, s7;
	s7 =	simm.s32 @!p0 $0x108  }
0x21: {  	s3 =	sadd.s32 s3, s9;
	s6 =	sadd.s32 @!p0 $0x88, s6;
	s7 =	simm.s32 @p2 $0x1082  }
0x22: {  	[simem:s7], [sflag:s8] =	dma.local @!p0 [hbm:s6], $0xF7A  }
0x23: {  	s9 =	sor.u32 $0xD0000000, s2;
	s6 =	simm.s32 $0x108;
	_ =	swait.ge @!p0 [sflag:s8], $0x0  }
0x24: {  	s3 =	sadd.s32 $0x88, s3;
	s6 =	simm.s32 @!p1 $0x1082;
	[sflag:s4] =	ssyncset.s32 $0xFFFFF086  }
0x25: {  	[simem:s6], [sflag:s4] =	dma.local [hbm:s3], $0xF7A  }
0x26: {  	[smem:$0x3F93] =	sst s1;
	(tag) =	ssettag s2;
	_ =	strace s9  }
0x27: {  	s1 =	sld [smem:$0x3FA3]  }
0x28: {  	s2 =	sld [smem:$0x3FA4]  }
0x29: {  	s4 =	sld [smem:$0x3FA6]  }
0x2a: {  	p0 =	seq.s32 s5, $0x0;
	s5 =	sld [smem:$0x3FA7]  }
0x2b: {  	s6 =	sld [smem:$0x3FA8]  }
0x2c: {  	s7 =	sld [smem:$0x3FA9]  }
0x2d: {  	s3 =	simm.s32 $0x108;
	s8 =	sld [smem:$0x3FAA]  }
0x2e: {  	s3 =	simm.s32 @!p0 $0x1082;
	s9 =	sld [smem:$0x3FAB]  }
0x2f: {  	lr =	sadd.s32 s0, s3;
	s0 =	sld [smem:$0x3FA2]  }
0x30: {  	s3 =	sld [smem:$0x3FA5]  }
0x31: {  	[smem:$0x3FAE] =	sst s10  }
0x32: {  	s10 =	sld [smem:$0x3FAC];
	_ =	sdelay $0x3  }
0x33: {  	p0 =	seq.s32 s10, $0x1;
	s10 =	sld [smem:$0x3FAE];
	_ =	sdelay $0x3  }
0x34: {  	[smem:$0x3FAE] =	sst s10  }
0x35: {  	s10 =	sld [smem:$0x3FAD];
	_ =	sdelay $0x3  }
0x36: {  	p1 =	seq.s32 s10, $0x1;
	s10 =	sld [smem:$0x3FAE];
	_ =	sdelay $0x3  }
0x37: {  	[smem:$0x3FAE] =	sst s10  }
0x38: {  	s10 =	sld [smem:$0x3FAF]  }
0x39: {  	_ = 	snop;
	(pc) =	sbr.ind lr, $3  }
0x3a: {  	_ = 	snop  }
0x3b: {  	_ = 	snop  }
0x3c: {  	p2 =	seq.s32 s10, $0x1;
	s10 =	sld [smem:$0x3FAE]  }
0x3d: {  	_ =	shalt  }
0x3e: {  	_ =	shalt  }
0x3f: {  	_ =	shalt  }
0x40: {  	_ =	shalt  }
0x41: {  	_ =	shalt  }
0x42: {  	_ =	shalt  }
0x43: {  	_ =	shalt  }
0x44: {  	_ =	shalt  }
0x45: {  	_ =	shalt  }
0x46: {  	_ =	shalt  }
0x47: {  	_ =	shalt  }
0x48: {  	_ =	shalt  }
0x49: {  	_ =	shalt  }
0x4a: {  	_ =	shalt  }
0x4b: {  	_ =	shalt  }
0x4c: {  	_ =	shalt  }
0x4d: {  	_ =	shalt  }
0x4e: {  	_ =	shalt  }
0x4f: {  	_ =	shalt  }
0x50: {  	_ =	shalt  }
0x51: {  	_ =	shalt  }
0x52: {  	_ =	shalt  }
0x53: {  	_ =	shalt  }
0x54: {  	_ =	shalt  }
0x55: {  	_ =	shalt  }
0x56: {  	_ =	shalt  }
0x57: {  	_ =	shalt  }
0x58: {  	_ =	shalt  }
0x59: {  	_ =	shalt  }
0x5a: {  	_ =	shalt  }
0x5b: {  	_ =	shalt  }
0x5c: {  	_ =	shalt  }
0x5d: {  	_ =	shalt  }
0x5e: {  	_ =	shalt  }
0x5f: {  	_ =	shalt  }
0x60: {  	_ =	shalt  }
0x61: {  	_ =	shalt  }
0x62: {  	_ =	shalt  }
0x63: {  	_ =	shalt  }
0x64: {  	_ =	shalt  }
0x65: {  	_ =	shalt  }
0x66: {  	_ =	shalt  }
0x67: {  	_ =	shalt  }
0x68: {  	_ =	shalt  }
0x69: {  	_ =	shalt  }
0x6a: {  	_ =	shalt  }
0x6b: {  	_ =	shalt  }
0x6c: {  	_ =	shalt  }
0x6d: {  	_ =	shalt  }
0x6e: {  	_ =	shalt  }
0x6f: {  	_ =	shalt  }
0x70: {  	_ =	shalt  }
0x71: {  	_ =	shalt  }
0x72: {  	_ =	shalt  }
0x73: {  	_ =	shalt  }
0x74: {  	_ =	shalt  }
0x75: {  	_ =	shalt  }
0x76: {  	_ =	shalt  }
0x77: {  	_ =	shalt  }
0x78: {  	_ =	shalt  }
0x79: {  	_ =	shalt  }
0x7a: {  	_ =	shalt  }
0x7b: {  	_ =	shalt  }
0x7c: {  	_ =	shalt  }
0x7d: {  	_ =	shalt  }
0x7e: {  	_ =	shalt  }
0x7f: {  	_ =	shalt  }
0x80: {  	_ =	shalt  }
0x81: {  	_ =	shalt  }
0x82: {  	_ =	shalt  }
0x83: {  	_ =	shalt  }
0x84: {  	_ =	shalt  }
0x85: {  	_ =	shalt  }
0x86: {  	_ =	shalt  }
0x87: {  	_ =	shalt  }
.Lfunc_end0:
.L_simem_size_0:
called_computation.1_lowered:
.L_overlay_start_0:
0x88: {  	s2 =	sld [smem:$0x3FD9]  }
0x89: {  	s3 =	sld [smem:$0x3FFE];
	_ =	sdelay $0x1  }
0x8a: {  	s1 =	srdreg.scid  }
0x8b: {  	s0 =	sand.u32 $0x1, s1  }
0x8c: {  	s17 =	sshll.u32 s0, $0xA;
	s2 =	sadd.s32 s3, s2  }
0x8d: {  	s2 =	sadd.s32 s2, s17  }
0x8e: {  	[smem:$0x3FBA] =	sst s2  }
0x8f: {  	_ = 	snop  }
0x90: {  	s2 =	sld [smem:$0x3FD0];
	(tm) =	ssettm $0x1  }
0x91: {  	s18 =	sld [smem:$0x3FFB];
	_ =	sdelay $0x3  }
0x92: {  	_ =	strace s18  }
0x93: {  	s3 =	sld [smem:$0x3FFC];
	_ =	sdelay $0x3  }
0x94: {  	_ =	strace s3  }
0x95: {  	s3 =	sld [smem:$0x3FFD];
	_ =	sdelay $0x3  }
0x96: {  	_ =	strace s3  }
0x97: {  	_ =	strace $0x8FFFFFFF  }
0x98: {  	s19 =	sld [smem:$0x3FDB];
	_ =	sdelay $0x1  }
0x99: {  	s4 =	simm.s32 $_scs_section_size  }
0x9a: {  	s5 =	simm.s32 $_size__tile_overlayer_lowered;
	s6 =	simm.s32 $_tile_overlayer_lowered  }
0x9b: {  	s22 =	simm.s32 $0x1BFF;
	s21 =	sshll.u32 s6, $0x1;
	s3 =	sadd.s32 s4, s19  }
0x9c: {  	s7 =	simm.s32 $0x0;
	s20 =	sshll.u32 s5, $0x1;
	s5 =	sadd.s32 s21, s3  }
0x9d: {  	[timem:s7], [sflag:s22] =	dma.local [hbm:s5], s20  }
0x9e: {  	_ =	swait.ge [sflag:s22], s20  }
0x9f: {  	s4 =	ssub.s32 $0x0, s20;
	[sflag:s22] =	ssyncset.done $0x0  }
0xa0: {  	[sflag:s22] =	ssyncadd.s32 s4;
	_ =	sdelay $0x1  }
0xa1: {  	s23 =	simm.s32 $0x1B8B  }
0xa2: {  	_ =	swait.ge [sflag:s23], $0x1  }
0xa3: {  	[sflag:s23] =	ssyncset.done $0x0  }
0xa4: {  	s25 =	simm.s32 $0x1B8E;
	s24 =	sld [smem:$0x3FFE];
	[sflag:s23] =	ssyncadd.s32 $0xFFFFFFFF  }
0xa5: {  	s26 =	simm.s32 $execute0_lowered;
	[smem:$0x3FD2] =	sst s25  }
0xa6: {  	s5 =	sshll.u32 s26, $0x1;
	_ =	strace $0x80000049;
	[dreg:$0x1] =	wrdreg $0xFFFFFFFF  }
0xa7: {  	s28 =	simm.s32 $_size_execute0_lowered;
	s3 =	sadd.s32 s3, s5;
	[dreg:$0x0] =	wrdreg $0x0  }
0xa8: {  	s5 =	sshll.u32 s28, $0x1;
	[dreg:$0x2] =	wrdreg s3  }
0xa9: {  	[dreg:$0x3] =	wrdreg s5  }
0xaa: {  	[dreg:$0x4] =	wrdreg $0xC0  }
0xab: {  	_ =	task [dreg:s7], $0x5FFFF  }
0xac: {  	[dreg:$0x1] =	wrdreg $0xFFFFFFFF  }
0xad: {  	[dreg:$0x0] =	wrdreg $0x60  }
0xae: {  	[dreg:$0x2] =	wrdreg s24  }
0xaf: {  	[dreg:$0x3] =	wrdreg s2  }
0xb0: {  	[dreg:$0x4] =	wrdreg $0xA1800  }
0xb1: {  	[dreg:$0x5] =	wrdreg $0x9  }
0xb2: {  	_ =	task.clear_ibuf [dreg:s7], $0x6FFFF;
	_ =	strace $0x90000049  }
0xb3: {  	s29 =	simm.s32 $0x9;
	_ =	strace $0x8000004B  }
0xb4: {  	_ =	swait.ge [sflag:s29], $0x1  }
0xb5: {  	[sflag:s29] =	ssyncadd.s32 $0xFFFFFFFF  }
0xb6: {  	_ =	strace $0x9000004B  }
0xb7: {  	_ =	sfence  }
0xb8: {  	s30 =	sld [smem:$0x0];
	_ =	sdelay $0x2  }
0xb9: {  	s31 =	sshll.u32 s1, $0xD;
	s1 =	sshrl.u32 s1, $0x2  }
0xba: {  	s3 =	sand.u32 $0x4000, s31;
	s1 =	sadd.s32 s1, s30  }
0xbb: {  	s0 =	sor.u32 s3, s0;
	s1 =	sshll.u32 s1, $0x11  }
0xbc: {  	s0 =	sor.u32 s1, s0  }
0xbd: {  	s0 =	sadd.s32 $0x8F2B, s0  }
0xbe: {  	[sflag:s0] =	ssyncadd.remote.s32 $0x1  }
0xbf: {  	_ =	sfence.sel $0xFFFF  }
0xc0: {  	[dreg:$0x0] =	wrdreg $0xFFFFFFFF;
	(pc) =	sbr.abs _section_cstart, $3  }
0xc1: {  	[dreg:$0x1] =	wrdreg $0xFFFFFFFF  }
0xc2: {  	_ =	task.clear_ibuf [dreg:s7], $0x2FFFF;
	_ =	strace $0x9FFFFFFF  }
0xc3: {  	(tm) =	ssettm $0x7FFFFFFF  }
tec
execute0_lowered:
.L_overlay_start_1:
0x0: {  	(tag) =	ssettag $0x1  }
0x1: {  	s0 =	rddreg [dreg:$0x0]  }
0x2: {  	s1 =	rddreg [dreg:$0x1]  }
0x3: {  	s2 =	rddreg [dreg:$0x2]  }
0x4: {  	s3 =	srdreg.scid;
	s13 =	stileid.u32  }
0x5: {  	s14 =	simm.s32 $0xB;
	s29 =	simm.s32 $0x4;
	s6 =	smul.u32 $0x2800, s13  }
0x6: {  	s5 =	sand.u32 $0x1, s3;
	s3 =	simm.s32 $0x0;
	s11 =	smul.u32 $0x50000, s13  }
0x7: {  	s22 =	smul.u32 $0x2710, s13;
	s31 =	sshll.u32 s13, $0x6;
	s4 =	sshll.u32 s5, $0x4  }
0x8: {  	[smem:$0x7FF] =	sst s3;
	s7 =	smul.u32 $0x28000, s5;
	s8 =	ssub.s32 $0x2, s5  }
0x9: {  	s5 =	smul.u32 $0x27100, s5;
	s4 =	sor.u32 s13, s4;
	_ =	strace $0x8000004A  }
0xa: {  	s10 =	sshrl.u32 s8, $0x1;
	s12 =	sadd.s32 s6, s0;
	s19 =	sshrl.u32 s11, $0x2  }
0xb: {  	s11 =	simm.s32 $0x2900;
	s9 =	smul.u32 $0x2710, s4;
	s4 =	sadd.s32 $0x3400, s0  }
0xc: {  	s0 =	sadd.s32 s7, s0;
	s17 =	ssub.s32 s8, s10;
	s21 =	sadd.s32 s19, s2  }
0xd: {  	s23 =	sadd.s32 $0x2A600, s12;
	s5 =	sadd.s32 s22, s5;
	s8 =	simm.s32 $0x2780  }
0xe: {  	s19 =	simm.s32 $0x50;
	s22 =	simm.s32 $0x7;
	s10 =	simm.s32 $0x7980  }
0xf: {  	[dreg:$0x5] =	wrdreg s23;
	s0 =	sadd.s32 $0x52600, s0;
	s5 =	sadd.s32 $0x4E340, s5  }
0x10: {  	s7 =	smax.u32 s17, $0x1;
	s16 =	sshrl.u32 s21, $0x3;
	s21 =	simm.s32 $0x1  }
0x11: {  	s18 =	sshrl.u32 s9, $0x3;
	[dreg:$0xb] =	wrdreg s7;
	s0 =	sadd.s32 s6, s0  }
0x12: {  	s5 =	sshrl.u32 s5, $0x3;
	s20 =	sadd.s32 s1, s18;
	[dreg:$0xd] =	wrdreg s0  }
0x13: {  	s23 =	simm.s32 $0x5180;
	s1 =	sadd.s32 s5, s1;
	[dreg:$0x4] =	wrdreg s20  }
0x14: {  	s6 =	simm.s32 $0x2880;
	s24 =	sadd.s32 $0x9C40, s20;
	[dreg:$0xc] =	wrdreg s1  }
0x15: {  	s7 =	simm.s32 $0x5;
	s25 =	sadd.s32 $0x9C4A, s20;
	[dreg:$0x6] =	wrdreg s24  }
0x16: {  	s9 =	simm.s32 $0x0;
	s26 =	sadd.s32 $0x9C54, s20;
	[dreg:$0x7] =	wrdreg s25  }
0x17: {  	s5 =	sor.u32 $0x1C0B, s31;
	s28 =	sadd.s32 $0x9C5E, s20;
	[dreg:$0x8] =	wrdreg s26  }
0x18: {  	s0 =	simm.s32 $0x3;
	s30 =	sadd.s32 $0xA118, s20;
	[dreg:$0x9] =	wrdreg s28  }
0x19: {  	s20 =	simm.s32 $0x2980;
	[dreg:$0xa] =	wrdreg s30;
	s26 =	simm.s32 $0x2  }
.LBB2_1:
0x1a: {  	s1 =	rddreg [dreg:$0x4]  }
0x1b: {  	[tilespmem:s3], [sflag:$0xB] =	stream.linear.gather [hbm4b:s1+s3], $0x2710, $0x38;
	[tilespmem:$0x1E180] =	vst v63  }
0x1c: {  	_ =	swait.ge [sflag:s14], $0x2710  }
0x1d: {  	[sflag:s14] =	ssyncset.done $0x0  }
0x1e: {  	s12 =	rddreg [dreg:$0x5];
	[sflag:s14] =	ssyncadd.s32 $0xFFFFD8F0  }
0x1f: {  	[spmem:s16], [sflag:s5] =	dma.local [hbm:s12], $0x2800  }
0x20: {  	_ =	swait.ge [sflag:s14], $0x2800  }
0x21: {  	[sflag:s14] =	ssyncset.done $0x0  }
0x22: {  	[sflag:s14] =	ssyncadd.s32 $0xFFFFD800  }
0x23: {  	[bflag:$0x0] =	sbarrier.arrive $0xFFFF  }
0x24: {  	s13 =	rddreg [dreg:$0x6]  }
0x25: {  	[tilespmem:s8], [sflag:$0x7] =	stream.linear.gather [hbm4b:s13+s3], $0x50, $0x38;
	[tilespmem:$0x1E180] =	vst v63  }
0x26: {  	s17 =	simm.s32 $0x2800;
	s15 =	rddreg [dreg:$0x7]  }
0x27: {  	[tilespmem:s17], [sflag:$0x8] =	stream.linear.gather [hbm4b:s15+s3], $0x50, $0x38;
	[tilespmem:$0x1E180] =	vst v63  }
0x28: {  	_ = 	snop  }
0x29: {  	[tilespmem:s20], [sflag:$0x1] =	stream.indirect.gather [hbm4b:s4+s19], $0x80, s3, s19, $0xb8;
	[tilespmem:$0x1E180] =	vst v63  }
0x2a: {  	_ =	swait.ge [sflag:s21], $0x2800  }
0x2b: {  	[sflag:s21] =	ssyncset.done $0x0  }
0x2c: {  	[sflag:s21] =	ssyncadd.s32 $0xFFFFD800  }
0x2d: {  	_ =	swait.ge [sflag:s22], $0x50  }
0x2e: {  	[sflag:s22] =	ssyncset.done $0x0  }
0x2f: {  	[sflag:s22] =	ssyncadd.s32 $0xFFFFFFB0  }
0x30: {  	[spmem:s2] =	stream.indirect.scatter.add.f32 [tilespmem:s20], [sflag:$0x4], $0x80, s8, s19, $0xb8;
	[tilespmem:$0x1E180] =	vst v63  }
0x31: {  	_ = 	snop  }
0x32: {  	[tilespmem:s23], [sflag:$0x2] =	stream.indirect.gather [hbm4b:s4+s19], $0x80, s19, s19, $0xb8;
	[tilespmem:$0x1E180] =	vst v63  }
0x33: {  	s18 =	rddreg [dreg:$0x8]  }
0x34: {  	[tilespmem:s6], [sflag:$0x9] =	stream.linear.gather [hbm4b:s18+s3], $0x50, $0x38;
	[tilespmem:$0x1E180] =	vst v63  }
0x35: {  	_ =	swait.ge [sflag:s26], $0x2800  }
0x36: {  	[sflag:s26] =	ssyncset.done $0x0  }
0x37: {  	s25 =	simm.s32 $0x8;
	[sflag:s26] =	ssyncadd.s32 $0xFFFFD800  }
0x38: {  	_ =	swait.ge [sflag:s25], $0x50  }
0x39: {  	[sflag:s25] =	ssyncset.done $0x0  }
0x3a: {  	[sflag:s25] =	ssyncadd.s32 $0xFFFFFFB0  }
0x3b: {  	[spmem:s2] =	stream.indirect.scatter.add.f32 [tilespmem:s23], [sflag:$0x5], $0x80, s17, s19, $0xb8;
	[tilespmem:$0x1E180] =	vst v63  }
0x3c: {  	s6 =	simm.s32 $0xA0  }
0x3d: {  	[tilespmem:s10], [sflag:$0x3] =	stream.indirect.gather [hbm4b:s4+s19], $0x80, s6, s19, $0xb8;
	[tilespmem:$0x1E180] =	vst v63  }
0x3e: {  	s8 =	smul.u32 $0xAB, s0;
	s10 =	rddreg [dreg:$0x9]  }
0x3f: {  	[tilespmem:s11], [sflag:$0xA] =	stream.linear.gather [hbm4b:s10+s3], $0x50, $0x38;
	[tilespmem:$0x1E180] =	vst v63  }
0x40: {  	s1 =	sshrl.u32 s8, $0x9;
	s11 =	sadd.s32 $0xFFFFFF55, s8  }
0x41: {  	s24 =	smov.u32 s5;
	s1 =	sand.u32 $0x7F, s1;
	s5 =	sshrl.u32 s11, $0x9  }
0x42: {  	s1 =	smul.u32 $0x3, s1;
	s5 =	sand.u32 $0x7F, s5  }
0x43: {  	s5 =	smul.u32 $0x3, s5  }
0x44: {  	s30 =	simm.s32 $0x5;
	s1 =	ssub.s32 $0x3, s1  }
0x45: {  	s12 =	simm.s32 $0x2;
	s1 =	sand.u32 $0xFF, s1;
	s5 =	ssub.s32 $0x2, s5  }
0x46: {  	s17 =	smul.u32 $0xA000, s1;
	s6 =	sand.u32 $0x3, s12;
	s5 =	sand.u32 $0xFF, s5  }
0x47: {  	s15 =	sshll.u32 s6, $0x7;
	s10 =	simm.s32 $0x4;
	s13 =	sadd.s32 $0x1, s5  }
0x48: {  	s11 =	sadd.s32 $0x2780, s15;
	s15 =	smul.u32 $0xAB, s10;
	_ =	swait.ge [sflag:s13], $0x2800  }
0x49: {  	s18 =	simm.s32 $0xF0;
	s12 =	smul.u32 $0xA000, s5;
	[sflag:s13] =	ssyncset.done $0x0  }
0x4a: {  	s6 =	sadd.s32 $0x7, s6;
	s8 =	sadd.s32 $0xFFFFFF55, s15;
	[sflag:s13] =	ssyncadd.s32 $0xFFFFD800  }
0x4b: {  	s5 =	sor.u32 $0x4, s5;
	s12 =	sshrl.u32 s12, $0x2;
	_ =	swait.ge [sflag:s6], $0x50  }
0x4c: {  	s13 =	sor.u32 $0x4, s1;
	s25 =	sadd.s32 $0x2980, s12;
	[sflag:s6] =	ssyncset.done $0x0  }
0x4d: {  	s12 =	simm.s32 $0x0;
	[sflag:s6] =	ssyncadd.s32 $0xFFFFFFB0;
	s6 =	sshrl.u32 s15, $0x9  }
0x4e: {  	[spmem:s2] =	stream.indirect.scatter.add.f32 [tilespmem:s25], [sflag:s5], $0x80, s11, s19, $0xb8;
	[tilespmem:$0x1E180] =	vst v63  }
0x4f: {  	s25 =	sadd.s32 $0x1, s1;
	s11 =	sshrl.u32 s17, $0x2;
	_ =	swait.ge [sflag:s13], $0x2800  }
0x50: {  	s17 =	sand.u32 $0x3, s12;
	s12 =	simm.s32 $0x140;
	[sflag:s13] =	ssyncset.done $0x0  }
0x51: {  	s31 =	sadd.s32 $0x2980, s11;
	[sflag:s13] =	ssyncadd.s32 $0xFFFFD800;
	s13 =	rddreg [dreg:$0xc]  }
0x52: {  	s1 =	sshll.u32 s17, $0x7;
	s28 =	sadd.s32 $0x7, s17;
	s11 =	sadd.s32 $0xA, s13  }
.LBB2_2:
0x53: {  	s8 =	sshrl.u32 s8, $0x9  }
0x54: {  	s6 =	sand.u32 $0x7F, s6;
	s17 =	smov.u32 s30;
	s5 =	sadd.s32 $0x1, s30  }
0x55: {  	[tilespmem:s31], [sflag:s25] =	stream.indirect.gather [hbm4b:s4+s19], $0x80, s18, s19, $0xb8;
	[tilespmem:$0x1E180] =	vst v63  }
0x56: {  	s1 =	sadd.s32 $0x2780, s1;
	s8 =	sand.u32 $0x7F, s8;
	s6 =	smul.u32 $0x3, s6  }
0x57: {  	p0 =	sne.s32 s30, $0x7A;
	s18 =	sadd.s32 $0xFFFFFFFF, s10;
	s8 =	smul.u32 $0x3, s8  }
0x58: {  	[tilespmem:s1], [sflag:s28] =	stream.linear.gather [hbm4b:s13+s3], $0x50, $0x38;
	[tilespmem:$0x1E180] =	vst v63  }
0x59: {  	s6 =	ssub.s32 s10, s6;
	s1 =	ssub.s32 s18, s8;
	s8 =	sand.u32 $0x3, s18  }
0x5a: {  	s6 =	sand.u32 $0xFF, s6;
	s1 =	sand.u32 $0xFF, s1;
	s28 =	sshll.u32 s8, $0x7  }
0x5b: {  	s31 =	smul.u32 $0xA000, s6;
	s25 =	sadd.s32 $0x1, s6;
	s30 =	sadd.s32 $0x1, s1  }
0x5c: {  	s13 =	smov.u32 s11;
	s18 =	smov.u32 s12;
	_ =	swait.ge [sflag:s30], $0x2800  }
0x5d: {  	s15 =	smul.u32 $0xA000, s1;
	s31 =	sshrl.u32 s31, $0x2;
	[sflag:s30] =	ssyncset.done $0x0  }
0x5e: {  	s8 =	sadd.s32 $0x7, s8;
	s31 =	sadd.s32 $0x2980, s31;
	[sflag:s30] =	ssyncadd.s32 $0xFFFFD800  }
0x5f: {  	s15 =	sshrl.u32 s15, $0x2;
	_ =	swait.ge [sflag:s8], $0x50  }
0x60: {  	s6 =	sor.u32 $0x4, s6;
	s28 =	sadd.s32 $0x2780, s28;
	[sflag:s8] =	ssyncset.done $0x0  }
0x61: {  	s1 =	sor.u32 $0x4, s1;
	[sflag:s8] =	ssyncadd.s32 $0xFFFFFFB0;
	s8 =	sadd.s32 $0x2980, s15  }
0x62: {  	[spmem:s2] =	stream.indirect.scatter.add.f32 [tilespmem:s8], [sflag:s1], $0x80, s28, s19, $0xb8;
	[tilespmem:$0x1E180] =	vst v63  }
.Ltmp0:
0x63: {  	s11 =	sadd.s32 $0xA, s11;
	_ =	swait.ge [sflag:s6], $0x2800;
	(pc) =	sbr.rel @p0 .LBB2_2-.Ltmp0, $4  }
0x64: {  	s1 =	sadd.s32 $0xFFFFFFFD, s10;
	s10 =	smov.u32 s17;
	[sflag:s6] =	ssyncset.done $0x0  }
0x65: {  	s15 =	smul.u32 $0xAB, s10;
	[sflag:s6] =	ssyncadd.s32 $0xFFFFD800;
	s6 =	sand.u32 $0x3, s1  }
0x66: {  	s12 =	sadd.s32 $0x50, s12;
	s1 =	sshll.u32 s6, $0x7;
	s28 =	sadd.s32 $0x7, s6  }
0x67: {  	s30 =	smov.u32 s5;
	s8 =	sadd.s32 $0xFFFFFF55, s15;
	s6 =	sshrl.u32 s15, $0x9  }
0x68: {  	[tilespmem:s31], [sflag:s25] =	stream.indirect.gather [hbm4b:s4+s19], $0x80, s18, s19, $0xb8;
	[tilespmem:$0x1E180] =	vst v63  }
0x69: {  	s5 =	sshrl.u32 s8, $0x9  }
0x6a: {  	s5 =	sand.u32 $0x7F, s5  }
0x6b: {  	s1 =	sadd.s32 $0x2780, s1;
	s18 =	sadd.s32 $0xFFFFFFFF, s10;
	s5 =	smul.u32 $0x3, s5  }
0x6c: {  	[tilespmem:s1], [sflag:s28] =	stream.linear.gather [hbm4b:s13+s3], $0x50, $0x38;
	[tilespmem:$0x1E180] =	vst v63  }
0x6d: {  	s5 =	ssub.s32 s18, s5  }
0x6e: {  	s5 =	sand.u32 $0xFF, s5  }
0x6f: {  	s25 =	sadd.s32 $0x1, s5  }
0x70: {  	_ =	swait.ge [sflag:s25], $0x2800  }
0x71: {  	s6 =	sand.u32 $0x7F, s6;
	s1 =	sand.u32 $0x3, s18;
	[sflag:s25] =	ssyncset.done $0x0  }
0x72: {  	s28 =	sadd.s32 $0x7, s1;
	s30 =	smul.u32 $0xA000, s5;
	[sflag:s25] =	ssyncadd.s32 $0xFFFFD800  }
0x73: {  	s6 =	smul.u32 $0x3, s6;
	s1 =	sshll.u32 s1, $0x7;
	_ =	swait.ge [sflag:s28], $0x50  }
0x74: {  	s1 =	sadd.s32 $0x2780, s1;
	s31 =	sshrl.u32 s30, $0x2;
	[sflag:s28] =	ssyncset.done $0x0  }
0x75: {  	s5 =	sor.u32 $0x4, s5;
	s8 =	sadd.s32 $0x2980, s31;
	[sflag:s28] =	ssyncadd.s32 $0xFFFFFFB0  }
0x76: {  	[spmem:s2] =	stream.indirect.scatter.add.f32 [tilespmem:s8], [sflag:s5], $0x80, s1, s19, $0xb8;
	[tilespmem:$0x1E180] =	vst v63  }
0x77: {  	s5 =	ssub.s32 s10, s6  }
0x78: {  	s1 =	sand.u32 $0xFF, s5  }
0x79: {  	s6 =	smul.u32 $0xA000, s1;
	s8 =	sor.u32 $0x4, s1  }
0x7a: {  	_ =	swait.ge [sflag:s8], $0x2800  }
0x7b: {  	s10 =	sadd.s32 $0xFFFFFFFD, s10;
	s5 =	sshrl.u32 s6, $0x2;
	[sflag:s8] =	ssyncset.done $0x0  }
0x7c: {  	s1 =	sadd.s32 $0x1, s1;
	[sflag:s8] =	ssyncadd.s32 $0xFFFFD800;
	s5 =	sadd.s32 $0x2980, s5  }
0x7d: {  	[tilespmem:s5], [sflag:s1] =	stream.indirect.gather [hbm4b:s4+s19], $0x80, s12, s19, $0xb8;
	[tilespmem:$0x1E180] =	vst v63  }
0x7e: {  	s1 =	sand.u32 $0x3, s10  }
0x7f: {  	s12 =	sshll.u32 s1, $0x7  }
0x80: {  	s1 =	sadd.s32 $0x7, s1;
	s5 =	sadd.s32 $0x2780, s12  }
0x81: {  	[tilespmem:s5], [sflag:s1] =	stream.linear.gather [hbm4b:s11+s3], $0x50, $0x38;
	[tilespmem:$0x1E180] =	vst v63  }
0x82: {  	_ =	swait.ge [sflag:s0], $0x2800  }
0x83: {  	[sflag:s0] =	ssyncset.done $0x0  }
0x84: {  	s13 =	simm.s32 $0x9;
	[sflag:s0] =	ssyncadd.s32 $0xFFFFD800  }
0x85: {  	_ =	swait.ge [sflag:s13], $0x50  }
0x86: {  	[sflag:s13] =	ssyncset.done $0x0  }
0x87: {  	s6 =	simm.s32 $0x2880;
	s10 =	simm.s32 $0x7980;
	[sflag:s13] =	ssyncadd.s32 $0xFFFFFFB0  }
0x88: {  	[spmem:s2] =	stream.indirect.scatter.add.f32 [tilespmem:s10], [sflag:$0x6], $0x80, s6, s19, $0xb8;
	[tilespmem:$0x1E180] =	vst v63  }
0x89: {  	_ =	swait.ge [sflag:s29], $0x2800  }
0x8a: {  	[sflag:s29] =	ssyncset.done $0x0  }
0x8b: {  	s15 =	simm.s32 $0x2670;
	[sflag:s29] =	ssyncadd.s32 $0xFFFFD800  }
0x8c: {  	[tilespmem:s20], [sflag:$0x1] =	stream.indirect.gather [hbm4b:s4+s19], $0x80, s15, s19, $0xb8;
	[tilespmem:$0x1E180] =	vst v63  }
0x8d: {  	s8 =	simm.s32 $0x2780;
	s17 =	rddreg [dreg:$0xa]  }
0x8e: {  	[tilespmem:s8], [sflag:$0x7] =	stream.linear.gather [hbm4b:s17+s3], $0x50, $0x38;
	[tilespmem:$0x1E180] =	vst v63  }
0x8f: {  	_ =	swait.ge [sflag:s21], $0x2800  }
0x90: {  	[sflag:s21] =	ssyncset.done $0x0  }
0x91: {  	s18 =	simm.s32 $0xA;
	[sflag:s21] =	ssyncadd.s32 $0xFFFFD800  }
0x92: {  	_ =	swait.ge [sflag:s18], $0x50  }
0x93: {  	[sflag:s18] =	ssyncset.done $0x0  }
0x94: {  	s11 =	simm.s32 $0x2900;
	[sflag:s18] =	ssyncadd.s32 $0xFFFFFFB0  }
0x95: {  	[spmem:s2] =	stream.indirect.scatter.add.f32 [tilespmem:s20], [sflag:$0x4], $0x80, s11, s19, $0xb8;
	[tilespmem:$0x1E180] =	vst v63  }
0x96: {  	_ =	swait.ge [sflag:s7], $0x2800  }
0x97: {  	[sflag:s7] =	ssyncset.done $0x0  }
0x98: {  	s25 =	simm.s32 $0x26C0;
	[sflag:s7] =	ssyncadd.s32 $0xFFFFD800  }
0x99: {  	[tilespmem:s23], [sflag:$0x2] =	stream.indirect.gather [hbm4b:s4+s19], $0x80, s25, s19, $0xb8;
	[tilespmem:$0x1E180] =	vst v63  }
0x9a: {  	_ =	swait.ge [sflag:s26], $0x2800  }
0x9b: {  	[sflag:s26] =	ssyncset.done $0x0  }
0x9c: {  	[sflag:s26] =	ssyncadd.s32 $0xFFFFD800  }
0x9d: {  	_ =	swait.ge [sflag:s22], $0x50  }
0x9e: {  	[sflag:s22] =	ssyncset.done $0x0  }
0x9f: {  	s28 =	simm.s32 $0x6;
	[sflag:s22] =	ssyncadd.s32 $0xFFFFFFB0  }
0xa0: {  	[spmem:s2] =	stream.indirect.scatter.add.f32 [tilespmem:s23], [sflag:$0x5], $0x80, s8, s19, $0xb8;
	[tilespmem:$0x1E180] =	vst v63  }
0xa1: {  	_ =	swait.ge [sflag:s28], $0x2800  }
0xa2: {  	[sflag:s28] =	ssyncset.done $0x0  }
0xa3: {  	[sflag:s28] =	ssyncadd.s32 $0xFFFFD800  }
0xa4: {  	_ =	swait.ge [sflag:s29], $0x2800  }
0xa5: {  	[sflag:s29] =	ssyncset.done $0x0  }
0xa6: {  	[sflag:s29] =	ssyncadd.s32 $0xFFFFD800  }
0xa7: {  	_ =	swait.ge [sflag:s7], $0x2800  }
0xa8: {  	[sflag:s7] =	ssyncset.done $0x0  }
0xa9: {  	[sflag:s7] =	ssyncadd.s32 $0xFFFFD800  }
0xaa: {  	[bflag:$0x0] =	sbarrier.arrive $0xFFFF  }
0xab: {  	s30 =	rddreg [dreg:$0xd]  }
0xac: {  	[hbm:s30], [sflag:s24] =	dma.local [spmem:s16], $0x2800  }
0xad: {  	_ =	swait.ge [sflag:s14], $0x2800  }
0xae: {  	s9 =	sadd.s32 $0x1, s9;
	s31 =	rddreg [dreg:$0xb]  }
0xaf: {  	p0 =	sne.s32 s9, s31  }
.Ltmp1:
0xb0: {  	_ = 	snop;
	(pc) =	sbr.rel @p0 .LBB2_1-.Ltmp1, $3  }
0xb1: {  	_ =	sdelay $0x1  }
0xb2: {  	[sflag:s14] =	ssyncset.done $0x0  }
0xb3: {  	s5 =	smov.u32 s24;
	[sflag:s14] =	ssyncadd.s32 $0xFFFFD800  }
0xb4: {  	_ =	sfence.sel $0x180000  }
0xb5: {  	[bflag:$0x0] =	sbarrier.arrive $0xFFFF  }
0xb6: {  	_ =	strace $0x9000004A  }
0xb7: {  	s0 =	stileid.u32;
	[bflag:$0x2] =	sbarrier.arrive $0xFFFF  }
0xb8: {  	p0 =	sne.s32 s0, $0x0;
	s0 =	rddreg [dreg:$0x3]  }
0xb9: {  	s0 =	sadd.s32 @!p0 $0x100000, s0  }
0xba: {  	[sflag:s0] =	ssyncadd.tile.s32 @!p0 $0x1;
	_ =	shalt  }
.Lfunc_end2:
_tile_overlayer_lowered:
.L_overlay_start_2:
0xbb: {  	(tag) =	ssettag $0x2  }
0xbc: {  	s0 =	rddreg [dreg:$0x0];
	s2 =	stileid.u32  }
0xbd: {  	s1 =	rddreg [dreg:$0x1];
	p0 =	sne.s32 s2, $0x0  }
0xbe: {  	s3 =	rddreg [dreg:$0x2];
	[bflag:$0x3] =	sbarrier.arrive $0xFFFF;
	s2 =	simm.s32 @!p0 $0x1C0B  }
0xbf: {  	[timem:s3], [sflag:s2] =	dma.local @!p0 [hbm:s0], s1  }
0xc0: {  	s0 =	simm.s32 @!p0 $0xB  }
0xc1: {  	_ =	swait.ge @!p0 [sflag:s0], s1  }
0xc2: {  	s1 =	ssub.s32 @!p0 $0x0, s1;
	[sflag:s0] =	ssyncset.done @!p0 $0x0  }
0xc3: {  	[sflag:s0] =	ssyncadd.s32 @!p0 s1  }
0xc4: {  	[bflag:$0x3] =	sbarrier.arrive $0xFFFF  }
0xc5: {  	_ =	shalt  }

// kernel: kernel.15.cloned.1.call-start
scs
__scs_entry_jumppad:
0x0: {  	(pc) =	sbr.rel $0x88, $3  }
0x1: {  	(tag) =	ssettag $0x0;
	lr =	simm.s32 $0x1  }
0x2: {  	[smem:$0x3F93] =	sst lr;
	_ =	strace $0xD0000000  }
0x3: {  	_ = 	snop  }
0x4: {  	_ = 	snop  }
0x5: {  	_ = 	snop  }
0x6: {  	_ = 	snop  }
0x7: {  	_ = 	snop  }
__scs_overlays_trampoline_lowered:
0x8: {  	[smem:$0x3FA2] =	sst s0  }
0x9: {  	[smem:$0x3FA3] =	sst s1  }
0xa: {  	[smem:$0x3FA4] =	sst s2  }
0xb: {  	[smem:$0x3FA5] =	sst s3  }
0xc: {  	[smem:$0x3FA6] =	sst s4  }
0xd: {  	[smem:$0x3FA7] =	sst s5  }
0xe: {  	[smem:$0x3FA8] =	sst s6  }
0xf: {  	[smem:$0x3FA9] =	sst s7  }
0x10: {  	[smem:$0x3FAA] =	sst s8  }
0x11: {  	[smem:$0x3FAB] =	sst s9;
	s0 =	simm.s32 @!p0 $0x0  }
0x12: {  	s1 =	sld [smem:$0x3F91];
	s0 =	simm.s32 @p0 $0x1  }
0x13: {  	[smem:$0x3FAC] =	sst s0;
	s0 =	simm.s32 @!p1 $0x0  }
0x14: {  	s2 =	sld [smem:$0x3F90];
	s0 =	simm.s32 @p1 $0x1  }
0x15: {  	[smem:$0x3FAD] =	sst s0;
	s0 =	simm.s32 @!p2 $0x0  }
0x16: {  	s3 =	sld [smem:$0x3FDB];
	s0 =	simm.s32 @p2 $0x1  }
0x17: {  	s4 =	simm.s32 $0x1BF5;
	[smem:$0x3FAF] =	sst s0  }
0x18: {  	s0 =	sld [smem:$0x3F92];
	_ =	swait.ge [sflag:s4], $0x0  }
0x19: {  	s7 =	sld [smem:$0x3F93]  }
0x1a: {  	s8 =	sadd.s32 $0xFFFFE003, lr  }
0x1b: {  	s9 =	sadd.s32 $0xFFFFFEF7, lr;
	s5 =	simm.s32 $0xFFFFFFFF;
	p2 =	slt.u32 s8, $0xFFFFF086  }
0x1c: {  	p1 =	slt.u32 s9, $0xF7A;
	s5 =	simm.s32 @!p2 $0x0  }
0x1d: {  	s5 =	simm.s32 @p1 $0x1;
	p0 =	seq.s32 s7, s2  }
0x1e: {  	s7 =	smul.u32 @!p0 $0xF7A, s2;
	p2 =	seq.s32 @!p0 s5, $0x0  }
0x1f: {  	s9 =	smul.u32 $0xF7A, s1;
	s8 =	simm.s32 @!p0 $0x1BF5;
	p2 =	por !p2, p0  }
0x20: {  	[sflag:s8] =	ssyncset.s32 @!p0 $0xFFFFF086;
	s6 =	sadd.s32 @!p0 s3, s7;
	s7 =	simm.s32 @!p0 $0x108  }
0x21: {  	s3 =	sadd.s32 s3, s9;
	s6 =	sadd.s32 @!p0 $0x88, s6;
	s7 =	simm.s32 @p2 $0x1082  }
0x22: {  	[simem:s7], [sflag:s8] =	dma.local @!p0 [hbm:s6], $0xF7A  }
0x23: {  	s9 =	sor.u32 $0xD0000000, s2;
	s6 =	simm.s32 $0x108;
	_ =	swait.ge @!p0 [sflag:s8], $0x0  }
0x24: {  	s3 =	sadd.s32 $0x88, s3;
	s6 =	simm.s32 @!p1 $0x1082;
	[sflag:s4] =	ssyncset.s32 $0xFFFFF086  }
0x25: {  	[simem:s6], [sflag:s4] =	dma.local [hbm:s3], $0xF7A  }
0x26: {  	[smem:$0x3F93] =	sst s1;
	(tag) =	ssettag s2;
	_ =	strace s9  }
0x27: {  	s1 =	sld [smem:$0x3FA3]  }
0x28: {  	s2 =	sld [smem:$0x3FA4]  }
0x29: {  	s4 =	sld [smem:$0x3FA6]  }
0x2a: {  	p0 =	seq.s32 s5, $0x0;
	s5 =	sld [smem:$0x3FA7]  }
0x2b: {  	s6 =	sld [smem:$0x3FA8]  }
0x2c: {  	s7 =	sld [smem:$0x3FA9]  }
0x2d: {  	s3 =	simm.s32 $0x108;
	s8 =	sld [smem:$0x3FAA]  }
0x2e: {  	s3 =	simm.s32 @!p0 $0x1082;
	s9 =	sld [smem:$0x3FAB]  }
0x2f: {  	lr =	sadd.s32 s0, s3;
	s0 =	sld [smem:$0x3FA2]  }
0x30: {  	s3 =	sld [smem:$0x3FA5]  }
0x31: {  	[smem:$0x3FAE] =	sst s10  }
0x32: {  	s10 =	sld [smem:$0x3FAC];
	_ =	sdelay $0x3  }
0x33: {  	p0 =	seq.s32 s10, $0x1;
	s10 =	sld [smem:$0x3FAE];
	_ =	sdelay $0x3  }
0x34: {  	[smem:$0x3FAE] =	sst s10  }
0x35: {  	s10 =	sld [smem:$0x3FAD];
	_ =	sdelay $0x3  }
0x36: {  	p1 =	seq.s32 s10, $0x1;
	s10 =	sld [smem:$0x3FAE];
	_ =	sdelay $0x3  }
0x37: {  	[smem:$0x3FAE] =	sst s10  }
0x38: {  	s10 =	sld [smem:$0x3FAF]  }
0x39: {  	_ = 	snop;
	(pc) =	sbr.ind lr, $3  }
0x3a: {  	_ = 	snop  }
0x3b: {  	_ = 	snop  }
0x3c: {  	p2 =	seq.s32 s10, $0x1;
	s10 =	sld [smem:$0x3FAE]  }
0x3d: {  	_ =	shalt  }
0x3e: {  	_ =	shalt  }
0x3f: {  	_ =	shalt  }
0x40: {  	_ =	shalt  }
0x41: {  	_ =	shalt  }
0x42: {  	_ =	shalt  }
0x43: {  	_ =	shalt  }
0x44: {  	_ =	shalt  }
0x45: {  	_ =	shalt  }
0x46: {  	_ =	shalt  }
0x47: {  	_ =	shalt  }
0x48: {  	_ =	shalt  }
0x49: {  	_ =	shalt  }
0x4a: {  	_ =	shalt  }
0x4b: {  	_ =	shalt  }
0x4c: {  	_ =	shalt  }
0x4d: {  	_ =	shalt  }
0x4e: {  	_ =	shalt  }
0x4f: {  	_ =	shalt  }
0x50: {  	_ =	shalt  }
0x51: {  	_ =	shalt  }
0x52: {  	_ =	shalt  }
0x53: {  	_ =	shalt  }
0x54: {  	_ =	shalt  }
0x55: {  	_ =	shalt  }
0x56: {  	_ =	shalt  }
0x57: {  	_ =	shalt  }
0x58: {  	_ =	shalt  }
0x59: {  	_ =	shalt  }
0x5a: {  	_ =	shalt  }
0x5b: {  	_ =	shalt  }
0x5c: {  	_ =	shalt  }
0x5d: {  	_ =	shalt  }
0x5e: {  	_ =	shalt  }
0x5f: {  	_ =	shalt  }
0x60: {  	_ =	shalt  }
0x61: {  	_ =	shalt  }
0x62: {  	_ =	shalt  }
0x63: {  	_ =	shalt  }
0x64: {  	_ =	shalt  }
0x65: {  	_ =	shalt  }
0x66: {  	_ =	shalt  }
0x67: {  	_ =	shalt  }
0x68: {  	_ =	shalt  }
0x69: {  	_ =	shalt  }
0x6a: {  	_ =	shalt  }
0x6b: {  	_ =	shalt  }
0x6c: {  	_ =	shalt  }
0x6d: {  	_ =	shalt  }
0x6e: {  	_ =	shalt  }
0x6f: {  	_ =	shalt  }
0x70: {  	_ =	shalt  }
0x71: {  	_ =	shalt  }
0x72: {  	_ =	shalt  }
0x73: {  	_ =	shalt  }
0x74: {  	_ =	shalt  }
0x75: {  	_ =	shalt  }
0x76: {  	_ =	shalt  }
0x77: {  	_ =	shalt  }
0x78: {  	_ =	shalt  }
0x79: {  	_ =	shalt  }
0x7a: {  	_ =	shalt  }
0x7b: {  	_ =	shalt  }
0x7c: {  	_ =	shalt  }
0x7d: {  	_ =	shalt  }
0x7e: {  	_ =	shalt  }
0x7f: {  	_ =	shalt  }
0x80: {  	_ =	shalt  }
0x81: {  	_ =	shalt  }
0x82: {  	_ =	shalt  }
0x83: {  	_ =	shalt  }
0x84: {  	_ =	shalt  }
0x85: {  	_ =	shalt  }
0x86: {  	_ =	shalt  }
0x87: {  	_ =	shalt  }
.Lfunc_end0:
.L_simem_size_0:
called_computation.2_lowered:
.L_overlay_start_0:
0x88: {  	s2 =	sld [smem:$0x3FD9]  }
0x89: {  	s3 =	sld [smem:$0x3FFE];
	_ =	sdelay $0x1  }
0x8a: {  	s1 =	srdreg.scid  }
0x8b: {  	s0 =	sand.u32 $0x1, s1  }
0x8c: {  	s17 =	sshll.u32 s0, $0xA;
	s2 =	sadd.s32 s3, s2  }
0x8d: {  	s2 =	sadd.s32 s2, s17  }
0x8e: {  	[smem:$0x3FBA] =	sst s2  }
0x8f: {  	_ = 	snop  }
0x90: {  	s2 =	sld [smem:$0x3FD0];
	(tm) =	ssettm $0x1  }
0x91: {  	s18 =	sld [smem:$0x3FFB];
	_ =	sdelay $0x3  }
0x92: {  	_ =	strace s18  }
0x93: {  	s3 =	sld [smem:$0x3FFC];
	_ =	sdelay $0x3  }
0x94: {  	_ =	strace s3  }
0x95: {  	s3 =	sld [smem:$0x3FFD];
	_ =	sdelay $0x3  }
0x96: {  	_ =	strace s3  }
0x97: {  	_ =	strace $0x8FFFFFFF  }
0x98: {  	s19 =	sld [smem:$0x3FDB];
	_ =	sdelay $0x1  }
0x99: {  	s4 =	simm.s32 $_scs_section_size  }
0x9a: {  	s5 =	simm.s32 $_size__tile_overlayer_lowered;
	s6 =	simm.s32 $_tile_overlayer_lowered  }
0x9b: {  	s22 =	simm.s32 $0x1BFF;
	s21 =	sshll.u32 s6, $0x1;
	s3 =	sadd.s32 s4, s19  }
0x9c: {  	s7 =	simm.s32 $0x0;
	s20 =	sshll.u32 s5, $0x1;
	s5 =	sadd.s32 s21, s3  }
0x9d: {  	[timem:s7], [sflag:s22] =	dma.local [hbm:s5], s20  }
0x9e: {  	_ =	swait.ge [sflag:s22], s20  }
0x9f: {  	s4 =	ssub.s32 $0x0, s20;
	[sflag:s22] =	ssyncset.done $0x0  }
0xa0: {  	[sflag:s22] =	ssyncadd.s32 s4;
	_ =	sdelay $0x1  }
0xa1: {  	s23 =	simm.s32 $0x1B8B  }
0xa2: {  	_ =	swait.ge [sflag:s23], $0x1  }
0xa3: {  	[sflag:s23] =	ssyncset.done $0x0  }
0xa4: {  	s25 =	simm.s32 $0x1B8E;
	s24 =	sld [smem:$0x3FFE];
	[sflag:s23] =	ssyncadd.s32 $0xFFFFFFFF  }
0xa5: {  	s26 =	simm.s32 $execute0_lowered;
	[smem:$0x3FD2] =	sst s25  }
0xa6: {  	s5 =	sshll.u32 s26, $0x1;
	_ =	strace $0x8000004C;
	[dreg:$0x1] =	wrdreg $0xFFFFFFFF  }
0xa7: {  	s28 =	simm.s32 $_size_execute0_lowered;
	s3 =	sadd.s32 s3, s5;
	[dreg:$0x0] =	wrdreg $0x0  }
0xa8: {  	s5 =	sshll.u32 s28, $0x1;
	[dreg:$0x2] =	wrdreg s3  }
0xa9: {  	[dreg:$0x3] =	wrdreg s5  }
0xaa: {  	[dreg:$0x4] =	wrdreg $0xC0  }
0xab: {  	_ =	task [dreg:s7], $0x5FFFF  }
0xac: {  	[dreg:$0x1] =	wrdreg $0xFFFFFFFF  }
0xad: {  	[dreg:$0x0] =	wrdreg $0x60  }
0xae: {  	[dreg:$0x2] =	wrdreg s24  }
0xaf: {  	[dreg:$0x3] =	wrdreg s2  }
0xb0: {  	[dreg:$0x4] =	wrdreg $0x64500  }
0xb1: {  	[dreg:$0x5] =	wrdreg $0x9  }
0xb2: {  	_ =	task.clear_ibuf [dreg:s7], $0x6FFFF;
	_ =	strace $0x9000004C  }
0xb3: {  	s29 =	simm.s32 $0x9;
	_ =	strace $0x8000004E  }
0xb4: {  	_ =	swait.ge [sflag:s29], $0x1  }
0xb5: {  	[sflag:s29] =	ssyncadd.s32 $0xFFFFFFFF  }
0xb6: {  	_ =	strace $0x9000004E  }
0xb7: {  	_ =	sfence  }
0xb8: {  	s30 =	sld [smem:$0x0];
	_ =	sdelay $0x2  }
0xb9: {  	s31 =	sshll.u32 s1, $0xD;
	s1 =	sshrl.u32 s1, $0x2  }
0xba: {  	s3 =	sand.u32 $0x4000, s31;
	s1 =	sadd.s32 s1, s30  }
0xbb: {  	s0 =	sor.u32 s3, s0;
	s1 =	sshll.u32 s1, $0x11  }
0xbc: {  	s0 =	sor.u32 s1, s0  }
0xbd: {  	s0 =	sadd.s32 $0x8F2B, s0  }
0xbe: {  	[sflag:s0] =	ssyncadd.remote.s32 $0x1  }
0xbf: {  	_ =	sfence.sel $0xFFFF  }
0xc0: {  	[dreg:$0x0] =	wrdreg $0xFFFFFFFF;
	(pc) =	sbr.abs _section_cstart, $3  }
0xc1: {  	[dreg:$0x1] =	wrdreg $0xFFFFFFFF  }
0xc2: {  	_ =	task.clear_ibuf [dreg:s7], $0x2FFFF;
	_ =	strace $0x9FFFFFFF  }
0xc3: {  	(tm) =	ssettm $0x7FFFFFFF  }
tec
execute0_lowered:
.L_overlay_start_1:
0x0: {  	(tag) =	ssettag $0x1  }
0x1: {  	s0 =	rddreg [dreg:$0x0]  }
0x2: {  	s2 =	rddreg [dreg:$0x1]  }
0x3: {  	s1 =	rddreg [dreg:$0x2]  }
0x4: {  	s3 =	simm.s32 $0x0;
	s4 =	srdreg.scid;
	s12 =	stileid.u32  }
0x5: {  	s14 =	simm.s32 $0xB;
	s19 =	simm.s32 $0x50;
	s29 =	simm.s32 $0x4  }
0x6: {  	[smem:$0x7FF] =	sst s3;
	s5 =	sand.u32 $0x1, s4;
	s6 =	smul.u32 $0xA000, s12  }
0x7: {  	s4 =	sadd.s32 $0x3400, s0;
	s22 =	smul.u32 $0x2710, s12;
	s31 =	sshll.u32 s12, $0x6  }
0x8: {  	_ =	strace $0x8000004D;
	s7 =	sshll.u32 s5, $0x4;
	s8 =	smul.u32 $0x14000, s5  }
0x9: {  	s10 =	ssub.s32 $0x2, s5;
	s5 =	smul.u32 $0x27100, s5;
	s15 =	sor.u32 $0x1C0B, s31  }
0xa: {  	s7 =	sor.u32 s12, s7;
	s9 =	sshrl.u32 s6, $0x3;
	s20 =	sshrl.u32 s10, $0x1  }
0xb: {  	s6 =	sadd.s32 s6, s1;
	s7 =	smul.u32 $0x2710, s7;
	s11 =	sadd.s32 s9, s0  }
0xc: {  	s0 =	sadd.s32 s8, s0;
	s8 =	ssub.s32 s10, s20;
	s5 =	sadd.s32 s22, s5  }
0xd: {  	s16 =	sshrl.u32 s6, $0x3;
	s20 =	simm.s32 $0x2850;
	s22 =	simm.s32 $0x7  }
0xe: {  	s10 =	simm.s32 $0x5050;
	s11 =	sadd.s32 $0x16E00, s11;
	s0 =	sadd.s32 $0x2AE00, s0  }
0xf: {  	s5 =	sadd.s32 $0x4E340, s5;
	s30 =	smax.u32 s8, $0x1;
	[dreg:$0x5] =	wrdreg s11  }
0x10: {  	s8 =	simm.s32 $0x27B0;
	s7 =	sshrl.u32 s7, $0x3;
	[dreg:$0xb] =	wrdreg s30  }
0x11: {  	s5 =	sshrl.u32 s5, $0x3;
	s0 =	sadd.s32 s9, s0;
	s11 =	simm.s32 $0x2800  }
0x12: {  	s9 =	simm.s32 $0x0;
	s21 =	sadd.s32 s2, s7;
	[dreg:$0xc] =	wrdreg s0  }
0x13: {  	s18 =	sadd.s32 s5, s2;
	s23 =	sadd.s32 $0x9C40, s21;
	[dreg:$0x4] =	wrdreg s21  }
0x14: {  	s5 =	simm.s32 $0x2710;
	s24 =	sadd.s32 $0x9C4A, s21;
	[dreg:$0x6] =	wrdreg s23  }
0x15: {  	s0 =	simm.s32 $0x3;
	s25 =	sadd.s32 $0x9C54, s21;
	[dreg:$0x7] =	wrdreg s24  }
0x16: {  	s7 =	simm.s32 $0x5;
	s26 =	sadd.s32 $0x9C5E, s21;
	[dreg:$0x8] =	wrdreg s25  }
0x17: {  	s28 =	sadd.s32 $0xA118, s21;
	s21 =	simm.s32 $0x1;
	[dreg:$0x9] =	wrdreg s26  }
0x18: {  	[dreg:$0xa] =	wrdreg s28;
	s23 =	simm.s32 $0x3C50;
	s26 =	simm.s32 $0x2  }
.LBB2_1:
0x19: {  	s2 =	rddreg [dreg:$0x4]  }
0x1a: {  	[tilespmem:s3], [sflag:$0xB] =	stream.linear.gather [hbm4b:s2+s3], $0x2710, $0x38;
	[tilespmem:$0x10450] =	vst v63  }
0x1b: {  	_ =	swait.ge [sflag:s14], $0x2710  }
0x1c: {  	[sflag:s14] =	ssyncset.done $0x0  }
0x1d: {  	s13 =	rddreg [dreg:$0x5];
	[sflag:s14] =	ssyncadd.s32 $0xFFFFD8F0  }
0x1e: {  	[spmem:s16], [sflag:s15] =	dma.local [hbm:s13], $0x1400  }
0x1f: {  	_ =	swait.ge [sflag:s14], $0x1400  }
0x20: {  	[sflag:s14] =	ssyncset.done $0x0  }
0x21: {  	[sflag:s14] =	ssyncadd.s32 $0xFFFFEC00  }
0x22: {  	[bflag:$0x0] =	sbarrier.arrive $0xFFFF  }
0x23: {  	s17 =	rddreg [dreg:$0x6]  }
0x24: {  	[tilespmem:s5], [sflag:$0x7] =	stream.linear.gather [hbm4b:s17+s3], $0x50, $0x38;
	[tilespmem:$0x10450] =	vst v63  }
0x25: {  	s6 =	simm.s32 $0x2760;
	s24 =	rddreg [dreg:$0x7]  }
0x26: {  	[tilespmem:s6], [sflag:$0x8] =	stream.linear.gather [hbm4b:s24+s3], $0x50, $0x38;
	[tilespmem:$0x10450] =	vst v63  }
0x27: {  	_ = 	snop  }
0x28: {  	[tilespmem:s20], [sflag:$0x1] =	stream.indirect.gather [hbm4b:s4+s19], $0x40, s3, s19, $0xb8;
	[tilespmem:$0x10450] =	vst v63  }
0x29: {  	_ =	swait.ge [sflag:s21], $0x1400  }
0x2a: {  	[sflag:s21] =	ssyncset.done $0x0  }
0x2b: {  	[sflag:s21] =	ssyncadd.s32 $0xFFFFEC00  }
0x2c: {  	_ =	swait.ge [sflag:s22], $0x50  }
0x2d: {  	[sflag:s22] =	ssyncset.done $0x0  }
0x2e: {  	[sflag:s22] =	ssyncadd.s32 $0xFFFFFFB0  }
0x2f: {  	[spmem:s1] =	stream.indirect.scatter.add.f32 [tilespmem:s20], [sflag:$0x4], $0x40, s5, s19, $0xb8;
	[tilespmem:$0x10450] =	vst v63  }
0x30: {  	_ = 	snop  }
0x31: {  	[tilespmem:s23], [sflag:$0x2] =	stream.indirect.gather [hbm4b:s4+s19], $0x40, s19, s19, $0xb8;
	[tilespmem:$0x10450] =	vst v63  }
0x32: {  	s25 =	rddreg [dreg:$0x8]  }
0x33: {  	[tilespmem:s8], [sflag:$0x9] =	stream.linear.gather [hbm4b:s25+s3], $0x50, $0x38;
	[tilespmem:$0x10450] =	vst v63  }
0x34: {  	_ =	swait.ge [sflag:s26], $0x1400  }
0x35: {  	[sflag:s26] =	ssyncset.done $0x0  }
0x36: {  	s5 =	simm.s32 $0x8;
	[sflag:s26] =	ssyncadd.s32 $0xFFFFEC00  }
0x37: {  	_ =	swait.ge [sflag:s5], $0x50  }
0x38: {  	[sflag:s5] =	ssyncset.done $0x0  }
0x39: {  	[sflag:s5] =	ssyncadd.s32 $0xFFFFFFB0  }
0x3a: {  	[spmem:s1] =	stream.indirect.scatter.add.f32 [tilespmem:s23], [sflag:$0x5], $0x40, s6, s19, $0xb8;
	[tilespmem:$0x10450] =	vst v63  }
0x3b: {  	s8 =	simm.s32 $0xA0;
	s25 =	simm.s32 $0x2;
	s6 =	smul.u32 $0xAB, s0  }
0x3c: {  	[tilespmem:s10], [sflag:$0x3] =	stream.indirect.gather [hbm4b:s4+s19], $0x40, s8, s19, $0xb8;
	[tilespmem:$0x10450] =	vst v63  }
0x3d: {  	s25 =	sand.u32 $0x3, s25;
	s12 =	sadd.s32 $0xFFFFFF55, s6  }
0x3e: {  	s28 =	smul.u32 $0x140, s25;
	s10 =	sshrl.u32 s12, $0x9  }
0x3f: {  	s13 =	rddreg [dreg:$0x9];
	s5 =	sshrl.u32 s6, $0x9;
	s10 =	sand.u32 $0x7F, s10  }
0x40: {  	[tilespmem:s11], [sflag:$0xA] =	stream.linear.gather [hbm4b:s13+s3], $0x50, $0x38;
	[tilespmem:$0x10450] =	vst v63  }
0x41: {  	s5 =	sand.u32 $0x7F, s5;
	s10 =	smul.u32 $0x3, s10  }
0x42: {  	s5 =	smul.u32 $0x3, s5  }
0x43: {  	s24 =	simm.s32 $0x5;
	s17 =	sadd.s32 $0x7, s25;
	s10 =	ssub.s32 $0x2, s10  }
0x44: {  	s28 =	sshrl.u32 s28, $0x2;
	s5 =	ssub.s32 $0x3, s5;
	s12 =	sand.u32 $0xFF, s10  }
0x45: {  	s28 =	sadd.s32 $0x2710, s28;
	s5 =	sand.u32 $0xFF, s5;
	s13 =	sadd.s32 $0x1, s12  }
0x46: {  	s11 =	simm.s32 $0xF0;
	s30 =	smul.u32 $0x5000, s5;
	_ =	swait.ge [sflag:s13], $0x1400  }
0x47: {  	s10 =	simm.s32 $0x4;
	s2 =	smul.u32 $0x5000, s12;
	[sflag:s13] =	ssyncset.done $0x0  }
0x48: {  	s6 =	sor.u32 $0x4, s5;
	s5 =	sadd.s32 $0x1, s5;
	[sflag:s13] =	ssyncadd.s32 $0xFFFFEC00  }
0x49: {  	s12 =	sor.u32 $0x4, s12;
	s25 =	sshrl.u32 s2, $0x2;
	_ =	swait.ge [sflag:s17], $0x50  }
0x4a: {  	s8 =	sshrl.u32 s30, $0x2;
	s25 =	sadd.s32 $0x2850, s25;
	[sflag:s17] =	ssyncset.done $0x0  }
0x4b: {  	s13 =	smov.u32 s18;
	[sflag:s17] =	ssyncadd.s32 $0xFFFFFFB0;
	s17 =	smul.u32 $0xAB, s10  }
0x4c: {  	[spmem:s1] =	stream.indirect.scatter.add.f32 [tilespmem:s25], [sflag:s12], $0x40, s28, s19, $0xb8;
	[tilespmem:$0x10450] =	vst v63  }
0x4d: {  	s28 =	simm.s32 $0x0;
	s12 =	sadd.s32 $0x2850, s8;
	_ =	swait.ge [sflag:s6], $0x1400  }
0x4e: {  	s28 =	sand.u32 $0x3, s28;
	s30 =	sshrl.u32 s17, $0x9;
	[sflag:s6] =	ssyncset.done $0x0  }
0x4f: {  	s31 =	sadd.s32 $0x7, s28;
	s28 =	smul.u32 $0x140, s28;
	[sflag:s6] =	ssyncadd.s32 $0xFFFFEC00  }
0x50: {  	[tilespmem:s12], [sflag:s5] =	stream.indirect.gather [hbm4b:s4+s19], $0x40, s11, s19, $0xb8;
	[tilespmem:$0x10450] =	vst v63  }
0x51: {  	s12 =	simm.s32 $0x140;
	s11 =	sadd.s32 $0xA, s18;
	s5 =	sadd.s32 $0xFFFFFF55, s17  }
.LBB2_2:
0x52: {  	s5 =	sshrl.u32 s5, $0x9;
	s30 =	sand.u32 $0x7F, s30;
	s28 =	sshrl.u32 s28, $0x2  }
0x53: {  	s2 =	smov.u32 s10;
	s10 =	smov.u32 s24;
	s25 =	smov.u32 s12  }
0x54: {  	s5 =	sand.u32 $0x7F, s5;
	s30 =	smul.u32 $0x3, s30;
	s28 =	sadd.s32 $0x2710, s28  }
0x55: {  	[tilespmem:s28], [sflag:s31] =	stream.linear.gather [hbm4b:s13+s3], $0x50, $0x38;
	[tilespmem:$0x10450] =	vst v63  }
0x56: {  	s6 =	sadd.s32 $0x1, s24;
	s5 =	smul.u32 $0x3, s5;
	s13 =	ssub.s32 s2, s30  }
0x57: {  	p0 =	sne.s32 s24, $0x7A;
	s24 =	sadd.s32 $0xFFFFFFFF, s2;
	s28 =	sand.u32 $0xFF, s13  }
0x58: {  	s5 =	ssub.s32 s24, s5;
	s24 =	sand.u32 $0x3, s24;
	s30 =	smul.u32 $0x5000, s28  }
0x59: {  	s13 =	smov.u32 s11;
	s5 =	sand.u32 $0xFF, s5;
	s31 =	smul.u32 $0x140, s24  }
0x5a: {  	s8 =	sadd.s32 $0x1, s5;
	s17 =	smul.u32 $0x5000, s5;
	s30 =	sshrl.u32 s30, $0x2  }
0x5b: {  	s31 =	sshrl.u32 s31, $0x2;
	_ =	swait.ge [sflag:s8], $0x1400  }
0x5c: {  	s17 =	sshrl.u32 s17, $0x2;
	[sflag:s8] =	ssyncset.done $0x0  }
0x5d: {  	s12 =	sadd.s32 $0x50, s12;
	[sflag:s8] =	ssyncadd.s32 $0xFFFFEC00;
	s8 =	sadd.s32 $0x7, s24  }
0x5e: {  	s2 =	sadd.s32 $0xFFFFFFFD, s2;
	s11 =	sadd.s32 $0xA, s11;
	_ =	swait.ge [sflag:s8], $0x50  }
0x5f: {  	s24 =	sadd.s32 $0x2710, s31;
	s31 =	sor.u32 $0x4, s28;
	[sflag:s8] =	ssyncset.done $0x0  }
0x60: {  	s5 =	sor.u32 $0x4, s5;
	[sflag:s8] =	ssyncadd.s32 $0xFFFFFFB0;
	s8 =	sadd.s32 $0x2850, s17  }
0x61: {  	[spmem:s1] =	stream.indirect.scatter.add.f32 [tilespmem:s8], [sflag:s5], $0x40, s24, s19, $0xb8;
	[tilespmem:$0x10450] =	vst v63  }
0x62: {  	s2 =	sand.u32 $0x3, s2;
	s8 =	smul.u32 $0xAB, s10;
	_ =	swait.ge [sflag:s31], $0x1400  }
.Ltmp0:
0x63: {  	s17 =	sadd.s32 $0x1, s28;
	[sflag:s31] =	ssyncset.done $0x0;
	(pc) =	sbr.rel @p0 .LBB2_2-.Ltmp0, $4  }
0x64: {  	s24 =	sadd.s32 $0x2850, s30;
	[sflag:s31] =	ssyncadd.s32 $0xFFFFEC00;
	s31 =	sadd.s32 $0x7, s2  }
0x65: {  	s28 =	smul.u32 $0x140, s2;
	s5 =	sadd.s32 $0xFFFFFF55, s8;
	s30 =	sshrl.u32 s8, $0x9  }
0x66: {  	[tilespmem:s24], [sflag:s17] =	stream.indirect.gather [hbm4b:s4+s19], $0x40, s25, s19, $0xb8;
	[tilespmem:$0x10450] =	vst v63  }
0x67: {  	s24 =	smov.u32 s6  }
0x68: {  	s2 =	sshrl.u32 s5, $0x9  }
0x69: {  	s6 =	sshrl.u32 s28, $0x2;
	s2 =	sand.u32 $0x7F, s2  }
0x6a: {  	s8 =	sadd.s32 $0xFFFFFFFF, s10;
	s5 =	sadd.s32 $0x2710, s6;
	s2 =	smul.u32 $0x3, s2  }
0x6b: {  	[tilespmem:s5], [sflag:s31] =	stream.linear.gather [hbm4b:s13+s3], $0x50, $0x38;
	[tilespmem:$0x10450] =	vst v63  }
0x6c: {  	s2 =	ssub.s32 s8, s2  }
0x6d: {  	s2 =	sand.u32 $0xFF, s2  }
0x6e: {  	s5 =	sand.u32 $0x3, s8;
	s6 =	sadd.s32 $0x1, s2  }
0x6f: {  	s13 =	sadd.s32 $0x7, s5;
	s5 =	smul.u32 $0x140, s5;
	_ =	swait.ge [sflag:s6], $0x1400  }
0x70: {  	s17 =	sand.u32 $0x7F, s30;
	[sflag:s6] =	ssyncset.done $0x0  }
0x71: {  	s5 =	sshrl.u32 s5, $0x2;
	s8 =	smul.u32 $0x5000, s2;
	[sflag:s6] =	ssyncadd.s32 $0xFFFFEC00  }
0x72: {  	s5 =	sadd.s32 $0x2710, s5;
	s6 =	smul.u32 $0x3, s17;
	_ =	swait.ge [sflag:s13], $0x50  }
0x73: {  	s2 =	sor.u32 $0x4, s2;
	s8 =	sshrl.u32 s8, $0x2;
	[sflag:s13] =	ssyncset.done $0x0  }
0x74: {  	s8 =	sadd.s32 $0x2850, s8;
	s24 =	ssub.s32 s10, s6;
	[sflag:s13] =	ssyncadd.s32 $0xFFFFFFB0  }
0x75: {  	[spmem:s1] =	stream.indirect.scatter.add.f32 [tilespmem:s8], [sflag:s2], $0x40, s5, s19, $0xb8;
	[tilespmem:$0x10450] =	vst v63  }
0x76: {  	s30 =	sadd.s32 $0xFFFFFFFD, s10;
	s2 =	sand.u32 $0xFF, s24  }
0x77: {  	s8 =	sand.u32 $0x3, s30;
	s25 =	smul.u32 $0x5000, s2;
	s28 =	sor.u32 $0x4, s2  }
0x78: {  	s31 =	smul.u32 $0x140, s8;
	_ =	swait.ge [sflag:s28], $0x1400  }
0x79: {  	s2 =	sadd.s32 $0x1, s2;
	s5 =	sshrl.u32 s25, $0x2;
	[sflag:s28] =	ssyncset.done $0x0  }
0x7a: {  	s6 =	sshrl.u32 s31, $0x2;
	[sflag:s28] =	ssyncadd.s32 $0xFFFFEC00;
	s5 =	sadd.s32 $0x2850, s5  }
0x7b: {  	[tilespmem:s5], [sflag:s2] =	stream.indirect.gather [hbm4b:s4+s19], $0x40, s12, s19, $0xb8;
	[tilespmem:$0x10450] =	vst v63  }
0x7c: {  	s10 =	sadd.s32 $0x7, s8;
	s2 =	sadd.s32 $0x2710, s6  }
0x7d: {  	[tilespmem:s2], [sflag:s10] =	stream.linear.gather [hbm4b:s11+s3], $0x50, $0x38;
	[tilespmem:$0x10450] =	vst v63  }
0x7e: {  	_ =	swait.ge [sflag:s0], $0x1400  }
0x7f: {  	[sflag:s0] =	ssyncset.done $0x0  }
0x80: {  	s12 =	simm.s32 $0x9;
	[sflag:s0] =	ssyncadd.s32 $0xFFFFEC00  }
0x81: {  	_ =	swait.ge [sflag:s12], $0x50  }
0x82: {  	[sflag:s12] =	ssyncset.done $0x0  }
0x83: {  	s8 =	simm.s32 $0x27B0;
	s10 =	simm.s32 $0x5050;
	[sflag:s12] =	ssyncadd.s32 $0xFFFFFFB0  }
0x84: {  	[spmem:s1] =	stream.indirect.scatter.add.f32 [tilespmem:s10], [sflag:$0x6], $0x40, s8, s19, $0xb8;
	[tilespmem:$0x10450] =	vst v63  }
0x85: {  	_ =	swait.ge [sflag:s29], $0x1400  }
0x86: {  	[sflag:s29] =	ssyncset.done $0x0  }
0x87: {  	s13 =	simm.s32 $0x2670;
	[sflag:s29] =	ssyncadd.s32 $0xFFFFEC00  }
0x88: {  	[tilespmem:s20], [sflag:$0x1] =	stream.indirect.gather [hbm4b:s4+s19], $0x40, s13, s19, $0xb8;
	[tilespmem:$0x10450] =	vst v63  }
0x89: {  	s5 =	simm.s32 $0x2710;
	s17 =	rddreg [dreg:$0xa]  }
0x8a: {  	[tilespmem:s5], [sflag:$0x7] =	stream.linear.gather [hbm4b:s17+s3], $0x50, $0x38;
	[tilespmem:$0x10450] =	vst v63  }
0x8b: {  	_ =	swait.ge [sflag:s21], $0x1400  }
0x8c: {  	[sflag:s21] =	ssyncset.done $0x0  }
0x8d: {  	s24 =	simm.s32 $0xA;
	[sflag:s21] =	ssyncadd.s32 $0xFFFFEC00  }
0x8e: {  	_ =	swait.ge [sflag:s24], $0x50  }
0x8f: {  	[sflag:s24] =	ssyncset.done $0x0  }
0x90: {  	s11 =	simm.s32 $0x2800;
	[sflag:s24] =	ssyncadd.s32 $0xFFFFFFB0  }
0x91: {  	[spmem:s1] =	stream.indirect.scatter.add.f32 [tilespmem:s20], [sflag:$0x4], $0x40, s11, s19, $0xb8;
	[tilespmem:$0x10450] =	vst v63  }
0x92: {  	_ =	swait.ge [sflag:s7], $0x1400  }
0x93: {  	[sflag:s7] =	ssyncset.done $0x0  }
0x94: {  	s25 =	simm.s32 $0x26C0;
	[sflag:s7] =	ssyncadd.s32 $0xFFFFEC00  }
0x95: {  	[tilespmem:s23], [sflag:$0x2] =	stream.indirect.gather [hbm4b:s4+s19], $0x40, s25, s19, $0xb8;
	[tilespmem:$0x10450] =	vst v63  }
0x96: {  	_ =	swait.ge [sflag:s26], $0x1400  }
0x97: {  	[sflag:s26] =	ssyncset.done $0x0  }
0x98: {  	[sflag:s26] =	ssyncadd.s32 $0xFFFFEC00  }
0x99: {  	_ =	swait.ge [sflag:s22], $0x50  }
0x9a: {  	[sflag:s22] =	ssyncset.done $0x0  }
0x9b: {  	s28 =	simm.s32 $0x6;
	[sflag:s22] =	ssyncadd.s32 $0xFFFFFFB0  }
0x9c: {  	[spmem:s1] =	stream.indirect.scatter.add.f32 [tilespmem:s23], [sflag:$0x5], $0x40, s5, s19, $0xb8;
	[tilespmem:$0x10450] =	vst v63  }
0x9d: {  	_ =	swait.ge [sflag:s28], $0x1400  }
0x9e: {  	[sflag:s28] =	ssyncset.done $0x0  }
0x9f: {  	[sflag:s28] =	ssyncadd.s32 $0xFFFFEC00  }
0xa0: {  	_ =	swait.ge [sflag:s29], $0x1400  }
0xa1: {  	[sflag:s29] =	ssyncset.done $0x0  }
0xa2: {  	[sflag:s29] =	ssyncadd.s32 $0xFFFFEC00  }
0xa3: {  	_ =	swait.ge [sflag:s7], $0x1400  }
0xa4: {  	[sflag:s7] =	ssyncset.done $0x0  }
0xa5: {  	[sflag:s7] =	ssyncadd.s32 $0xFFFFEC00  }
0xa6: {  	[bflag:$0x0] =	sbarrier.arrive $0xFFFF  }
0xa7: {  	s30 =	rddreg [dreg:$0xc]  }
0xa8: {  	[hbm:s30], [sflag:s15] =	dma.local [spmem:s16], $0x1400  }
0xa9: {  	_ =	swait.ge [sflag:s14], $0x1400  }
0xaa: {  	s9 =	sadd.s32 $0x1, s9;
	s31 =	rddreg [dreg:$0xb]  }
0xab: {  	p0 =	sne.s32 s9, s31  }
.Ltmp1:
0xac: {  	_ = 	snop;
	(pc) =	sbr.rel @p0 .LBB2_1-.Ltmp1, $3  }
0xad: {  	_ =	sdelay $0x1  }
0xae: {  	[sflag:s14] =	ssyncset.done $0x0  }
0xaf: {  	[sflag:s14] =	ssyncadd.s32 $0xFFFFEC00  }
0xb0: {  	_ =	sfence.sel $0x180000  }
0xb1: {  	[bflag:$0x0] =	sbarrier.arrive $0xFFFF  }
0xb2: {  	_ =	strace $0x9000004D  }
0xb3: {  	s0 =	stileid.u32;
	[bflag:$0x2] =	sbarrier.arrive $0xFFFF  }
0xb4: {  	p0 =	sne.s32 s0, $0x0;
	s0 =	rddreg [dreg:$0x3]  }
0xb5: {  	s0 =	sadd.s32 @!p0 $0x100000, s0  }
0xb6: {  	[sflag:s0] =	ssyncadd.tile.s32 @!p0 $0x1;
	_ =	shalt  }
.Lfunc_end2:
_tile_overlayer_lowered:
.L_overlay_start_2:
0xb7: {  	(tag) =	ssettag $0x2  }
0xb8: {  	s0 =	rddreg [dreg:$0x0];
	s2 =	stileid.u32  }
0xb9: {  	s1 =	rddreg [dreg:$0x1];
	p0 =	sne.s32 s2, $0x0  }
0xba: {  	s3 =	rddreg [dreg:$0x2];
	[bflag:$0x3] =	sbarrier.arrive $0xFFFF;
	s2 =	simm.s32 @!p0 $0x1C0B  }
0xbb: {  	[timem:s3], [sflag:s2] =	dma.local @!p0 [hbm:s0], s1  }
0xbc: {  	s0 =	simm.s32 @!p0 $0xB  }
0xbd: {  	_ =	swait.ge @!p0 [sflag:s0], s1  }
0xbe: {  	s1 =	ssub.s32 @!p0 $0x0, s1;
	[sflag:s0] =	ssyncset.done @!p0 $0x0  }
0xbf: {  	[sflag:s0] =	ssyncadd.s32 @!p0 s1  }
0xc0: {  	[bflag:$0x3] =	sbarrier.arrive $0xFFFF  }
0xc1: {  	_ =	shalt  }

// kernel: kernel.9.cloned.1.call-start
scs
__scs_entry_jumppad:
0x0: {  	(pc) =	sbr.rel $0x88, $3  }
0x1: {  	(tag) =	ssettag $0x0;
	lr =	simm.s32 $0x1  }
0x2: {  	[smem:$0x3F93] =	sst lr;
	_ =	strace $0xD0000000  }
0x3: {  	_ = 	snop  }
0x4: {  	_ = 	snop  }
0x5: {  	_ = 	snop  }
0x6: {  	_ = 	snop  }
0x7: {  	_ = 	snop  }
__scs_overlays_trampoline_lowered:
0x8: {  	[smem:$0x3FA2] =	sst s0  }
0x9: {  	[smem:$0x3FA3] =	sst s1  }
0xa: {  	[smem:$0x3FA4] =	sst s2  }
0xb: {  	[smem:$0x3FA5] =	sst s3  }
0xc: {  	[smem:$0x3FA6] =	sst s4  }
0xd: {  	[smem:$0x3FA7] =	sst s5  }
0xe: {  	[smem:$0x3FA8] =	sst s6  }
0xf: {  	[smem:$0x3FA9] =	sst s7  }
0x10: {  	[smem:$0x3FAA] =	sst s8  }
0x11: {  	[smem:$0x3FAB] =	sst s9;
	s0 =	simm.s32 @!p0 $0x0  }
0x12: {  	s1 =	sld [smem:$0x3F91];
	s0 =	simm.s32 @p0 $0x1  }
0x13: {  	[smem:$0x3FAC] =	sst s0;
	s0 =	simm.s32 @!p1 $0x0  }
0x14: {  	s2 =	sld [smem:$0x3F90];
	s0 =	simm.s32 @p1 $0x1  }
0x15: {  	[smem:$0x3FAD] =	sst s0;
	s0 =	simm.s32 @!p2 $0x0  }
0x16: {  	s3 =	sld [smem:$0x3FDB];
	s0 =	simm.s32 @p2 $0x1  }
0x17: {  	s4 =	simm.s32 $0x1BF5;
	[smem:$0x3FAF] =	sst s0  }
0x18: {  	s0 =	sld [smem:$0x3F92];
	_ =	swait.ge [sflag:s4], $0x0  }
0x19: {  	s7 =	sld [smem:$0x3F93]  }
0x1a: {  	s8 =	sadd.s32 $0xFFFFE003, lr  }
0x1b: {  	s9 =	sadd.s32 $0xFFFFFEF7, lr;
	s5 =	simm.s32 $0xFFFFFFFF;
	p2 =	slt.u32 s8, $0xFFFFF086  }
0x1c: {  	p1 =	slt.u32 s9, $0xF7A;
	s5 =	simm.s32 @!p2 $0x0  }
0x1d: {  	s5 =	simm.s32 @p1 $0x1;
	p0 =	seq.s32 s7, s2  }
0x1e: {  	s7 =	smul.u32 @!p0 $0xF7A, s2;
	p2 =	seq.s32 @!p0 s5, $0x0  }
0x1f: {  	s9 =	smul.u32 $0xF7A, s1;
	s8 =	simm.s32 @!p0 $0x1BF5;
	p2 =	por !p2, p0  }
0x20: {  	[sflag:s8] =	ssyncset.s32 @!p0 $0xFFFFF086;
	s6 =	sadd.s32 @!p0 s3, s7;
	s7 =	simm.s32 @!p0 $0x108  }
0x21: {  	s3 =	sadd.s32 s3, s9;
	s6 =	sadd.s32 @!p0 $0x88, s6;
	s7 =	simm.s32 @p2 $0x1082  }
0x22: {  	[simem:s7], [sflag:s8] =	dma.local @!p0 [hbm:s6], $0xF7A  }
0x23: {  	s9 =	sor.u32 $0xD0000000, s2;
	s6 =	simm.s32 $0x108;
	_ =	swait.ge @!p0 [sflag:s8], $0x0  }
0x24: {  	s3 =	sadd.s32 $0x88, s3;
	s6 =	simm.s32 @!p1 $0x1082;
	[sflag:s4] =	ssyncset.s32 $0xFFFFF086  }
0x25: {  	[simem:s6], [sflag:s4] =	dma.local [hbm:s3], $0xF7A  }
0x26: {  	[smem:$0x3F93] =	sst s1;
	(tag) =	ssettag s2;
	_ =	strace s9  }
0x27: {  	s1 =	sld [smem:$0x3FA3]  }
0x28: {  	s2 =	sld [smem:$0x3FA4]  }
0x29: {  	s4 =	sld [smem:$0x3FA6]  }
0x2a: {  	p0 =	seq.s32 s5, $0x0;
	s5 =	sld [smem:$0x3FA7]  }
0x2b: {  	s6 =	sld [smem:$0x3FA8]  }
0x2c: {  	s7 =	sld [smem:$0x3FA9]  }
0x2d: {  	s3 =	simm.s32 $0x108;
	s8 =	sld [smem:$0x3FAA]  }
0x2e: {  	s3 =	simm.s32 @!p0 $0x1082;
	s9 =	sld [smem:$0x3FAB]  }
0x2f: {  	lr =	sadd.s32 s0, s3;
	s0 =	sld [smem:$0x3FA2]  }
0x30: {  	s3 =	sld [smem:$0x3FA5]  }
0x31: {  	[smem:$0x3FAE] =	sst s10  }
0x32: {  	s10 =	sld [smem:$0x3FAC];
	_ =	sdelay $0x3  }
0x33: {  	p0 =	seq.s32 s10, $0x1;
	s10 =	sld [smem:$0x3FAE];
	_ =	sdelay $0x3  }
0x34: {  	[smem:$0x3FAE] =	sst s10  }
0x35: {  	s10 =	sld [smem:$0x3FAD];
	_ =	sdelay $0x3  }
0x36: {  	p1 =	seq.s32 s10, $0x1;
	s10 =	sld [smem:$0x3FAE];
	_ =	sdelay $0x3  }
0x37: {  	[smem:$0x3FAE] =	sst s10  }
0x38: {  	s10 =	sld [smem:$0x3FAF]  }
0x39: {  	_ = 	snop;
	(pc) =	sbr.ind lr, $3  }
0x3a: {  	_ = 	snop  }
0x3b: {  	_ = 	snop  }
0x3c: {  	p2 =	seq.s32 s10, $0x1;
	s10 =	sld [smem:$0x3FAE]  }
0x3d: {  	_ =	shalt  }
0x3e: {  	_ =	shalt  }
0x3f: {  	_ =	shalt  }
0x40: {  	_ =	shalt  }
0x41: {  	_ =	shalt  }
0x42: {  	_ =	shalt  }
0x43: {  	_ =	shalt  }
0x44: {  	_ =	shalt  }
0x45: {  	_ =	shalt  }
0x46: {  	_ =	shalt  }
0x47: {  	_ =	shalt  }
0x48: {  	_ =	shalt  }
0x49: {  	_ =	shalt  }
0x4a: {  	_ =	shalt  }
0x4b: {  	_ =	shalt  }
0x4c: {  	_ =	shalt  }
0x4d: {  	_ =	shalt  }
0x4e: {  	_ =	shalt  }
0x4f: {  	_ =	shalt  }
0x50: {  	_ =	shalt  }
0x51: {  	_ =	shalt  }
0x52: {  	_ =	shalt  }
0x53: {  	_ =	shalt  }
0x54: {  	_ =	shalt  }
0x55: {  	_ =	shalt  }
0x56: {  	_ =	shalt  }
0x57: {  	_ =	shalt  }
0x58: {  	_ =	shalt  }
0x59: {  	_ =	shalt  }
0x5a: {  	_ =	shalt  }
0x5b: {  	_ =	shalt  }
0x5c: {  	_ =	shalt  }
0x5d: {  	_ =	shalt  }
0x5e: {  	_ =	shalt  }
0x5f: {  	_ =	shalt  }
0x60: {  	_ =	shalt  }
0x61: {  	_ =	shalt  }
0x62: {  	_ =	shalt  }
0x63: {  	_ =	shalt  }
0x64: {  	_ =	shalt  }
0x65: {  	_ =	shalt  }
0x66: {  	_ =	shalt  }
0x67: {  	_ =	shalt  }
0x68: {  	_ =	shalt  }
0x69: {  	_ =	shalt  }
0x6a: {  	_ =	shalt  }
0x6b: {  	_ =	shalt  }
0x6c: {  	_ =	shalt  }
0x6d: {  	_ =	shalt  }
0x6e: {  	_ =	shalt  }
0x6f: {  	_ =	shalt  }
0x70: {  	_ =	shalt  }
0x71: {  	_ =	shalt  }
0x72: {  	_ =	shalt  }
0x73: {  	_ =	shalt  }
0x74: {  	_ =	shalt  }
0x75: {  	_ =	shalt  }
0x76: {  	_ =	shalt  }
0x77: {  	_ =	shalt  }
0x78: {  	_ =	shalt  }
0x79: {  	_ =	shalt  }
0x7a: {  	_ =	shalt  }
0x7b: {  	_ =	shalt  }
0x7c: {  	_ =	shalt  }
0x7d: {  	_ =	shalt  }
0x7e: {  	_ =	shalt  }
0x7f: {  	_ =	shalt  }
0x80: {  	_ =	shalt  }
0x81: {  	_ =	shalt  }
0x82: {  	_ =	shalt  }
0x83: {  	_ =	shalt  }
0x84: {  	_ =	shalt  }
0x85: {  	_ =	shalt  }
0x86: {  	_ =	shalt  }
0x87: {  	_ =	shalt  }
.Lfunc_end0:
.L_simem_size_0:
called_computation_lowered:
.L_overlay_start_0:
0x88: {  	s2 =	sld [smem:$0x3FD9]  }
0x89: {  	s3 =	sld [smem:$0x3FFE];
	_ =	sdelay $0x1  }
0x8a: {  	s1 =	srdreg.scid  }
0x8b: {  	s0 =	sand.u32 $0x1, s1  }
0x8c: {  	s17 =	sshll.u32 s0, $0xA;
	s2 =	sadd.s32 s3, s2  }
0x8d: {  	s2 =	sadd.s32 s2, s17  }
0x8e: {  	[smem:$0x3FBA] =	sst s2  }
0x8f: {  	_ = 	snop  }
0x90: {  	s2 =	sld [smem:$0x3FD0];
	(tm) =	ssettm $0x1  }
0x91: {  	s18 =	sld [smem:$0x3FFB];
	_ =	sdelay $0x3  }
0x92: {  	_ =	strace s18  }
0x93: {  	s3 =	sld [smem:$0x3FFC];
	_ =	sdelay $0x3  }
0x94: {  	_ =	strace s3  }
0x95: {  	s3 =	sld [smem:$0x3FFD];
	_ =	sdelay $0x3  }
0x96: {  	_ =	strace s3  }
0x97: {  	_ =	strace $0x8FFFFFFF  }
0x98: {  	s19 =	sld [smem:$0x3FDB];
	_ =	sdelay $0x1  }
0x99: {  	s4 =	simm.s32 $_scs_section_size  }
0x9a: {  	s5 =	simm.s32 $_size__tile_overlayer_lowered;
	s6 =	simm.s32 $_tile_overlayer_lowered  }
0x9b: {  	s22 =	simm.s32 $0x1BFF;
	s21 =	sshll.u32 s6, $0x1;
	s3 =	sadd.s32 s4, s19  }
0x9c: {  	s7 =	simm.s32 $0x0;
	s20 =	sshll.u32 s5, $0x1;
	s5 =	sadd.s32 s21, s3  }
0x9d: {  	[timem:s7], [sflag:s22] =	dma.local [hbm:s5], s20  }
0x9e: {  	_ =	swait.ge [sflag:s22], s20  }
0x9f: {  	s4 =	ssub.s32 $0x0, s20;
	[sflag:s22] =	ssyncset.done $0x0  }
0xa0: {  	[sflag:s22] =	ssyncadd.s32 s4;
	_ =	sdelay $0x1  }
0xa1: {  	s23 =	simm.s32 $0x1B8B  }
0xa2: {  	_ =	swait.ge [sflag:s23], $0x1  }
0xa3: {  	[sflag:s23] =	ssyncset.done $0x0  }
0xa4: {  	s25 =	simm.s32 $0x1B8E;
	s24 =	sld [smem:$0x3FFE];
	[sflag:s23] =	ssyncadd.s32 $0xFFFFFFFF  }
0xa5: {  	s26 =	simm.s32 $execute0_lowered;
	[smem:$0x3FD2] =	sst s25  }
0xa6: {  	s5 =	sshll.u32 s26, $0x1;
	_ =	strace $0x80000046;
	[dreg:$0x1] =	wrdreg $0xFFFFFFFF  }
0xa7: {  	s28 =	simm.s32 $_size_execute0_lowered;
	s3 =	sadd.s32 s3, s5;
	[dreg:$0x0] =	wrdreg $0x0  }
0xa8: {  	s5 =	sshll.u32 s28, $0x1;
	[dreg:$0x2] =	wrdreg s3  }
0xa9: {  	[dreg:$0x3] =	wrdreg s5  }
0xaa: {  	[dreg:$0x4] =	wrdreg $0xC0  }
0xab: {  	_ =	task [dreg:s7], $0x5FFFF  }
0xac: {  	[dreg:$0x1] =	wrdreg $0xFFFFFFFF  }
0xad: {  	[dreg:$0x0] =	wrdreg $0x60  }
0xae: {  	[dreg:$0x2] =	wrdreg s24  }
0xaf: {  	[dreg:$0x3] =	wrdreg s2  }
0xb0: {  	[dreg:$0x4] =	wrdreg $0x79800  }
0xb1: {  	[dreg:$0x5] =	wrdreg $0x9  }
0xb2: {  	_ =	task.clear_ibuf [dreg:s7], $0x6FFFF;
	_ =	strace $0x90000046  }
0xb3: {  	s29 =	simm.s32 $0x9;
	_ =	strace $0x80000048  }
0xb4: {  	_ =	swait.ge [sflag:s29], $0x1  }
0xb5: {  	[sflag:s29] =	ssyncadd.s32 $0xFFFFFFFF  }
0xb6: {  	_ =	strace $0x90000048  }
0xb7: {  	_ =	sfence  }
0xb8: {  	s30 =	sld [smem:$0x0];
	_ =	sdelay $0x2  }
0xb9: {  	s31 =	sshll.u32 s1, $0xD;
	s1 =	sshrl.u32 s1, $0x2  }
0xba: {  	s3 =	sand.u32 $0x4000, s31;
	s1 =	sadd.s32 s1, s30  }
0xbb: {  	s0 =	sor.u32 s3, s0;
	s1 =	sshll.u32 s1, $0x11  }
0xbc: {  	s0 =	sor.u32 s1, s0  }
0xbd: {  	s0 =	sadd.s32 $0x8F2B, s0  }
0xbe: {  	[sflag:s0] =	ssyncadd.remote.s32 $0x1  }
0xbf: {  	_ =	sfence.sel $0xFFFF  }
0xc0: {  	[dreg:$0x0] =	wrdreg $0xFFFFFFFF;
	(pc) =	sbr.abs _section_cstart, $3  }
0xc1: {  	[dreg:$0x1] =	wrdreg $0xFFFFFFFF  }
0xc2: {  	_ =	task.clear_ibuf [dreg:s7], $0x2FFFF;
	_ =	strace $0x9FFFFFFF  }
0xc3: {  	(tm) =	ssettm $0x7FFFFFFF  }
tec
execute0_lowered:
.L_overlay_start_1:
0x0: {  	(tag) =	ssettag $0x1  }
0x1: {  	s0 =	rddreg [dreg:$0x0];
	s1 =	srdreg.scid  }
0x2: {  	s2 =	rddreg [dreg:$0x1];
	s18 =	stileid.u32  }
0x3: {  	s28 =	simm.s32 $0x0;
	s3 =	sand.u32 $0x1, s1;
	s5 =	sadd.s32 $0x52600, s0  }
0x4: {  	s6 =	smul.u32 $0x500, s18;
	s8 =	sshrl.u32 s18, $0x3;
	s10 =	sshll.u32 s18, $0x7  }
0x5: {  	s11 =	smul.u32 $0x1400, s18;
	s19 =	sadd.s32 $0x52620, s0;
	s20 =	sadd.s32 $0x52630, s0  }
0x6: {  	s22 =	sadd.s32 $0x52640, s0;
	s13 =	sadd.s32 $0x52650, s0;
	s14 =	smul.u32 $0x2710, s18  }
0x7: {  	s24 =	sadd.s32 $0x52660, s0;
	s16 =	sadd.s32 $0x52670, s0;
	s4 =	smul.u32 $0x28000, s3  }
0x8: {  	s1 =	sshll.u32 s3, $0x4;
	s7 =	sshll.u32 s3, $0x7;
	s8 =	smul.u32 $0x14000, s8  }
0x9: {  	s29 =	ssub.s32 $0x2, s3;
	s30 =	sand.u32 $0x380, s10;
	s3 =	smul.u32 $0x27100, s3  }
0xa: {  	s1 =	sor.u32 s18, s1;
	s6 =	sor.u32 s7, s6;
	s9 =	sshrl.u32 s29, $0x1  }
0xb: {  	s1 =	smul.u32 $0x2710, s1;
	s7 =	ssub.s32 s29, s9;
	s31 =	sadd.s32 s11, s4  }
0xc: {  	s8 =	sadd.s32 s4, s8;
	s11 =	sadd.s32 $0x52610, s0;
	s9 =	sshrl.u32 s31, $0x3  }
0xd: {  	s3 =	sadd.s32 s14, s3;
	s14 =	smul.u32 $0x50000, s18;
	s10 =	sadd.s32 s5, s9  }
0xe: {  	s8 =	sor.u32 s30, s8;
	s17 =	sadd.s32 s9, s11;
	[dreg:$0x6] =	wrdreg s10  }
0xf: {  	s1 =	sshrl.u32 s1, $0x3;
	s12 =	sadd.s32 s9, s19;
	[dreg:$0x7] =	wrdreg s17  }
0x10: {  	s8 =	sshrl.u32 s8, $0x3;
	s21 =	sadd.s32 s9, s20;
	[dreg:$0x8] =	wrdreg s12  }
0x11: {  	s15 =	sadd.s32 s9, s22;
	s23 =	sadd.s32 s9, s13;
	[dreg:$0x9] =	wrdreg s21  }
0x12: {  	s25 =	sadd.s32 s9, s24;
	s1 =	sadd.s32 s2, s1;
	[dreg:$0xa] =	wrdreg s15  }
0x13: {  	s8 =	sadd.s32 s5, s8;
	[dreg:$0xb] =	wrdreg s23;
	s17 =	sadd.s32 $0x2800, s9  }
0x14: {  	[dreg:$0xc] =	wrdreg s25;
	s9 =	sadd.s32 s9, s16;
	s12 =	sadd.s32 s4, s0  }
0x15: {  	s23 =	rddreg [dreg:$0x2];
	s15 =	sshrl.u32 s6, $0x3;
	s4 =	sshrl.u32 s14, $0x2  }
0x16: {  	s25 =	sadd.s32 $0x3400, s0;
	s14 =	simm.s32 $0x1B980;
	[dreg:$0x5] =	wrdreg s8  }
0x17: {  	s6 =	simm.s32 $0x400;
	[dreg:$0xd] =	wrdreg s9;
	s5 =	sadd.s32 s5, s17  }
0x18: {  	s26 =	sadd.s32 s17, s11;
	s29 =	sadd.s32 s17, s19;
	[dreg:$0xe] =	wrdreg s5  }
0x19: {  	s30 =	sadd.s32 s17, s20;
	s31 =	sadd.s32 s17, s22;
	[dreg:$0xf] =	wrdreg s26  }
0x1a: {  	s8 =	sadd.s32 s17, s13;
	s9 =	sadd.s32 s17, s24;
	[dreg:$0x10] =	wrdreg s29  }
0x1b: {  	s10 =	sadd.s32 s17, s16;
	s11 =	sadd.s32 $0x4E390, s3;
	[dreg:$0x11] =	wrdreg s30  }
0x1c: {  	s3 =	sadd.s32 $0x4E340, s3;
	s19 =	simm.s32 $0x0;
	[dreg:$0x12] =	wrdreg s31  }
0x1d: {  	s13 =	smul.u32 $0x2800, s18;
	s17 =	sadd.s32 s15, s0;
	[dreg:$0x13] =	wrdreg s8  }
0x1e: {  	s18 =	sadd.s32 s4, s23;
	s22 =	smax.u32 s7, $0x1;
	[dreg:$0x14] =	wrdreg s9  }
0x1f: {  	s24 =	sadd.s32 $0x9C40, s1;
	[dreg:$0x15] =	wrdreg s10;
	s5 =	sshrl.u32 s11, $0x3  }
0x20: {  	s3 =	sshrl.u32 s3, $0x3;
	[smem:$0x7FF] =	sst s19;
	s5 =	sadd.s32 s5, s2  }
0x21: {  	s4 =	simm.s32 $0x9;
	s2 =	sadd.s32 s3, s2;
	[dreg:$0x16] =	wrdreg s5  }
0x22: {  	s15 =	simm.s32 $0x2;
	s16 =	sadd.s32 s13, s0;
	[dreg:$0x17] =	wrdreg s2  }
0x23: {  	s20 =	sadd.s32 $0x2A600, s16;
	_ =	strace $0x80000047;
	[dreg:$0x19] =	wrdreg s18  }
0x24: {  	s7 =	simm.s32 $0x1E180;
	s21 =	sadd.s32 $0x5C600, s17;
	[dreg:$0x1a] =	wrdreg s20  }
0x25: {  	s26 =	sadd.s32 $0x9C4A, s1;
	s29 =	sadd.s32 $0x9C54, s1;
	[dreg:$0x1b] =	wrdreg s21  }
0x26: {  	s30 =	sadd.s32 $0x9C5E, s1;
	s31 =	sadd.s32 $0xA118, s1;
	[dreg:$0x1c] =	wrdreg s22  }
0x27: {  	s8 =	simm.s32 $0x50;
	s9 =	simm.s32 $0x2980;
	[dreg:$0x1d] =	wrdreg s24  }
0x28: {  	s10 =	simm.s32 $0x1;
	s11 =	simm.s32 $0x5;
	[dreg:$0x1e] =	wrdreg s26  }
0x29: {  	s17 =	simm.s32 $0x4;
	s3 =	simm.s32 $0x2880;
	[dreg:$0x1f] =	wrdreg s29  }
0x2a: {  	s2 =	sadd.s32 $0x5D000, s12;
	s5 =	simm.s32 $0x2780;
	[smem:$0x7FC] =	sst s30  }
0x2b: {  	s12 =	simm.s32 $0x5180;
	s16 =	simm.s32 $0x3;
	[dreg:$0x4] =	wrdreg s1  }
0x2c: {  	s2 =	sadd.s32 s13, s2;
	[smem:$0x7FD] =	sst s31;
	s21 =	simm.s32 $0x2900  }
0x2d: {  	s18 =	simm.s32 $0x6;
	s20 =	simm.s32 $0x7;
	s22 =	simm.s32 $0x8  }
0x2e: {  	v0 =	vimm.f32 $0.0e+00;
	v1 =	vimm.f32 $1.000000000e+00;
	s24 =	simm.s32 $0x80;
	[dreg:$0x18] =	wrdreg s2;
	s2 =	simm.s32 $0x2800  }
.LBB2_1:
0x2f: {  	s0 =	rddreg [dreg:$0x4];
	s13 =	stileid.u32  }
0x30: {  	[tilespmem:s19], [sflag:$0x9] =	stream.linear.gather [hbm4b:s0+s19], $0x2710, $0x38;
	[tilespmem:$0x1E680] =	vst v63  }
0x31: {  	s0 =	sshll.u32 s13, $0x6;
	_ =	swait.ge [sflag:s4], $0x2710  }
0x32: {  	s29 =	sor.u32 $0x1C09, s0;
	[sflag:s4] =	ssyncset.done $0x0;
	s26 =	rddreg [dreg:$0x19]  }
0x33: {  	s31 =	rddreg [dreg:$0x1a];
	[sflag:s4] =	ssyncadd.s32 $0xFFFFD8F0;
	s30 =	sshrl.u32 s26, $0x3  }
0x34: {  	[spmem:s30], [sflag:s29] =	dma.local [hbm:s31], $0x2800  }
0x35: {  	_ =	swait.ge [sflag:s4], $0x2800  }
0x36: {  	[sflag:s4] =	ssyncset.done $0x0  }
0x37: {  	s13 =	simm.s32 $0x0;
	s0 =	simm.s32 $0x40;
	[sflag:s4] =	ssyncadd.s32 $0xFFFFD800  }
.LBB2_2:
0x38: {  	p0 =	sne.s32 s0, $0x9FC0;
	[tilespmem:s13+$0x1B980] =	vst v0;
	s13 =	smov.u32 s0;
	s0 =	sadd.s32 $0x40, s0  }
.Ltmp0:
0x39: {  	(pc) =	sbr.rel @p0 .LBB2_2-.Ltmp0, $2  }
0x3a: {  	_ =	sdelay $0x2  }
0x3b: {  	s13 =	sshra.s32 s13, $0x2  }
0x3c: {  	[tilespmem:s13+$0x1B980] =	vst v0  }
0x3d: {  	[bflag:$0x0] =	sbarrier.arrive $0xFFFF  }
0x3e: {  	s31 =	simm.s32 $0x0;
	s0 =	rddreg [dreg:$0x1d]  }
0x3f: {  	[tilespmem:s5], [sflag:$0x5] =	stream.linear.gather [hbm4b:s0+s31], $0x50, $0x38;
	[tilespmem:$0x1E680] =	vst v63  }
0x40: {  	s1 =	rddreg [dreg:$0x1e]  }
0x41: {  	[tilespmem:s2], [sflag:$0x6] =	stream.linear.gather [hbm4b:s1+s31], $0x50, $0x38;
	[tilespmem:$0x1E680] =	vst v63  }
0x42: {  	s13 =	rddreg [dreg:$0x1f]  }
0x43: {  	[tilespmem:s3], [sflag:$0x7] =	stream.linear.gather [hbm4b:s13+s31], $0x50, $0x38;
	[tilespmem:$0x1E680] =	vst v63  }
0x44: {  	_ = 	snop  }
0x45: {  	[tilespmem:s9], [sflag:$0x1] =	stream.indirect.gather [hbm4b:s25+s8], $0x80, s31, s8, $0xb8;
	[tilespmem:$0x1E680] =	vst v63  }
0x46: {  	_ =	swait.ge [sflag:s10], $0x2800  }
0x47: {  	[sflag:s10] =	ssyncset.done $0x0  }
0x48: {  	[sflag:s10] =	ssyncadd.s32 $0xFFFFD800  }
0x49: {  	_ =	swait.ge [sflag:s11], $0x50  }
0x4a: {  	[sflag:s11] =	ssyncset.done $0x0  }
0x4b: {  	[sflag:s11] =	ssyncadd.s32 $0xFFFFFFB0  }
0x4c: {  	[spmem:s23] =	stream.indirect.scatter.add.f32 [tilespmem:s9], [sflag:$0x3], $0x80, s5, s8, $0xb8;
	[tilespmem:$0x1E680] =	vst v63  }
0x4d: {  	s26 =	sld [smem:$0x7FC]  }
0x4e: {  	[tilespmem:s12], [sflag:$0x2] =	stream.indirect.gather [hbm4b:s25+s8], $0x80, s8, s8, $0xb8;
	[tilespmem:$0x1E680] =	vst v63  }
0x4f: {  	_ = 	snop  }
0x50: {  	[tilespmem:s21], [sflag:$0x8] =	stream.linear.gather [hbm4b:s26+s31], $0x50, $0x38;
	[tilespmem:$0x1E680] =	vst v63  }
0x51: {  	v2 =	vld [tilespmem:$0x2780];
	_ =	sdelay $0x7  }
0x52: {  	[tilespmem:v2+s14+$0x0] =	vst.idx.add.f32.msk $0xffff, v1  }
0x53: {  	v2 =	vld [tilespmem:$0x2790];
	_ =	sdelay $0x7  }
0x54: {  	[tilespmem:v2+s14+$0x0] =	vst.idx.add.f32.msk $0xffff, v1  }
0x55: {  	v2 =	vld [tilespmem:$0x27A0];
	_ =	sdelay $0x7  }
0x56: {  	[tilespmem:v2+s14+$0x0] =	vst.idx.add.f32.msk $0xffff, v1  }
0x57: {  	v2 =	vld [tilespmem:$0x27B0];
	_ =	sdelay $0x7  }
0x58: {  	[tilespmem:v2+s14+$0x0] =	vst.idx.add.f32.msk $0xffff, v1  }
0x59: {  	v2 =	vld [tilespmem:$0x27C0];
	_ =	sdelay $0x6  }
0x5a: {  	s0 =	rddreg [dreg:$0x17]  }
0x5b: {  	s13 =	rddreg [dreg:$0x16];
	s21 =	simm.s32 $0xF0;
	[tilespmem:v2+s14+$0x0] =	vst.idx.add.f32.msk $0xffff, v1  }
.LBB2_4:
0x5c: {  	_ =	swait.ge [sflag:s15], $0x2800  }
0x5d: {  	s2 =	sand.u32 $0x2, s31;
	[sflag:s15] =	ssyncset.done $0x0  }
0x5e: {  	s3 =	sadd.s32 $0x6, s2;
	[sflag:s15] =	ssyncadd.s32 $0xFFFFD800  }
0x5f: {  	_ =	swait.ge [sflag:s3], $0x50  }
0x60: {  	s26 =	sshll.u32 s2, $0x7;
	[sflag:s3] =	ssyncset.done $0x0  }
0x61: {  	s1 =	sor.u32 $0x2800, s26;
	[sflag:s3] =	ssyncadd.s32 $0xFFFFFFB0  }
0x62: {  	[spmem:s23] =	stream.indirect.scatter.add.f32 [tilespmem:s12], [sflag:$0x4], $0x80, s1, s8, $0xb8;
	[tilespmem:$0x1E680] =	vst v63  }
0x63: {  	_ =	swait.ge [sflag:s16], $0x2800  }
0x64: {  	[sflag:s16] =	ssyncset.done $0x0  }
0x65: {  	s1 =	sadd.s32 $0xFFFFFFB0, s21;
	[sflag:s16] =	ssyncadd.s32 $0xFFFFD800  }
0x66: {  	[tilespmem:s9], [sflag:$0x1] =	stream.indirect.gather [hbm4b:s25+s8], $0x80, s1, s8, $0xb8;
	[tilespmem:$0x1E680] =	vst v63  }
0x67: {  	s2 =	sor.u32 $0x5, s2;
	s1 =	sadd.s32 $0x2780, s26  }
0x68: {  	[tilespmem:s1], [sflag:s2] =	stream.linear.gather [hbm4b:s0+s19], $0x50, $0x38;
	[tilespmem:$0x1E680] =	vst v63  }
0x69: {  	v2 =	vld [tilespmem:s26+$0x2800];
	_ =	sdelay $0x7  }
0x6a: {  	[tilespmem:v2+s14+$0x0] =	vst.idx.add.f32.msk $0xffff, v1  }
0x6b: {  	v2 =	vld [tilespmem:s26+$0x2810];
	_ =	sdelay $0x7  }
0x6c: {  	[tilespmem:v2+s14+$0x0] =	vst.idx.add.f32.msk $0xffff, v1  }
0x6d: {  	v2 =	vld [tilespmem:s26+$0x2820];
	_ =	sdelay $0x7  }
0x6e: {  	[tilespmem:v2+s14+$0x0] =	vst.idx.add.f32.msk $0xffff, v1  }
0x6f: {  	v2 =	vld [tilespmem:s26+$0x2830];
	_ =	sdelay $0x7  }
0x70: {  	[tilespmem:v2+s14+$0x0] =	vst.idx.add.f32.msk $0xffff, v1  }
0x71: {  	v2 =	vld [tilespmem:s26+$0x2840];
	_ =	sdelay $0x7  }
0x72: {  	[tilespmem:v2+s14+$0x0] =	vst.idx.add.f32.msk $0xffff, v1  }
0x73: {  	s2 =	sadd.s32 $0x2, s31;
	_ =	swait.ge [sflag:s10], $0x2800  }
0x74: {  	s26 =	sand.u32 $0x2, s2;
	[sflag:s10] =	ssyncset.done $0x0  }
0x75: {  	s1 =	sor.u32 $0x5, s26;
	[sflag:s10] =	ssyncadd.s32 $0xFFFFD800  }
0x76: {  	_ =	swait.ge [sflag:s1], $0x50  }
0x77: {  	s3 =	sshll.u32 s26, $0x7;
	[sflag:s1] =	ssyncset.done $0x0  }
0x78: {  	[sflag:s1] =	ssyncadd.s32 $0xFFFFFFB0;
	s1 =	sadd.s32 $0x2780, s3  }
0x79: {  	[spmem:s23] =	stream.indirect.scatter.add.f32 [tilespmem:s9], [sflag:$0x3], $0x80, s1, s8, $0xb8;
	[tilespmem:$0x1E680] =	vst v63  }
0x7a: {  	s1 =	sadd.s32 $0x5, s31;
	_ =	swait.ge [sflag:s17], $0x2800  }
0x7b: {  	s26 =	sand.u32 $0x3, s1;
	[sflag:s17] =	ssyncset.done $0x0  }
0x7c: {  	s1 =	sshll.u32 s26, $0x7;
	[sflag:s17] =	ssyncadd.s32 $0xFFFFD800  }
0x7d: {  	[tilespmem:s12], [sflag:$0x2] =	stream.indirect.gather [hbm4b:s25+s8], $0x80, s21, s8, $0xb8;
	[tilespmem:$0x1E680] =	vst v63  }
0x7e: {  	s26 =	sadd.s32 $0x5, s26;
	s1 =	sadd.s32 $0x2780, s1  }
0x7f: {  	[tilespmem:s1], [sflag:s26] =	stream.linear.gather [hbm4b:s13+s19], $0x50, $0x38;
	[tilespmem:$0x1E680] =	vst v63  }
0x80: {  	v2 =	vld [tilespmem:s3+$0x2780];
	_ =	sdelay $0x7  }
0x81: {  	[tilespmem:v2+s14+$0x0] =	vst.idx.add.f32.msk $0xffff, v1  }
0x82: {  	v2 =	vld [tilespmem:s3+$0x2790];
	_ =	sdelay $0x7  }
0x83: {  	[tilespmem:v2+s14+$0x0] =	vst.idx.add.f32.msk $0xffff, v1  }
0x84: {  	v2 =	vld [tilespmem:s3+$0x27A0];
	_ =	sdelay $0x7  }
0x85: {  	[tilespmem:v2+s14+$0x0] =	vst.idx.add.f32.msk $0xffff, v1  }
0x86: {  	v2 =	vld [tilespmem:s3+$0x27B0];
	_ =	sdelay $0x7  }
0x87: {  	[tilespmem:v2+s14+$0x0] =	vst.idx.add.f32.msk $0xffff, v1  }
0x88: {  	v2 =	vld [tilespmem:s3+$0x27C0];
	_ =	sdelay $0x2  }
0x89: {  	p0 =	sne.s32 s31, $0x76  }
.Ltmp1:
0x8a: {  	_ = 	snop;
	(pc) =	sbr.rel @p0 .LBB2_4-.Ltmp1, $3  }
0x8b: {  	_ =	sdelay $0x1  }
0x8c: {  	s0 =	sadd.s32 $0x14, s0  }
0x8d: {  	s31 =	smov.u32 s2;
	s21 =	sadd.s32 $0xA0, s21;
	s13 =	sadd.s32 $0x14, s13;
	[tilespmem:v2+s14+$0x0] =	vst.idx.add.f32.msk $0xffff, v1  }
0x8e: {  	_ =	swait.ge [sflag:s15], $0x2800  }
0x8f: {  	[sflag:s15] =	ssyncset.done $0x0  }
0x90: {  	[sflag:s15] =	ssyncadd.s32 $0xFFFFD800  }
0x91: {  	_ =	swait.ge [sflag:s18], $0x50  }
0x92: {  	[sflag:s18] =	ssyncset.done $0x0  }
0x93: {  	s2 =	simm.s32 $0x2800;
	[sflag:s18] =	ssyncadd.s32 $0xFFFFFFB0  }
0x94: {  	[spmem:s23] =	stream.indirect.scatter.add.f32 [tilespmem:s12], [sflag:$0x4], $0x80, s2, s8, $0xb8;
	[tilespmem:$0x1E680] =	vst v63  }
0x95: {  	_ =	swait.ge [sflag:s16], $0x2800  }
0x96: {  	[sflag:s16] =	ssyncset.done $0x0  }
0x97: {  	s0 =	simm.s32 $0x2620;
	s1 =	sld [smem:$0x7FD];
	[sflag:s16] =	ssyncadd.s32 $0xFFFFD800  }
0x98: {  	[tilespmem:s9], [sflag:$0x1] =	stream.indirect.gather [hbm4b:s25+s8], $0x80, s0, s8, $0xb8;
	[tilespmem:$0x1E680] =	vst v63  }
0x99: {  	s26 =	simm.s32 $0x0  }
0x9a: {  	[tilespmem:s5], [sflag:$0x5] =	stream.linear.gather [hbm4b:s1+s26], $0x50, $0x38;
	[tilespmem:$0x1E680] =	vst v63  }
0x9b: {  	v2 =	vld [tilespmem:$0x2800];
	_ =	sdelay $0x7  }
0x9c: {  	[tilespmem:v2+s14+$0x0] =	vst.idx.add.f32.msk $0xffff, v1  }
0x9d: {  	v2 =	vld [tilespmem:$0x2810];
	_ =	sdelay $0x7  }
0x9e: {  	[tilespmem:v2+s14+$0x0] =	vst.idx.add.f32.msk $0xffff, v1  }
0x9f: {  	v2 =	vld [tilespmem:$0x2820];
	_ =	sdelay $0x7  }
0xa0: {  	[tilespmem:v2+s14+$0x0] =	vst.idx.add.f32.msk $0xffff, v1  }
0xa1: {  	v2 =	vld [tilespmem:$0x2830];
	_ =	sdelay $0x7  }
0xa2: {  	[tilespmem:v2+s14+$0x0] =	vst.idx.add.f32.msk $0xffff, v1  }
0xa3: {  	v2 =	vld [tilespmem:$0x2840];
	_ =	sdelay $0x7  }
0xa4: {  	[tilespmem:v2+s14+$0x0] =	vst.idx.add.f32.msk $0xffff, v1  }
0xa5: {  	_ =	swait.ge [sflag:s10], $0x2800  }
0xa6: {  	[sflag:s10] =	ssyncset.done $0x0  }
0xa7: {  	[sflag:s10] =	ssyncadd.s32 $0xFFFFD800  }
0xa8: {  	_ =	swait.ge [sflag:s20], $0x50  }
0xa9: {  	[sflag:s20] =	ssyncset.done $0x0  }
0xaa: {  	s3 =	simm.s32 $0x2880;
	[sflag:s20] =	ssyncadd.s32 $0xFFFFFFB0  }
0xab: {  	[spmem:s23] =	stream.indirect.scatter.add.f32 [tilespmem:s9], [sflag:$0x3], $0x80, s3, s8, $0xb8;
	[tilespmem:$0x1E680] =	vst v63  }
0xac: {  	_ =	swait.ge [sflag:s17], $0x2800  }
0xad: {  	[sflag:s17] =	ssyncset.done $0x0  }
0xae: {  	s31 =	simm.s32 $0x2670;
	[sflag:s17] =	ssyncadd.s32 $0xFFFFD800  }
0xaf: {  	[tilespmem:s12], [sflag:$0x2] =	stream.indirect.gather [hbm4b:s25+s8], $0x80, s31, s8, $0xb8;
	[tilespmem:$0x1E680] =	vst v63  }
0xb0: {  	v2 =	vld [tilespmem:$0x2880];
	_ =	sdelay $0x7  }
0xb1: {  	[tilespmem:v2+s14+$0x0] =	vst.idx.add.f32.msk $0xffff, v1  }
0xb2: {  	v2 =	vld [tilespmem:$0x2890];
	_ =	sdelay $0x7  }
0xb3: {  	[tilespmem:v2+s14+$0x0] =	vst.idx.add.f32.msk $0xffff, v1  }
0xb4: {  	v2 =	vld [tilespmem:$0x28A0];
	_ =	sdelay $0x7  }
0xb5: {  	[tilespmem:v2+s14+$0x0] =	vst.idx.add.f32.msk $0xffff, v1  }
0xb6: {  	v2 =	vld [tilespmem:$0x28B0];
	_ =	sdelay $0x7  }
0xb7: {  	[tilespmem:v2+s14+$0x0] =	vst.idx.add.f32.msk $0xffff, v1  }
0xb8: {  	v2 =	vld [tilespmem:$0x28C0];
	_ =	sdelay $0x7  }
0xb9: {  	[tilespmem:v2+s14+$0x0] =	vst.idx.add.f32.msk $0xffff, v1  }
0xba: {  	_ =	swait.ge [sflag:s15], $0x2800  }
0xbb: {  	[sflag:s15] =	ssyncset.done $0x0  }
0xbc: {  	[sflag:s15] =	ssyncadd.s32 $0xFFFFD800  }
0xbd: {  	_ =	swait.ge [sflag:s22], $0x50  }
0xbe: {  	[sflag:s22] =	ssyncset.done $0x0  }
0xbf: {  	s21 =	simm.s32 $0x2900;
	[sflag:s22] =	ssyncadd.s32 $0xFFFFFFB0  }
0xc0: {  	[spmem:s23] =	stream.indirect.scatter.add.f32 [tilespmem:s12], [sflag:$0x4], $0x80, s21, s8, $0xb8;
	[tilespmem:$0x1E680] =	vst v63  }
0xc1: {  	_ =	swait.ge [sflag:s16], $0x2800  }
0xc2: {  	[sflag:s16] =	ssyncset.done $0x0  }
0xc3: {  	s1 =	simm.s32 $0x26C0;
	[sflag:s16] =	ssyncadd.s32 $0xFFFFD800  }
0xc4: {  	[tilespmem:s9], [sflag:$0x1] =	stream.indirect.gather [hbm4b:s25+s8], $0x80, s1, s8, $0xb8;
	[tilespmem:$0x1E680] =	vst v63  }
0xc5: {  	v2 =	vld [tilespmem:$0x2900];
	_ =	sdelay $0x7  }
0xc6: {  	[tilespmem:v2+s14+$0x0] =	vst.idx.add.f32.msk $0xffff, v1  }
0xc7: {  	v2 =	vld [tilespmem:$0x2910];
	_ =	sdelay $0x7  }
0xc8: {  	[tilespmem:v2+s14+$0x0] =	vst.idx.add.f32.msk $0xffff, v1  }
0xc9: {  	v2 =	vld [tilespmem:$0x2920];
	_ =	sdelay $0x7  }
0xca: {  	[tilespmem:v2+s14+$0x0] =	vst.idx.add.f32.msk $0xffff, v1  }
0xcb: {  	v2 =	vld [tilespmem:$0x2930];
	_ =	sdelay $0x7  }
0xcc: {  	[tilespmem:v2+s14+$0x0] =	vst.idx.add.f32.msk $0xffff, v1  }
0xcd: {  	v2 =	vld [tilespmem:$0x2940];
	_ =	sdelay $0x7  }
0xce: {  	[tilespmem:v2+s14+$0x0] =	vst.idx.add.f32.msk $0xffff, v1  }
0xcf: {  	_ =	swait.ge [sflag:s10], $0x2800  }
0xd0: {  	[sflag:s10] =	ssyncset.done $0x0  }
0xd1: {  	[sflag:s10] =	ssyncadd.s32 $0xFFFFD800  }
0xd2: {  	_ =	swait.ge [sflag:s11], $0x50  }
0xd3: {  	[sflag:s11] =	ssyncset.done $0x0  }
0xd4: {  	[sflag:s11] =	ssyncadd.s32 $0xFFFFFFB0  }
0xd5: {  	[spmem:s23] =	stream.indirect.scatter.add.f32 [tilespmem:s9], [sflag:$0x3], $0x80, s5, s8, $0xb8;
	[tilespmem:$0x1E680] =	vst v63  }
0xd6: {  	v2 =	vld [tilespmem:$0x2780];
	_ =	sdelay $0x7  }
0xd7: {  	[tilespmem:v2+s14+$0x0] =	vst.idx.add.f32.msk $0xffff, v1  }
0xd8: {  	v2 =	vld [tilespmem:$0x2790];
	_ =	sdelay $0x7  }
0xd9: {  	[tilespmem:v2+s14+$0x0] =	vst.idx.add.f32.msk $0xffff, v1  }
0xda: {  	v2 =	vld [tilespmem:$0x27A0];
	_ =	sdelay $0x7  }
0xdb: {  	[tilespmem:v2+s14+$0x0] =	vst.idx.add.f32.msk $0xffff, v1  }
0xdc: {  	v2 =	vld [tilespmem:$0x27B0];
	_ =	sdelay $0x7  }
0xdd: {  	[tilespmem:v2+s14+$0x0] =	vst.idx.add.f32.msk $0xffff, v1  }
0xde: {  	v2 =	vld [tilespmem:$0x27C0];
	_ =	sdelay $0x7  }
0xdf: {  	[tilespmem:v2+s14+$0x0] =	vst.idx.add.f32.msk $0xffff, v1  }
0xe0: {  	_ =	swait.ge [sflag:s17], $0x2800  }
0xe1: {  	[sflag:s17] =	ssyncset.done $0x0  }
0xe2: {  	[sflag:s17] =	ssyncadd.s32 $0xFFFFD800  }
0xe3: {  	_ =	swait.ge [sflag:s16], $0x2800  }
0xe4: {  	[sflag:s16] =	ssyncset.done $0x0  }
0xe5: {  	s13 =	rddreg [dreg:$0x5];
	[sflag:s16] =	ssyncadd.s32 $0xFFFFD800  }
0xe6: {  	[hbm4b:s13+s24] =	stream.strided.scatter [tilespmem:s14], [sflag:$0x9], $0x2800, s6, s24, $0x38;
	[tilespmem:$0x1E680] =	vst v63  }
0xe7: {  	_ =	swait.ge [sflag:s4], $0x2800  }
0xe8: {  	[sflag:s4] =	ssyncset.done $0x0  }
0xe9: {  	[sflag:s4] =	ssyncadd.s32 $0xFFFFD800  }
0xea: {  	[bflag:$0x0] =	sbarrier.arrive $0xFFFF  }
0xeb: {  	s26 =	rddreg [dreg:$0x18]  }
0xec: {  	[hbm:s26], [sflag:s29] =	dma.local [spmem:s30], $0x2800  }
0xed: {  	_ =	swait.ge [sflag:s4], $0x2800  }
0xee: {  	[sflag:s4] =	ssyncset.done $0x0  }
0xef: {  	s26 =	simm.s32 $0x1E400;
	s30 =	rddreg [dreg:$0x6];
	[sflag:s4] =	ssyncadd.s32 $0xFFFFD800  }
0xf0: {  	[tilespmem:s26], [sflag:$0x9] =	stream.strided.gather [hbm4b:s30+s24], $0x280, s6, s24, $0x38;
	[tilespmem:$0x1E680] =	vst v63  }
0xf1: {  	_ =	swait.ge [sflag:s4], $0x280  }
0xf2: {  	[sflag:s4] =	ssyncset.done $0x0  }
0xf3: {  	s31 =	rddreg [dreg:$0x7];
	[sflag:s4] =	ssyncadd.s32 $0xFFFFFD80  }
0xf4: {  	[tilespmem:s7], [sflag:$0x9] =	stream.strided.gather [hbm4b:s31+s24], $0x280, s6, s24, $0x38;
	[tilespmem:$0x1E680] =	vst v63  }
0xf5: {  	_ =	swait.ge [sflag:s4], $0x280  }
0xf6: {  	[sflag:s4] =	ssyncset.done $0x0  }
0xf7: {  	s0 =	simm.s32 $0x0;
	[sflag:s4] =	ssyncadd.s32 $0xFFFFFD80  }
0xf8: {  	s13 =	simm.s32 $0x40;
	v2 =	vld [tilespmem:s0+$0x1E180]  }
.LBB2_6:
0xf9: {  	p0 =	sne.s32 s13, $0x9C0;
	v3 =	vld [tilespmem:s0+$0x1E400];
	_ =	sdelay $0x2  }
.Ltmp2:
0xfa: {  	(pc) =	sbr.rel @p0 .LBB2_6-.Ltmp2, $4  }
0xfb: {  	_ = 	snop  }
0xfc: {  	v3 =	vadd.f32 v2, v3  }
0xfd: {  	s1 =	sshra.s32 s13, $0x2  }
0xfe: {  	s13 =	sadd.s32 $0x40, s13;
	v2 =	vld [tilespmem:s1+$0x1E180];
	[tilespmem:s0+$0x1E400] =	vst v3;
	s0 =	smov.u32 s1  }
0xff: {  	v3 =	vld [tilespmem:s0+$0x1E400];
	_ =	sdelay $0x4  }
0x100: {  	v2 =	vadd.f32 v2, v3;
	_ =	sdelay $0x1  }
0x101: {  	s31 =	rddreg [dreg:$0x8];
	[tilespmem:s0+$0x1E400] =	vst v2  }
0x102: {  	[tilespmem:s7], [sflag:$0x9] =	stream.strided.gather [hbm4b:s31+s24], $0x280, s6, s24, $0x38;
	[tilespmem:$0x1E680] =	vst v63  }
0x103: {  	_ =	swait.ge [sflag:s4], $0x280  }
0x104: {  	[sflag:s4] =	ssyncset.done $0x0  }
0x105: {  	s0 =	simm.s32 $0x0;
	[sflag:s4] =	ssyncadd.s32 $0xFFFFFD80  }
0x106: {  	s13 =	simm.s32 $0x40;
	v2 =	vld [tilespmem:s0+$0x1E180]  }
.LBB2_8:
0x107: {  	p0 =	sne.s32 s13, $0x9C0;
	v3 =	vld [tilespmem:s0+$0x1E400];
	_ =	sdelay $0x2  }
.Ltmp3:
0x108: {  	(pc) =	sbr.rel @p0 .LBB2_8-.Ltmp3, $4  }
0x109: {  	_ = 	snop  }
0x10a: {  	v3 =	vadd.f32 v2, v3  }
0x10b: {  	s1 =	sshra.s32 s13, $0x2  }
0x10c: {  	s13 =	sadd.s32 $0x40, s13;
	v2 =	vld [tilespmem:s1+$0x1E180];
	[tilespmem:s0+$0x1E400] =	vst v3;
	s0 =	smov.u32 s1  }
0x10d: {  	v3 =	vld [tilespmem:s0+$0x1E400];
	_ =	sdelay $0x4  }
0x10e: {  	v2 =	vadd.f32 v2, v3;
	_ =	sdelay $0x1  }
0x10f: {  	s31 =	rddreg [dreg:$0x9];
	[tilespmem:s0+$0x1E400] =	vst v2  }
0x110: {  	[tilespmem:s7], [sflag:$0x9] =	stream.strided.gather [hbm4b:s31+s24], $0x280, s6, s24, $0x38;
	[tilespmem:$0x1E680] =	vst v63  }
0x111: {  	_ =	swait.ge [sflag:s4], $0x280  }
0x112: {  	[sflag:s4] =	ssyncset.done $0x0  }
0x113: {  	s0 =	simm.s32 $0x0;
	[sflag:s4] =	ssyncadd.s32 $0xFFFFFD80  }
0x114: {  	s13 =	simm.s32 $0x40;
	v2 =	vld [tilespmem:s0+$0x1E180]  }
.LBB2_10:
0x115: {  	p0 =	sne.s32 s13, $0x9C0;
	v3 =	vld [tilespmem:s0+$0x1E400];
	_ =	sdelay $0x2  }
.Ltmp4:
0x116: {  	(pc) =	sbr.rel @p0 .LBB2_10-.Ltmp4, $4  }
0x117: {  	_ = 	snop  }
0x118: {  	v3 =	vadd.f32 v2, v3  }
0x119: {  	s1 =	sshra.s32 s13, $0x2  }
0x11a: {  	s13 =	sadd.s32 $0x40, s13;
	v2 =	vld [tilespmem:s1+$0x1E180];
	[tilespmem:s0+$0x1E400] =	vst v3;
	s0 =	smov.u32 s1  }
0x11b: {  	v3 =	vld [tilespmem:s0+$0x1E400];
	_ =	sdelay $0x4  }
0x11c: {  	v2 =	vadd.f32 v2, v3;
	_ =	sdelay $0x1  }
0x11d: {  	s31 =	rddreg [dreg:$0xa];
	[tilespmem:s0+$0x1E400] =	vst v2  }
0x11e: {  	[tilespmem:s7], [sflag:$0x9] =	stream.strided.gather [hbm4b:s31+s24], $0x280, s6, s24, $0x38;
	[tilespmem:$0x1E680] =	vst v63  }
0x11f: {  	_ =	swait.ge [sflag:s4], $0x280  }
0x120: {  	[sflag:s4] =	ssyncset.done $0x0  }
0x121: {  	s0 =	simm.s32 $0x0;
	[sflag:s4] =	ssyncadd.s32 $0xFFFFFD80  }
0x122: {  	s13 =	simm.s32 $0x40;
	v2 =	vld [tilespmem:s0+$0x1E180]  }
.LBB2_12:
0x123: {  	p0 =	sne.s32 s13, $0x9C0;
	v3 =	vld [tilespmem:s0+$0x1E400];
	_ =	sdelay $0x2  }
.Ltmp5:
0x124: {  	(pc) =	sbr.rel @p0 .LBB2_12-.Ltmp5, $4  }
0x125: {  	_ = 	snop  }
0x126: {  	v3 =	vadd.f32 v2, v3  }
0x127: {  	s1 =	sshra.s32 s13, $0x2  }
0x128: {  	s13 =	sadd.s32 $0x40, s13;
	v2 =	vld [tilespmem:s1+$0x1E180];
	[tilespmem:s0+$0x1E400] =	vst v3;
	s0 =	smov.u32 s1  }
0x129: {  	v3 =	vld [tilespmem:s0+$0x1E400];
	_ =	sdelay $0x4  }
0x12a: {  	v2 =	vadd.f32 v2, v3;
	_ =	sdelay $0x1  }
0x12b: {  	s31 =	rddreg [dreg:$0xb];
	[tilespmem:s0+$0x1E400] =	vst v2  }
0x12c: {  	[tilespmem:s7], [sflag:$0x9] =	stream.strided.gather [hbm4b:s31+s24], $0x280, s6, s24, $0x38;
	[tilespmem:$0x1E680] =	vst v63  }
0x12d: {  	_ =	swait.ge [sflag:s4], $0x280  }
0x12e: {  	[sflag:s4] =	ssyncset.done $0x0  }
0x12f: {  	s0 =	simm.s32 $0x0;
	[sflag:s4] =	ssyncadd.s32 $0xFFFFFD80  }
0x130: {  	s13 =	simm.s32 $0x40;
	v2 =	vld [tilespmem:s0+$0x1E180]  }
.LBB2_14:
0x131: {  	p0 =	sne.s32 s13, $0x9C0;
	v3 =	vld [tilespmem:s0+$0x1E400];
	_ =	sdelay $0x2  }
.Ltmp6:
0x132: {  	(pc) =	sbr.rel @p0 .LBB2_14-.Ltmp6, $4  }
0x133: {  	_ = 	snop  }
0x134: {  	v3 =	vadd.f32 v2, v3  }
0x135: {  	s1 =	sshra.s32 s13, $0x2  }
0x136: {  	s13 =	sadd.s32 $0x40, s13;
	v2 =	vld [tilespmem:s1+$0x1E180];
	[tilespmem:s0+$0x1E400] =	vst v3;
	s0 =	smov.u32 s1  }
0x137: {  	v3 =	vld [tilespmem:s0+$0x1E400];
	_ =	sdelay $0x4  }
0x138: {  	v2 =	vadd.f32 v2, v3;
	_ =	sdelay $0x1  }
0x139: {  	s31 =	rddreg [dreg:$0xc];
	[tilespmem:s0+$0x1E400] =	vst v2  }
0x13a: {  	[tilespmem:s7], [sflag:$0x9] =	stream.strided.gather [hbm4b:s31+s24], $0x280, s6, s24, $0x38;
	[tilespmem:$0x1E680] =	vst v63  }
0x13b: {  	_ =	swait.ge [sflag:s4], $0x280  }
0x13c: {  	[sflag:s4] =	ssyncset.done $0x0  }
0x13d: {  	s0 =	simm.s32 $0x0;
	[sflag:s4] =	ssyncadd.s32 $0xFFFFFD80  }
0x13e: {  	s13 =	simm.s32 $0x40;
	v2 =	vld [tilespmem:s0+$0x1E180]  }
.LBB2_16:
0x13f: {  	p0 =	sne.s32 s13, $0x9C0;
	v3 =	vld [tilespmem:s0+$0x1E400];
	_ =	sdelay $0x2  }
.Ltmp7:
0x140: {  	(pc) =	sbr.rel @p0 .LBB2_16-.Ltmp7, $4  }
0x141: {  	_ = 	snop  }
0x142: {  	v3 =	vadd.f32 v2, v3  }
0x143: {  	s1 =	sshra.s32 s13, $0x2  }
0x144: {  	s13 =	sadd.s32 $0x40, s13;
	v2 =	vld [tilespmem:s1+$0x1E180];
	[tilespmem:s0+$0x1E400] =	vst v3;
	s0 =	smov.u32 s1  }
0x145: {  	v3 =	vld [tilespmem:s0+$0x1E400];
	_ =	sdelay $0x4  }
0x146: {  	v2 =	vadd.f32 v2, v3;
	_ =	sdelay $0x1  }
0x147: {  	s31 =	rddreg [dreg:$0xd];
	[tilespmem:s0+$0x1E400] =	vst v2  }
0x148: {  	[tilespmem:s7], [sflag:$0x9] =	stream.strided.gather [hbm4b:s31+s24], $0x280, s6, s24, $0x38;
	[tilespmem:$0x1E680] =	vst v63  }
0x149: {  	_ =	swait.ge [sflag:s4], $0x280  }
0x14a: {  	[sflag:s4] =	ssyncset.done $0x0  }
0x14b: {  	s0 =	simm.s32 $0x0;
	[sflag:s4] =	ssyncadd.s32 $0xFFFFFD80  }
0x14c: {  	s13 =	simm.s32 $0x40;
	v2 =	vld [tilespmem:s0+$0x1E180]  }
.LBB2_18:
0x14d: {  	p0 =	sne.s32 s13, $0x9C0;
	v3 =	vld [tilespmem:s0+$0x1E400];
	_ =	sdelay $0x2  }
.Ltmp8:
0x14e: {  	(pc) =	sbr.rel @p0 .LBB2_18-.Ltmp8, $4  }
0x14f: {  	_ = 	snop  }
0x150: {  	v3 =	vadd.f32 v2, v3  }
0x151: {  	s1 =	sshra.s32 s13, $0x2  }
0x152: {  	s13 =	sadd.s32 $0x40, s13;
	v2 =	vld [tilespmem:s1+$0x1E180];
	[tilespmem:s0+$0x1E400] =	vst v3;
	s0 =	smov.u32 s1  }
0x153: {  	v3 =	vld [tilespmem:s0+$0x1E400];
	_ =	sdelay $0x4  }
0x154: {  	v2 =	vadd.f32 v2, v3;
	_ =	sdelay $0x1  }
0x155: {  	s31 =	rddreg [dreg:$0xe];
	[tilespmem:s0+$0x1E400] =	vst v2  }
0x156: {  	[tilespmem:s7], [sflag:$0x9] =	stream.strided.gather [hbm4b:s31+s24], $0x280, s6, s24, $0x38;
	[tilespmem:$0x1E680] =	vst v63  }
0x157: {  	_ =	swait.ge [sflag:s4], $0x280  }
0x158: {  	[sflag:s4] =	ssyncset.done $0x0  }
0x159: {  	s0 =	simm.s32 $0x0;
	[sflag:s4] =	ssyncadd.s32 $0xFFFFFD80  }
0x15a: {  	s13 =	simm.s32 $0x40;
	v2 =	vld [tilespmem:s0+$0x1E180]  }
.LBB2_20:
0x15b: {  	p0 =	sne.s32 s13, $0x9C0;
	v3 =	vld [tilespmem:s0+$0x1E400];
	_ =	sdelay $0x2  }
.Ltmp9:
0x15c: {  	(pc) =	sbr.rel @p0 .LBB2_20-.Ltmp9, $4  }
0x15d: {  	_ = 	snop  }
0x15e: {  	v3 =	vadd.f32 v2, v3  }
0x15f: {  	s1 =	sshra.s32 s13, $0x2  }
0x160: {  	s13 =	sadd.s32 $0x40, s13;
	v2 =	vld [tilespmem:s1+$0x1E180];
	[tilespmem:s0+$0x1E400] =	vst v3;
	s0 =	smov.u32 s1  }
0x161: {  	v3 =	vld [tilespmem:s0+$0x1E400];
	_ =	sdelay $0x4  }
0x162: {  	v2 =	vadd.f32 v2, v3;
	_ =	sdelay $0x1  }
0x163: {  	s31 =	rddreg [dreg:$0xf];
	[tilespmem:s0+$0x1E400] =	vst v2  }
0x164: {  	[tilespmem:s7], [sflag:$0x9] =	stream.strided.gather [hbm4b:s31+s24], $0x280, s6, s24, $0x38;
	[tilespmem:$0x1E680] =	vst v63  }
0x165: {  	_ =	swait.ge [sflag:s4], $0x280  }
0x166: {  	[sflag:s4] =	ssyncset.done $0x0  }
0x167: {  	s0 =	simm.s32 $0x0;
	[sflag:s4] =	ssyncadd.s32 $0xFFFFFD80  }
0x168: {  	s13 =	simm.s32 $0x40;
	v2 =	vld [tilespmem:s0+$0x1E180]  }
.LBB2_22:
0x169: {  	p0 =	sne.s32 s13, $0x9C0;
	v3 =	vld [tilespmem:s0+$0x1E400];
	_ =	sdelay $0x2  }
.Ltmp10:
0x16a: {  	(pc) =	sbr.rel @p0 .LBB2_22-.Ltmp10, $4  }
0x16b: {  	_ = 	snop  }
0x16c: {  	v3 =	vadd.f32 v2, v3  }
0x16d: {  	s1 =	sshra.s32 s13, $0x2  }
0x16e: {  	s13 =	sadd.s32 $0x40, s13;
	v2 =	vld [tilespmem:s1+$0x1E180];
	[tilespmem:s0+$0x1E400] =	vst v3;
	s0 =	smov.u32 s1  }
0x16f: {  	v3 =	vld [tilespmem:s0+$0x1E400];
	_ =	sdelay $0x4  }
0x170: {  	v2 =	vadd.f32 v2, v3;
	_ =	sdelay $0x1  }
0x171: {  	s31 =	rddreg [dreg:$0x10];
	[tilespmem:s0+$0x1E400] =	vst v2  }
0x172: {  	[tilespmem:s7], [sflag:$0x9] =	stream.strided.gather [hbm4b:s31+s24], $0x280, s6, s24, $0x38;
	[tilespmem:$0x1E680] =	vst v63  }
0x173: {  	_ =	swait.ge [sflag:s4], $0x280  }
0x174: {  	[sflag:s4] =	ssyncset.done $0x0  }
0x175: {  	s0 =	simm.s32 $0x0;
	[sflag:s4] =	ssyncadd.s32 $0xFFFFFD80  }
0x176: {  	s13 =	simm.s32 $0x40;
	v2 =	vld [tilespmem:s0+$0x1E180]  }
.LBB2_24:
0x177: {  	p0 =	sne.s32 s13, $0x9C0;
	v3 =	vld [tilespmem:s0+$0x1E400];
	_ =	sdelay $0x2  }
.Ltmp11:
0x178: {  	(pc) =	sbr.rel @p0 .LBB2_24-.Ltmp11, $4  }
0x179: {  	_ = 	snop  }
0x17a: {  	v3 =	vadd.f32 v2, v3  }
0x17b: {  	s1 =	sshra.s32 s13, $0x2  }
0x17c: {  	s13 =	sadd.s32 $0x40, s13;
	v2 =	vld [tilespmem:s1+$0x1E180];
	[tilespmem:s0+$0x1E400] =	vst v3;
	s0 =	smov.u32 s1  }
0x17d: {  	v3 =	vld [tilespmem:s0+$0x1E400];
	_ =	sdelay $0x4  }
0x17e: {  	v2 =	vadd.f32 v2, v3;
	_ =	sdelay $0x1  }
0x17f: {  	s31 =	rddreg [dreg:$0x11];
	[tilespmem:s0+$0x1E400] =	vst v2  }
0x180: {  	[tilespmem:s7], [sflag:$0x9] =	stream.strided.gather [hbm4b:s31+s24], $0x280, s6, s24, $0x38;
	[tilespmem:$0x1E680] =	vst v63  }
0x181: {  	_ =	swait.ge [sflag:s4], $0x280  }
0x182: {  	[sflag:s4] =	ssyncset.done $0x0  }
0x183: {  	s0 =	simm.s32 $0x0;
	[sflag:s4] =	ssyncadd.s32 $0xFFFFFD80  }
0x184: {  	s13 =	simm.s32 $0x40;
	v2 =	vld [tilespmem:s0+$0x1E180]  }
.LBB2_26:
0x185: {  	p0 =	sne.s32 s13, $0x9C0;
	v3 =	vld [tilespmem:s0+$0x1E400];
	_ =	sdelay $0x2  }
.Ltmp12:
0x186: {  	(pc) =	sbr.rel @p0 .LBB2_26-.Ltmp12, $4  }
0x187: {  	_ = 	snop  }
0x188: {  	v3 =	vadd.f32 v2, v3  }
0x189: {  	s1 =	sshra.s32 s13, $0x2  }
0x18a: {  	s13 =	sadd.s32 $0x40, s13;
	v2 =	vld [tilespmem:s1+$0x1E180];
	[tilespmem:s0+$0x1E400] =	vst v3;
	s0 =	smov.u32 s1  }
0x18b: {  	v3 =	vld [tilespmem:s0+$0x1E400];
	_ =	sdelay $0x4  }
0x18c: {  	v2 =	vadd.f32 v2, v3;
	_ =	sdelay $0x1  }
0x18d: {  	s31 =	rddreg [dreg:$0x12];
	[tilespmem:s0+$0x1E400] =	vst v2  }
0x18e: {  	[tilespmem:s7], [sflag:$0x9] =	stream.strided.gather [hbm4b:s31+s24], $0x280, s6, s24, $0x38;
	[tilespmem:$0x1E680] =	vst v63  }
0x18f: {  	_ =	swait.ge [sflag:s4], $0x280  }
0x190: {  	[sflag:s4] =	ssyncset.done $0x0  }
0x191: {  	s0 =	simm.s32 $0x0;
	[sflag:s4] =	ssyncadd.s32 $0xFFFFFD80  }
0x192: {  	s13 =	simm.s32 $0x40;
	v2 =	vld [tilespmem:s0+$0x1E180]  }
.LBB2_28:
0x193: {  	p0 =	sne.s32 s13, $0x9C0;
	v3 =	vld [tilespmem:s0+$0x1E400];
	_ =	sdelay $0x2  }
.Ltmp13:
0x194: {  	(pc) =	sbr.rel @p0 .LBB2_28-.Ltmp13, $4  }
0x195: {  	_ = 	snop  }
0x196: {  	v3 =	vadd.f32 v2, v3  }
0x197: {  	s1 =	sshra.s32 s13, $0x2  }
0x198: {  	s13 =	sadd.s32 $0x40, s13;
	v2 =	vld [tilespmem:s1+$0x1E180];
	[tilespmem:s0+$0x1E400] =	vst v3;
	s0 =	smov.u32 s1  }
0x199: {  	v3 =	vld [tilespmem:s0+$0x1E400];
	_ =	sdelay $0x4  }
0x19a: {  	v2 =	vadd.f32 v2, v3;
	_ =	sdelay $0x1  }
0x19b: {  	s31 =	rddreg [dreg:$0x13];
	[tilespmem:s0+$0x1E400] =	vst v2  }
0x19c: {  	[tilespmem:s7], [sflag:$0x9] =	stream.strided.gather [hbm4b:s31+s24], $0x280, s6, s24, $0x38;
	[tilespmem:$0x1E680] =	vst v63  }
0x19d: {  	_ =	swait.ge [sflag:s4], $0x280  }
0x19e: {  	[sflag:s4] =	ssyncset.done $0x0  }
0x19f: {  	s0 =	simm.s32 $0x0;
	[sflag:s4] =	ssyncadd.s32 $0xFFFFFD80  }
0x1a0: {  	s13 =	simm.s32 $0x40;
	v2 =	vld [tilespmem:s0+$0x1E180]  }
.LBB2_30:
0x1a1: {  	p0 =	sne.s32 s13, $0x9C0;
	v3 =	vld [tilespmem:s0+$0x1E400];
	_ =	sdelay $0x2  }
.Ltmp14:
0x1a2: {  	(pc) =	sbr.rel @p0 .LBB2_30-.Ltmp14, $4  }
0x1a3: {  	_ = 	snop  }
0x1a4: {  	v3 =	vadd.f32 v2, v3  }
0x1a5: {  	s1 =	sshra.s32 s13, $0x2  }
0x1a6: {  	s13 =	sadd.s32 $0x40, s13;
	v2 =	vld [tilespmem:s1+$0x1E180];
	[tilespmem:s0+$0x1E400] =	vst v3;
	s0 =	smov.u32 s1  }
0x1a7: {  	v3 =	vld [tilespmem:s0+$0x1E400];
	_ =	sdelay $0x4  }
0x1a8: {  	v2 =	vadd.f32 v2, v3;
	_ =	sdelay $0x1  }
0x1a9: {  	s31 =	rddreg [dreg:$0x14];
	[tilespmem:s0+$0x1E400] =	vst v2  }
0x1aa: {  	[tilespmem:s7], [sflag:$0x9] =	stream.strided.gather [hbm4b:s31+s24], $0x280, s6, s24, $0x38;
	[tilespmem:$0x1E680] =	vst v63  }
0x1ab: {  	_ =	swait.ge [sflag:s4], $0x280  }
0x1ac: {  	[sflag:s4] =	ssyncset.done $0x0  }
0x1ad: {  	s0 =	simm.s32 $0x0;
	[sflag:s4] =	ssyncadd.s32 $0xFFFFFD80  }
0x1ae: {  	s13 =	simm.s32 $0x40;
	v2 =	vld [tilespmem:s0+$0x1E180]  }
.LBB2_32:
0x1af: {  	p0 =	sne.s32 s13, $0x9C0;
	v3 =	vld [tilespmem:s0+$0x1E400];
	_ =	sdelay $0x2  }
.Ltmp15:
0x1b0: {  	(pc) =	sbr.rel @p0 .LBB2_32-.Ltmp15, $4  }
0x1b1: {  	_ = 	snop  }
0x1b2: {  	v3 =	vadd.f32 v2, v3  }
0x1b3: {  	s1 =	sshra.s32 s13, $0x2  }
0x1b4: {  	s13 =	sadd.s32 $0x40, s13;
	v2 =	vld [tilespmem:s1+$0x1E180];
	[tilespmem:s0+$0x1E400] =	vst v3;
	s0 =	smov.u32 s1  }
0x1b5: {  	v3 =	vld [tilespmem:s0+$0x1E400];
	_ =	sdelay $0x4  }
0x1b6: {  	v2 =	vadd.f32 v2, v3;
	_ =	sdelay $0x1  }
0x1b7: {  	s31 =	rddreg [dreg:$0x15];
	[tilespmem:s0+$0x1E400] =	vst v2  }
0x1b8: {  	[tilespmem:s7], [sflag:$0x9] =	stream.strided.gather [hbm4b:s31+s24], $0x280, s6, s24, $0x38;
	[tilespmem:$0x1E680] =	vst v63  }
0x1b9: {  	_ =	swait.ge [sflag:s4], $0x280  }
0x1ba: {  	[sflag:s4] =	ssyncset.done $0x0  }
0x1bb: {  	s0 =	simm.s32 $0x0;
	[sflag:s4] =	ssyncadd.s32 $0xFFFFFD80  }
0x1bc: {  	s13 =	simm.s32 $0x40;
	v2 =	vld [tilespmem:s0+$0x1E180]  }
.LBB2_34:
0x1bd: {  	p0 =	sne.s32 s13, $0x9C0;
	v3 =	vld [tilespmem:s0+$0x1E400];
	_ =	sdelay $0x2  }
.Ltmp16:
0x1be: {  	(pc) =	sbr.rel @p0 .LBB2_34-.Ltmp16, $4  }
0x1bf: {  	_ = 	snop  }
0x1c0: {  	v3 =	vadd.f32 v2, v3  }
0x1c1: {  	s1 =	sshra.s32 s13, $0x2  }
0x1c2: {  	s13 =	sadd.s32 $0x40, s13;
	v2 =	vld [tilespmem:s1+$0x1E180];
	[tilespmem:s0+$0x1E400] =	vst v3;
	s0 =	smov.u32 s1  }
0x1c3: {  	v3 =	vld [tilespmem:s0+$0x1E400];
	_ =	sdelay $0x4  }
0x1c4: {  	v2 =	vadd.f32 v2, v3;
	_ =	sdelay $0x1  }
0x1c5: {  	s30 =	rddreg [dreg:$0x1b];
	s1 =	simm.s32 $0x100;
	[tilespmem:s0+$0x1E400] =	vst v2  }
0x1c6: {  	[hbm4b:s30+s24] =	stream.strided.scatter [tilespmem:s26], [sflag:$0x9], $0x280, s1, s24, $0x38;
	[tilespmem:$0x1E680] =	vst v63  }
0x1c7: {  	_ =	swait.ge [sflag:s4], $0x280  }
0x1c8: {  	s28 =	sadd.s32 $0x1, s28;
	s31 =	rddreg [dreg:$0x1c]  }
0x1c9: {  	p0 =	sne.s32 s28, s31  }
.Ltmp17:
0x1ca: {  	_ = 	snop;
	(pc) =	sbr.rel @p0 .LBB2_1-.Ltmp17, $3  }
0x1cb: {  	_ =	sdelay $0x1  }
0x1cc: {  	[sflag:s4] =	ssyncset.done $0x0  }
0x1cd: {  	[sflag:s4] =	ssyncadd.s32 $0xFFFFFD80  }
0x1ce: {  	_ =	sfence.sel $0x180000  }
0x1cf: {  	[bflag:$0x0] =	sbarrier.arrive $0xFFFF  }
0x1d0: {  	_ =	strace $0x90000047  }
0x1d1: {  	s0 =	stileid.u32;
	[bflag:$0x2] =	sbarrier.arrive $0xFFFF  }
0x1d2: {  	p0 =	sne.s32 s0, $0x0;
	s0 =	rddreg [dreg:$0x3]  }
0x1d3: {  	s0 =	sadd.s32 @!p0 $0x100000, s0  }
0x1d4: {  	[sflag:s0] =	ssyncadd.tile.s32 @!p0 $0x1;
	_ =	shalt  }
.Lfunc_end2:
_tile_overlayer_lowered:
.L_overlay_start_2:
0x1d5: {  	(tag) =	ssettag $0x2  }
0x1d6: {  	s0 =	rddreg [dreg:$0x0];
	s2 =	stileid.u32  }
0x1d7: {  	s1 =	rddreg [dreg:$0x1];
	p0 =	sne.s32 s2, $0x0  }
0x1d8: {  	s3 =	rddreg [dreg:$0x2];
	[bflag:$0x3] =	sbarrier.arrive $0xFFFF;
	s2 =	simm.s32 @!p0 $0x1C09  }
0x1d9: {  	[timem:s3], [sflag:s2] =	dma.local @!p0 [hbm:s0], s1  }
0x1da: {  	s0 =	simm.s32 @!p0 $0x9  }
0x1db: {  	_ =	swait.ge @!p0 [sflag:s0], s1  }
0x1dc: {  	s1 =	ssub.s32 @!p0 $0x0, s1;
	[sflag:s0] =	ssyncset.done @!p0 $0x0  }
0x1dd: {  	[sflag:s0] =	ssyncadd.s32 @!p0 s1  }
0x1de: {  	[bflag:$0x3] =	sbarrier.arrive $0xFFFF  }
0x1df: {  	_ =	shalt  }

</sc_bundles>
